<compile_context>
chip_gen: v7x
topology: tpu7x:2x2x1
jax: 0.10.2.dev20260603
libtpu: 0.0.44.dev20260713+nightly
codegen_flags: <defaults>
</compile_context>

<pallas_src>
import functools

import jax
import jax.numpy as jnp
from jax import lax
from jax.experimental import pallas as pl
from jax.experimental.pallas import tpu as pltpu
from jax.experimental.pallas import tpu_sc as plsc

N = 10000
NP = 10240
E = 160000
FC = 128
NCORES = 2
NTILES = 16
EB = 128
EPT = -(-E // NTILES)
NBATCH = -(-EPT // EB)
EPAD = NTILES * NBATCH * EB
ZR = 64
NROW = NP // NTILES
DW = 128

BN = 512


def _sc_mesh():
    return plsc.VectorSubcoreMesh(core_axis_name="c", subcore_axis_name="s")


@functools.cache
def _build_degree():
    @functools.partial(
        pl.kernel,
        out_type=jax.ShapeDtypeStruct((2, NP, DW), jnp.float32),
        mesh=_sc_mesh(),
        scratch_types=[
            pltpu.VMEM((NBATCH, EB), jnp.int32),
            pltpu.VMEM((EB, DW), jnp.float32),
            pltpu.VMEM_SHARED((NP, DW), jnp.float32),
        ],
    )
    def degree(idx_hbm, ones_hbm, zeros_hbm, out_hbm, idx_v, ones_v, acc):
        cid = lax.axis_index("c")
        sid = lax.axis_index("s")
        pltpu.sync_copy(idx_hbm.at[cid].at[sid], idx_v)
        pltpu.sync_copy(ones_hbm, ones_v)
        pltpu.sync_copy(zeros_hbm, acc.at[pl.ds(sid * NROW, NROW)])
        plsc.subcore_barrier()

        def body(j, carry):
            pltpu.sync_copy(ones_v, acc.at[idx_v.at[j]], add=True)
            return carry

        lax.fori_loop(0, NBATCH, body, 0)
        plsc.subcore_barrier()
        pltpu.sync_copy(acc.at[pl.ds(sid * NROW, NROW)],
                        out_hbm.at[cid].at[pl.ds(sid * NROW, NROW)])

    return degree


@functools.cache
def _build_propagate(nck):
    cpc = nck // NCORES

    @functools.partial(
        pl.kernel,
        out_type=jax.ShapeDtypeStruct((nck, NP, FC), jnp.float32),
        mesh=_sc_mesh(),
        scratch_types=[
            pltpu.VMEM((NBATCH, EB), jnp.int32),
            pltpu.VMEM((NBATCH, EB), jnp.int32),
            pltpu.VMEM((EB, FC), jnp.float32),
            pltpu.VMEM((ZR, FC), jnp.float32),
            pltpu.SemaphoreType.DMA,
            pltpu.VMEM_SHARED((NP, FC), jnp.float32),
        ],
    )
    def prop(x_hbm, idx_hbm, zeros_hbm, out_hbm, src_v, dst_v, gbuf, zbuf,
             zsem, acc):
        cid = lax.axis_index("c")
        sid = lax.axis_index("s")
        pltpu.sync_copy(idx_hbm.at[0].at[sid], src_v)
        pltpu.sync_copy(idx_hbm.at[1].at[sid], dst_v)
        pltpu.sync_copy(zeros_hbm, zbuf)
        for cc in range(cpc):
            c = cid * cpc + cc
            zh = [pltpu.async_copy(
                zbuf, acc.at[pl.ds(sid * NROW + z * ZR, ZR)], zsem)
                for z in range(NROW // ZR)]
            for h in zh:
                h.wait()
            plsc.subcore_barrier()

            def body(j, carry):
                pltpu.sync_copy(x_hbm.at[c].at[src_v.at[j]], gbuf)
                pltpu.sync_copy(gbuf, acc.at[dst_v.at[j]], add=True)
                return carry

            lax.fori_loop(0, NBATCH, body, 0)
            plsc.subcore_barrier()
            pltpu.sync_copy(acc.at[pl.ds(sid * NROW, NROW)],
                            out_hbm.at[c].at[pl.ds(sid * NROW, NROW)])
            plsc.subcore_barrier()

    return prop


def _degree(idx_all, ones1, zeros1):
    return _build_degree()(idx_all, ones1, zeros1)


def _propagate(x, idx_all, zeros2):
    return _build_propagate(x.shape[0])(x, idx_all, zeros2)


def _edge_arrays(g):
    idx_all = jnp.pad(jnp.stack([g[0], g[1]]), ((0, 0), (0, EPAD - E)),
                      constant_values=N).reshape(2, NTILES, NBATCH, EB)
    return idx_all


def _norms(deg_ref):
    ns = lax.rsqrt(jnp.clip(deg_ref[0, :], 1.0, None))
    nd = lax.rsqrt(jnp.clip(deg_ref[1, :], 1.0, None))
    return ns, nd


def _scale_body(deg_ref, x_ref, o_ref):
    ns, _ = _norms(deg_ref)
    xs = x_ref[...] * ns[:, None]
    o_ref[0] = xs[:, :FC]
    o_ref[1] = xs[:, FC:]


def _scale(deg, x):
    return pl.pallas_call(
        _scale_body,
        grid=(NP // BN,),
        in_specs=[
            pl.BlockSpec((2, BN), lambda i: (0, i)),
            pl.BlockSpec((BN, 2 * FC), lambda i: (i, 0)),
        ],
        out_specs=pl.BlockSpec((2, BN, FC), lambda i: (0, i, 0)),
        out_shape=jax.ShapeDtypeStruct((2, NP, FC), jnp.float32),
    )(deg, x)


def _leaky(x):
    return jnp.where(x >= 0, x, 0.2 * x)


def _m1_body(a_ref, w_ref, b_ref, deg_ref, o_ref):
    a = jnp.concatenate([a_ref[0], a_ref[1]], axis=1)
    y = jnp.dot(a, w_ref[...], preferred_element_type=jnp.float32)
    _, nd = _norms(deg_ref)
    o_ref[...] = _leaky(y * nd[:, None] + b_ref[0, :][None, :])


def _m1(agg1, W1, b1, deg):
    return pl.pallas_call(
        _m1_body,
        grid=(NP // BN, 2048 // FC),
        in_specs=[
            pl.BlockSpec((2, BN, FC), lambda i, j: (0, i, 0)),
            pl.BlockSpec((2 * FC, FC), lambda i, j: (0, j)),
            pl.BlockSpec((1, FC), lambda i, j: (0, j)),
            pl.BlockSpec((2, BN), lambda i, j: (0, i)),
        ],
        out_specs=pl.BlockSpec((BN, FC), lambda i, j: (i, j)),
        out_shape=jax.ShapeDtypeStruct((NP, 2048), jnp.float32),
    )(agg1, W1, b1, deg)


BQ = 512


def _mm2_body(h_ref, w_ref, deg_ref, o_ref, acc_ref):
    k = pl.program_id(1)

    @pl.when(k == 0)
    def _():
        acc_ref[...] = jnp.zeros_like(acc_ref)

    acc_ref[...] += jnp.dot(h_ref[...], w_ref[...],
                            preferred_element_type=jnp.float32)

    @pl.when(k == 3)
    def _():
        ns, _ = _norms(deg_ref)
        y = acc_ref[...] * ns[:, None]
        for c in range(BQ // FC):
            o_ref[c] = y[:, c * FC:(c + 1) * FC]


def _mm2(h1, W2q, deg):
    return pl.pallas_call(
        _mm2_body,
        grid=(NP // BN, 2048 // BQ),
        in_specs=[
            pl.BlockSpec((BN, BQ), lambda i, k: (i, k)),
            pl.BlockSpec((BQ, BQ), lambda i, k: (k, 0)),
            pl.BlockSpec((2, BN), lambda i, k: (0, i)),
        ],
        out_specs=pl.BlockSpec((BQ // FC, BN, FC), lambda i, k: (0, i, 0)),
        out_shape=jax.ShapeDtypeStruct((BQ // FC, NP, FC), jnp.float32),
        scratch_shapes=[pltpu.VMEM((BN, BQ), jnp.float32)],
    )(h1, W2q, deg)


def _tacc_body(t_ref, a_ref, w_ref, b_ref, deg_ref, o_ref):
    h = jnp.concatenate([a_ref[c] for c in range(BQ // FC)], axis=1)
    ns, nd = _norms(deg_ref)
    h2 = _leaky(h * nd[:, None] + b_ref[0, :][None, :])
    y = jnp.dot(h2, w_ref[...], preferred_element_type=jnp.float32)
    y = y * ns[:, None]
    o_ref[0] = t_ref[0] + y[:, :FC]
    o_ref[1] = t_ref[1] + y[:, FC:]


def _tacc(t, agg4, W3q, b2q, deg):
    return pl.pallas_call(
        _tacc_body,
        grid=(NP // BN,),
        in_specs=[
            pl.BlockSpec((2, BN, FC), lambda i: (0, i, 0)),
            pl.BlockSpec((BQ // FC, BN, FC), lambda i: (0, i, 0)),
            pl.BlockSpec((BQ, 2 * FC), lambda i: (0, 0)),
            pl.BlockSpec((1, BQ), lambda i: (0, 0)),
            pl.BlockSpec((2, BN), lambda i: (0, i)),
        ],
        out_specs=pl.BlockSpec((2, BN, FC), lambda i: (0, i, 0)),
        out_shape=jax.ShapeDtypeStruct((2, NP, FC), jnp.float32),
        input_output_aliases={0: 0},
    )(t, agg4, W3q, b2q, deg)


def _fin_body(a_ref, deg_ref, b_ref, o_ref):
    h = jnp.concatenate([a_ref[0], a_ref[1]], axis=1)
    _, nd = _norms(deg_ref)
    y = h * nd[:, None] + b_ref[...]
    nrm = jnp.sqrt(jnp.sum(y * y, axis=1, keepdims=True))
    o_ref[...] = y / jnp.clip(nrm, 1e-12, None)


def _fin(agg3, deg, b3):
    return pl.pallas_call(
        _fin_body,
        grid=(NP // BN,),
        in_specs=[
            pl.BlockSpec((2, BN, FC), lambda i: (0, i, 0)),
            pl.BlockSpec((2, BN), lambda i: (0, i)),
            pl.BlockSpec((1, 2 * FC), lambda i: (0, 0)),
        ],
        out_specs=pl.BlockSpec((BN, 2 * FC), lambda i: (i, 0)),
        out_shape=jax.ShapeDtypeStruct((NP, 2 * FC), jnp.float32),
    )(agg3, deg, b3)


def kernel(g, inputs, W1, b1, W2, b2, W3, b3):
    idx_all = _edge_arrays(g)
    x_pad = jnp.concatenate(
        [inputs, jnp.zeros((NP - N, 2 * FC), jnp.float32)])
    zeros2 = jnp.zeros((ZR, FC), jnp.float32)
    zeros1 = jnp.zeros((NROW, DW), jnp.float32)
    ones1 = jnp.ones((EB, DW), jnp.float32)

    deg = _degree(idx_all, ones1, zeros1)[:, :, 0]
    x1s = _scale(deg, x_pad)
    agg1 = _propagate(x1s, idx_all, zeros2)
    h1 = _m1(agg1, W1, b1.reshape(1, -1), deg)
    aggs = []
    for q in range(4):
        mmq = _mm2(h1, W2[:, q * BQ:(q + 1) * BQ], deg)
        aggs.append(_propagate(mmq, idx_all, zeros2))
    t = jnp.zeros((2, NP, FC), jnp.float32)
    for q in range(4):
        t = _tacc(t, aggs[q], W3[q * BQ:(q + 1) * BQ],
                  b2[q * BQ:(q + 1) * BQ].reshape(1, -1), deg)
    agg3 = _propagate(t, idx_all, zeros2)
    return _fin(agg3, deg, b3.reshape(1, -1))[:N]

# --- scband reference (transcript-rebuilt; emitter-appended) ---
"""Pipeline reference for scband-gcn-23278722744486 (READ-ONLY COPY).

The authoritative reference and input builder live on the scoring server;
editing this copy changes nothing except your own understanding.
"""

import jax, jax.numpy as jnp
import numpy as np

N = 10000
E = 160000
D_IN = 256
HID = [2048, 2048]
D_OUT = 256


def setup_inputs(seed: int = 0) -> dict:
    key = jax.random.key(seed)
    ks = jax.random.split(key, 10)
    g = jax.random.randint(ks[0], (2, E), 0, N, dtype=jnp.int64 if jax.config.jax_enable_x64 else jnp.int32).astype(jnp.int32)
    inputs = jax.random.normal(ks[1], (N, D_IN), dtype=jnp.float32)

    def glorot(k, shape):
        std = jnp.sqrt(2.0 / (shape[0] + shape[1]))
        return jax.random.normal(k, shape, dtype=jnp.float32) * std

    W1 = glorot(ks[2], (D_IN, HID[0]))
    b1 = jnp.zeros((HID[0],), jnp.float32)
    W2 = glorot(ks[3], (HID[0], HID[1]))
    b2 = jnp.zeros((HID[1],), jnp.float32)
    W3 = glorot(ks[4], (HID[1], D_OUT))
    b3 = jnp.zeros((D_OUT,), jnp.float32)
    return {"g": g, "inputs": inputs, "W1": W1, "b1": b1, "W2": W2, "b2": b2, "W3": W3, "b3": b3}


def _leaky_relu(x):
    return jnp.where(x >= 0, x, 0.2 * x)


def _graph_conv(src, dst, x, W, b, n, act):
    # DGL GraphConv with norm='both': D_dst^{-1/2} A D_src^{-1/2} X W + b
    ones = jnp.ones((src.shape[0],), jnp.float32)
    deg_out = jax.ops.segment_sum(ones, src, num_segments=n)
    deg_in = jax.ops.segment_sum(ones, dst, num_segments=n)
    norm_src = jax.lax.rsqrt(jnp.clip(deg_out, 1.0, None))
    norm_dst = jax.lax.rsqrt(jnp.clip(deg_in, 1.0, None))
    h = x * norm_src[:, None]
    msg = jnp.take(h, src, axis=0)
    agg = jax.ops.segment_sum(msg, dst, num_segments=n)
    rst = agg * norm_dst[:, None]
    rst = rst @ W + b
    if act is not None:
        rst = act(rst)
    return rst


def reference(g, inputs, W1, b1, W2, b2, W3, b3):
    src = g[0]
    dst = g[1]
    h = _graph_conv(src, dst, inputs, W1, b1, N, _leaky_relu)
    h = _graph_conv(src, dst, h, W2, b2, N, _leaky_relu)
    h = _graph_conv(src, dst, h, W3, b3, N, None)
    # F.normalize: L2 row normalization with eps=1e-12
    nrm = jnp.sqrt(jnp.sum(h * h, axis=1, keepdims=True))
    return h / jnp.clip(nrm, 1e-12, None)

if __name__ == "__main__":
    import jax
    _d = setup_inputs()
    print(jax.jit(kernel)(*tuple(_d.values())))

</pallas_src>

<mosaic_0001>
#map = affine_map<(d0, d1) -> (0, 0, 0, 0)>
#map1 = affine_map<(d0, d1) -> (0, 0)>
#map2 = affine_map<(d0, d1) -> (0, 0, 0)>
module attributes {stable_mosaic.version = 14 : i64} {
  func.func @degree(%arg0: i32, %arg1: i32, %arg2: memref<2x16x79x128xi32, #tpu.memory_space<hbm>>, %arg3: memref<128x128xf32, #tpu.memory_space<hbm>>, %arg4: memref<640x128xf32, #tpu.memory_space<hbm>>, %arg5: memref<2x10240x128xf32, #tpu.memory_space<hbm>>, %arg6: memref<79x128xi32, #tpu.memory_space<vmem>>, %arg7: memref<128x128xf32, #tpu.memory_space<vmem>>, %arg8: memref<10240x128xf32, #tpu.memory_space<vmem_shared>>) attributes {dimension_semantics = [#tpu.dimension_semantics<core_parallel>, #tpu.dimension_semantics<subcore_parallel>], iteration_bounds = array<i64: 2, 16>, scalar_prefetch = 0 : i64, scratch_operands = 3 : i64, tpu.core_type = #tpu.core_type<sc_vector_subcore>, window_params = [{transform_indices = #map}, {transform_indices = #map1}, {transform_indices = #map1}, {transform_indices = #map2}]} {
    "tpu.region"() ({
      %run_scoped3A = tpu.sem_alloc : memref<!tpu.dma_semaphore, #tpu.memory_space<semaphore_mem>>
      %dma_start3A = arith.constant 0 : i32
      %dma_start3A_11 = arith.constant 0 : i32
      %dma_start3A_12 = arith.constant 0 : i32
      %dma_start3A_13 = tpu.memref_slice %arg2[%arg0, %dma_start3A, %dma_start3A_11, %dma_start3A_12] : memref<2x16x79x128xi32, #tpu.memory_space<hbm>> -> memref<1x16x79x128xi32, #tpu.memory_space<hbm>>
      %dma_start3A_14 = tpu.memref_squeeze %dma_start3A_13 : memref<1x16x79x128xi32, #tpu.memory_space<hbm>> -> memref<16x79x128xi32, #tpu.memory_space<hbm>>
      %dma_start3A_15 = arith.constant 0 : i32
      %dma_start3A_16 = arith.constant 0 : i32
      %dma_start3A_17 = tpu.memref_slice %dma_start3A_14[%arg1, %dma_start3A_15, %dma_start3A_16] : memref<16x79x128xi32, #tpu.memory_space<hbm>> -> memref<1x79x128xi32, #tpu.memory_space<hbm>>
      %dma_start3A_18 = tpu.memref_squeeze %dma_start3A_17 : memref<1x79x128xi32, #tpu.memory_space<hbm>> -> memref<79x128xi32, #tpu.memory_space<hbm>>
      %dma_start3A_19 = arith.constant 0 : i32
      %dma_start3A_20 = arith.constant 0 : i32
      %dma_start3A_21 = arith.constant 0 : i32
      %dma_start3A_22 = tpu.memref_slice %arg2[%arg0, %dma_start3A_19, %dma_start3A_20, %dma_start3A_21] : memref<2x16x79x128xi32, #tpu.memory_space<hbm>> -> memref<1x16x79x128xi32, #tpu.memory_space<hbm>>
      %dma_start3A_23 = tpu.memref_squeeze %dma_start3A_22 : memref<1x16x79x128xi32, #tpu.memory_space<hbm>> -> memref<16x79x128xi32, #tpu.memory_space<hbm>>
      %dma_start3A_24 = arith.constant 0 : i32
      %dma_start3A_25 = arith.constant 0 : i32
      %dma_start3A_26 = tpu.memref_slice %dma_start3A_23[%arg1, %dma_start3A_24, %dma_start3A_25] : memref<16x79x128xi32, #tpu.memory_space<hbm>> -> memref<1x79x128xi32, #tpu.memory_space<hbm>>
      %dma_start3A_27 = tpu.memref_squeeze %dma_start3A_26 : memref<1x79x128xi32, #tpu.memory_space<hbm>> -> memref<79x128xi32, #tpu.memory_space<hbm>>
      tpu.enqueue_dma source(%dma_start3A_27 : memref<79x128xi32, #tpu.memory_space<hbm>>) target(%arg6 : memref<79x128xi32, #tpu.memory_space<vmem>>) target_semaphore(%run_scoped3A : memref<!tpu.dma_semaphore, #tpu.memory_space<semaphore_mem>>)
      %dma_wait3A = arith.constant 0 : i32
      %dma_wait3A_28 = arith.constant 0 : i32
      %dma_wait3A_29 = arith.constant 0 : i32
      %dma_wait3A_30 = tpu.memref_slice %arg2[%arg0, %dma_wait3A, %dma_wait3A_28, %dma_wait3A_29] : memref<2x16x79x128xi32, #tpu.memory_space<hbm>> -> memref<1x16x79x128xi32, #tpu.memory_space<hbm>>
      %dma_wait3A_31 = tpu.memref_squeeze %dma_wait3A_30 : memref<1x16x79x128xi32, #tpu.memory_space<hbm>> -> memref<16x79x128xi32, #tpu.memory_space<hbm>>
      %dma_wait3A_32 = arith.constant 0 : i32
      %dma_wait3A_33 = arith.constant 0 : i32
      %dma_wait3A_34 = tpu.memref_slice %dma_wait3A_31[%arg1, %dma_wait3A_32, %dma_wait3A_33] : memref<16x79x128xi32, #tpu.memory_space<hbm>> -> memref<1x79x128xi32, #tpu.memory_space<hbm>>
      %dma_wait3A_35 = tpu.memref_squeeze %dma_wait3A_34 : memref<1x79x128xi32, #tpu.memory_space<hbm>> -> memref<79x128xi32, #tpu.memory_space<hbm>>
      %dma_wait3A_36 = arith.constant 0 : i32
      %dma_wait3A_37 = arith.constant 0 : i32
      %dma_wait3A_38 = arith.constant 0 : i32
      %dma_wait3A_39 = tpu.memref_slice %arg2[%arg0, %dma_wait3A_36, %dma_wait3A_37, %dma_wait3A_38] : memref<2x16x79x128xi32, #tpu.memory_space<hbm>> -> memref<1x16x79x128xi32, #tpu.memory_space<hbm>>
      %dma_wait3A_40 = tpu.memref_squeeze %dma_wait3A_39 : memref<1x16x79x128xi32, #tpu.memory_space<hbm>> -> memref<16x79x128xi32, #tpu.memory_space<hbm>>
      %dma_wait3A_41 = arith.constant 0 : i32
      %dma_wait3A_42 = arith.constant 0 : i32
      %dma_wait3A_43 = tpu.memref_slice %dma_wait3A_40[%arg1, %dma_wait3A_41, %dma_wait3A_42] : memref<16x79x128xi32, #tpu.memory_space<hbm>> -> memref<1x79x128xi32, #tpu.memory_space<hbm>>
      %dma_wait3A_44 = tpu.memref_squeeze %dma_wait3A_43 : memref<1x79x128xi32, #tpu.memory_space<hbm>> -> memref<79x128xi32, #tpu.memory_space<hbm>>
      tpu.wait_dma2 semaphore(%run_scoped3A : memref<!tpu.dma_semaphore, #tpu.memory_space<semaphore_mem>>) src(%dma_wait3A_44 : memref<79x128xi32, #tpu.memory_space<hbm>>) dst(%arg6 : memref<79x128xi32, #tpu.memory_space<vmem>>)
      tpu.yield
    }) : () -> ()
    "tpu.region"() ({
      %run_scoped3A = tpu.sem_alloc : memref<!tpu.dma_semaphore, #tpu.memory_space<semaphore_mem>>
      tpu.enqueue_dma source(%arg3 : memref<128x128xf32, #tpu.memory_space<hbm>>) target(%arg7 : memref<128x128xf32, #tpu.memory_space<vmem>>) target_semaphore(%run_scoped3A : memref<!tpu.dma_semaphore, #tpu.memory_space<semaphore_mem>>)
      tpu.wait_dma2 semaphore(%run_scoped3A : memref<!tpu.dma_semaphore, #tpu.memory_space<semaphore_mem>>) src(%arg3 : memref<128x128xf32, #tpu.memory_space<hbm>>) dst(%arg7 : memref<128x128xf32, #tpu.memory_space<vmem>>)
      tpu.yield
    }) : () -> ()
    %mul3A = arith.constant 640 : i32
    %mul3A_0 = arith.muli %arg1, %mul3A : i32
    "tpu.region"() ({
      %run_scoped3A = tpu.sem_alloc : memref<!tpu.dma_semaphore, #tpu.memory_space<semaphore_mem>>
      %dma_start3A = arith.constant 0 : i32
      %dma_start3A_11 = tpu.memref_slice %arg8[%mul3A_0, %dma_start3A] : memref<10240x128xf32, #tpu.memory_space<vmem_shared>> -> memref<640x128xf32, #tpu.memory_space<vmem_shared>>
      tpu.enqueue_dma source(%arg4 : memref<640x128xf32, #tpu.memory_space<hbm>>) target(%dma_start3A_11 : memref<640x128xf32, #tpu.memory_space<vmem_shared>>) target_semaphore(%run_scoped3A : memref<!tpu.dma_semaphore, #tpu.memory_space<semaphore_mem>>)
      %dma_wait3A = arith.constant 0 : i32
      %dma_wait3A_12 = tpu.memref_slice %arg8[%mul3A_0, %dma_wait3A] : memref<10240x128xf32, #tpu.memory_space<vmem_shared>> -> memref<640x128xf32, #tpu.memory_space<vmem_shared>>
      tpu.wait_dma2 semaphore(%run_scoped3A : memref<!tpu.dma_semaphore, #tpu.memory_space<semaphore_mem>>) src(%arg4 : memref<640x128xf32, #tpu.memory_space<hbm>>) dst(%dma_wait3A_12 : memref<640x128xf32, #tpu.memory_space<vmem_shared>>)
      tpu.yield
    }) : () -> ()
    %barrier3A = arith.constant 0 : index
    tpu.barrier barrier_id(%barrier3A)
    %scan3A = arith.constant 0 : i32
    %scan3A_1 = arith.constant 0 : i32
    %scan3A_2 = arith.constant 79 : i32
    %scan3A_3 = arith.addi %scan3A_1, %scan3A_2 : i32
    %scan3A_4 = arith.constant 1 : i32
    scf.for %scan3A_11 = %scan3A_1 to %scan3A_3 step %scan3A_4  : i32 {
      "tpu.region"() ({
        %run_scoped3A = tpu.sem_alloc : memref<!tpu.dma_semaphore, #tpu.memory_space<semaphore_mem>>
        %dma_start3A = arith.constant 0 : i32
        %dma_start3A_12 = tpu.memref_slice %arg6[%scan3A_11, %dma_start3A] : memref<79x128xi32, #tpu.memory_space<vmem>> -> memref<1x128xi32, #tpu.memory_space<vmem>>
        %dma_start3A_13 = tpu.memref_squeeze %dma_start3A_12 : memref<1x128xi32, #tpu.memory_space<vmem>> -> memref<128xi32, #tpu.memory_space<vmem>>
        %dma_start3A_14 = arith.constant 0 : i32
        %dma_start3A_15 = arith.constant 0 : i32
        %dma_start3A_16 = tpu.memref_slice %arg8[%dma_start3A_14, %dma_start3A_15] : memref<10240x128xf32, #tpu.memory_space<vmem_shared>> -> memref<10240x128xf32, #tpu.memory_space<vmem_shared>>
        tpu.enqueue_indirect_dma source(%arg7 : memref<128x128xf32, #tpu.memory_space<vmem>>) target(%dma_start3A_16 : memref<10240x128xf32, #tpu.memory_space<vmem_shared>>) offsets(%dma_start3A_13 : memref<128xi32, #tpu.memory_space<vmem>>) semaphore(%run_scoped3A : memref<!tpu.dma_semaphore, #tpu.memory_space<semaphore_mem>>) {add = true}
        %dma_wait3A = arith.constant 0 : i32
        %dma_wait3A_17 = tpu.memref_slice %arg6[%scan3A_11, %dma_wait3A] : memref<79x128xi32, #tpu.memory_space<vmem>> -> memref<1x128xi32, #tpu.memory_space<vmem>>
        %dma_wait3A_18 = tpu.memref_squeeze %dma_wait3A_17 : memref<1x128xi32, #tpu.memory_space<vmem>> -> memref<128xi32, #tpu.memory_space<vmem>>
        %dma_wait3A_19 = arith.constant 0 : i32
        %dma_wait3A_20 = arith.constant 0 : i32
        %dma_wait3A_21 = tpu.memref_slice %arg8[%dma_wait3A_19, %dma_wait3A_20] : memref<10240x128xf32, #tpu.memory_space<vmem_shared>> -> memref<10240x128xf32, #tpu.memory_space<vmem_shared>>
        tpu.wait_indirect_dma semaphore(%run_scoped3A : memref<!tpu.dma_semaphore, #tpu.memory_space<semaphore_mem>>) src(%arg7 : memref<128x128xf32, #tpu.memory_space<vmem>>) dst(%dma_wait3A_21 : memref<10240x128xf32, #tpu.memory_space<vmem_shared>>)
        tpu.yield
      }) : () -> ()
    }
    %scan3A_5 = arith.constant 79 : i32
    %barrier3A_6 = arith.constant 0 : index
    tpu.barrier barrier_id(%barrier3A_6)
    %mul3A_7 = arith.constant 640 : i32
    %mul3A_8 = arith.muli %arg1, %mul3A_7 : i32
    %mul3A_9 = arith.constant 640 : i32
    %mul3A_10 = arith.muli %arg1, %mul3A_9 : i32
    "tpu.region"() ({
      %run_scoped3A = tpu.sem_alloc : memref<!tpu.dma_semaphore, #tpu.memory_space<semaphore_mem>>
      %dma_start3A = arith.constant 0 : i32
      %dma_start3A_11 = arith.constant 0 : i32
      %dma_start3A_12 = tpu.memref_slice %arg5[%arg0, %dma_start3A, %dma_start3A_11] : memref<2x10240x128xf32, #tpu.memory_space<hbm>> -> memref<1x10240x128xf32, #tpu.memory_space<hbm>>
      %dma_start3A_13 = tpu.memref_squeeze %dma_start3A_12 : memref<1x10240x128xf32, #tpu.memory_space<hbm>> -> memref<10240x128xf32, #tpu.memory_space<hbm>>
      %dma_start3A_14 = arith.constant 0 : i32
      %dma_start3A_15 = tpu.memref_slice %dma_start3A_13[%mul3A_10, %dma_start3A_14] : memref<10240x128xf32, #tpu.memory_space<hbm>> -> memref<640x128xf32, #tpu.memory_space<hbm>>
      %dma_start3A_16 = arith.constant 0 : i32
      %dma_start3A_17 = tpu.memref_slice %arg8[%mul3A_8, %dma_start3A_16] : memref<10240x128xf32, #tpu.memory_space<vmem_shared>> -> memref<640x128xf32, #tpu.memory_space<vmem_shared>>
      tpu.enqueue_dma source(%dma_start3A_17 : memref<640x128xf32, #tpu.memory_space<vmem_shared>>) target(%dma_start3A_15 : memref<640x128xf32, #tpu.memory_space<hbm>>) target_semaphore(%run_scoped3A : memref<!tpu.dma_semaphore, #tpu.memory_space<semaphore_mem>>)
      %dma_wait3A = arith.constant 0 : i32
      %dma_wait3A_18 = arith.constant 0 : i32
      %dma_wait3A_19 = tpu.memref_slice %arg5[%arg0, %dma_wait3A, %dma_wait3A_18] : memref<2x10240x128xf32, #tpu.memory_space<hbm>> -> memref<1x10240x128xf32, #tpu.memory_space<hbm>>
      %dma_wait3A_20 = tpu.memref_squeeze %dma_wait3A_19 : memref<1x10240x128xf32, #tpu.memory_space<hbm>> -> memref<10240x128xf32, #tpu.memory_space<hbm>>
      %dma_wait3A_21 = arith.constant 0 : i32
      %dma_wait3A_22 = tpu.memref_slice %dma_wait3A_20[%mul3A_10, %dma_wait3A_21] : memref<10240x128xf32, #tpu.memory_space<hbm>> -> memref<640x128xf32, #tpu.memory_space<hbm>>
      %dma_wait3A_23 = arith.constant 0 : i32
      %dma_wait3A_24 = tpu.memref_slice %arg8[%mul3A_8, %dma_wait3A_23] : memref<10240x128xf32, #tpu.memory_space<vmem_shared>> -> memref<640x128xf32, #tpu.memory_space<vmem_shared>>
      tpu.wait_dma2 semaphore(%run_scoped3A : memref<!tpu.dma_semaphore, #tpu.memory_space<semaphore_mem>>) src(%dma_wait3A_24 : memref<640x128xf32, #tpu.memory_space<vmem_shared>>) dst(%dma_wait3A_22 : memref<640x128xf32, #tpu.memory_space<hbm>>)
      tpu.yield
    }) : () -> ()
    return
  }
}

#map = affine_map<(d0, d1) -> (0, 0, 0)>
#map1 = affine_map<(d0, d1) -> (0, 0, 0, 0)>
#map2 = affine_map<(d0, d1) -> (0, 0)>
module attributes {stable_mosaic.version = 14 : i64} {
  func.func @prop(%arg0: i32, %arg1: i32, %arg2: memref<2x10240x128xf32, #tpu.memory_space<hbm>>, %arg3: memref<2x16x79x128xi32, #tpu.memory_space<hbm>>, %arg4: memref<64x128xf32, #tpu.memory_space<hbm>>, %arg5: memref<2x10240x128xf32, #tpu.memory_space<hbm>>, %arg6: memref<79x128xi32, #tpu.memory_space<vmem>>, %arg7: memref<79x128xi32, #tpu.memory_space<vmem>>, %arg8: memref<128x128xf32, #tpu.memory_space<vmem>>, %arg9: memref<64x128xf32, #tpu.memory_space<vmem>>, %arg10: memref<!tpu.dma_semaphore, #tpu.memory_space<semaphore_mem>>, %arg11: memref<10240x128xf32, #tpu.memory_space<vmem_shared>>) attributes {dimension_semantics = [#tpu.dimension_semantics<core_parallel>, #tpu.dimension_semantics<subcore_parallel>], iteration_bounds = array<i64: 2, 16>, scalar_prefetch = 0 : i64, scratch_operands = 6 : i64, tpu.core_type = #tpu.core_type<sc_vector_subcore>, window_params = [{transform_indices = #map}, {transform_indices = #map1}, {transform_indices = #map2}, {transform_indices = #map}]} {
    %run_scoped3A = arith.constant 0 : i32
    "tpu.region"() ({
      %run_scoped3A_132 = tpu.sem_alloc : memref<!tpu.dma_semaphore, #tpu.memory_space<semaphore_mem>>
      %dma_start3A_133 = arith.constant 0 : i32
      %dma_start3A_134 = arith.constant 0 : i32
      %dma_start3A_135 = arith.constant 0 : i32
      %dma_start3A_136 = tpu.memref_slice %arg3[%run_scoped3A, %dma_start3A_133, %dma_start3A_134, %dma_start3A_135] : memref<2x16x79x128xi32, #tpu.memory_space<hbm>> -> memref<1x16x79x128xi32, #tpu.memory_space<hbm>>
      %dma_start3A_137 = tpu.memref_squeeze %dma_start3A_136 : memref<1x16x79x128xi32, #tpu.memory_space<hbm>> -> memref<16x79x128xi32, #tpu.memory_space<hbm>>
      %dma_start3A_138 = arith.constant 0 : i32
      %dma_start3A_139 = arith.constant 0 : i32
      %dma_start3A_140 = tpu.memref_slice %dma_start3A_137[%arg1, %dma_start3A_138, %dma_start3A_139] : memref<16x79x128xi32, #tpu.memory_space<hbm>> -> memref<1x79x128xi32, #tpu.memory_space<hbm>>
      %dma_start3A_141 = tpu.memref_squeeze %dma_start3A_140 : memref<1x79x128xi32, #tpu.memory_space<hbm>> -> memref<79x128xi32, #tpu.memory_space<hbm>>
      %dma_start3A_142 = arith.constant 0 : i32
      %dma_start3A_143 = arith.constant 0 : i32
      %dma_start3A_144 = arith.constant 0 : i32
      %dma_start3A_145 = tpu.memref_slice %arg3[%run_scoped3A, %dma_start3A_142, %dma_start3A_143, %dma_start3A_144] : memref<2x16x79x128xi32, #tpu.memory_space<hbm>> -> memref<1x16x79x128xi32, #tpu.memory_space<hbm>>
      %dma_start3A_146 = tpu.memref_squeeze %dma_start3A_145 : memref<1x16x79x128xi32, #tpu.memory_space<hbm>> -> memref<16x79x128xi32, #tpu.memory_space<hbm>>
      %dma_start3A_147 = arith.constant 0 : i32
      %dma_start3A_148 = arith.constant 0 : i32
      %dma_start3A_149 = tpu.memref_slice %dma_start3A_146[%arg1, %dma_start3A_147, %dma_start3A_148] : memref<16x79x128xi32, #tpu.memory_space<hbm>> -> memref<1x79x128xi32, #tpu.memory_space<hbm>>
      %dma_start3A_150 = tpu.memref_squeeze %dma_start3A_149 : memref<1x79x128xi32, #tpu.memory_space<hbm>> -> memref<79x128xi32, #tpu.memory_space<hbm>>
      tpu.enqueue_dma source(%dma_start3A_150 : memref<79x128xi32, #tpu.memory_space<hbm>>) target(%arg6 : memref<79x128xi32, #tpu.memory_space<vmem>>) target_semaphore(%run_scoped3A_132 : memref<!tpu.dma_semaphore, #tpu.memory_space<semaphore_mem>>)
      %dma_wait3A_151 = arith.constant 0 : i32
      %dma_wait3A_152 = arith.constant 0 : i32
      %dma_wait3A_153 = arith.constant 0 : i32
      %dma_wait3A_154 = tpu.memref_slice %arg3[%run_scoped3A, %dma_wait3A_151, %dma_wait3A_152, %dma_wait3A_153] : memref<2x16x79x128xi32, #tpu.memory_space<hbm>> -> memref<1x16x79x128xi32, #tpu.memory_space<hbm>>
      %dma_wait3A_155 = tpu.memref_squeeze %dma_wait3A_154 : memref<1x16x79x128xi32, #tpu.memory_space<hbm>> -> memref<16x79x128xi32, #tpu.memory_space<hbm>>
      %dma_wait3A_156 = arith.constant 0 : i32
      %dma_wait3A_157 = arith.constant 0 : i32
      %dma_wait3A_158 = tpu.memref_slice %dma_wait3A_155[%arg1, %dma_wait3A_156, %dma_wait3A_157] : memref<16x79x128xi32, #tpu.memory_space<hbm>> -> memref<1x79x128xi32, #tpu.memory_space<hbm>>
      %dma_wait3A_159 = tpu.memref_squeeze %dma_wait3A_158 : memref<1x79x128xi32, #tpu.memory_space<hbm>> -> memref<79x128xi32, #tpu.memory_space<hbm>>
      %dma_wait3A_160 = arith.constant 0 : i32
      %dma_wait3A_161 = arith.constant 0 : i32
      %dma_wait3A_162 = arith.constant 0 : i32
      %dma_wait3A_163 = tpu.memref_slice %arg3[%run_scoped3A, %dma_wait3A_160, %dma_wait3A_161, %dma_wait3A_162] : memref<2x16x79x128xi32, #tpu.memory_space<hbm>> -> memref<1x16x79x128xi32, #tpu.memory_space<hbm>>
      %dma_wait3A_164 = tpu.memref_squeeze %dma_wait3A_163 : memref<1x16x79x128xi32, #tpu.memory_space<hbm>> -> memref<16x79x128xi32, #tpu.memory_space<hbm>>
      %dma_wait3A_165 = arith.constant 0 : i32
      %dma_wait3A_166 = arith.constant 0 : i32
      %dma_wait3A_167 = tpu.memref_slice %dma_wait3A_164[%arg1, %dma_wait3A_165, %dma_wait3A_166] : memref<16x79x128xi32, #tpu.memory_space<hbm>> -> memref<1x79x128xi32, #tpu.memory_space<hbm>>
      %dma_wait3A_168 = tpu.memref_squeeze %dma_wait3A_167 : memref<1x79x128xi32, #tpu.memory_space<hbm>> -> memref<79x128xi32, #tpu.memory_space<hbm>>
      tpu.wait_dma2 semaphore(%run_scoped3A_132 : memref<!tpu.dma_semaphore, #tpu.memory_space<semaphore_mem>>) src(%dma_wait3A_168 : memref<79x128xi32, #tpu.memory_space<hbm>>) dst(%arg6 : memref<79x128xi32, #tpu.memory_space<vmem>>)
      tpu.yield
    }) : () -> ()
    %run_scoped3A_0 = arith.constant 1 : i32
    "tpu.region"() ({
      %run_scoped3A_132 = tpu.sem_alloc : memref<!tpu.dma_semaphore, #tpu.memory_space<semaphore_mem>>
      %dma_start3A_133 = arith.constant 0 : i32
      %dma_start3A_134 = arith.constant 0 : i32
      %dma_start3A_135 = arith.constant 0 : i32
      %dma_start3A_136 = tpu.memref_slice %arg3[%run_scoped3A_0, %dma_start3A_133, %dma_start3A_134, %dma_start3A_135] : memref<2x16x79x128xi32, #tpu.memory_space<hbm>> -> memref<1x16x79x128xi32, #tpu.memory_space<hbm>>
      %dma_start3A_137 = tpu.memref_squeeze %dma_start3A_136 : memref<1x16x79x128xi32, #tpu.memory_space<hbm>> -> memref<16x79x128xi32, #tpu.memory_space<hbm>>
      %dma_start3A_138 = arith.constant 0 : i32
      %dma_start3A_139 = arith.constant 0 : i32
      %dma_start3A_140 = tpu.memref_slice %dma_start3A_137[%arg1, %dma_start3A_138, %dma_start3A_139] : memref<16x79x128xi32, #tpu.memory_space<hbm>> -> memref<1x79x128xi32, #tpu.memory_space<hbm>>
      %dma_start3A_141 = tpu.memref_squeeze %dma_start3A_140 : memref<1x79x128xi32, #tpu.memory_space<hbm>> -> memref<79x128xi32, #tpu.memory_space<hbm>>
      %dma_start3A_142 = arith.constant 0 : i32
      %dma_start3A_143 = arith.constant 0 : i32
      %dma_start3A_144 = arith.constant 0 : i32
      %dma_start3A_145 = tpu.memref_slice %arg3[%run_scoped3A_0, %dma_start3A_142, %dma_start3A_143, %dma_start3A_144] : memref<2x16x79x128xi32, #tpu.memory_space<hbm>> -> memref<1x16x79x128xi32, #tpu.memory_space<hbm>>
      %dma_start3A_146 = tpu.memref_squeeze %dma_start3A_145 : memref<1x16x79x128xi32, #tpu.memory_space<hbm>> -> memref<16x79x128xi32, #tpu.memory_space<hbm>>
      %dma_start3A_147 = arith.constant 0 : i32
      %dma_start3A_148 = arith.constant 0 : i32
      %dma_start3A_149 = tpu.memref_slice %dma_start3A_146[%arg1, %dma_start3A_147, %dma_start3A_148] : memref<16x79x128xi32, #tpu.memory_space<hbm>> -> memref<1x79x128xi32, #tpu.memory_space<hbm>>
      %dma_start3A_150 = tpu.memref_squeeze %dma_start3A_149 : memref<1x79x128xi32, #tpu.memory_space<hbm>> -> memref<79x128xi32, #tpu.memory_space<hbm>>
      tpu.enqueue_dma source(%dma_start3A_150 : memref<79x128xi32, #tpu.memory_space<hbm>>) target(%arg7 : memref<79x128xi32, #tpu.memory_space<vmem>>) target_semaphore(%run_scoped3A_132 : memref<!tpu.dma_semaphore, #tpu.memory_space<semaphore_mem>>)
      %dma_wait3A_151 = arith.constant 0 : i32
      %dma_wait3A_152 = arith.constant 0 : i32
      %dma_wait3A_153 = arith.constant 0 : i32
      %dma_wait3A_154 = tpu.memref_slice %arg3[%run_scoped3A_0, %dma_wait3A_151, %dma_wait3A_152, %dma_wait3A_153] : memref<2x16x79x128xi32, #tpu.memory_space<hbm>> -> memref<1x16x79x128xi32, #tpu.memory_space<hbm>>
      %dma_wait3A_155 = tpu.memref_squeeze %dma_wait3A_154 : memref<1x16x79x128xi32, #tpu.memory_space<hbm>> -> memref<16x79x128xi32, #tpu.memory_space<hbm>>
      %dma_wait3A_156 = arith.constant 0 : i32
      %dma_wait3A_157 = arith.constant 0 : i32
      %dma_wait3A_158 = tpu.memref_slice %dma_wait3A_155[%arg1, %dma_wait3A_156, %dma_wait3A_157] : memref<16x79x128xi32, #tpu.memory_space<hbm>> -> memref<1x79x128xi32, #tpu.memory_space<hbm>>
      %dma_wait3A_159 = tpu.memref_squeeze %dma_wait3A_158 : memref<1x79x128xi32, #tpu.memory_space<hbm>> -> memref<79x128xi32, #tpu.memory_space<hbm>>
      %dma_wait3A_160 = arith.constant 0 : i32
      %dma_wait3A_161 = arith.constant 0 : i32
      %dma_wait3A_162 = arith.constant 0 : i32
      %dma_wait3A_163 = tpu.memref_slice %arg3[%run_scoped3A_0, %dma_wait3A_160, %dma_wait3A_161, %dma_wait3A_162] : memref<2x16x79x128xi32, #tpu.memory_space<hbm>> -> memref<1x16x79x128xi32, #tpu.memory_space<hbm>>
      %dma_wait3A_164 = tpu.memref_squeeze %dma_wait3A_163 : memref<1x16x79x128xi32, #tpu.memory_space<hbm>> -> memref<16x79x128xi32, #tpu.memory_space<hbm>>
      %dma_wait3A_165 = arith.constant 0 : i32
      %dma_wait3A_166 = arith.constant 0 : i32
      %dma_wait3A_167 = tpu.memref_slice %dma_wait3A_164[%arg1, %dma_wait3A_165, %dma_wait3A_166] : memref<16x79x128xi32, #tpu.memory_space<hbm>> -> memref<1x79x128xi32, #tpu.memory_space<hbm>>
      %dma_wait3A_168 = tpu.memref_squeeze %dma_wait3A_167 : memref<1x79x128xi32, #tpu.memory_space<hbm>> -> memref<79x128xi32, #tpu.memory_space<hbm>>
      tpu.wait_dma2 semaphore(%run_scoped3A_132 : memref<!tpu.dma_semaphore, #tpu.memory_space<semaphore_mem>>) src(%dma_wait3A_168 : memref<79x128xi32, #tpu.memory_space<hbm>>) dst(%arg7 : memref<79x128xi32, #tpu.memory_space<vmem>>)
      tpu.yield
    }) : () -> ()
    "tpu.region"() ({
      %run_scoped3A_132 = tpu.sem_alloc : memref<!tpu.dma_semaphore, #tpu.memory_space<semaphore_mem>>
      tpu.enqueue_dma source(%arg4 : memref<64x128xf32, #tpu.memory_space<hbm>>) target(%arg9 : memref<64x128xf32, #tpu.memory_space<vmem>>) target_semaphore(%run_scoped3A_132 : memref<!tpu.dma_semaphore, #tpu.memory_space<semaphore_mem>>)
      tpu.wait_dma2 semaphore(%run_scoped3A_132 : memref<!tpu.dma_semaphore, #tpu.memory_space<semaphore_mem>>) src(%arg4 : memref<64x128xf32, #tpu.memory_space<hbm>>) dst(%arg9 : memref<64x128xf32, #tpu.memory_space<vmem>>)
      tpu.yield
    }) : () -> ()
    %mul3A = arith.constant 1 : i32
    %mul3A_1 = arith.muli %arg0, %mul3A : i32
    %add3A = arith.constant 0 : i32
    %add3A_2 = arith.addi %mul3A_1, %add3A : i32
    %mul3A_3 = arith.constant 640 : i32
    %mul3A_4 = arith.muli %arg1, %mul3A_3 : i32
    %add3A_5 = arith.constant 0 : i32
    %add3A_6 = arith.addi %mul3A_4, %add3A_5 : i32
    %dma_start3A = arith.constant 0 : i32
    %dma_start3A_7 = tpu.memref_slice %arg11[%add3A_6, %dma_start3A] : memref<10240x128xf32, #tpu.memory_space<vmem_shared>> -> memref<64x128xf32, #tpu.memory_space<vmem_shared>>
    %dma_start3A_8 = arith.constant 0 : i32
    %dma_start3A_9 = tpu.memref_slice %arg11[%add3A_6, %dma_start3A_8] : memref<10240x128xf32, #tpu.memory_space<vmem_shared>> -> memref<64x128xf32, #tpu.memory_space<vmem_shared>>
    tpu.enqueue_dma source(%arg9 : memref<64x128xf32, #tpu.memory_space<vmem>>) target(%dma_start3A_9 : memref<64x128xf32, #tpu.memory_space<vmem_shared>>) target_semaphore(%arg10 : memref<!tpu.dma_semaphore, #tpu.memory_space<semaphore_mem>>)
    %mul3A_10 = arith.constant 640 : i32
    %mul3A_11 = arith.muli %arg1, %mul3A_10 : i32
    %add3A_12 = arith.constant 64 : i32
    %add3A_13 = arith.addi %mul3A_11, %add3A_12 : i32
    %dma_start3A_14 = arith.constant 0 : i32
    %dma_start3A_15 = tpu.memref_slice %arg11[%add3A_13, %dma_start3A_14] : memref<10240x128xf32, #tpu.memory_space<vmem_shared>> -> memref<64x128xf32, #tpu.memory_space<vmem_shared>>
    %dma_start3A_16 = arith.constant 0 : i32
    %dma_start3A_17 = tpu.memref_slice %arg11[%add3A_13, %dma_start3A_16] : memref<10240x128xf32, #tpu.memory_space<vmem_shared>> -> memref<64x128xf32, #tpu.memory_space<vmem_shared>>
    tpu.enqueue_dma source(%arg9 : memref<64x128xf32, #tpu.memory_space<vmem>>) target(%dma_start3A_17 : memref<64x128xf32, #tpu.memory_space<vmem_shared>>) target_semaphore(%arg10 : memref<!tpu.dma_semaphore, #tpu.memory_space<semaphore_mem>>)
    %mul3A_18 = arith.constant 640 : i32
    %mul3A_19 = arith.muli %arg1, %mul3A_18 : i32
    %add3A_20 = arith.constant 128 : i32
    %add3A_21 = arith.addi %mul3A_19, %add3A_20 : i32
    %dma_start3A_22 = arith.constant 0 : i32
    %dma_start3A_23 = tpu.memref_slice %arg11[%add3A_21, %dma_start3A_22] : memref<10240x128xf32, #tpu.memory_space<vmem_shared>> -> memref<64x128xf32, #tpu.memory_space<vmem_shared>>
    %dma_start3A_24 = arith.constant 0 : i32
    %dma_start3A_25 = tpu.memref_slice %arg11[%add3A_21, %dma_start3A_24] : memref<10240x128xf32, #tpu.memory_space<vmem_shared>> -> memref<64x128xf32, #tpu.memory_space<vmem_shared>>
    tpu.enqueue_dma source(%arg9 : memref<64x128xf32, #tpu.memory_space<vmem>>) target(%dma_start3A_25 : memref<64x128xf32, #tpu.memory_space<vmem_shared>>) target_semaphore(%arg10 : memref<!tpu.dma_semaphore, #tpu.memory_space<semaphore_mem>>)
    %mul3A_26 = arith.constant 640 : i32
    %mul3A_27 = arith.muli %arg1, %mul3A_26 : i32
    %add3A_28 = arith.constant 192 : i32
    %add3A_29 = arith.addi %mul3A_27, %add3A_28 : i32
    %dma_start3A_30 = arith.constant 0 : i32
    %dma_start3A_31 = tpu.memref_slice %arg11[%add3A_29, %dma_start3A_30] : memref<10240x128xf32, #tpu.memory_space<vmem_shared>> -> memref<64x128xf32, #tpu.memory_space<vmem_shared>>
    %dma_start3A_32 = arith.constant 0 : i32
    %dma_start3A_33 = tpu.memref_slice %arg11[%add3A_29, %dma_start3A_32] : memref<10240x128xf32, #tpu.memory_space<vmem_shared>> -> memref<64x128xf32, #tpu.memory_space<vmem_shared>>
    tpu.enqueue_dma source(%arg9 : memref<64x128xf32, #tpu.memory_space<vmem>>) target(%dma_start3A_33 : memref<64x128xf32, #tpu.memory_space<vmem_shared>>) target_semaphore(%arg10 : memref<!tpu.dma_semaphore, #tpu.memory_space<semaphore_mem>>)
    %mul3A_34 = arith.constant 640 : i32
    %mul3A_35 = arith.muli %arg1, %mul3A_34 : i32
    %add3A_36 = arith.constant 256 : i32
    %add3A_37 = arith.addi %mul3A_35, %add3A_36 : i32
    %dma_start3A_38 = arith.constant 0 : i32
    %dma_start3A_39 = tpu.memref_slice %arg11[%add3A_37, %dma_start3A_38] : memref<10240x128xf32, #tpu.memory_space<vmem_shared>> -> memref<64x128xf32, #tpu.memory_space<vmem_shared>>
    %dma_start3A_40 = arith.constant 0 : i32
    %dma_start3A_41 = tpu.memref_slice %arg11[%add3A_37, %dma_start3A_40] : memref<10240x128xf32, #tpu.memory_space<vmem_shared>> -> memref<64x128xf32, #tpu.memory_space<vmem_shared>>
    tpu.enqueue_dma source(%arg9 : memref<64x128xf32, #tpu.memory_space<vmem>>) target(%dma_start3A_41 : memref<64x128xf32, #tpu.memory_space<vmem_shared>>) target_semaphore(%arg10 : memref<!tpu.dma_semaphore, #tpu.memory_space<semaphore_mem>>)
    %mul3A_42 = arith.constant 640 : i32
    %mul3A_43 = arith.muli %arg1, %mul3A_42 : i32
    %add3A_44 = arith.constant 320 : i32
    %add3A_45 = arith.addi %mul3A_43, %add3A_44 : i32
    %dma_start3A_46 = arith.constant 0 : i32
    %dma_start3A_47 = tpu.memref_slice %arg11[%add3A_45, %dma_start3A_46] : memref<10240x128xf32, #tpu.memory_space<vmem_shared>> -> memref<64x128xf32, #tpu.memory_space<vmem_shared>>
    %dma_start3A_48 = arith.constant 0 : i32
    %dma_start3A_49 = tpu.memref_slice %arg11[%add3A_45, %dma_start3A_48] : memref<10240x128xf32, #tpu.memory_space<vmem_shared>> -> memref<64x128xf32, #tpu.memory_space<vmem_shared>>
    tpu.enqueue_dma source(%arg9 : memref<64x128xf32, #tpu.memory_space<vmem>>) target(%dma_start3A_49 : memref<64x128xf32, #tpu.memory_space<vmem_shared>>) target_semaphore(%arg10 : memref<!tpu.dma_semaphore, #tpu.memory_space<semaphore_mem>>)
    %mul3A_50 = arith.constant 640 : i32
    %mul3A_51 = arith.muli %arg1, %mul3A_50 : i32
    %add3A_52 = arith.constant 384 : i32
    %add3A_53 = arith.addi %mul3A_51, %add3A_52 : i32
    %dma_start3A_54 = arith.constant 0 : i32
    %dma_start3A_55 = tpu.memref_slice %arg11[%add3A_53, %dma_start3A_54] : memref<10240x128xf32, #tpu.memory_space<vmem_shared>> -> memref<64x128xf32, #tpu.memory_space<vmem_shared>>
    %dma_start3A_56 = arith.constant 0 : i32
    %dma_start3A_57 = tpu.memref_slice %arg11[%add3A_53, %dma_start3A_56] : memref<10240x128xf32, #tpu.memory_space<vmem_shared>> -> memref<64x128xf32, #tpu.memory_space<vmem_shared>>
    tpu.enqueue_dma source(%arg9 : memref<64x128xf32, #tpu.memory_space<vmem>>) target(%dma_start3A_57 : memref<64x128xf32, #tpu.memory_space<vmem_shared>>) target_semaphore(%arg10 : memref<!tpu.dma_semaphore, #tpu.memory_space<semaphore_mem>>)
    %mul3A_58 = arith.constant 640 : i32
    %mul3A_59 = arith.muli %arg1, %mul3A_58 : i32
    %add3A_60 = arith.constant 448 : i32
    %add3A_61 = arith.addi %mul3A_59, %add3A_60 : i32
    %dma_start3A_62 = arith.constant 0 : i32
    %dma_start3A_63 = tpu.memref_slice %arg11[%add3A_61, %dma_start3A_62] : memref<10240x128xf32, #tpu.memory_space<vmem_shared>> -> memref<64x128xf32, #tpu.memory_space<vmem_shared>>
    %dma_start3A_64 = arith.constant 0 : i32
    %dma_start3A_65 = tpu.memref_slice %arg11[%add3A_61, %dma_start3A_64] : memref<10240x128xf32, #tpu.memory_space<vmem_shared>> -> memref<64x128xf32, #tpu.memory_space<vmem_shared>>
    tpu.enqueue_dma source(%arg9 : memref<64x128xf32, #tpu.memory_space<vmem>>) target(%dma_start3A_65 : memref<64x128xf32, #tpu.memory_space<vmem_shared>>) target_semaphore(%arg10 : memref<!tpu.dma_semaphore, #tpu.memory_space<semaphore_mem>>)
    %mul3A_66 = arith.constant 640 : i32
    %mul3A_67 = arith.muli %arg1, %mul3A_66 : i32
    %add3A_68 = arith.constant 512 : i32
    %add3A_69 = arith.addi %mul3A_67, %add3A_68 : i32
    %dma_start3A_70 = arith.constant 0 : i32
    %dma_start3A_71 = tpu.memref_slice %arg11[%add3A_69, %dma_start3A_70] : memref<10240x128xf32, #tpu.memory_space<vmem_shared>> -> memref<64x128xf32, #tpu.memory_space<vmem_shared>>
    %dma_start3A_72 = arith.constant 0 : i32
    %dma_start3A_73 = tpu.memref_slice %arg11[%add3A_69, %dma_start3A_72] : memref<10240x128xf32, #tpu.memory_space<vmem_shared>> -> memref<64x128xf32, #tpu.memory_space<vmem_shared>>
    tpu.enqueue_dma source(%arg9 : memref<64x128xf32, #tpu.memory_space<vmem>>) target(%dma_start3A_73 : memref<64x128xf32, #tpu.memory_space<vmem_shared>>) target_semaphore(%arg10 : memref<!tpu.dma_semaphore, #tpu.memory_space<semaphore_mem>>)
    %mul3A_74 = arith.constant 640 : i32
    %mul3A_75 = arith.muli %arg1, %mul3A_74 : i32
    %add3A_76 = arith.constant 576 : i32
    %add3A_77 = arith.addi %mul3A_75, %add3A_76 : i32
    %dma_start3A_78 = arith.constant 0 : i32
    %dma_start3A_79 = tpu.memref_slice %arg11[%add3A_77, %dma_start3A_78] : memref<10240x128xf32, #tpu.memory_space<vmem_shared>> -> memref<64x128xf32, #tpu.memory_space<vmem_shared>>
    %dma_start3A_80 = arith.constant 0 : i32
    %dma_start3A_81 = tpu.memref_slice %arg11[%add3A_77, %dma_start3A_80] : memref<10240x128xf32, #tpu.memory_space<vmem_shared>> -> memref<64x128xf32, #tpu.memory_space<vmem_shared>>
    tpu.enqueue_dma source(%arg9 : memref<64x128xf32, #tpu.memory_space<vmem>>) target(%dma_start3A_81 : memref<64x128xf32, #tpu.memory_space<vmem_shared>>) target_semaphore(%arg10 : memref<!tpu.dma_semaphore, #tpu.memory_space<semaphore_mem>>)
    %dma_wait3A = arith.constant 0 : i32
    %dma_wait3A_82 = tpu.memref_slice %arg11[%add3A_6, %dma_wait3A] : memref<10240x128xf32, #tpu.memory_space<vmem_shared>> -> memref<64x128xf32, #tpu.memory_space<vmem_shared>>
    %dma_wait3A_83 = arith.constant 0 : i32
    %dma_wait3A_84 = tpu.memref_slice %arg11[%add3A_6, %dma_wait3A_83] : memref<10240x128xf32, #tpu.memory_space<vmem_shared>> -> memref<64x128xf32, #tpu.memory_space<vmem_shared>>
    tpu.wait_dma2 semaphore(%arg10 : memref<!tpu.dma_semaphore, #tpu.memory_space<semaphore_mem>>) src(%arg9 : memref<64x128xf32, #tpu.memory_space<vmem>>) dst(%dma_wait3A_84 : memref<64x128xf32, #tpu.memory_space<vmem_shared>>)
    %dma_wait3A_85 = arith.constant 0 : i32
    %dma_wait3A_86 = tpu.memref_slice %arg11[%add3A_13, %dma_wait3A_85] : memref<10240x128xf32, #tpu.memory_space<vmem_shared>> -> memref<64x128xf32, #tpu.memory_space<vmem_shared>>
    %dma_wait3A_87 = arith.constant 0 : i32
    %dma_wait3A_88 = tpu.memref_slice %arg11[%add3A_13, %dma_wait3A_87] : memref<10240x128xf32, #tpu.memory_space<vmem_shared>> -> memref<64x128xf32, #tpu.memory_space<vmem_shared>>
    tpu.wait_dma2 semaphore(%arg10 : memref<!tpu.dma_semaphore, #tpu.memory_space<semaphore_mem>>) src(%arg9 : memref<64x128xf32, #tpu.memory_space<vmem>>) dst(%dma_wait3A_88 : memref<64x128xf32, #tpu.memory_space<vmem_shared>>)
    %dma_wait3A_89 = arith.constant 0 : i32
    %dma_wait3A_90 = tpu.memref_slice %arg11[%add3A_21, %dma_wait3A_89] : memref<10240x128xf32, #tpu.memory_space<vmem_shared>> -> memref<64x128xf32, #tpu.memory_space<vmem_shared>>
    %dma_wait3A_91 = arith.constant 0 : i32
    %dma_wait3A_92 = tpu.memref_slice %arg11[%add3A_21, %dma_wait3A_91] : memref<10240x128xf32, #tpu.memory_space<vmem_shared>> -> memref<64x128xf32, #tpu.memory_space<vmem_shared>>
    tpu.wait_dma2 semaphore(%arg10 : memref<!tpu.dma_semaphore, #tpu.memory_space<semaphore_mem>>) src(%arg9 : memref<64x128xf32, #tpu.memory_space<vmem>>) dst(%dma_wait3A_92 : memref<64x128xf32, #tpu.memory_space<vmem_shared>>)
    %dma_wait3A_93 = arith.constant 0 : i32
    %dma_wait3A_94 = tpu.memref_slice %arg11[%add3A_29, %dma_wait3A_93] : memref<10240x128xf32, #tpu.memory_space<vmem_shared>> -> memref<64x128xf32, #tpu.memory_space<vmem_shared>>
    %dma_wait3A_95 = arith.constant 0 : i32
    %dma_wait3A_96 = tpu.memref_slice %arg11[%add3A_29, %dma_wait3A_95] : memref<10240x128xf32, #tpu.memory_space<vmem_shared>> -> memref<64x128xf32, #tpu.memory_space<vmem_shared>>
    tpu.wait_dma2 semaphore(%arg10 : memref<!tpu.dma_semaphore, #tpu.memory_space<semaphore_mem>>) src(%arg9 : memref<64x128xf32, #tpu.memory_space<vmem>>) dst(%dma_wait3A_96 : memref<64x128xf32, #tpu.memory_space<vmem_shared>>)
    %dma_wait3A_97 = arith.constant 0 : i32
    %dma_wait3A_98 = tpu.memref_slice %arg11[%add3A_37, %dma_wait3A_97] : memref<10240x128xf32, #tpu.memory_space<vmem_shared>> -> memref<64x128xf32, #tpu.memory_space<vmem_shared>>
    %dma_wait3A_99 = arith.constant 0 : i32
    %dma_wait3A_100 = tpu.memref_slice %arg11[%add3A_37, %dma_wait3A_99] : memref<10240x128xf32, #tpu.memory_space<vmem_shared>> -> memref<64x128xf32, #tpu.memory_space<vmem_shared>>
    tpu.wait_dma2 semaphore(%arg10 : memref<!tpu.dma_semaphore, #tpu.memory_space<semaphore_mem>>) src(%arg9 : memref<64x128xf32, #tpu.memory_space<vmem>>) dst(%dma_wait3A_100 : memref<64x128xf32, #tpu.memory_space<vmem_shared>>)
    %dma_wait3A_101 = arith.constant 0 : i32
    %dma_wait3A_102 = tpu.memref_slice %arg11[%add3A_45, %dma_wait3A_101] : memref<10240x128xf32, #tpu.memory_space<vmem_shared>> -> memref<64x128xf32, #tpu.memory_space<vmem_shared>>
    %dma_wait3A_103 = arith.constant 0 : i32
    %dma_wait3A_104 = tpu.memref_slice %arg11[%add3A_45, %dma_wait3A_103] : memref<10240x128xf32, #tpu.memory_space<vmem_shared>> -> memref<64x128xf32, #tpu.memory_space<vmem_shared>>
    tpu.wait_dma2 semaphore(%arg10 : memref<!tpu.dma_semaphore, #tpu.memory_space<semaphore_mem>>) src(%arg9 : memref<64x128xf32, #tpu.memory_space<vmem>>) dst(%dma_wait3A_104 : memref<64x128xf32, #tpu.memory_space<vmem_shared>>)
    %dma_wait3A_105 = arith.constant 0 : i32
    %dma_wait3A_106 = tpu.memref_slice %arg11[%add3A_53, %dma_wait3A_105] : memref<10240x128xf32, #tpu.memory_space<vmem_shared>> -> memref<64x128xf32, #tpu.memory_space<vmem_shared>>
    %dma_wait3A_107 = arith.constant 0 : i32
    %dma_wait3A_108 = tpu.memref_slice %arg11[%add3A_53, %dma_wait3A_107] : memref<10240x128xf32, #tpu.memory_space<vmem_shared>> -> memref<64x128xf32, #tpu.memory_space<vmem_shared>>
    tpu.wait_dma2 semaphore(%arg10 : memref<!tpu.dma_semaphore, #tpu.memory_space<semaphore_mem>>) src(%arg9 : memref<64x128xf32, #tpu.memory_space<vmem>>) dst(%dma_wait3A_108 : memref<64x128xf32, #tpu.memory_space<vmem_shared>>)
    %dma_wait3A_109 = arith.constant 0 : i32
    %dma_wait3A_110 = tpu.memref_slice %arg11[%add3A_61, %dma_wait3A_109] : memref<10240x128xf32, #tpu.memory_space<vmem_shared>> -> memref<64x128xf32, #tpu.memory_space<vmem_shared>>
    %dma_wait3A_111 = arith.constant 0 : i32
    %dma_wait3A_112 = tpu.memref_slice %arg11[%add3A_61, %dma_wait3A_111] : memref<10240x128xf32, #tpu.memory_space<vmem_shared>> -> memref<64x128xf32, #tpu.memory_space<vmem_shared>>
    tpu.wait_dma2 semaphore(%arg10 : memref<!tpu.dma_semaphore, #tpu.memory_space<semaphore_mem>>) src(%arg9 : memref<64x128xf32, #tpu.memory_space<vmem>>) dst(%dma_wait3A_112 : memref<64x128xf32, #tpu.memory_space<vmem_shared>>)
    %dma_wait3A_113 = arith.constant 0 : i32
    %dma_wait3A_114 = tpu.memref_slice %arg11[%add3A_69, %dma_wait3A_113] : memref<10240x128xf32, #tpu.memory_space<vmem_shared>> -> memref<64x128xf32, #tpu.memory_space<vmem_shared>>
    %dma_wait3A_115 = arith.constant 0 : i32
    %dma_wait3A_116 = tpu.memref_slice %arg11[%add3A_69, %dma_wait3A_115] : memref<10240x128xf32, #tpu.memory_space<vmem_shared>> -> memref<64x128xf32, #tpu.memory_space<vmem_shared>>
    tpu.wait_dma2 semaphore(%arg10 : memref<!tpu.dma_semaphore, #tpu.memory_space<semaphore_mem>>) src(%arg9 : memref<64x128xf32, #tpu.memory_space<vmem>>) dst(%dma_wait3A_116 : memref<64x128xf32, #tpu.memory_space<vmem_shared>>)
    %dma_wait3A_117 = arith.constant 0 : i32
    %dma_wait3A_118 = tpu.memref_slice %arg11[%add3A_77, %dma_wait3A_117] : memref<10240x128xf32, #tpu.memory_space<vmem_shared>> -> memref<64x128xf32, #tpu.memory_space<vmem_shared>>
    %dma_wait3A_119 = arith.constant 0 : i32
    %dma_wait3A_120 = tpu.memref_slice %arg11[%add3A_77, %dma_wait3A_119] : memref<10240x128xf32, #tpu.memory_space<vmem_shared>> -> memref<64x128xf32, #tpu.memory_space<vmem_shared>>
    tpu.wait_dma2 semaphore(%arg10 : memref<!tpu.dma_semaphore, #tpu.memory_space<semaphore_mem>>) src(%arg9 : memref<64x128xf32, #tpu.memory_space<vmem>>) dst(%dma_wait3A_120 : memref<64x128xf32, #tpu.memory_space<vmem_shared>>)
    %barrier3A = arith.constant 0 : index
    tpu.barrier barrier_id(%barrier3A)
    %scan3A = arith.constant 0 : i32
    %scan3A_121 = arith.constant 0 : i32
    %scan3A_122 = arith.constant 79 : i32
    %scan3A_123 = arith.addi %scan3A_121, %scan3A_122 : i32
    %scan3A_124 = arith.constant 1 : i32
    scf.for %scan3A_132 = %scan3A_121 to %scan3A_123 step %scan3A_124  : i32 {
      "tpu.region"() ({
        %run_scoped3A_133 = tpu.sem_alloc : memref<!tpu.dma_semaphore, #tpu.memory_space<semaphore_mem>>
        %dma_start3A_134 = arith.constant 0 : i32
        %dma_start3A_135 = tpu.memref_slice %arg6[%scan3A_132, %dma_start3A_134] : memref<79x128xi32, #tpu.memory_space<vmem>> -> memref<1x128xi32, #tpu.memory_space<vmem>>
        %dma_start3A_136 = tpu.memref_squeeze %dma_start3A_135 : memref<1x128xi32, #tpu.memory_space<vmem>> -> memref<128xi32, #tpu.memory_space<vmem>>
        %dma_start3A_137 = arith.constant 0 : i32
        %dma_start3A_138 = arith.constant 0 : i32
        %dma_start3A_139 = tpu.memref_slice %arg2[%add3A_2, %dma_start3A_137, %dma_start3A_138] : memref<2x10240x128xf32, #tpu.memory_space<hbm>> -> memref<1x10240x128xf32, #tpu.memory_space<hbm>>
        %dma_start3A_140 = tpu.memref_squeeze %dma_start3A_139 : memref<1x10240x128xf32, #tpu.memory_space<hbm>> -> memref<10240x128xf32, #tpu.memory_space<hbm>>
        %dma_start3A_141 = arith.constant 0 : i32
        %dma_start3A_142 = arith.constant 0 : i32
        %dma_start3A_143 = tpu.memref_slice %dma_start3A_140[%dma_start3A_141, %dma_start3A_142] : memref<10240x128xf32, #tpu.memory_space<hbm>> -> memref<10240x128xf32, #tpu.memory_space<hbm>>
        tpu.enqueue_indirect_dma source(%dma_start3A_143 : memref<10240x128xf32, #tpu.memory_space<hbm>>) target(%arg8 : memref<128x128xf32, #tpu.memory_space<vmem>>) offsets(%dma_start3A_136 : memref<128xi32, #tpu.memory_space<vmem>>) semaphore(%run_scoped3A_133 : memref<!tpu.dma_semaphore, #tpu.memory_space<semaphore_mem>>)
        %dma_wait3A_144 = arith.constant 0 : i32
        %dma_wait3A_145 = tpu.memref_slice %arg6[%scan3A_132, %dma_wait3A_144] : memref<79x128xi32, #tpu.memory_space<vmem>> -> memref<1x128xi32, #tpu.memory_space<vmem>>
        %dma_wait3A_146 = tpu.memref_squeeze %dma_wait3A_145 : memref<1x128xi32, #tpu.memory_space<vmem>> -> memref<128xi32, #tpu.memory_space<vmem>>
        %dma_wait3A_147 = arith.constant 0 : i32
        %dma_wait3A_148 = arith.constant 0 : i32
        %dma_wait3A_149 = tpu.memref_slice %arg2[%add3A_2, %dma_wait3A_147, %dma_wait3A_148] : memref<2x10240x128xf32, #tpu.memory_space<hbm>> -> memref<1x10240x128xf32, #tpu.memory_space<hbm>>
        %dma_wait3A_150 = tpu.memref_squeeze %dma_wait3A_149 : memref<1x10240x128xf32, #tpu.memory_space<hbm>> -> memref<10240x128xf32, #tpu.memory_space<hbm>>
        %dma_wait3A_151 = arith.constant 0 : i32
        %dma_wait3A_152 = arith.constant 0 : i32
        %dma_wait3A_153 = tpu.memref_slice %dma_wait3A_150[%dma_wait3A_151, %dma_wait3A_152] : memref<10240x128xf32, #tpu.memory_space<hbm>> -> memref<10240x128xf32, #tpu.memory_space<hbm>>
        tpu.wait_indirect_dma semaphore(%run_scoped3A_133 : memref<!tpu.dma_semaphore, #tpu.memory_space<semaphore_mem>>) src(%dma_wait3A_153 : memref<10240x128xf32, #tpu.memory_space<hbm>>) dst(%arg8 : memref<128x128xf32, #tpu.memory_space<vmem>>)
        tpu.yield
      }) : () -> ()
      "tpu.region"() ({
        %run_scoped3A_133 = tpu.sem_alloc : memref<!tpu.dma_semaphore, #tpu.memory_space<semaphore_mem>>
        %dma_start3A_134 = arith.constant 0 : i32
        %dma_start3A_135 = tpu.memref_slice %arg7[%scan3A_132, %dma_start3A_134] : memref<79x128xi32, #tpu.memory_space<vmem>> -> memref<1x128xi32, #tpu.memory_space<vmem>>
        %dma_start3A_136 = tpu.memref_squeeze %dma_start3A_135 : memref<1x128xi32, #tpu.memory_space<vmem>> -> memref<128xi32, #tpu.memory_space<vmem>>
        %dma_start3A_137 = arith.constant 0 : i32
        %dma_start3A_138 = arith.constant 0 : i32
        %dma_start3A_139 = tpu.memref_slice %arg11[%dma_start3A_137, %dma_start3A_138] : memref<10240x128xf32, #tpu.memory_space<vmem_shared>> -> memref<10240x128xf32, #tpu.memory_space<vmem_shared>>
        tpu.enqueue_indirect_dma source(%arg8 : memref<128x128xf32, #tpu.memory_space<vmem>>) target(%dma_start3A_139 : memref<10240x128xf32, #tpu.memory_space<vmem_shared>>) offsets(%dma_start3A_136 : memref<128xi32, #tpu.memory_space<vmem>>) semaphore(%run_scoped3A_133 : memref<!tpu.dma_semaphore, #tpu.memory_space<semaphore_mem>>) {add = true}
        %dma_wait3A_140 = arith.constant 0 : i32
        %dma_wait3A_141 = tpu.memref_slice %arg7[%scan3A_132, %dma_wait3A_140] : memref<79x128xi32, #tpu.memory_space<vmem>> -> memref<1x128xi32, #tpu.memory_space<vmem>>
        %dma_wait3A_142 = tpu.memref_squeeze %dma_wait3A_141 : memref<1x128xi32, #tpu.memory_space<vmem>> -> memref<128xi32, #tpu.memory_space<vmem>>
        %dma_wait3A_143 = arith.constant 0 : i32
        %dma_wait3A_144 = arith.constant 0 : i32
        %dma_wait3A_145 = tpu.memref_slice %arg11[%dma_wait3A_143, %dma_wait3A_144] : memref<10240x128xf32, #tpu.memory_space<vmem_shared>> -> memref<10240x128xf32, #tpu.memory_space<vmem_shared>>
        tpu.wait_indirect_dma semaphore(%run_scoped3A_133 : memref<!tpu.dma_semaphore, #tpu.memory_space<semaphore_mem>>) src(%arg8 : memref<128x128xf32, #tpu.memory_space<vmem>>) dst(%dma_wait3A_145 : memref<10240x128xf32, #tpu.memory_space<vmem_shared>>)
        tpu.yield
      }) : () -> ()
    }
    %scan3A_125 = arith.constant 79 : i32
    %barrier3A_126 = arith.constant 0 : index
    tpu.barrier barrier_id(%barrier3A_126)
    %mul3A_127 = arith.constant 640 : i32
    %mul3A_128 = arith.muli %arg1, %mul3A_127 : i32
    %mul3A_129 = arith.constant 640 : i32
    %mul3A_130 = arith.muli %arg1, %mul3A_129 : i32
    "tpu.region"() ({
      %run_scoped3A_132 = tpu.sem_alloc : memref<!tpu.dma_semaphore, #tpu.memory_space<semaphore_mem>>
      %dma_start3A_133 = arith.constant 0 : i32
      %dma_start3A_134 = arith.constant 0 : i32
      %dma_start3A_135 = tpu.memref_slice %arg5[%add3A_2, %dma_start3A_133, %dma_start3A_134] : memref<2x10240x128xf32, #tpu.memory_space<hbm>> -> memref<1x10240x128xf32, #tpu.memory_space<hbm>>
      %dma_start3A_136 = tpu.memref_squeeze %dma_start3A_135 : memref<1x10240x128xf32, #tpu.memory_space<hbm>> -> memref<10240x128xf32, #tpu.memory_space<hbm>>
      %dma_start3A_137 = arith.constant 0 : i32
      %dma_start3A_138 = tpu.memref_slice %dma_start3A_136[%mul3A_130, %dma_start3A_137] : memref<10240x128xf32, #tpu.memory_space<hbm>> -> memref<640x128xf32, #tpu.memory_space<hbm>>
      %dma_start3A_139 = arith.constant 0 : i32
      %dma_start3A_140 = tpu.memref_slice %arg11[%mul3A_128, %dma_start3A_139] : memref<10240x128xf32, #tpu.memory_space<vmem_shared>> -> memref<640x128xf32, #tpu.memory_space<vmem_shared>>
      tpu.enqueue_dma source(%dma_start3A_140 : memref<640x128xf32, #tpu.memory_space<vmem_shared>>) target(%dma_start3A_138 : memref<640x128xf32, #tpu.memory_space<hbm>>) target_semaphore(%run_scoped3A_132 : memref<!tpu.dma_semaphore, #tpu.memory_space<semaphore_mem>>)
      %dma_wait3A_141 = arith.constant 0 : i32
      %dma_wait3A_142 = arith.constant 0 : i32
      %dma_wait3A_143 = tpu.memref_slice %arg5[%add3A_2, %dma_wait3A_141, %dma_wait3A_142] : memref<2x10240x128xf32, #tpu.memory_space<hbm>> -> memref<1x10240x128xf32, #tpu.memory_space<hbm>>
      %dma_wait3A_144 = tpu.memref_squeeze %dma_wait3A_143 : memref<1x10240x128xf32, #tpu.memory_space<hbm>> -> memref<10240x128xf32, #tpu.memory_space<hbm>>
      %dma_wait3A_145 = arith.constant 0 : i32
      %dma_wait3A_146 = tpu.memref_slice %dma_wait3A_144[%mul3A_130, %dma_wait3A_145] : memref<10240x128xf32, #tpu.memory_space<hbm>> -> memref<640x128xf32, #tpu.memory_space<hbm>>
      %dma_wait3A_147 = arith.constant 0 : i32
      %dma_wait3A_148 = tpu.memref_slice %arg11[%mul3A_128, %dma_wait3A_147] : memref<10240x128xf32, #tpu.memory_space<vmem_shared>> -> memref<640x128xf32, #tpu.memory_space<vmem_shared>>
      tpu.wait_dma2 semaphore(%run_scoped3A_132 : memref<!tpu.dma_semaphore, #tpu.memory_space<semaphore_mem>>) src(%dma_wait3A_148 : memref<640x128xf32, #tpu.memory_space<vmem_shared>>) dst(%dma_wait3A_146 : memref<640x128xf32, #tpu.memory_space<hbm>>)
      tpu.yield
    }) : () -> ()
    %barrier3A_131 = arith.constant 0 : index
    tpu.barrier barrier_id(%barrier3A_131)
    return
  }
}

#map = affine_map<(d0, d1) -> (0, 0, 0)>
#map1 = affine_map<(d0, d1) -> (0, 0, 0, 0)>
#map2 = affine_map<(d0, d1) -> (0, 0)>
module attributes {stable_mosaic.version = 14 : i64} {
  func.func @prop(%arg0: i32, %arg1: i32, %arg2: memref<4x10240x128xf32, #tpu.memory_space<hbm>>, %arg3: memref<2x16x79x128xi32, #tpu.memory_space<hbm>>, %arg4: memref<64x128xf32, #tpu.memory_space<hbm>>, %arg5: memref<4x10240x128xf32, #tpu.memory_space<hbm>>, %arg6: memref<79x128xi32, #tpu.memory_space<vmem>>, %arg7: memref<79x128xi32, #tpu.memory_space<vmem>>, %arg8: memref<128x128xf32, #tpu.memory_space<vmem>>, %arg9: memref<64x128xf32, #tpu.memory_space<vmem>>, %arg10: memref<!tpu.dma_semaphore, #tpu.memory_space<semaphore_mem>>, %arg11: memref<10240x128xf32, #tpu.memory_space<vmem_shared>>) attributes {dimension_semantics = [#tpu.dimension_semantics<core_parallel>, #tpu.dimension_semantics<subcore_parallel>], iteration_bounds = array<i64: 2, 16>, scalar_prefetch = 0 : i64, scratch_operands = 6 : i64, tpu.core_type = #tpu.core_type<sc_vector_subcore>, window_params = [{transform_indices = #map}, {transform_indices = #map1}, {transform_indices = #map2}, {transform_indices = #map}]} {
    %run_scoped3A = arith.constant 0 : i32
    "tpu.region"() ({
      %run_scoped3A_269 = tpu.sem_alloc : memref<!tpu.dma_semaphore, #tpu.memory_space<semaphore_mem>>
      %dma_start3A_270 = arith.constant 0 : i32
      %dma_start3A_271 = arith.constant 0 : i32
      %dma_start3A_272 = arith.constant 0 : i32
      %dma_start3A_273 = tpu.memref_slice %arg3[%run_scoped3A, %dma_start3A_270, %dma_start3A_271, %dma_start3A_272] : memref<2x16x79x128xi32, #tpu.memory_space<hbm>> -> memref<1x16x79x128xi32, #tpu.memory_space<hbm>>
      %dma_start3A_274 = tpu.memref_squeeze %dma_start3A_273 : memref<1x16x79x128xi32, #tpu.memory_space<hbm>> -> memref<16x79x128xi32, #tpu.memory_space<hbm>>
      %dma_start3A_275 = arith.constant 0 : i32
      %dma_start3A_276 = arith.constant 0 : i32
      %dma_start3A_277 = tpu.memref_slice %dma_start3A_274[%arg1, %dma_start3A_275, %dma_start3A_276] : memref<16x79x128xi32, #tpu.memory_space<hbm>> -> memref<1x79x128xi32, #tpu.memory_space<hbm>>
      %dma_start3A_278 = tpu.memref_squeeze %dma_start3A_277 : memref<1x79x128xi32, #tpu.memory_space<hbm>> -> memref<79x128xi32, #tpu.memory_space<hbm>>
      %dma_start3A_279 = arith.constant 0 : i32
      %dma_start3A_280 = arith.constant 0 : i32
      %dma_start3A_281 = arith.constant 0 : i32
      %dma_start3A_282 = tpu.memref_slice %arg3[%run_scoped3A, %dma_start3A_279, %dma_start3A_280, %dma_start3A_281] : memref<2x16x79x128xi32, #tpu.memory_space<hbm>> -> memref<1x16x79x128xi32, #tpu.memory_space<hbm>>
      %dma_start3A_283 = tpu.memref_squeeze %dma_start3A_282 : memref<1x16x79x128xi32, #tpu.memory_space<hbm>> -> memref<16x79x128xi32, #tpu.memory_space<hbm>>
      %dma_start3A_284 = arith.constant 0 : i32
      %dma_start3A_285 = arith.constant 0 : i32
      %dma_start3A_286 = tpu.memref_slice %dma_start3A_283[%arg1, %dma_start3A_284, %dma_start3A_285] : memref<16x79x128xi32, #tpu.memory_space<hbm>> -> memref<1x79x128xi32, #tpu.memory_space<hbm>>
      %dma_start3A_287 = tpu.memref_squeeze %dma_start3A_286 : memref<1x79x128xi32, #tpu.memory_space<hbm>> -> memref<79x128xi32, #tpu.memory_space<hbm>>
      tpu.enqueue_dma source(%dma_start3A_287 : memref<79x128xi32, #tpu.memory_space<hbm>>) target(%arg6 : memref<79x128xi32, #tpu.memory_space<vmem>>) target_semaphore(%run_scoped3A_269 : memref<!tpu.dma_semaphore, #tpu.memory_space<semaphore_mem>>)
      %dma_wait3A_288 = arith.constant 0 : i32
      %dma_wait3A_289 = arith.constant 0 : i32
      %dma_wait3A_290 = arith.constant 0 : i32
      %dma_wait3A_291 = tpu.memref_slice %arg3[%run_scoped3A, %dma_wait3A_288, %dma_wait3A_289, %dma_wait3A_290] : memref<2x16x79x128xi32, #tpu.memory_space<hbm>> -> memref<1x16x79x128xi32, #tpu.memory_space<hbm>>
      %dma_wait3A_292 = tpu.memref_squeeze %dma_wait3A_291 : memref<1x16x79x128xi32, #tpu.memory_space<hbm>> -> memref<16x79x128xi32, #tpu.memory_space<hbm>>
      %dma_wait3A_293 = arith.constant 0 : i32
      %dma_wait3A_294 = arith.constant 0 : i32
      %dma_wait3A_295 = tpu.memref_slice %dma_wait3A_292[%arg1, %dma_wait3A_293, %dma_wait3A_294] : memref<16x79x128xi32, #tpu.memory_space<hbm>> -> memref<1x79x128xi32, #tpu.memory_space<hbm>>
      %dma_wait3A_296 = tpu.memref_squeeze %dma_wait3A_295 : memref<1x79x128xi32, #tpu.memory_space<hbm>> -> memref<79x128xi32, #tpu.memory_space<hbm>>
      %dma_wait3A_297 = arith.constant 0 : i32
      %dma_wait3A_298 = arith.constant 0 : i32
      %dma_wait3A_299 = arith.constant 0 : i32
      %dma_wait3A_300 = tpu.memref_slice %arg3[%run_scoped3A, %dma_wait3A_297, %dma_wait3A_298, %dma_wait3A_299] : memref<2x16x79x128xi32, #tpu.memory_space<hbm>> -> memref<1x16x79x128xi32, #tpu.memory_space<hbm>>
      %dma_wait3A_301 = tpu.memref_squeeze %dma_wait3A_300 : memref<1x16x79x128xi32, #tpu.memory_space<hbm>> -> memref<16x79x128xi32, #tpu.memory_space<hbm>>
      %dma_wait3A_302 = arith.constant 0 : i32
      %dma_wait3A_303 = arith.constant 0 : i32
      %dma_wait3A_304 = tpu.memref_slice %dma_wait3A_301[%arg1, %dma_wait3A_302, %dma_wait3A_303] : memref<16x79x128xi32, #tpu.memory_space<hbm>> -> memref<1x79x128xi32, #tpu.memory_space<hbm>>
      %dma_wait3A_305 = tpu.memref_squeeze %dma_wait3A_304 : memref<1x79x128xi32, #tpu.memory_space<hbm>> -> memref<79x128xi32, #tpu.memory_space<hbm>>
      tpu.wait_dma2 semaphore(%run_scoped3A_269 : memref<!tpu.dma_semaphore, #tpu.memory_space<semaphore_mem>>) src(%dma_wait3A_305 : memref<79x128xi32, #tpu.memory_space<hbm>>) dst(%arg6 : memref<79x128xi32, #tpu.memory_space<vmem>>)
      tpu.yield
    }) : () -> ()
    %run_scoped3A_0 = arith.constant 1 : i32
    "tpu.region"() ({
      %run_scoped3A_269 = tpu.sem_alloc : memref<!tpu.dma_semaphore, #tpu.memory_space<semaphore_mem>>
      %dma_start3A_270 = arith.constant 0 : i32
      %dma_start3A_271 = arith.constant 0 : i32
      %dma_start3A_272 = arith.constant 0 : i32
      %dma_start3A_273 = tpu.memref_slice %arg3[%run_scoped3A_0, %dma_start3A_270, %dma_start3A_271, %dma_start3A_272] : memref<2x16x79x128xi32, #tpu.memory_space<hbm>> -> memref<1x16x79x128xi32, #tpu.memory_space<hbm>>
      %dma_start3A_274 = tpu.memref_squeeze %dma_start3A_273 : memref<1x16x79x128xi32, #tpu.memory_space<hbm>> -> memref<16x79x128xi32, #tpu.memory_space<hbm>>
      %dma_start3A_275 = arith.constant 0 : i32
      %dma_start3A_276 = arith.constant 0 : i32
      %dma_start3A_277 = tpu.memref_slice %dma_start3A_274[%arg1, %dma_start3A_275, %dma_start3A_276] : memref<16x79x128xi32, #tpu.memory_space<hbm>> -> memref<1x79x128xi32, #tpu.memory_space<hbm>>
      %dma_start3A_278 = tpu.memref_squeeze %dma_start3A_277 : memref<1x79x128xi32, #tpu.memory_space<hbm>> -> memref<79x128xi32, #tpu.memory_space<hbm>>
      %dma_start3A_279 = arith.constant 0 : i32
      %dma_start3A_280 = arith.constant 0 : i32
      %dma_start3A_281 = arith.constant 0 : i32
      %dma_start3A_282 = tpu.memref_slice %arg3[%run_scoped3A_0, %dma_start3A_279, %dma_start3A_280, %dma_start3A_281] : memref<2x16x79x128xi32, #tpu.memory_space<hbm>> -> memref<1x16x79x128xi32, #tpu.memory_space<hbm>>
      %dma_start3A_283 = tpu.memref_squeeze %dma_start3A_282 : memref<1x16x79x128xi32, #tpu.memory_space<hbm>> -> memref<16x79x128xi32, #tpu.memory_space<hbm>>
      %dma_start3A_284 = arith.constant 0 : i32
      %dma_start3A_285 = arith.constant 0 : i32
      %dma_start3A_286 = tpu.memref_slice %dma_start3A_283[%arg1, %dma_start3A_284, %dma_start3A_285] : memref<16x79x128xi32, #tpu.memory_space<hbm>> -> memref<1x79x128xi32, #tpu.memory_space<hbm>>
      %dma_start3A_287 = tpu.memref_squeeze %dma_start3A_286 : memref<1x79x128xi32, #tpu.memory_space<hbm>> -> memref<79x128xi32, #tpu.memory_space<hbm>>
      tpu.enqueue_dma source(%dma_start3A_287 : memref<79x128xi32, #tpu.memory_space<hbm>>) target(%arg7 : memref<79x128xi32, #tpu.memory_space<vmem>>) target_semaphore(%run_scoped3A_269 : memref<!tpu.dma_semaphore, #tpu.memory_space<semaphore_mem>>)
      %dma_wait3A_288 = arith.constant 0 : i32
      %dma_wait3A_289 = arith.constant 0 : i32
      %dma_wait3A_290 = arith.constant 0 : i32
      %dma_wait3A_291 = tpu.memref_slice %arg3[%run_scoped3A_0, %dma_wait3A_288, %dma_wait3A_289, %dma_wait3A_290] : memref<2x16x79x128xi32, #tpu.memory_space<hbm>> -> memref<1x16x79x128xi32, #tpu.memory_space<hbm>>
      %dma_wait3A_292 = tpu.memref_squeeze %dma_wait3A_291 : memref<1x16x79x128xi32, #tpu.memory_space<hbm>> -> memref<16x79x128xi32, #tpu.memory_space<hbm>>
      %dma_wait3A_293 = arith.constant 0 : i32
      %dma_wait3A_294 = arith.constant 0 : i32
      %dma_wait3A_295 = tpu.memref_slice %dma_wait3A_292[%arg1, %dma_wait3A_293, %dma_wait3A_294] : memref<16x79x128xi32, #tpu.memory_space<hbm>> -> memref<1x79x128xi32, #tpu.memory_space<hbm>>
      %dma_wait3A_296 = tpu.memref_squeeze %dma_wait3A_295 : memref<1x79x128xi32, #tpu.memory_space<hbm>> -> memref<79x128xi32, #tpu.memory_space<hbm>>
      %dma_wait3A_297 = arith.constant 0 : i32
      %dma_wait3A_298 = arith.constant 0 : i32
      %dma_wait3A_299 = arith.constant 0 : i32
      %dma_wait3A_300 = tpu.memref_slice %arg3[%run_scoped3A_0, %dma_wait3A_297, %dma_wait3A_298, %dma_wait3A_299] : memref<2x16x79x128xi32, #tpu.memory_space<hbm>> -> memref<1x16x79x128xi32, #tpu.memory_space<hbm>>
      %dma_wait3A_301 = tpu.memref_squeeze %dma_wait3A_300 : memref<1x16x79x128xi32, #tpu.memory_space<hbm>> -> memref<16x79x128xi32, #tpu.memory_space<hbm>>
      %dma_wait3A_302 = arith.constant 0 : i32
      %dma_wait3A_303 = arith.constant 0 : i32
      %dma_wait3A_304 = tpu.memref_slice %dma_wait3A_301[%arg1, %dma_wait3A_302, %dma_wait3A_303] : memref<16x79x128xi32, #tpu.memory_space<hbm>> -> memref<1x79x128xi32, #tpu.memory_space<hbm>>
      %dma_wait3A_305 = tpu.memref_squeeze %dma_wait3A_304 : memref<1x79x128xi32, #tpu.memory_space<hbm>> -> memref<79x128xi32, #tpu.memory_space<hbm>>
      tpu.wait_dma2 semaphore(%run_scoped3A_269 : memref<!tpu.dma_semaphore, #tpu.memory_space<semaphore_mem>>) src(%dma_wait3A_305 : memref<79x128xi32, #tpu.memory_space<hbm>>) dst(%arg7 : memref<79x128xi32, #tpu.memory_space<vmem>>)
      tpu.yield
    }) : () -> ()
    "tpu.region"() ({
      %run_scoped3A_269 = tpu.sem_alloc : memref<!tpu.dma_semaphore, #tpu.memory_space<semaphore_mem>>
      tpu.enqueue_dma source(%arg4 : memref<64x128xf32, #tpu.memory_space<hbm>>) target(%arg9 : memref<64x128xf32, #tpu.memory_space<vmem>>) target_semaphore(%run_scoped3A_269 : memref<!tpu.dma_semaphore, #tpu.memory_space<semaphore_mem>>)
      tpu.wait_dma2 semaphore(%run_scoped3A_269 : memref<!tpu.dma_semaphore, #tpu.memory_space<semaphore_mem>>) src(%arg4 : memref<64x128xf32, #tpu.memory_space<hbm>>) dst(%arg9 : memref<64x128xf32, #tpu.memory_space<vmem>>)
      tpu.yield
    }) : () -> ()
    %mul3A = arith.constant 2 : i32
    %mul3A_1 = arith.muli %arg0, %mul3A : i32
    %add3A = arith.constant 0 : i32
    %add3A_2 = arith.addi %mul3A_1, %add3A : i32
    %mul3A_3 = arith.constant 640 : i32
    %mul3A_4 = arith.muli %arg1, %mul3A_3 : i32
    %add3A_5 = arith.constant 0 : i32
    %add3A_6 = arith.addi %mul3A_4, %add3A_5 : i32
    %dma_start3A = arith.constant 0 : i32
    %dma_start3A_7 = tpu.memref_slice %arg11[%add3A_6, %dma_start3A] : memref<10240x128xf32, #tpu.memory_space<vmem_shared>> -> memref<64x128xf32, #tpu.memory_space<vmem_shared>>
    %dma_start3A_8 = arith.constant 0 : i32
    %dma_start3A_9 = tpu.memref_slice %arg11[%add3A_6, %dma_start3A_8] : memref<10240x128xf32, #tpu.memory_space<vmem_shared>> -> memref<64x128xf32, #tpu.memory_space<vmem_shared>>
    tpu.enqueue_dma source(%arg9 : memref<64x128xf32, #tpu.memory_space<vmem>>) target(%dma_start3A_9 : memref<64x128xf32, #tpu.memory_space<vmem_shared>>) target_semaphore(%arg10 : memref<!tpu.dma_semaphore, #tpu.memory_space<semaphore_mem>>)
    %mul3A_10 = arith.constant 640 : i32
    %mul3A_11 = arith.muli %arg1, %mul3A_10 : i32
    %add3A_12 = arith.constant 64 : i32
    %add3A_13 = arith.addi %mul3A_11, %add3A_12 : i32
    %dma_start3A_14 = arith.constant 0 : i32
    %dma_start3A_15 = tpu.memref_slice %arg11[%add3A_13, %dma_start3A_14] : memref<10240x128xf32, #tpu.memory_space<vmem_shared>> -> memref<64x128xf32, #tpu.memory_space<vmem_shared>>
    %dma_start3A_16 = arith.constant 0 : i32
    %dma_start3A_17 = tpu.memref_slice %arg11[%add3A_13, %dma_start3A_16] : memref<10240x128xf32, #tpu.memory_space<vmem_shared>> -> memref<64x128xf32, #tpu.memory_space<vmem_shared>>
    tpu.enqueue_dma source(%arg9 : memref<64x128xf32, #tpu.memory_space<vmem>>) target(%dma_start3A_17 : memref<64x128xf32, #tpu.memory_space<vmem_shared>>) target_semaphore(%arg10 : memref<!tpu.dma_semaphore, #tpu.memory_space<semaphore_mem>>)
    %mul3A_18 = arith.constant 640 : i32
    %mul3A_19 = arith.muli %arg1, %mul3A_18 : i32
    %add3A_20 = arith.constant 128 : i32
    %add3A_21 = arith.addi %mul3A_19, %add3A_20 : i32
    %dma_start3A_22 = arith.constant 0 : i32
    %dma_start3A_23 = tpu.memref_slice %arg11[%add3A_21, %dma_start3A_22] : memref<10240x128xf32, #tpu.memory_space<vmem_shared>> -> memref<64x128xf32, #tpu.memory_space<vmem_shared>>
    %dma_start3A_24 = arith.constant 0 : i32
    %dma_start3A_25 = tpu.memref_slice %arg11[%add3A_21, %dma_start3A_24] : memref<10240x128xf32, #tpu.memory_space<vmem_shared>> -> memref<64x128xf32, #tpu.memory_space<vmem_shared>>
    tpu.enqueue_dma source(%arg9 : memref<64x128xf32, #tpu.memory_space<vmem>>) target(%dma_start3A_25 : memref<64x128xf32, #tpu.memory_space<vmem_shared>>) target_semaphore(%arg10 : memref<!tpu.dma_semaphore, #tpu.memory_space<semaphore_mem>>)
    %mul3A_26 = arith.constant 640 : i32
    %mul3A_27 = arith.muli %arg1, %mul3A_26 : i32
    %add3A_28 = arith.constant 192 : i32
    %add3A_29 = arith.addi %mul3A_27, %add3A_28 : i32
    %dma_start3A_30 = arith.constant 0 : i32
    %dma_start3A_31 = tpu.memref_slice %arg11[%add3A_29, %dma_start3A_30] : memref<10240x128xf32, #tpu.memory_space<vmem_shared>> -> memref<64x128xf32, #tpu.memory_space<vmem_shared>>
    %dma_start3A_32 = arith.constant 0 : i32
    %dma_start3A_33 = tpu.memref_slice %arg11[%add3A_29, %dma_start3A_32] : memref<10240x128xf32, #tpu.memory_space<vmem_shared>> -> memref<64x128xf32, #tpu.memory_space<vmem_shared>>
    tpu.enqueue_dma source(%arg9 : memref<64x128xf32, #tpu.memory_space<vmem>>) target(%dma_start3A_33 : memref<64x128xf32, #tpu.memory_space<vmem_shared>>) target_semaphore(%arg10 : memref<!tpu.dma_semaphore, #tpu.memory_space<semaphore_mem>>)
    %mul3A_34 = arith.constant 640 : i32
    %mul3A_35 = arith.muli %arg1, %mul3A_34 : i32
    %add3A_36 = arith.constant 256 : i32
    %add3A_37 = arith.addi %mul3A_35, %add3A_36 : i32
    %dma_start3A_38 = arith.constant 0 : i32
    %dma_start3A_39 = tpu.memref_slice %arg11[%add3A_37, %dma_start3A_38] : memref<10240x128xf32, #tpu.memory_space<vmem_shared>> -> memref<64x128xf32, #tpu.memory_space<vmem_shared>>
    %dma_start3A_40 = arith.constant 0 : i32
    %dma_start3A_41 = tpu.memref_slice %arg11[%add3A_37, %dma_start3A_40] : memref<10240x128xf32, #tpu.memory_space<vmem_shared>> -> memref<64x128xf32, #tpu.memory_space<vmem_shared>>
    tpu.enqueue_dma source(%arg9 : memref<64x128xf32, #tpu.memory_space<vmem>>) target(%dma_start3A_41 : memref<64x128xf32, #tpu.memory_space<vmem_shared>>) target_semaphore(%arg10 : memref<!tpu.dma_semaphore, #tpu.memory_space<semaphore_mem>>)
    %mul3A_42 = arith.constant 640 : i32
    %mul3A_43 = arith.muli %arg1, %mul3A_42 : i32
    %add3A_44 = arith.constant 320 : i32
    %add3A_45 = arith.addi %mul3A_43, %add3A_44 : i32
    %dma_start3A_46 = arith.constant 0 : i32
    %dma_start3A_47 = tpu.memref_slice %arg11[%add3A_45, %dma_start3A_46] : memref<10240x128xf32, #tpu.memory_space<vmem_shared>> -> memref<64x128xf32, #tpu.memory_space<vmem_shared>>
    %dma_start3A_48 = arith.constant 0 : i32
    %dma_start3A_49 = tpu.memref_slice %arg11[%add3A_45, %dma_start3A_48] : memref<10240x128xf32, #tpu.memory_space<vmem_shared>> -> memref<64x128xf32, #tpu.memory_space<vmem_shared>>
    tpu.enqueue_dma source(%arg9 : memref<64x128xf32, #tpu.memory_space<vmem>>) target(%dma_start3A_49 : memref<64x128xf32, #tpu.memory_space<vmem_shared>>) target_semaphore(%arg10 : memref<!tpu.dma_semaphore, #tpu.memory_space<semaphore_mem>>)
    %mul3A_50 = arith.constant 640 : i32
    %mul3A_51 = arith.muli %arg1, %mul3A_50 : i32
    %add3A_52 = arith.constant 384 : i32
    %add3A_53 = arith.addi %mul3A_51, %add3A_52 : i32
    %dma_start3A_54 = arith.constant 0 : i32
    %dma_start3A_55 = tpu.memref_slice %arg11[%add3A_53, %dma_start3A_54] : memref<10240x128xf32, #tpu.memory_space<vmem_shared>> -> memref<64x128xf32, #tpu.memory_space<vmem_shared>>
    %dma_start3A_56 = arith.constant 0 : i32
    %dma_start3A_57 = tpu.memref_slice %arg11[%add3A_53, %dma_start3A_56] : memref<10240x128xf32, #tpu.memory_space<vmem_shared>> -> memref<64x128xf32, #tpu.memory_space<vmem_shared>>
    tpu.enqueue_dma source(%arg9 : memref<64x128xf32, #tpu.memory_space<vmem>>) target(%dma_start3A_57 : memref<64x128xf32, #tpu.memory_space<vmem_shared>>) target_semaphore(%arg10 : memref<!tpu.dma_semaphore, #tpu.memory_space<semaphore_mem>>)
    %mul3A_58 = arith.constant 640 : i32
    %mul3A_59 = arith.muli %arg1, %mul3A_58 : i32
    %add3A_60 = arith.constant 448 : i32
    %add3A_61 = arith.addi %mul3A_59, %add3A_60 : i32
    %dma_start3A_62 = arith.constant 0 : i32
    %dma_start3A_63 = tpu.memref_slice %arg11[%add3A_61, %dma_start3A_62] : memref<10240x128xf32, #tpu.memory_space<vmem_shared>> -> memref<64x128xf32, #tpu.memory_space<vmem_shared>>
    %dma_start3A_64 = arith.constant 0 : i32
    %dma_start3A_65 = tpu.memref_slice %arg11[%add3A_61, %dma_start3A_64] : memref<10240x128xf32, #tpu.memory_space<vmem_shared>> -> memref<64x128xf32, #tpu.memory_space<vmem_shared>>
    tpu.enqueue_dma source(%arg9 : memref<64x128xf32, #tpu.memory_space<vmem>>) target(%dma_start3A_65 : memref<64x128xf32, #tpu.memory_space<vmem_shared>>) target_semaphore(%arg10 : memref<!tpu.dma_semaphore, #tpu.memory_space<semaphore_mem>>)
    %mul3A_66 = arith.constant 640 : i32
    %mul3A_67 = arith.muli %arg1, %mul3A_66 : i32
    %add3A_68 = arith.constant 512 : i32
    %add3A_69 = arith.addi %mul3A_67, %add3A_68 : i32
    %dma_start3A_70 = arith.constant 0 : i32
    %dma_start3A_71 = tpu.memref_slice %arg11[%add3A_69, %dma_start3A_70] : memref<10240x128xf32, #tpu.memory_space<vmem_shared>> -> memref<64x128xf32, #tpu.memory_space<vmem_shared>>
    %dma_start3A_72 = arith.constant 0 : i32
    %dma_start3A_73 = tpu.memref_slice %arg11[%add3A_69, %dma_start3A_72] : memref<10240x128xf32, #tpu.memory_space<vmem_shared>> -> memref<64x128xf32, #tpu.memory_space<vmem_shared>>
    tpu.enqueue_dma source(%arg9 : memref<64x128xf32, #tpu.memory_space<vmem>>) target(%dma_start3A_73 : memref<64x128xf32, #tpu.memory_space<vmem_shared>>) target_semaphore(%arg10 : memref<!tpu.dma_semaphore, #tpu.memory_space<semaphore_mem>>)
    %mul3A_74 = arith.constant 640 : i32
    %mul3A_75 = arith.muli %arg1, %mul3A_74 : i32
    %add3A_76 = arith.constant 576 : i32
    %add3A_77 = arith.addi %mul3A_75, %add3A_76 : i32
    %dma_start3A_78 = arith.constant 0 : i32
    %dma_start3A_79 = tpu.memref_slice %arg11[%add3A_77, %dma_start3A_78] : memref<10240x128xf32, #tpu.memory_space<vmem_shared>> -> memref<64x128xf32, #tpu.memory_space<vmem_shared>>
    %dma_start3A_80 = arith.constant 0 : i32
    %dma_start3A_81 = tpu.memref_slice %arg11[%add3A_77, %dma_start3A_80] : memref<10240x128xf32, #tpu.memory_space<vmem_shared>> -> memref<64x128xf32, #tpu.memory_space<vmem_shared>>
    tpu.enqueue_dma source(%arg9 : memref<64x128xf32, #tpu.memory_space<vmem>>) target(%dma_start3A_81 : memref<64x128xf32, #tpu.memory_space<vmem_shared>>) target_semaphore(%arg10 : memref<!tpu.dma_semaphore, #tpu.memory_space<semaphore_mem>>)
    %dma_wait3A = arith.constant 0 : i32
    %dma_wait3A_82 = tpu.memref_slice %arg11[%add3A_6, %dma_wait3A] : memref<10240x128xf32, #tpu.memory_space<vmem_shared>> -> memref<64x128xf32, #tpu.memory_space<vmem_shared>>
    %dma_wait3A_83 = arith.constant 0 : i32
    %dma_wait3A_84 = tpu.memref_slice %arg11[%add3A_6, %dma_wait3A_83] : memref<10240x128xf32, #tpu.memory_space<vmem_shared>> -> memref<64x128xf32, #tpu.memory_space<vmem_shared>>
    tpu.wait_dma2 semaphore(%arg10 : memref<!tpu.dma_semaphore, #tpu.memory_space<semaphore_mem>>) src(%arg9 : memref<64x128xf32, #tpu.memory_space<vmem>>) dst(%dma_wait3A_84 : memref<64x128xf32, #tpu.memory_space<vmem_shared>>)
    %dma_wait3A_85 = arith.constant 0 : i32
    %dma_wait3A_86 = tpu.memref_slice %arg11[%add3A_13, %dma_wait3A_85] : memref<10240x128xf32, #tpu.memory_space<vmem_shared>> -> memref<64x128xf32, #tpu.memory_space<vmem_shared>>
    %dma_wait3A_87 = arith.constant 0 : i32
    %dma_wait3A_88 = tpu.memref_slice %arg11[%add3A_13, %dma_wait3A_87] : memref<10240x128xf32, #tpu.memory_space<vmem_shared>> -> memref<64x128xf32, #tpu.memory_space<vmem_shared>>
    tpu.wait_dma2 semaphore(%arg10 : memref<!tpu.dma_semaphore, #tpu.memory_space<semaphore_mem>>) src(%arg9 : memref<64x128xf32, #tpu.memory_space<vmem>>) dst(%dma_wait3A_88 : memref<64x128xf32, #tpu.memory_space<vmem_shared>>)
    %dma_wait3A_89 = arith.constant 0 : i32
    %dma_wait3A_90 = tpu.memref_slice %arg11[%add3A_21, %dma_wait3A_89] : memref<10240x128xf32, #tpu.memory_space<vmem_shared>> -> memref<64x128xf32, #tpu.memory_space<vmem_shared>>
    %dma_wait3A_91 = arith.constant 0 : i32
    %dma_wait3A_92 = tpu.memref_slice %arg11[%add3A_21, %dma_wait3A_91] : memref<10240x128xf32, #tpu.memory_space<vmem_shared>> -> memref<64x128xf32, #tpu.memory_space<vmem_shared>>
    tpu.wait_dma2 semaphore(%arg10 : memref<!tpu.dma_semaphore, #tpu.memory_space<semaphore_mem>>) src(%arg9 : memref<64x128xf32, #tpu.memory_space<vmem>>) dst(%dma_wait3A_92 : memref<64x128xf32, #tpu.memory_space<vmem_shared>>)
    %dma_wait3A_93 = arith.constant 0 : i32
    %dma_wait3A_94 = tpu.memref_slice %arg11[%add3A_29, %dma_wait3A_93] : memref<10240x128xf32, #tpu.memory_space<vmem_shared>> -> memref<64x128xf32, #tpu.memory_space<vmem_shared>>
    %dma_wait3A_95 = arith.constant 0 : i32
    %dma_wait3A_96 = tpu.memref_slice %arg11[%add3A_29, %dma_wait3A_95] : memref<10240x128xf32, #tpu.memory_space<vmem_shared>> -> memref<64x128xf32, #tpu.memory_space<vmem_shared>>
    tpu.wait_dma2 semaphore(%arg10 : memref<!tpu.dma_semaphore, #tpu.memory_space<semaphore_mem>>) src(%arg9 : memref<64x128xf32, #tpu.memory_space<vmem>>) dst(%dma_wait3A_96 : memref<64x128xf32, #tpu.memory_space<vmem_shared>>)
    %dma_wait3A_97 = arith.constant 0 : i32
    %dma_wait3A_98 = tpu.memref_slice %arg11[%add3A_37, %dma_wait3A_97] : memref<10240x128xf32, #tpu.memory_space<vmem_shared>> -> memref<64x128xf32, #tpu.memory_space<vmem_shared>>
    %dma_wait3A_99 = arith.constant 0 : i32
    %dma_wait3A_100 = tpu.memref_slice %arg11[%add3A_37, %dma_wait3A_99] : memref<10240x128xf32, #tpu.memory_space<vmem_shared>> -> memref<64x128xf32, #tpu.memory_space<vmem_shared>>
    tpu.wait_dma2 semaphore(%arg10 : memref<!tpu.dma_semaphore, #tpu.memory_space<semaphore_mem>>) src(%arg9 : memref<64x128xf32, #tpu.memory_space<vmem>>) dst(%dma_wait3A_100 : memref<64x128xf32, #tpu.memory_space<vmem_shared>>)
    %dma_wait3A_101 = arith.constant 0 : i32
    %dma_wait3A_102 = tpu.memref_slice %arg11[%add3A_45, %dma_wait3A_101] : memref<10240x128xf32, #tpu.memory_space<vmem_shared>> -> memref<64x128xf32, #tpu.memory_space<vmem_shared>>
    %dma_wait3A_103 = arith.constant 0 : i32
    %dma_wait3A_104 = tpu.memref_slice %arg11[%add3A_45, %dma_wait3A_103] : memref<10240x128xf32, #tpu.memory_space<vmem_shared>> -> memref<64x128xf32, #tpu.memory_space<vmem_shared>>
    tpu.wait_dma2 semaphore(%arg10 : memref<!tpu.dma_semaphore, #tpu.memory_space<semaphore_mem>>) src(%arg9 : memref<64x128xf32, #tpu.memory_space<vmem>>) dst(%dma_wait3A_104 : memref<64x128xf32, #tpu.memory_space<vmem_shared>>)
    %dma_wait3A_105 = arith.constant 0 : i32
    %dma_wait3A_106 = tpu.memref_slice %arg11[%add3A_53, %dma_wait3A_105] : memref<10240x128xf32, #tpu.memory_space<vmem_shared>> -> memref<64x128xf32, #tpu.memory_space<vmem_shared>>
    %dma_wait3A_107 = arith.constant 0 : i32
    %dma_wait3A_108 = tpu.memref_slice %arg11[%add3A_53, %dma_wait3A_107] : memref<10240x128xf32, #tpu.memory_space<vmem_shared>> -> memref<64x128xf32, #tpu.memory_space<vmem_shared>>
    tpu.wait_dma2 semaphore(%arg10 : memref<!tpu.dma_semaphore, #tpu.memory_space<semaphore_mem>>) src(%arg9 : memref<64x128xf32, #tpu.memory_space<vmem>>) dst(%dma_wait3A_108 : memref<64x128xf32, #tpu.memory_space<vmem_shared>>)
    %dma_wait3A_109 = arith.constant 0 : i32
    %dma_wait3A_110 = tpu.memref_slice %arg11[%add3A_61, %dma_wait3A_109] : memref<10240x128xf32, #tpu.memory_space<vmem_shared>> -> memref<64x128xf32, #tpu.memory_space<vmem_shared>>
    %dma_wait3A_111 = arith.constant 0 : i32
    %dma_wait3A_112 = tpu.memref_slice %arg11[%add3A_61, %dma_wait3A_111] : memref<10240x128xf32, #tpu.memory_space<vmem_shared>> -> memref<64x128xf32, #tpu.memory_space<vmem_shared>>
    tpu.wait_dma2 semaphore(%arg10 : memref<!tpu.dma_semaphore, #tpu.memory_space<semaphore_mem>>) src(%arg9 : memref<64x128xf32, #tpu.memory_space<vmem>>) dst(%dma_wait3A_112 : memref<64x128xf32, #tpu.memory_space<vmem_shared>>)
    %dma_wait3A_113 = arith.constant 0 : i32
    %dma_wait3A_114 = tpu.memref_slice %arg11[%add3A_69, %dma_wait3A_113] : memref<10240x128xf32, #tpu.memory_space<vmem_shared>> -> memref<64x128xf32, #tpu.memory_space<vmem_shared>>
    %dma_wait3A_115 = arith.constant 0 : i32
    %dma_wait3A_116 = tpu.memref_slice %arg11[%add3A_69, %dma_wait3A_115] : memref<10240x128xf32, #tpu.memory_space<vmem_shared>> -> memref<64x128xf32, #tpu.memory_space<vmem_shared>>
    tpu.wait_dma2 semaphore(%arg10 : memref<!tpu.dma_semaphore, #tpu.memory_space<semaphore_mem>>) src(%arg9 : memref<64x128xf32, #tpu.memory_space<vmem>>) dst(%dma_wait3A_116 : memref<64x128xf32, #tpu.memory_space<vmem_shared>>)
    %dma_wait3A_117 = arith.constant 0 : i32
    %dma_wait3A_118 = tpu.memref_slice %arg11[%add3A_77, %dma_wait3A_117] : memref<10240x128xf32, #tpu.memory_space<vmem_shared>> -> memref<64x128xf32, #tpu.memory_space<vmem_shared>>
    %dma_wait3A_119 = arith.constant 0 : i32
    %dma_wait3A_120 = tpu.memref_slice %arg11[%add3A_77, %dma_wait3A_119] : memref<10240x128xf32, #tpu.memory_space<vmem_shared>> -> memref<64x128xf32, #tpu.memory_space<vmem_shared>>
    tpu.wait_dma2 semaphore(%arg10 : memref<!tpu.dma_semaphore, #tpu.memory_space<semaphore_mem>>) src(%arg9 : memref<64x128xf32, #tpu.memory_space<vmem>>) dst(%dma_wait3A_120 : memref<64x128xf32, #tpu.memory_space<vmem_shared>>)
    %barrier3A = arith.constant 0 : index
    tpu.barrier barrier_id(%barrier3A)
    %scan3A = arith.constant 0 : i32
    %scan3A_121 = arith.constant 0 : i32
    %scan3A_122 = arith.constant 79 : i32
    %scan3A_123 = arith.addi %scan3A_121, %scan3A_122 : i32
    %scan3A_124 = arith.constant 1 : i32
    scf.for %scan3A_269 = %scan3A_121 to %scan3A_123 step %scan3A_124  : i32 {
      "tpu.region"() ({
        %run_scoped3A_270 = tpu.sem_alloc : memref<!tpu.dma_semaphore, #tpu.memory_space<semaphore_mem>>
        %dma_start3A_271 = arith.constant 0 : i32
        %dma_start3A_272 = tpu.memref_slice %arg6[%scan3A_269, %dma_start3A_271] : memref<79x128xi32, #tpu.memory_space<vmem>> -> memref<1x128xi32, #tpu.memory_space<vmem>>
        %dma_start3A_273 = tpu.memref_squeeze %dma_start3A_272 : memref<1x128xi32, #tpu.memory_space<vmem>> -> memref<128xi32, #tpu.memory_space<vmem>>
        %dma_start3A_274 = arith.constant 0 : i32
        %dma_start3A_275 = arith.constant 0 : i32
        %dma_start3A_276 = tpu.memref_slice %arg2[%add3A_2, %dma_start3A_274, %dma_start3A_275] : memref<4x10240x128xf32, #tpu.memory_space<hbm>> -> memref<1x10240x128xf32, #tpu.memory_space<hbm>>
        %dma_start3A_277 = tpu.memref_squeeze %dma_start3A_276 : memref<1x10240x128xf32, #tpu.memory_space<hbm>> -> memref<10240x128xf32, #tpu.memory_space<hbm>>
        %dma_start3A_278 = arith.constant 0 : i32
        %dma_start3A_279 = arith.constant 0 : i32
        %dma_start3A_280 = tpu.memref_slice %dma_start3A_277[%dma_start3A_278, %dma_start3A_279] : memref<10240x128xf32, #tpu.memory_space<hbm>> -> memref<10240x128xf32, #tpu.memory_space<hbm>>
        tpu.enqueue_indirect_dma source(%dma_start3A_280 : memref<10240x128xf32, #tpu.memory_space<hbm>>) target(%arg8 : memref<128x128xf32, #tpu.memory_space<vmem>>) offsets(%dma_start3A_273 : memref<128xi32, #tpu.memory_space<vmem>>) semaphore(%run_scoped3A_270 : memref<!tpu.dma_semaphore, #tpu.memory_space<semaphore_mem>>)
        %dma_wait3A_281 = arith.constant 0 : i32
        %dma_wait3A_282 = tpu.memref_slice %arg6[%scan3A_269, %dma_wait3A_281] : memref<79x128xi32, #tpu.memory_space<vmem>> -> memref<1x128xi32, #tpu.memory_space<vmem>>
        %dma_wait3A_283 = tpu.memref_squeeze %dma_wait3A_282 : memref<1x128xi32, #tpu.memory_space<vmem>> -> memref<128xi32, #tpu.memory_space<vmem>>
        %dma_wait3A_284 = arith.constant 0 : i32
        %dma_wait3A_285 = arith.constant 0 : i32
        %dma_wait3A_286 = tpu.memref_slice %arg2[%add3A_2, %dma_wait3A_284, %dma_wait3A_285] : memref<4x10240x128xf32, #tpu.memory_space<hbm>> -> memref<1x10240x128xf32, #tpu.memory_space<hbm>>
        %dma_wait3A_287 = tpu.memref_squeeze %dma_wait3A_286 : memref<1x10240x128xf32, #tpu.memory_space<hbm>> -> memref<10240x128xf32, #tpu.memory_space<hbm>>
        %dma_wait3A_288 = arith.constant 0 : i32
        %dma_wait3A_289 = arith.constant 0 : i32
        %dma_wait3A_290 = tpu.memref_slice %dma_wait3A_287[%dma_wait3A_288, %dma_wait3A_289] : memref<10240x128xf32, #tpu.memory_space<hbm>> -> memref<10240x128xf32, #tpu.memory_space<hbm>>
        tpu.wait_indirect_dma semaphore(%run_scoped3A_270 : memref<!tpu.dma_semaphore, #tpu.memory_space<semaphore_mem>>) src(%dma_wait3A_290 : memref<10240x128xf32, #tpu.memory_space<hbm>>) dst(%arg8 : memref<128x128xf32, #tpu.memory_space<vmem>>)
        tpu.yield
      }) : () -> ()
      "tpu.region"() ({
        %run_scoped3A_270 = tpu.sem_alloc : memref<!tpu.dma_semaphore, #tpu.memory_space<semaphore_mem>>
        %dma_start3A_271 = arith.constant 0 : i32
        %dma_start3A_272 = tpu.memref_slice %arg7[%scan3A_269, %dma_start3A_271] : memref<79x128xi32, #tpu.memory_space<vmem>> -> memref<1x128xi32, #tpu.memory_space<vmem>>
        %dma_start3A_273 = tpu.memref_squeeze %dma_start3A_272 : memref<1x128xi32, #tpu.memory_space<vmem>> -> memref<128xi32, #tpu.memory_space<vmem>>
        %dma_start3A_274 = arith.constant 0 : i32
        %dma_start3A_275 = arith.constant 0 : i32
        %dma_start3A_276 = tpu.memref_slice %arg11[%dma_start3A_274, %dma_start3A_275] : memref<10240x128xf32, #tpu.memory_space<vmem_shared>> -> memref<10240x128xf32, #tpu.memory_space<vmem_shared>>
        tpu.enqueue_indirect_dma source(%arg8 : memref<128x128xf32, #tpu.memory_space<vmem>>) target(%dma_start3A_276 : memref<10240x128xf32, #tpu.memory_space<vmem_shared>>) offsets(%dma_start3A_273 : memref<128xi32, #tpu.memory_space<vmem>>) semaphore(%run_scoped3A_270 : memref<!tpu.dma_semaphore, #tpu.memory_space<semaphore_mem>>) {add = true}
        %dma_wait3A_277 = arith.constant 0 : i32
        %dma_wait3A_278 = tpu.memref_slice %arg7[%scan3A_269, %dma_wait3A_277] : memref<79x128xi32, #tpu.memory_space<vmem>> -> memref<1x128xi32, #tpu.memory_space<vmem>>
        %dma_wait3A_279 = tpu.memref_squeeze %dma_wait3A_278 : memref<1x128xi32, #tpu.memory_space<vmem>> -> memref<128xi32, #tpu.memory_space<vmem>>
        %dma_wait3A_280 = arith.constant 0 : i32
        %dma_wait3A_281 = arith.constant 0 : i32
        %dma_wait3A_282 = tpu.memref_slice %arg11[%dma_wait3A_280, %dma_wait3A_281] : memref<10240x128xf32, #tpu.memory_space<vmem_shared>> -> memref<10240x128xf32, #tpu.memory_space<vmem_shared>>
        tpu.wait_indirect_dma semaphore(%run_scoped3A_270 : memref<!tpu.dma_semaphore, #tpu.memory_space<semaphore_mem>>) src(%arg8 : memref<128x128xf32, #tpu.memory_space<vmem>>) dst(%dma_wait3A_282 : memref<10240x128xf32, #tpu.memory_space<vmem_shared>>)
        tpu.yield
      }) : () -> ()
    }
    %scan3A_125 = arith.constant 79 : i32
    %barrier3A_126 = arith.constant 0 : index
    tpu.barrier barrier_id(%barrier3A_126)
    %mul3A_127 = arith.constant 640 : i32
    %mul3A_128 = arith.muli %arg1, %mul3A_127 : i32
    %mul3A_129 = arith.constant 640 : i32
    %mul3A_130 = arith.muli %arg1, %mul3A_129 : i32
    "tpu.region"() ({
      %run_scoped3A_269 = tpu.sem_alloc : memref<!tpu.dma_semaphore, #tpu.memory_space<semaphore_mem>>
      %dma_start3A_270 = arith.constant 0 : i32
      %dma_start3A_271 = arith.constant 0 : i32
      %dma_start3A_272 = tpu.memref_slice %arg5[%add3A_2, %dma_start3A_270, %dma_start3A_271] : memref<4x10240x128xf32, #tpu.memory_space<hbm>> -> memref<1x10240x128xf32, #tpu.memory_space<hbm>>
      %dma_start3A_273 = tpu.memref_squeeze %dma_start3A_272 : memref<1x10240x128xf32, #tpu.memory_space<hbm>> -> memref<10240x128xf32, #tpu.memory_space<hbm>>
      %dma_start3A_274 = arith.constant 0 : i32
      %dma_start3A_275 = tpu.memref_slice %dma_start3A_273[%mul3A_130, %dma_start3A_274] : memref<10240x128xf32, #tpu.memory_space<hbm>> -> memref<640x128xf32, #tpu.memory_space<hbm>>
      %dma_start3A_276 = arith.constant 0 : i32
      %dma_start3A_277 = tpu.memref_slice %arg11[%mul3A_128, %dma_start3A_276] : memref<10240x128xf32, #tpu.memory_space<vmem_shared>> -> memref<640x128xf32, #tpu.memory_space<vmem_shared>>
      tpu.enqueue_dma source(%dma_start3A_277 : memref<640x128xf32, #tpu.memory_space<vmem_shared>>) target(%dma_start3A_275 : memref<640x128xf32, #tpu.memory_space<hbm>>) target_semaphore(%run_scoped3A_269 : memref<!tpu.dma_semaphore, #tpu.memory_space<semaphore_mem>>)
      %dma_wait3A_278 = arith.constant 0 : i32
      %dma_wait3A_279 = arith.constant 0 : i32
      %dma_wait3A_280 = tpu.memref_slice %arg5[%add3A_2, %dma_wait3A_278, %dma_wait3A_279] : memref<4x10240x128xf32, #tpu.memory_space<hbm>> -> memref<1x10240x128xf32, #tpu.memory_space<hbm>>
      %dma_wait3A_281 = tpu.memref_squeeze %dma_wait3A_280 : memref<1x10240x128xf32, #tpu.memory_space<hbm>> -> memref<10240x128xf32, #tpu.memory_space<hbm>>
      %dma_wait3A_282 = arith.constant 0 : i32
      %dma_wait3A_283 = tpu.memref_slice %dma_wait3A_281[%mul3A_130, %dma_wait3A_282] : memref<10240x128xf32, #tpu.memory_space<hbm>> -> memref<640x128xf32, #tpu.memory_space<hbm>>
      %dma_wait3A_284 = arith.constant 0 : i32
      %dma_wait3A_285 = tpu.memref_slice %arg11[%mul3A_128, %dma_wait3A_284] : memref<10240x128xf32, #tpu.memory_space<vmem_shared>> -> memref<640x128xf32, #tpu.memory_space<vmem_shared>>
      tpu.wait_dma2 semaphore(%run_scoped3A_269 : memref<!tpu.dma_semaphore, #tpu.memory_space<semaphore_mem>>) src(%dma_wait3A_285 : memref<640x128xf32, #tpu.memory_space<vmem_shared>>) dst(%dma_wait3A_283 : memref<640x128xf32, #tpu.memory_space<hbm>>)
      tpu.yield
    }) : () -> ()
    %barrier3A_131 = arith.constant 0 : index
    tpu.barrier barrier_id(%barrier3A_131)
    %mul3A_132 = arith.constant 2 : i32
    %mul3A_133 = arith.muli %arg0, %mul3A_132 : i32
    %add3A_134 = arith.constant 1 : i32
    %add3A_135 = arith.addi %mul3A_133, %add3A_134 : i32
    %mul3A_136 = arith.constant 640 : i32
    %mul3A_137 = arith.muli %arg1, %mul3A_136 : i32
    %add3A_138 = arith.constant 0 : i32
    %add3A_139 = arith.addi %mul3A_137, %add3A_138 : i32
    %dma_start3A_140 = arith.constant 0 : i32
    %dma_start3A_141 = tpu.memref_slice %arg11[%add3A_139, %dma_start3A_140] : memref<10240x128xf32, #tpu.memory_space<vmem_shared>> -> memref<64x128xf32, #tpu.memory_space<vmem_shared>>
    %dma_start3A_142 = arith.constant 0 : i32
    %dma_start3A_143 = tpu.memref_slice %arg11[%add3A_139, %dma_start3A_142] : memref<10240x128xf32, #tpu.memory_space<vmem_shared>> -> memref<64x128xf32, #tpu.memory_space<vmem_shared>>
    tpu.enqueue_dma source(%arg9 : memref<64x128xf32, #tpu.memory_space<vmem>>) target(%dma_start3A_143 : memref<64x128xf32, #tpu.memory_space<vmem_shared>>) target_semaphore(%arg10 : memref<!tpu.dma_semaphore, #tpu.memory_space<semaphore_mem>>)
    %mul3A_144 = arith.constant 640 : i32
    %mul3A_145 = arith.muli %arg1, %mul3A_144 : i32
    %add3A_146 = arith.constant 64 : i32
    %add3A_147 = arith.addi %mul3A_145, %add3A_146 : i32
    %dma_start3A_148 = arith.constant 0 : i32
    %dma_start3A_149 = tpu.memref_slice %arg11[%add3A_147, %dma_start3A_148] : memref<10240x128xf32, #tpu.memory_space<vmem_shared>> -> memref<64x128xf32, #tpu.memory_space<vmem_shared>>
    %dma_start3A_150 = arith.constant 0 : i32
    %dma_start3A_151 = tpu.memref_slice %arg11[%add3A_147, %dma_start3A_150] : memref<10240x128xf32, #tpu.memory_space<vmem_shared>> -> memref<64x128xf32, #tpu.memory_space<vmem_shared>>
    tpu.enqueue_dma source(%arg9 : memref<64x128xf32, #tpu.memory_space<vmem>>) target(%dma_start3A_151 : memref<64x128xf32, #tpu.memory_space<vmem_shared>>) target_semaphore(%arg10 : memref<!tpu.dma_semaphore, #tpu.memory_space<semaphore_mem>>)
    %mul3A_152 = arith.constant 640 : i32
    %mul3A_153 = arith.muli %arg1, %mul3A_152 : i32
    %add3A_154 = arith.constant 128 : i32
    %add3A_155 = arith.addi %mul3A_153, %add3A_154 : i32
    %dma_start3A_156 = arith.constant 0 : i32
    %dma_start3A_157 = tpu.memref_slice %arg11[%add3A_155, %dma_start3A_156] : memref<10240x128xf32, #tpu.memory_space<vmem_shared>> -> memref<64x128xf32, #tpu.memory_space<vmem_shared>>
    %dma_start3A_158 = arith.constant 0 : i32
    %dma_start3A_159 = tpu.memref_slice %arg11[%add3A_155, %dma_start3A_158] : memref<10240x128xf32, #tpu.memory_space<vmem_shared>> -> memref<64x128xf32, #tpu.memory_space<vmem_shared>>
    tpu.enqueue_dma source(%arg9 : memref<64x128xf32, #tpu.memory_space<vmem>>) target(%dma_start3A_159 : memref<64x128xf32, #tpu.memory_space<vmem_shared>>) target_semaphore(%arg10 : memref<!tpu.dma_semaphore, #tpu.memory_space<semaphore_mem>>)
    %mul3A_160 = arith.constant 640 : i32
    %mul3A_161 = arith.muli %arg1, %mul3A_160 : i32
    %add3A_162 = arith.constant 192 : i32
    %add3A_163 = arith.addi %mul3A_161, %add3A_162 : i32
    %dma_start3A_164 = arith.constant 0 : i32
    %dma_start3A_165 = tpu.memref_slice %arg11[%add3A_163, %dma_start3A_164] : memref<10240x128xf32, #tpu.memory_space<vmem_shared>> -> memref<64x128xf32, #tpu.memory_space<vmem_shared>>
    %dma_start3A_166 = arith.constant 0 : i32
    %dma_start3A_167 = tpu.memref_slice %arg11[%add3A_163, %dma_start3A_166] : memref<10240x128xf32, #tpu.memory_space<vmem_shared>> -> memref<64x128xf32, #tpu.memory_space<vmem_shared>>
    tpu.enqueue_dma source(%arg9 : memref<64x128xf32, #tpu.memory_space<vmem>>) target(%dma_start3A_167 : memref<64x128xf32, #tpu.memory_space<vmem_shared>>) target_semaphore(%arg10 : memref<!tpu.dma_semaphore, #tpu.memory_space<semaphore_mem>>)
    %mul3A_168 = arith.constant 640 : i32
    %mul3A_169 = arith.muli %arg1, %mul3A_168 : i32
    %add3A_170 = arith.constant 256 : i32
    %add3A_171 = arith.addi %mul3A_169, %add3A_170 : i32
    %dma_start3A_172 = arith.constant 0 : i32
    %dma_start3A_173 = tpu.memref_slice %arg11[%add3A_171, %dma_start3A_172] : memref<10240x128xf32, #tpu.memory_space<vmem_shared>> -> memref<64x128xf32, #tpu.memory_space<vmem_shared>>
    %dma_start3A_174 = arith.constant 0 : i32
    %dma_start3A_175 = tpu.memref_slice %arg11[%add3A_171, %dma_start3A_174] : memref<10240x128xf32, #tpu.memory_space<vmem_shared>> -> memref<64x128xf32, #tpu.memory_space<vmem_shared>>
    tpu.enqueue_dma source(%arg9 : memref<64x128xf32, #tpu.memory_space<vmem>>) target(%dma_start3A_175 : memref<64x128xf32, #tpu.memory_space<vmem_shared>>) target_semaphore(%arg10 : memref<!tpu.dma_semaphore, #tpu.memory_space<semaphore_mem>>)
    %mul3A_176 = arith.constant 640 : i32
    %mul3A_177 = arith.muli %arg1, %mul3A_176 : i32
    %add3A_178 = arith.constant 320 : i32
    %add3A_179 = arith.addi %mul3A_177, %add3A_178 : i32
    %dma_start3A_180 = arith.constant 0 : i32
    %dma_start3A_181 = tpu.memref_slice %arg11[%add3A_179, %dma_start3A_180] : memref<10240x128xf32, #tpu.memory_space<vmem_shared>> -> memref<64x128xf32, #tpu.memory_space<vmem_shared>>
    %dma_start3A_182 = arith.constant 0 : i32
    %dma_start3A_183 = tpu.memref_slice %arg11[%add3A_179, %dma_start3A_182] : memref<10240x128xf32, #tpu.memory_space<vmem_shared>> -> memref<64x128xf32, #tpu.memory_space<vmem_shared>>
    tpu.enqueue_dma source(%arg9 : memref<64x128xf32, #tpu.memory_space<vmem>>) target(%dma_start3A_183 : memref<64x128xf32, #tpu.memory_space<vmem_shared>>) target_semaphore(%arg10 : memref<!tpu.dma_semaphore, #tpu.memory_space<semaphore_mem>>)
    %mul3A_184 = arith.constant 640 : i32
    %mul3A_185 = arith.muli %arg1, %mul3A_184 : i32
    %add3A_186 = arith.constant 384 : i32
    %add3A_187 = arith.addi %mul3A_185, %add3A_186 : i32
    %dma_start3A_188 = arith.constant 0 : i32
    %dma_start3A_189 = tpu.memref_slice %arg11[%add3A_187, %dma_start3A_188] : memref<10240x128xf32, #tpu.memory_space<vmem_shared>> -> memref<64x128xf32, #tpu.memory_space<vmem_shared>>
    %dma_start3A_190 = arith.constant 0 : i32
    %dma_start3A_191 = tpu.memref_slice %arg11[%add3A_187, %dma_start3A_190] : memref<10240x128xf32, #tpu.memory_space<vmem_shared>> -> memref<64x128xf32, #tpu.memory_space<vmem_shared>>
    tpu.enqueue_dma source(%arg9 : memref<64x128xf32, #tpu.memory_space<vmem>>) target(%dma_start3A_191 : memref<64x128xf32, #tpu.memory_space<vmem_shared>>) target_semaphore(%arg10 : memref<!tpu.dma_semaphore, #tpu.memory_space<semaphore_mem>>)
    %mul3A_192 = arith.constant 640 : i32
    %mul3A_193 = arith.muli %arg1, %mul3A_192 : i32
    %add3A_194 = arith.constant 448 : i32
    %add3A_195 = arith.addi %mul3A_193, %add3A_194 : i32
    %dma_start3A_196 = arith.constant 0 : i32
    %dma_start3A_197 = tpu.memref_slice %arg11[%add3A_195, %dma_start3A_196] : memref<10240x128xf32, #tpu.memory_space<vmem_shared>> -> memref<64x128xf32, #tpu.memory_space<vmem_shared>>
    %dma_start3A_198 = arith.constant 0 : i32
    %dma_start3A_199 = tpu.memref_slice %arg11[%add3A_195, %dma_start3A_198] : memref<10240x128xf32, #tpu.memory_space<vmem_shared>> -> memref<64x128xf32, #tpu.memory_space<vmem_shared>>
    tpu.enqueue_dma source(%arg9 : memref<64x128xf32, #tpu.memory_space<vmem>>) target(%dma_start3A_199 : memref<64x128xf32, #tpu.memory_space<vmem_shared>>) target_semaphore(%arg10 : memref<!tpu.dma_semaphore, #tpu.memory_space<semaphore_mem>>)
    %mul3A_200 = arith.constant 640 : i32
    %mul3A_201 = arith.muli %arg1, %mul3A_200 : i32
    %add3A_202 = arith.constant 512 : i32
    %add3A_203 = arith.addi %mul3A_201, %add3A_202 : i32
    %dma_start3A_204 = arith.constant 0 : i32
    %dma_start3A_205 = tpu.memref_slice %arg11[%add3A_203, %dma_start3A_204] : memref<10240x128xf32, #tpu.memory_space<vmem_shared>> -> memref<64x128xf32, #tpu.memory_space<vmem_shared>>
    %dma_start3A_206 = arith.constant 0 : i32
    %dma_start3A_207 = tpu.memref_slice %arg11[%add3A_203, %dma_start3A_206] : memref<10240x128xf32, #tpu.memory_space<vmem_shared>> -> memref<64x128xf32, #tpu.memory_space<vmem_shared>>
    tpu.enqueue_dma source(%arg9 : memref<64x128xf32, #tpu.memory_space<vmem>>) target(%dma_start3A_207 : memref<64x128xf32, #tpu.memory_space<vmem_shared>>) target_semaphore(%arg10 : memref<!tpu.dma_semaphore, #tpu.memory_space<semaphore_mem>>)
    %mul3A_208 = arith.constant 640 : i32
    %mul3A_209 = arith.muli %arg1, %mul3A_208 : i32
    %add3A_210 = arith.constant 576 : i32
    %add3A_211 = arith.addi %mul3A_209, %add3A_210 : i32
    %dma_start3A_212 = arith.constant 0 : i32
    %dma_start3A_213 = tpu.memref_slice %arg11[%add3A_211, %dma_start3A_212] : memref<10240x128xf32, #tpu.memory_space<vmem_shared>> -> memref<64x128xf32, #tpu.memory_space<vmem_shared>>
    %dma_start3A_214 = arith.constant 0 : i32
    %dma_start3A_215 = tpu.memref_slice %arg11[%add3A_211, %dma_start3A_214] : memref<10240x128xf32, #tpu.memory_space<vmem_shared>> -> memref<64x128xf32, #tpu.memory_space<vmem_shared>>
    tpu.enqueue_dma source(%arg9 : memref<64x128xf32, #tpu.memory_space<vmem>>) target(%dma_start3A_215 : memref<64x128xf32, #tpu.memory_space<vmem_shared>>) target_semaphore(%arg10 : memref<!tpu.dma_semaphore, #tpu.memory_space<semaphore_mem>>)
    %dma_wait3A_216 = arith.constant 0 : i32
    %dma_wait3A_217 = tpu.memref_slice %arg11[%add3A_139, %dma_wait3A_216] : memref<10240x128xf32, #tpu.memory_space<vmem_shared>> -> memref<64x128xf32, #tpu.memory_space<vmem_shared>>
    %dma_wait3A_218 = arith.constant 0 : i32
    %dma_wait3A_219 = tpu.memref_slice %arg11[%add3A_139, %dma_wait3A_218] : memref<10240x128xf32, #tpu.memory_space<vmem_shared>> -> memref<64x128xf32, #tpu.memory_space<vmem_shared>>
    tpu.wait_dma2 semaphore(%arg10 : memref<!tpu.dma_semaphore, #tpu.memory_space<semaphore_mem>>) src(%arg9 : memref<64x128xf32, #tpu.memory_space<vmem>>) dst(%dma_wait3A_219 : memref<64x128xf32, #tpu.memory_space<vmem_shared>>)
    %dma_wait3A_220 = arith.constant 0 : i32
    %dma_wait3A_221 = tpu.memref_slice %arg11[%add3A_147, %dma_wait3A_220] : memref<10240x128xf32, #tpu.memory_space<vmem_shared>> -> memref<64x128xf32, #tpu.memory_space<vmem_shared>>
    %dma_wait3A_222 = arith.constant 0 : i32
    %dma_wait3A_223 = tpu.memref_slice %arg11[%add3A_147, %dma_wait3A_222] : memref<10240x128xf32, #tpu.memory_space<vmem_shared>> -> memref<64x128xf32, #tpu.memory_space<vmem_shared>>
    tpu.wait_dma2 semaphore(%arg10 : memref<!tpu.dma_semaphore, #tpu.memory_space<semaphore_mem>>) src(%arg9 : memref<64x128xf32, #tpu.memory_space<vmem>>) dst(%dma_wait3A_223 : memref<64x128xf32, #tpu.memory_space<vmem_shared>>)
    %dma_wait3A_224 = arith.constant 0 : i32
    %dma_wait3A_225 = tpu.memref_slice %arg11[%add3A_155, %dma_wait3A_224] : memref<10240x128xf32, #tpu.memory_space<vmem_shared>> -> memref<64x128xf32, #tpu.memory_space<vmem_shared>>
    %dma_wait3A_226 = arith.constant 0 : i32
    %dma_wait3A_227 = tpu.memref_slice %arg11[%add3A_155, %dma_wait3A_226] : memref<10240x128xf32, #tpu.memory_space<vmem_shared>> -> memref<64x128xf32, #tpu.memory_space<vmem_shared>>
    tpu.wait_dma2 semaphore(%arg10 : memref<!tpu.dma_semaphore, #tpu.memory_space<semaphore_mem>>) src(%arg9 : memref<64x128xf32, #tpu.memory_space<vmem>>) dst(%dma_wait3A_227 : memref<64x128xf32, #tpu.memory_space<vmem_shared>>)
    %dma_wait3A_228 = arith.constant 0 : i32
    %dma_wait3A_229 = tpu.memref_slice %arg11[%add3A_163, %dma_wait3A_228] : memref<10240x128xf32, #tpu.memory_space<vmem_shared>> -> memref<64x128xf32, #tpu.memory_space<vmem_shared>>
    %dma_wait3A_230 = arith.constant 0 : i32
    %dma_wait3A_231 = tpu.memref_slice %arg11[%add3A_163, %dma_wait3A_230] : memref<10240x128xf32, #tpu.memory_space<vmem_shared>> -> memref<64x128xf32, #tpu.memory_space<vmem_shared>>
    tpu.wait_dma2 semaphore(%arg10 : memref<!tpu.dma_semaphore, #tpu.memory_space<semaphore_mem>>) src(%arg9 : memref<64x128xf32, #tpu.memory_space<vmem>>) dst(%dma_wait3A_231 : memref<64x128xf32, #tpu.memory_space<vmem_shared>>)
    %dma_wait3A_232 = arith.constant 0 : i32
    %dma_wait3A_233 = tpu.memref_slice %arg11[%add3A_171, %dma_wait3A_232] : memref<10240x128xf32, #tpu.memory_space<vmem_shared>> -> memref<64x128xf32, #tpu.memory_space<vmem_shared>>
    %dma_wait3A_234 = arith.constant 0 : i32
    %dma_wait3A_235 = tpu.memref_slice %arg11[%add3A_171, %dma_wait3A_234] : memref<10240x128xf32, #tpu.memory_space<vmem_shared>> -> memref<64x128xf32, #tpu.memory_space<vmem_shared>>
    tpu.wait_dma2 semaphore(%arg10 : memref<!tpu.dma_semaphore, #tpu.memory_space<semaphore_mem>>) src(%arg9 : memref<64x128xf32, #tpu.memory_space<vmem>>) dst(%dma_wait3A_235 : memref<64x128xf32, #tpu.memory_space<vmem_shared>>)
    %dma_wait3A_236 = arith.constant 0 : i32
    %dma_wait3A_237 = tpu.memref_slice %arg11[%add3A_179, %dma_wait3A_236] : memref<10240x128xf32, #tpu.memory_space<vmem_shared>> -> memref<64x128xf32, #tpu.memory_space<vmem_shared>>
    %dma_wait3A_238 = arith.constant 0 : i32
    %dma_wait3A_239 = tpu.memref_slice %arg11[%add3A_179, %dma_wait3A_238] : memref<10240x128xf32, #tpu.memory_space<vmem_shared>> -> memref<64x128xf32, #tpu.memory_space<vmem_shared>>
    tpu.wait_dma2 semaphore(%arg10 : memref<!tpu.dma_semaphore, #tpu.memory_space<semaphore_mem>>) src(%arg9 : memref<64x128xf32, #tpu.memory_space<vmem>>) dst(%dma_wait3A_239 : memref<64x128xf32, #tpu.memory_space<vmem_shared>>)
    %dma_wait3A_240 = arith.constant 0 : i32
    %dma_wait3A_241 = tpu.memref_slice %arg11[%add3A_187, %dma_wait3A_240] : memref<10240x128xf32, #tpu.memory_space<vmem_shared>> -> memref<64x128xf32, #tpu.memory_space<vmem_shared>>
    %dma_wait3A_242 = arith.constant 0 : i32
    %dma_wait3A_243 = tpu.memref_slice %arg11[%add3A_187, %dma_wait3A_242] : memref<10240x128xf32, #tpu.memory_space<vmem_shared>> -> memref<64x128xf32, #tpu.memory_space<vmem_shared>>
    tpu.wait_dma2 semaphore(%arg10 : memref<!tpu.dma_semaphore, #tpu.memory_space<semaphore_mem>>) src(%arg9 : memref<64x128xf32, #tpu.memory_space<vmem>>) dst(%dma_wait3A_243 : memref<64x128xf32, #tpu.memory_space<vmem_shared>>)
    %dma_wait3A_244 = arith.constant 0 : i32
    %dma_wait3A_245 = tpu.memref_slice %arg11[%add3A_195, %dma_wait3A_244] : memref<10240x128xf32, #tpu.memory_space<vmem_shared>> -> memref<64x128xf32, #tpu.memory_space<vmem_shared>>
    %dma_wait3A_246 = arith.constant 0 : i32
    %dma_wait3A_247 = tpu.memref_slice %arg11[%add3A_195, %dma_wait3A_246] : memref<10240x128xf32, #tpu.memory_space<vmem_shared>> -> memref<64x128xf32, #tpu.memory_space<vmem_shared>>
    tpu.wait_dma2 semaphore(%arg10 : memref<!tpu.dma_semaphore, #tpu.memory_space<semaphore_mem>>) src(%arg9 : memref<64x128xf32, #tpu.memory_space<vmem>>) dst(%dma_wait3A_247 : memref<64x128xf32, #tpu.memory_space<vmem_shared>>)
    %dma_wait3A_248 = arith.constant 0 : i32
    %dma_wait3A_249 = tpu.memref_slice %arg11[%add3A_203, %dma_wait3A_248] : memref<10240x128xf32, #tpu.memory_space<vmem_shared>> -> memref<64x128xf32, #tpu.memory_space<vmem_shared>>
    %dma_wait3A_250 = arith.constant 0 : i32
    %dma_wait3A_251 = tpu.memref_slice %arg11[%add3A_203, %dma_wait3A_250] : memref<10240x128xf32, #tpu.memory_space<vmem_shared>> -> memref<64x128xf32, #tpu.memory_space<vmem_shared>>
    tpu.wait_dma2 semaphore(%arg10 : memref<!tpu.dma_semaphore, #tpu.memory_space<semaphore_mem>>) src(%arg9 : memref<64x128xf32, #tpu.memory_space<vmem>>) dst(%dma_wait3A_251 : memref<64x128xf32, #tpu.memory_space<vmem_shared>>)
    %dma_wait3A_252 = arith.constant 0 : i32
    %dma_wait3A_253 = tpu.memref_slice %arg11[%add3A_211, %dma_wait3A_252] : memref<10240x128xf32, #tpu.memory_space<vmem_shared>> -> memref<64x128xf32, #tpu.memory_space<vmem_shared>>
    %dma_wait3A_254 = arith.constant 0 : i32
    %dma_wait3A_255 = tpu.memref_slice %arg11[%add3A_211, %dma_wait3A_254] : memref<10240x128xf32, #tpu.memory_space<vmem_shared>> -> memref<64x128xf32, #tpu.memory_space<vmem_shared>>
    tpu.wait_dma2 semaphore(%arg10 : memref<!tpu.dma_semaphore, #tpu.memory_space<semaphore_mem>>) src(%arg9 : memref<64x128xf32, #tpu.memory_space<vmem>>) dst(%dma_wait3A_255 : memref<64x128xf32, #tpu.memory_space<vmem_shared>>)
    %barrier3A_256 = arith.constant 0 : index
    tpu.barrier barrier_id(%barrier3A_256)
    %scan3A_257 = arith.constant 0 : i32
    %scan3A_258 = arith.constant 0 : i32
    %scan3A_259 = arith.constant 79 : i32
    %scan3A_260 = arith.addi %scan3A_258, %scan3A_259 : i32
    %scan3A_261 = arith.constant 1 : i32
    scf.for %scan3A_269 = %scan3A_258 to %scan3A_260 step %scan3A_261  : i32 {
      "tpu.region"() ({
        %run_scoped3A_270 = tpu.sem_alloc : memref<!tpu.dma_semaphore, #tpu.memory_space<semaphore_mem>>
        %dma_start3A_271 = arith.constant 0 : i32
        %dma_start3A_272 = tpu.memref_slice %arg6[%scan3A_269, %dma_start3A_271] : memref<79x128xi32, #tpu.memory_space<vmem>> -> memref<1x128xi32, #tpu.memory_space<vmem>>
        %dma_start3A_273 = tpu.memref_squeeze %dma_start3A_272 : memref<1x128xi32, #tpu.memory_space<vmem>> -> memref<128xi32, #tpu.memory_space<vmem>>
        %dma_start3A_274 = arith.constant 0 : i32
        %dma_start3A_275 = arith.constant 0 : i32
        %dma_start3A_276 = tpu.memref_slice %arg2[%add3A_135, %dma_start3A_274, %dma_start3A_275] : memref<4x10240x128xf32, #tpu.memory_space<hbm>> -> memref<1x10240x128xf32, #tpu.memory_space<hbm>>
        %dma_start3A_277 = tpu.memref_squeeze %dma_start3A_276 : memref<1x10240x128xf32, #tpu.memory_space<hbm>> -> memref<10240x128xf32, #tpu.memory_space<hbm>>
        %dma_start3A_278 = arith.constant 0 : i32
        %dma_start3A_279 = arith.constant 0 : i32
        %dma_start3A_280 = tpu.memref_slice %dma_start3A_277[%dma_start3A_278, %dma_start3A_279] : memref<10240x128xf32, #tpu.memory_space<hbm>> -> memref<10240x128xf32, #tpu.memory_space<hbm>>
        tpu.enqueue_indirect_dma source(%dma_start3A_280 : memref<10240x128xf32, #tpu.memory_space<hbm>>) target(%arg8 : memref<128x128xf32, #tpu.memory_space<vmem>>) offsets(%dma_start3A_273 : memref<128xi32, #tpu.memory_space<vmem>>) semaphore(%run_scoped3A_270 : memref<!tpu.dma_semaphore, #tpu.memory_space<semaphore_mem>>)
        %dma_wait3A_281 = arith.constant 0 : i32
        %dma_wait3A_282 = tpu.memref_slice %arg6[%scan3A_269, %dma_wait3A_281] : memref<79x128xi32, #tpu.memory_space<vmem>> -> memref<1x128xi32, #tpu.memory_space<vmem>>
        %dma_wait3A_283 = tpu.memref_squeeze %dma_wait3A_282 : memref<1x128xi32, #tpu.memory_space<vmem>> -> memref<128xi32, #tpu.memory_space<vmem>>
        %dma_wait3A_284 = arith.constant 0 : i32
        %dma_wait3A_285 = arith.constant 0 : i32
        %dma_wait3A_286 = tpu.memref_slice %arg2[%add3A_135, %dma_wait3A_284, %dma_wait3A_285] : memref<4x10240x128xf32, #tpu.memory_space<hbm>> -> memref<1x10240x128xf32, #tpu.memory_space<hbm>>
        %dma_wait3A_287 = tpu.memref_squeeze %dma_wait3A_286 : memref<1x10240x128xf32, #tpu.memory_space<hbm>> -> memref<10240x128xf32, #tpu.memory_space<hbm>>
        %dma_wait3A_288 = arith.constant 0 : i32
        %dma_wait3A_289 = arith.constant 0 : i32
        %dma_wait3A_290 = tpu.memref_slice %dma_wait3A_287[%dma_wait3A_288, %dma_wait3A_289] : memref<10240x128xf32, #tpu.memory_space<hbm>> -> memref<10240x128xf32, #tpu.memory_space<hbm>>
        tpu.wait_indirect_dma semaphore(%run_scoped3A_270 : memref<!tpu.dma_semaphore, #tpu.memory_space<semaphore_mem>>) src(%dma_wait3A_290 : memref<10240x128xf32, #tpu.memory_space<hbm>>) dst(%arg8 : memref<128x128xf32, #tpu.memory_space<vmem>>)
        tpu.yield
      }) : () -> ()
      "tpu.region"() ({
        %run_scoped3A_270 = tpu.sem_alloc : memref<!tpu.dma_semaphore, #tpu.memory_space<semaphore_mem>>
        %dma_start3A_271 = arith.constant 0 : i32
        %dma_start3A_272 = tpu.memref_slice %arg7[%scan3A_269, %dma_start3A_271] : memref<79x128xi32, #tpu.memory_space<vmem>> -> memref<1x128xi32, #tpu.memory_space<vmem>>
        %dma_start3A_273 = tpu.memref_squeeze %dma_start3A_272 : memref<1x128xi32, #tpu.memory_space<vmem>> -> memref<128xi32, #tpu.memory_space<vmem>>
        %dma_start3A_274 = arith.constant 0 : i32
        %dma_start3A_275 = arith.constant 0 : i32
        %dma_start3A_276 = tpu.memref_slice %arg11[%dma_start3A_274, %dma_start3A_275] : memref<10240x128xf32, #tpu.memory_space<vmem_shared>> -> memref<10240x128xf32, #tpu.memory_space<vmem_shared>>
        tpu.enqueue_indirect_dma source(%arg8 : memref<128x128xf32, #tpu.memory_space<vmem>>) target(%dma_start3A_276 : memref<10240x128xf32, #tpu.memory_space<vmem_shared>>) offsets(%dma_start3A_273 : memref<128xi32, #tpu.memory_space<vmem>>) semaphore(%run_scoped3A_270 : memref<!tpu.dma_semaphore, #tpu.memory_space<semaphore_mem>>) {add = true}
        %dma_wait3A_277 = arith.constant 0 : i32
        %dma_wait3A_278 = tpu.memref_slice %arg7[%scan3A_269, %dma_wait3A_277] : memref<79x128xi32, #tpu.memory_space<vmem>> -> memref<1x128xi32, #tpu.memory_space<vmem>>
        %dma_wait3A_279 = tpu.memref_squeeze %dma_wait3A_278 : memref<1x128xi32, #tpu.memory_space<vmem>> -> memref<128xi32, #tpu.memory_space<vmem>>
        %dma_wait3A_280 = arith.constant 0 : i32
        %dma_wait3A_281 = arith.constant 0 : i32
        %dma_wait3A_282 = tpu.memref_slice %arg11[%dma_wait3A_280, %dma_wait3A_281] : memref<10240x128xf32, #tpu.memory_space<vmem_shared>> -> memref<10240x128xf32, #tpu.memory_space<vmem_shared>>
        tpu.wait_indirect_dma semaphore(%run_scoped3A_270 : memref<!tpu.dma_semaphore, #tpu.memory_space<semaphore_mem>>) src(%arg8 : memref<128x128xf32, #tpu.memory_space<vmem>>) dst(%dma_wait3A_282 : memref<10240x128xf32, #tpu.memory_space<vmem_shared>>)
        tpu.yield
      }) : () -> ()
    }
    %scan3A_262 = arith.constant 79 : i32
    %barrier3A_263 = arith.constant 0 : index
    tpu.barrier barrier_id(%barrier3A_263)
    %mul3A_264 = arith.constant 640 : i32
    %mul3A_265 = arith.muli %arg1, %mul3A_264 : i32
    %mul3A_266 = arith.constant 640 : i32
    %mul3A_267 = arith.muli %arg1, %mul3A_266 : i32
    "tpu.region"() ({
      %run_scoped3A_269 = tpu.sem_alloc : memref<!tpu.dma_semaphore, #tpu.memory_space<semaphore_mem>>
      %dma_start3A_270 = arith.constant 0 : i32
      %dma_start3A_271 = arith.constant 0 : i32
      %dma_start3A_272 = tpu.memref_slice %arg5[%add3A_135, %dma_start3A_270, %dma_start3A_271] : memref<4x10240x128xf32, #tpu.memory_space<hbm>> -> memref<1x10240x128xf32, #tpu.memory_space<hbm>>
      %dma_start3A_273 = tpu.memref_squeeze %dma_start3A_272 : memref<1x10240x128xf32, #tpu.memory_space<hbm>> -> memref<10240x128xf32, #tpu.memory_space<hbm>>
      %dma_start3A_274 = arith.constant 0 : i32
      %dma_start3A_275 = tpu.memref_slice %dma_start3A_273[%mul3A_267, %dma_start3A_274] : memref<10240x128xf32, #tpu.memory_space<hbm>> -> memref<640x128xf32, #tpu.memory_space<hbm>>
      %dma_start3A_276 = arith.constant 0 : i32
      %dma_start3A_277 = tpu.memref_slice %arg11[%mul3A_265, %dma_start3A_276] : memref<10240x128xf32, #tpu.memory_space<vmem_shared>> -> memref<640x128xf32, #tpu.memory_space<vmem_shared>>
      tpu.enqueue_dma source(%dma_start3A_277 : memref<640x128xf32, #tpu.memory_space<vmem_shared>>) target(%dma_start3A_275 : memref<640x128xf32, #tpu.memory_space<hbm>>) target_semaphore(%run_scoped3A_269 : memref<!tpu.dma_semaphore, #tpu.memory_space<semaphore_mem>>)
      %dma_wait3A_278 = arith.constant 0 : i32
      %dma_wait3A_279 = arith.constant 0 : i32
      %dma_wait3A_280 = tpu.memref_slice %arg5[%add3A_135, %dma_wait3A_278, %dma_wait3A_279] : memref<4x10240x128xf32, #tpu.memory_space<hbm>> -> memref<1x10240x128xf32, #tpu.memory_space<hbm>>
      %dma_wait3A_281 = tpu.memref_squeeze %dma_wait3A_280 : memref<1x10240x128xf32, #tpu.memory_space<hbm>> -> memref<10240x128xf32, #tpu.memory_space<hbm>>
      %dma_wait3A_282 = arith.constant 0 : i32
      %dma_wait3A_283 = tpu.memref_slice %dma_wait3A_281[%mul3A_267, %dma_wait3A_282] : memref<10240x128xf32, #tpu.memory_space<hbm>> -> memref<640x128xf32, #tpu.memory_space<hbm>>
      %dma_wait3A_284 = arith.constant 0 : i32
      %dma_wait3A_285 = tpu.memref_slice %arg11[%mul3A_265, %dma_wait3A_284] : memref<10240x128xf32, #tpu.memory_space<vmem_shared>> -> memref<640x128xf32, #tpu.memory_space<vmem_shared>>
      tpu.wait_dma2 semaphore(%run_scoped3A_269 : memref<!tpu.dma_semaphore, #tpu.memory_space<semaphore_mem>>) src(%dma_wait3A_285 : memref<640x128xf32, #tpu.memory_space<vmem_shared>>) dst(%dma_wait3A_283 : memref<640x128xf32, #tpu.memory_space<hbm>>)
      tpu.yield
    }) : () -> ()
    %barrier3A_268 = arith.constant 0 : index
    tpu.barrier barrier_id(%barrier3A_268)
    return
  }
}

#map = affine_map<(d0, d1) -> (0, 0, 0)>
#map1 = affine_map<(d0, d1) -> (0, 0, 0, 0)>
#map2 = affine_map<(d0, d1) -> (0, 0)>
module attributes {stable_mosaic.version = 14 : i64} {
  func.func @prop(%arg0: i32, %arg1: i32, %arg2: memref<4x10240x128xf32, #tpu.memory_space<hbm>>, %arg3: memref<2x16x79x128xi32, #tpu.memory_space<hbm>>, %arg4: memref<64x128xf32, #tpu.memory_space<hbm>>, %arg5: memref<4x10240x128xf32, #tpu.memory_space<hbm>>, %arg6: memref<79x128xi32, #tpu.memory_space<vmem>>, %arg7: memref<79x128xi32, #tpu.memory_space<vmem>>, %arg8: memref<128x128xf32, #tpu.memory_space<vmem>>, %arg9: memref<64x128xf32, #tpu.memory_space<vmem>>, %arg10: memref<!tpu.dma_semaphore, #tpu.memory_space<semaphore_mem>>, %arg11: memref<10240x128xf32, #tpu.memory_space<vmem_shared>>) attributes {dimension_semantics = [#tpu.dimension_semantics<core_parallel>, #tpu.dimension_semantics<subcore_parallel>], iteration_bounds = array<i64: 2, 16>, scalar_prefetch = 0 : i64, scratch_operands = 6 : i64, tpu.core_type = #tpu.core_type<sc_vector_subcore>, window_params = [{transform_indices = #map}, {transform_indices = #map1}, {transform_indices = #map2}, {transform_indices = #map}]} {
    %run_scoped3A = arith.constant 0 : i32
    "tpu.region"() ({
      %run_scoped3A_269 = tpu.sem_alloc : memref<!tpu.dma_semaphore, #tpu.memory_space<semaphore_mem>>
      %dma_start3A_270 = arith.constant 0 : i32
      %dma_start3A_271 = arith.constant 0 : i32
      %dma_start3A_272 = arith.constant 0 : i32
      %dma_start3A_273 = tpu.memref_slice %arg3[%run_scoped3A, %dma_start3A_270, %dma_start3A_271, %dma_start3A_272] : memref<2x16x79x128xi32, #tpu.memory_space<hbm>> -> memref<1x16x79x128xi32, #tpu.memory_space<hbm>>
      %dma_start3A_274 = tpu.memref_squeeze %dma_start3A_273 : memref<1x16x79x128xi32, #tpu.memory_space<hbm>> -> memref<16x79x128xi32, #tpu.memory_space<hbm>>
      %dma_start3A_275 = arith.constant 0 : i32
      %dma_start3A_276 = arith.constant 0 : i32
      %dma_start3A_277 = tpu.memref_slice %dma_start3A_274[%arg1, %dma_start3A_275, %dma_start3A_276] : memref<16x79x128xi32, #tpu.memory_space<hbm>> -> memref<1x79x128xi32, #tpu.memory_space<hbm>>
      %dma_start3A_278 = tpu.memref_squeeze %dma_start3A_277 : memref<1x79x128xi32, #tpu.memory_space<hbm>> -> memref<79x128xi32, #tpu.memory_space<hbm>>
      %dma_start3A_279 = arith.constant 0 : i32
      %dma_start3A_280 = arith.constant 0 : i32
      %dma_start3A_281 = arith.constant 0 : i32
      %dma_start3A_282 = tpu.memref_slice %arg3[%run_scoped3A, %dma_start3A_279, %dma_start3A_280, %dma_start3A_281] : memref<2x16x79x128xi32, #tpu.memory_space<hbm>> -> memref<1x16x79x128xi32, #tpu.memory_space<hbm>>
      %dma_start3A_283 = tpu.memref_squeeze %dma_start3A_282 : memref<1x16x79x128xi32, #tpu.memory_space<hbm>> -> memref<16x79x128xi32, #tpu.memory_space<hbm>>
      %dma_start3A_284 = arith.constant 0 : i32
      %dma_start3A_285 = arith.constant 0 : i32
      %dma_start3A_286 = tpu.memref_slice %dma_start3A_283[%arg1, %dma_start3A_284, %dma_start3A_285] : memref<16x79x128xi32, #tpu.memory_space<hbm>> -> memref<1x79x128xi32, #tpu.memory_space<hbm>>
      %dma_start3A_287 = tpu.memref_squeeze %dma_start3A_286 : memref<1x79x128xi32, #tpu.memory_space<hbm>> -> memref<79x128xi32, #tpu.memory_space<hbm>>
      tpu.enqueue_dma source(%dma_start3A_287 : memref<79x128xi32, #tpu.memory_space<hbm>>) target(%arg6 : memref<79x128xi32, #tpu.memory_space<vmem>>) target_semaphore(%run_scoped3A_269 : memref<!tpu.dma_semaphore, #tpu.memory_space<semaphore_mem>>)
      %dma_wait3A_288 = arith.constant 0 : i32
      %dma_wait3A_289 = arith.constant 0 : i32
      %dma_wait3A_290 = arith.constant 0 : i32
      %dma_wait3A_291 = tpu.memref_slice %arg3[%run_scoped3A, %dma_wait3A_288, %dma_wait3A_289, %dma_wait3A_290] : memref<2x16x79x128xi32, #tpu.memory_space<hbm>> -> memref<1x16x79x128xi32, #tpu.memory_space<hbm>>
      %dma_wait3A_292 = tpu.memref_squeeze %dma_wait3A_291 : memref<1x16x79x128xi32, #tpu.memory_space<hbm>> -> memref<16x79x128xi32, #tpu.memory_space<hbm>>
      %dma_wait3A_293 = arith.constant 0 : i32
      %dma_wait3A_294 = arith.constant 0 : i32
      %dma_wait3A_295 = tpu.memref_slice %dma_wait3A_292[%arg1, %dma_wait3A_293, %dma_wait3A_294] : memref<16x79x128xi32, #tpu.memory_space<hbm>> -> memref<1x79x128xi32, #tpu.memory_space<hbm>>
      %dma_wait3A_296 = tpu.memref_squeeze %dma_wait3A_295 : memref<1x79x128xi32, #tpu.memory_space<hbm>> -> memref<79x128xi32, #tpu.memory_space<hbm>>
      %dma_wait3A_297 = arith.constant 0 : i32
      %dma_wait3A_298 = arith.constant 0 : i32
      %dma_wait3A_299 = arith.constant 0 : i32
      %dma_wait3A_300 = tpu.memref_slice %arg3[%run_scoped3A, %dma_wait3A_297, %dma_wait3A_298, %dma_wait3A_299] : memref<2x16x79x128xi32, #tpu.memory_space<hbm>> -> memref<1x16x79x128xi32, #tpu.memory_space<hbm>>
      %dma_wait3A_301 = tpu.memref_squeeze %dma_wait3A_300 : memref<1x16x79x128xi32, #tpu.memory_space<hbm>> -> memref<16x79x128xi32, #tpu.memory_space<hbm>>
      %dma_wait3A_302 = arith.constant 0 : i32
      %dma_wait3A_303 = arith.constant 0 : i32
      %dma_wait3A_304 = tpu.memref_slice %dma_wait3A_301[%arg1, %dma_wait3A_302, %dma_wait3A_303] : memref<16x79x128xi32, #tpu.memory_space<hbm>> -> memref<1x79x128xi32, #tpu.memory_space<hbm>>
      %dma_wait3A_305 = tpu.memref_squeeze %dma_wait3A_304 : memref<1x79x128xi32, #tpu.memory_space<hbm>> -> memref<79x128xi32, #tpu.memory_space<hbm>>
      tpu.wait_dma2 semaphore(%run_scoped3A_269 : memref<!tpu.dma_semaphore, #tpu.memory_space<semaphore_mem>>) src(%dma_wait3A_305 : memref<79x128xi32, #tpu.memory_space<hbm>>) dst(%arg6 : memref<79x128xi32, #tpu.memory_space<vmem>>)
      tpu.yield
    }) : () -> ()
    %run_scoped3A_0 = arith.constant 1 : i32
    "tpu.region"() ({
      %run_scoped3A_269 = tpu.sem_alloc : memref<!tpu.dma_semaphore, #tpu.memory_space<semaphore_mem>>
      %dma_start3A_270 = arith.constant 0 : i32
      %dma_start3A_271 = arith.constant 0 : i32
      %dma_start3A_272 = arith.constant 0 : i32
      %dma_start3A_273 = tpu.memref_slice %arg3[%run_scoped3A_0, %dma_start3A_270, %dma_start3A_271, %dma_start3A_272] : memref<2x16x79x128xi32, #tpu.memory_space<hbm>> -> memref<1x16x79x128xi32, #tpu.memory_space<hbm>>
      %dma_start3A_274 = tpu.memref_squeeze %dma_start3A_273 : memref<1x16x79x128xi32, #tpu.memory_space<hbm>> -> memref<16x79x128xi32, #tpu.memory_space<hbm>>
      %dma_start3A_275 = arith.constant 0 : i32
      %dma_start3A_276 = arith.constant 0 : i32
      %dma_start3A_277 = tpu.memref_slice %dma_start3A_274[%arg1, %dma_start3A_275, %dma_start3A_276] : memref<16x79x128xi32, #tpu.memory_space<hbm>> -> memref<1x79x128xi32, #tpu.memory_space<hbm>>
      %dma_start3A_278 = tpu.memref_squeeze %dma_start3A_277 : memref<1x79x128xi32, #tpu.memory_space<hbm>> -> memref<79x128xi32, #tpu.memory_space<hbm>>
      %dma_start3A_279 = arith.constant 0 : i32
      %dma_start3A_280 = arith.constant 0 : i32
      %dma_start3A_281 = arith.constant 0 : i32
      %dma_start3A_282 = tpu.memref_slice %arg3[%run_scoped3A_0, %dma_start3A_279, %dma_start3A_280, %dma_start3A_281] : memref<2x16x79x128xi32, #tpu.memory_space<hbm>> -> memref<1x16x79x128xi32, #tpu.memory_space<hbm>>
      %dma_start3A_283 = tpu.memref_squeeze %dma_start3A_282 : memref<1x16x79x128xi32, #tpu.memory_space<hbm>> -> memref<16x79x128xi32, #tpu.memory_space<hbm>>
      %dma_start3A_284 = arith.constant 0 : i32
      %dma_start3A_285 = arith.constant 0 : i32
      %dma_start3A_286 = tpu.memref_slice %dma_start3A_283[%arg1, %dma_start3A_284, %dma_start3A_285] : memref<16x79x128xi32, #tpu.memory_space<hbm>> -> memref<1x79x128xi32, #tpu.memory_space<hbm>>
      %dma_start3A_287 = tpu.memref_squeeze %dma_start3A_286 : memref<1x79x128xi32, #tpu.memory_space<hbm>> -> memref<79x128xi32, #tpu.memory_space<hbm>>
      tpu.enqueue_dma source(%dma_start3A_287 : memref<79x128xi32, #tpu.memory_space<hbm>>) target(%arg7 : memref<79x128xi32, #tpu.memory_space<vmem>>) target_semaphore(%run_scoped3A_269 : memref<!tpu.dma_semaphore, #tpu.memory_space<semaphore_mem>>)
      %dma_wait3A_288 = arith.constant 0 : i32
      %dma_wait3A_289 = arith.constant 0 : i32
      %dma_wait3A_290 = arith.constant 0 : i32
      %dma_wait3A_291 = tpu.memref_slice %arg3[%run_scoped3A_0, %dma_wait3A_288, %dma_wait3A_289, %dma_wait3A_290] : memref<2x16x79x128xi32, #tpu.memory_space<hbm>> -> memref<1x16x79x128xi32, #tpu.memory_space<hbm>>
      %dma_wait3A_292 = tpu.memref_squeeze %dma_wait3A_291 : memref<1x16x79x128xi32, #tpu.memory_space<hbm>> -> memref<16x79x128xi32, #tpu.memory_space<hbm>>
      %dma_wait3A_293 = arith.constant 0 : i32
      %dma_wait3A_294 = arith.constant 0 : i32
      %dma_wait3A_295 = tpu.memref_slice %dma_wait3A_292[%arg1, %dma_wait3A_293, %dma_wait3A_294] : memref<16x79x128xi32, #tpu.memory_space<hbm>> -> memref<1x79x128xi32, #tpu.memory_space<hbm>>
      %dma_wait3A_296 = tpu.memref_squeeze %dma_wait3A_295 : memref<1x79x128xi32, #tpu.memory_space<hbm>> -> memref<79x128xi32, #tpu.memory_space<hbm>>
      %dma_wait3A_297 = arith.constant 0 : i32
      %dma_wait3A_298 = arith.constant 0 : i32
      %dma_wait3A_299 = arith.constant 0 : i32
      %dma_wait3A_300 = tpu.memref_slice %arg3[%run_scoped3A_0, %dma_wait3A_297, %dma_wait3A_298, %dma_wait3A_299] : memref<2x16x79x128xi32, #tpu.memory_space<hbm>> -> memref<1x16x79x128xi32, #tpu.memory_space<hbm>>
      %dma_wait3A_301 = tpu.memref_squeeze %dma_wait3A_300 : memref<1x16x79x128xi32, #tpu.memory_space<hbm>> -> memref<16x79x128xi32, #tpu.memory_space<hbm>>
      %dma_wait3A_302 = arith.constant 0 : i32
      %dma_wait3A_303 = arith.constant 0 : i32
      %dma_wait3A_304 = tpu.memref_slice %dma_wait3A_301[%arg1, %dma_wait3A_302, %dma_wait3A_303] : memref<16x79x128xi32, #tpu.memory_space<hbm>> -> memref<1x79x128xi32, #tpu.memory_space<hbm>>
      %dma_wait3A_305 = tpu.memref_squeeze %dma_wait3A_304 : memref<1x79x128xi32, #tpu.memory_space<hbm>> -> memref<79x128xi32, #tpu.memory_space<hbm>>
      tpu.wait_dma2 semaphore(%run_scoped3A_269 : memref<!tpu.dma_semaphore, #tpu.memory_space<semaphore_mem>>) src(%dma_wait3A_305 : memref<79x128xi32, #tpu.memory_space<hbm>>) dst(%arg7 : memref<79x128xi32, #tpu.memory_space<vmem>>)
      tpu.yield
    }) : () -> ()
    "tpu.region"() ({
      %run_scoped3A_269 = tpu.sem_alloc : memref<!tpu.dma_semaphore, #tpu.memory_space<semaphore_mem>>
      tpu.enqueue_dma source(%arg4 : memref<64x128xf32, #tpu.memory_space<hbm>>) target(%arg9 : memref<64x128xf32, #tpu.memory_space<vmem>>) target_semaphore(%run_scoped3A_269 : memref<!tpu.dma_semaphore, #tpu.memory_space<semaphore_mem>>)
      tpu.wait_dma2 semaphore(%run_scoped3A_269 : memref<!tpu.dma_semaphore, #tpu.memory_space<semaphore_mem>>) src(%arg4 : memref<64x128xf32, #tpu.memory_space<hbm>>) dst(%arg9 : memref<64x128xf32, #tpu.memory_space<vmem>>)
      tpu.yield
    }) : () -> ()
    %mul3A = arith.constant 2 : i32
    %mul3A_1 = arith.muli %arg0, %mul3A : i32
    %add3A = arith.constant 0 : i32
    %add3A_2 = arith.addi %mul3A_1, %add3A : i32
    %mul3A_3 = arith.constant 640 : i32
    %mul3A_4 = arith.muli %arg1, %mul3A_3 : i32
    %add3A_5 = arith.constant 0 : i32
    %add3A_6 = arith.addi %mul3A_4, %add3A_5 : i32
    %dma_start3A = arith.constant 0 : i32
    %dma_start3A_7 = tpu.memref_slice %arg11[%add3A_6, %dma_start3A] : memref<10240x128xf32, #tpu.memory_space<vmem_shared>> -> memref<64x128xf32, #tpu.memory_space<vmem_shared>>
    %dma_start3A_8 = arith.constant 0 : i32
    %dma_start3A_9 = tpu.memref_slice %arg11[%add3A_6, %dma_start3A_8] : memref<10240x128xf32, #tpu.memory_space<vmem_shared>> -> memref<64x128xf32, #tpu.memory_space<vmem_shared>>
    tpu.enqueue_dma source(%arg9 : memref<64x128xf32, #tpu.memory_space<vmem>>) target(%dma_start3A_9 : memref<64x128xf32, #tpu.memory_space<vmem_shared>>) target_semaphore(%arg10 : memref<!tpu.dma_semaphore, #tpu.memory_space<semaphore_mem>>)
    %mul3A_10 = arith.constant 640 : i32
    %mul3A_11 = arith.muli %arg1, %mul3A_10 : i32
    %add3A_12 = arith.constant 64 : i32
    %add3A_13 = arith.addi %mul3A_11, %add3A_12 : i32
    %dma_start3A_14 = arith.constant 0 : i32
    %dma_start3A_15 = tpu.memref_slice %arg11[%add3A_13, %dma_start3A_14] : memref<10240x128xf32, #tpu.memory_space<vmem_shared>> -> memref<64x128xf32, #tpu.memory_space<vmem_shared>>
    %dma_start3A_16 = arith.constant 0 : i32
    %dma_start3A_17 = tpu.memref_slice %arg11[%add3A_13, %dma_start3A_16] : memref<10240x128xf32, #tpu.memory_space<vmem_shared>> -> memref<64x128xf32, #tpu.memory_space<vmem_shared>>
    tpu.enqueue_dma source(%arg9 : memref<64x128xf32, #tpu.memory_space<vmem>>) target(%dma_start3A_17 : memref<64x128xf32, #tpu.memory_space<vmem_shared>>) target_semaphore(%arg10 : memref<!tpu.dma_semaphore, #tpu.memory_space<semaphore_mem>>)
    %mul3A_18 = arith.constant 640 : i32
    %mul3A_19 = arith.muli %arg1, %mul3A_18 : i32
    %add3A_20 = arith.constant 128 : i32
    %add3A_21 = arith.addi %mul3A_19, %add3A_20 : i32
    %dma_start3A_22 = arith.constant 0 : i32
    %dma_start3A_23 = tpu.memref_slice %arg11[%add3A_21, %dma_start3A_22] : memref<10240x128xf32, #tpu.memory_space<vmem_shared>> -> memref<64x128xf32, #tpu.memory_space<vmem_shared>>
    %dma_start3A_24 = arith.constant 0 : i32
    %dma_start3A_25 = tpu.memref_slice %arg11[%add3A_21, %dma_start3A_24] : memref<10240x128xf32, #tpu.memory_space<vmem_shared>> -> memref<64x128xf32, #tpu.memory_space<vmem_shared>>
    tpu.enqueue_dma source(%arg9 : memref<64x128xf32, #tpu.memory_space<vmem>>) target(%dma_start3A_25 : memref<64x128xf32, #tpu.memory_space<vmem_shared>>) target_semaphore(%arg10 : memref<!tpu.dma_semaphore, #tpu.memory_space<semaphore_mem>>)
    %mul3A_26 = arith.constant 640 : i32
    %mul3A_27 = arith.muli %arg1, %mul3A_26 : i32
    %add3A_28 = arith.constant 192 : i32
    %add3A_29 = arith.addi %mul3A_27, %add3A_28 : i32
    %dma_start3A_30 = arith.constant 0 : i32
    %dma_start3A_31 = tpu.memref_slice %arg11[%add3A_29, %dma_start3A_30] : memref<10240x128xf32, #tpu.memory_space<vmem_shared>> -> memref<64x128xf32, #tpu.memory_space<vmem_shared>>
    %dma_start3A_32 = arith.constant 0 : i32
    %dma_start3A_33 = tpu.memref_slice %arg11[%add3A_29, %dma_start3A_32] : memref<10240x128xf32, #tpu.memory_space<vmem_shared>> -> memref<64x128xf32, #tpu.memory_space<vmem_shared>>
    tpu.enqueue_dma source(%arg9 : memref<64x128xf32, #tpu.memory_space<vmem>>) target(%dma_start3A_33 : memref<64x128xf32, #tpu.memory_space<vmem_shared>>) target_semaphore(%arg10 : memref<!tpu.dma_semaphore, #tpu.memory_space<semaphore_mem>>)
    %mul3A_34 = arith.constant 640 : i32
    %mul3A_35 = arith.muli %arg1, %mul3A_34 : i32
    %add3A_36 = arith.constant 256 : i32
    %add3A_37 = arith.addi %mul3A_35, %add3A_36 : i32
    %dma_start3A_38 = arith.constant 0 : i32
    %dma_start3A_39 = tpu.memref_slice %arg11[%add3A_37, %dma_start3A_38] : memref<10240x128xf32, #tpu.memory_space<vmem_shared>> -> memref<64x128xf32, #tpu.memory_space<vmem_shared>>
    %dma_start3A_40 = arith.constant 0 : i32
    %dma_start3A_41 = tpu.memref_slice %arg11[%add3A_37, %dma_start3A_40] : memref<10240x128xf32, #tpu.memory_space<vmem_shared>> -> memref<64x128xf32, #tpu.memory_space<vmem_shared>>
    tpu.enqueue_dma source(%arg9 : memref<64x128xf32, #tpu.memory_space<vmem>>) target(%dma_start3A_41 : memref<64x128xf32, #tpu.memory_space<vmem_shared>>) target_semaphore(%arg10 : memref<!tpu.dma_semaphore, #tpu.memory_space<semaphore_mem>>)
    %mul3A_42 = arith.constant 640 : i32
    %mul3A_43 = arith.muli %arg1, %mul3A_42 : i32
    %add3A_44 = arith.constant 320 : i32
    %add3A_45 = arith.addi %mul3A_43, %add3A_44 : i32
    %dma_start3A_46 = arith.constant 0 : i32
    %dma_start3A_47 = tpu.memref_slice %arg11[%add3A_45, %dma_start3A_46] : memref<10240x128xf32, #tpu.memory_space<vmem_shared>> -> memref<64x128xf32, #tpu.memory_space<vmem_shared>>
    %dma_start3A_48 = arith.constant 0 : i32
    %dma_start3A_49 = tpu.memref_slice %arg11[%add3A_45, %dma_start3A_48] : memref<10240x128xf32, #tpu.memory_space<vmem_shared>> -> memref<64x128xf32, #tpu.memory_space<vmem_shared>>
    tpu.enqueue_dma source(%arg9 : memref<64x128xf32, #tpu.memory_space<vmem>>) target(%dma_start3A_49 : memref<64x128xf32, #tpu.memory_space<vmem_shared>>) target_semaphore(%arg10 : memref<!tpu.dma_semaphore, #tpu.memory_space<semaphore_mem>>)
    %mul3A_50 = arith.constant 640 : i32
    %mul3A_51 = arith.muli %arg1, %mul3A_50 : i32
    %add3A_52 = arith.constant 384 : i32
    %add3A_53 = arith.addi %mul3A_51, %add3A_52 : i32
    %dma_start3A_54 = arith.constant 0 : i32
    %dma_start3A_55 = tpu.memref_slice %arg11[%add3A_53, %dma_start3A_54] : memref<10240x128xf32, #tpu.memory_space<vmem_shared>> -> memref<64x128xf32, #tpu.memory_space<vmem_shared>>
    %dma_start3A_56 = arith.constant 0 : i32
    %dma_start3A_57 = tpu.memref_slice %arg11[%add3A_53, %dma_start3A_56] : memref<10240x128xf32, #tpu.memory_space<vmem_shared>> -> memref<64x128xf32, #tpu.memory_space<vmem_shared>>
    tpu.enqueue_dma source(%arg9 : memref<64x128xf32, #tpu.memory_space<vmem>>) target(%dma_start3A_57 : memref<64x128xf32, #tpu.memory_space<vmem_shared>>) target_semaphore(%arg10 : memref<!tpu.dma_semaphore, #tpu.memory_space<semaphore_mem>>)
    %mul3A_58 = arith.constant 640 : i32
    %mul3A_59 = arith.muli %arg1, %mul3A_58 : i32
    %add3A_60 = arith.constant 448 : i32
    %add3A_61 = arith.addi %mul3A_59, %add3A_60 : i32
    %dma_start3A_62 = arith.constant 0 : i32
    %dma_start3A_63 = tpu.memref_slice %arg11[%add3A_61, %dma_start3A_62] : memref<10240x128xf32, #tpu.memory_space<vmem_shared>> -> memref<64x128xf32, #tpu.memory_space<vmem_shared>>
    %dma_start3A_64 = arith.constant 0 : i32
    %dma_start3A_65 = tpu.memref_slice %arg11[%add3A_61, %dma_start3A_64] : memref<10240x128xf32, #tpu.memory_space<vmem_shared>> -> memref<64x128xf32, #tpu.memory_space<vmem_shared>>
    tpu.enqueue_dma source(%arg9 : memref<64x128xf32, #tpu.memory_space<vmem>>) target(%dma_start3A_65 : memref<64x128xf32, #tpu.memory_space<vmem_shared>>) target_semaphore(%arg10 : memref<!tpu.dma_semaphore, #tpu.memory_space<semaphore_mem>>)
    %mul3A_66 = arith.constant 640 : i32
    %mul3A_67 = arith.muli %arg1, %mul3A_66 : i32
    %add3A_68 = arith.constant 512 : i32
    %add3A_69 = arith.addi %mul3A_67, %add3A_68 : i32
    %dma_start3A_70 = arith.constant 0 : i32
    %dma_start3A_71 = tpu.memref_slice %arg11[%add3A_69, %dma_start3A_70] : memref<10240x128xf32, #tpu.memory_space<vmem_shared>> -> memref<64x128xf32, #tpu.memory_space<vmem_shared>>
    %dma_start3A_72 = arith.constant 0 : i32
    %dma_start3A_73 = tpu.memref_slice %arg11[%add3A_69, %dma_start3A_72] : memref<10240x128xf32, #tpu.memory_space<vmem_shared>> -> memref<64x128xf32, #tpu.memory_space<vmem_shared>>
    tpu.enqueue_dma source(%arg9 : memref<64x128xf32, #tpu.memory_space<vmem>>) target(%dma_start3A_73 : memref<64x128xf32, #tpu.memory_space<vmem_shared>>) target_semaphore(%arg10 : memref<!tpu.dma_semaphore, #tpu.memory_space<semaphore_mem>>)
    %mul3A_74 = arith.constant 640 : i32
    %mul3A_75 = arith.muli %arg1, %mul3A_74 : i32
    %add3A_76 = arith.constant 576 : i32
    %add3A_77 = arith.addi %mul3A_75, %add3A_76 : i32
    %dma_start3A_78 = arith.constant 0 : i32
    %dma_start3A_79 = tpu.memref_slice %arg11[%add3A_77, %dma_start3A_78] : memref<10240x128xf32, #tpu.memory_space<vmem_shared>> -> memref<64x128xf32, #tpu.memory_space<vmem_shared>>
    %dma_start3A_80 = arith.constant 0 : i32
    %dma_start3A_81 = tpu.memref_slice %arg11[%add3A_77, %dma_start3A_80] : memref<10240x128xf32, #tpu.memory_space<vmem_shared>> -> memref<64x128xf32, #tpu.memory_space<vmem_shared>>
    tpu.enqueue_dma source(%arg9 : memref<64x128xf32, #tpu.memory_space<vmem>>) target(%dma_start3A_81 : memref<64x128xf32, #tpu.memory_space<vmem_shared>>) target_semaphore(%arg10 : memref<!tpu.dma_semaphore, #tpu.memory_space<semaphore_mem>>)
    %dma_wait3A = arith.constant 0 : i32
    %dma_wait3A_82 = tpu.memref_slice %arg11[%add3A_6, %dma_wait3A] : memref<10240x128xf32, #tpu.memory_space<vmem_shared>> -> memref<64x128xf32, #tpu.memory_space<vmem_shared>>
    %dma_wait3A_83 = arith.constant 0 : i32
    %dma_wait3A_84 = tpu.memref_slice %arg11[%add3A_6, %dma_wait3A_83] : memref<10240x128xf32, #tpu.memory_space<vmem_shared>> -> memref<64x128xf32, #tpu.memory_space<vmem_shared>>
    tpu.wait_dma2 semaphore(%arg10 : memref<!tpu.dma_semaphore, #tpu.memory_space<semaphore_mem>>) src(%arg9 : memref<64x128xf32, #tpu.memory_space<vmem>>) dst(%dma_wait3A_84 : memref<64x128xf32, #tpu.memory_space<vmem_shared>>)
    %dma_wait3A_85 = arith.constant 0 : i32
    %dma_wait3A_86 = tpu.memref_slice %arg11[%add3A_13, %dma_wait3A_85] : memref<10240x128xf32, #tpu.memory_space<vmem_shared>> -> memref<64x128xf32, #tpu.memory_space<vmem_shared>>
    %dma_wait3A_87 = arith.constant 0 : i32
    %dma_wait3A_88 = tpu.memref_slice %arg11[%add3A_13, %dma_wait3A_87] : memref<10240x128xf32, #tpu.memory_space<vmem_shared>> -> memref<64x128xf32, #tpu.memory_space<vmem_shared>>
    tpu.wait_dma2 semaphore(%arg10 : memref<!tpu.dma_semaphore, #tpu.memory_space<semaphore_mem>>) src(%arg9 : memref<64x128xf32, #tpu.memory_space<vmem>>) dst(%dma_wait3A_88 : memref<64x128xf32, #tpu.memory_space<vmem_shared>>)
    %dma_wait3A_89 = arith.constant 0 : i32
    %dma_wait3A_90 = tpu.memref_slice %arg11[%add3A_21, %dma_wait3A_89] : memref<10240x128xf32, #tpu.memory_space<vmem_shared>> -> memref<64x128xf32, #tpu.memory_space<vmem_shared>>
    %dma_wait3A_91 = arith.constant 0 : i32
    %dma_wait3A_92 = tpu.memref_slice %arg11[%add3A_21, %dma_wait3A_91] : memref<10240x128xf32, #tpu.memory_space<vmem_shared>> -> memref<64x128xf32, #tpu.memory_space<vmem_shared>>
    tpu.wait_dma2 semaphore(%arg10 : memref<!tpu.dma_semaphore, #tpu.memory_space<semaphore_mem>>) src(%arg9 : memref<64x128xf32, #tpu.memory_space<vmem>>) dst(%dma_wait3A_92 : memref<64x128xf32, #tpu.memory_space<vmem_shared>>)
    %dma_wait3A_93 = arith.constant 0 : i32
    %dma_wait3A_94 = tpu.memref_slice %arg11[%add3A_29, %dma_wait3A_93] : memref<10240x128xf32, #tpu.memory_space<vmem_shared>> -> memref<64x128xf32, #tpu.memory_space<vmem_shared>>
    %dma_wait3A_95 = arith.constant 0 : i32
    %dma_wait3A_96 = tpu.memref_slice %arg11[%add3A_29, %dma_wait3A_95] : memref<10240x128xf32, #tpu.memory_space<vmem_shared>> -> memref<64x128xf32, #tpu.memory_space<vmem_shared>>
    tpu.wait_dma2 semaphore(%arg10 : memref<!tpu.dma_semaphore, #tpu.memory_space<semaphore_mem>>) src(%arg9 : memref<64x128xf32, #tpu.memory_space<vmem>>) dst(%dma_wait3A_96 : memref<64x128xf32, #tpu.memory_space<vmem_shared>>)
    %dma_wait3A_97 = arith.constant 0 : i32
    %dma_wait3A_98 = tpu.memref_slice %arg11[%add3A_37, %dma_wait3A_97] : memref<10240x128xf32, #tpu.memory_space<vmem_shared>> -> memref<64x128xf32, #tpu.memory_space<vmem_shared>>
    %dma_wait3A_99 = arith.constant 0 : i32
    %dma_wait3A_100 = tpu.memref_slice %arg11[%add3A_37, %dma_wait3A_99] : memref<10240x128xf32, #tpu.memory_space<vmem_shared>> -> memref<64x128xf32, #tpu.memory_space<vmem_shared>>
    tpu.wait_dma2 semaphore(%arg10 : memref<!tpu.dma_semaphore, #tpu.memory_space<semaphore_mem>>) src(%arg9 : memref<64x128xf32, #tpu.memory_space<vmem>>) dst(%dma_wait3A_100 : memref<64x128xf32, #tpu.memory_space<vmem_shared>>)
    %dma_wait3A_101 = arith.constant 0 : i32
    %dma_wait3A_102 = tpu.memref_slice %arg11[%add3A_45, %dma_wait3A_101] : memref<10240x128xf32, #tpu.memory_space<vmem_shared>> -> memref<64x128xf32, #tpu.memory_space<vmem_shared>>
    %dma_wait3A_103 = arith.constant 0 : i32
    %dma_wait3A_104 = tpu.memref_slice %arg11[%add3A_45, %dma_wait3A_103] : memref<10240x128xf32, #tpu.memory_space<vmem_shared>> -> memref<64x128xf32, #tpu.memory_space<vmem_shared>>
    tpu.wait_dma2 semaphore(%arg10 : memref<!tpu.dma_semaphore, #tpu.memory_space<semaphore_mem>>) src(%arg9 : memref<64x128xf32, #tpu.memory_space<vmem>>) dst(%dma_wait3A_104 : memref<64x128xf32, #tpu.memory_space<vmem_shared>>)
    %dma_wait3A_105 = arith.constant 0 : i32
    %dma_wait3A_106 = tpu.memref_slice %arg11[%add3A_53, %dma_wait3A_105] : memref<10240x128xf32, #tpu.memory_space<vmem_shared>> -> memref<64x128xf32, #tpu.memory_space<vmem_shared>>
    %dma_wait3A_107 = arith.constant 0 : i32
    %dma_wait3A_108 = tpu.memref_slice %arg11[%add3A_53, %dma_wait3A_107] : memref<10240x128xf32, #tpu.memory_space<vmem_shared>> -> memref<64x128xf32, #tpu.memory_space<vmem_shared>>
    tpu.wait_dma2 semaphore(%arg10 : memref<!tpu.dma_semaphore, #tpu.memory_space<semaphore_mem>>) src(%arg9 : memref<64x128xf32, #tpu.memory_space<vmem>>) dst(%dma_wait3A_108 : memref<64x128xf32, #tpu.memory_space<vmem_shared>>)
    %dma_wait3A_109 = arith.constant 0 : i32
    %dma_wait3A_110 = tpu.memref_slice %arg11[%add3A_61, %dma_wait3A_109] : memref<10240x128xf32, #tpu.memory_space<vmem_shared>> -> memref<64x128xf32, #tpu.memory_space<vmem_shared>>
    %dma_wait3A_111 = arith.constant 0 : i32
    %dma_wait3A_112 = tpu.memref_slice %arg11[%add3A_61, %dma_wait3A_111] : memref<10240x128xf32, #tpu.memory_space<vmem_shared>> -> memref<64x128xf32, #tpu.memory_space<vmem_shared>>
    tpu.wait_dma2 semaphore(%arg10 : memref<!tpu.dma_semaphore, #tpu.memory_space<semaphore_mem>>) src(%arg9 : memref<64x128xf32, #tpu.memory_space<vmem>>) dst(%dma_wait3A_112 : memref<64x128xf32, #tpu.memory_space<vmem_shared>>)
    %dma_wait3A_113 = arith.constant 0 : i32
    %dma_wait3A_114 = tpu.memref_slice %arg11[%add3A_69, %dma_wait3A_113] : memref<10240x128xf32, #tpu.memory_space<vmem_shared>> -> memref<64x128xf32, #tpu.memory_space<vmem_shared>>
    %dma_wait3A_115 = arith.constant 0 : i32
    %dma_wait3A_116 = tpu.memref_slice %arg11[%add3A_69, %dma_wait3A_115] : memref<10240x128xf32, #tpu.memory_space<vmem_shared>> -> memref<64x128xf32, #tpu.memory_space<vmem_shared>>
    tpu.wait_dma2 semaphore(%arg10 : memref<!tpu.dma_semaphore, #tpu.memory_space<semaphore_mem>>) src(%arg9 : memref<64x128xf32, #tpu.memory_space<vmem>>) dst(%dma_wait3A_116 : memref<64x128xf32, #tpu.memory_space<vmem_shared>>)
    %dma_wait3A_117 = arith.constant 0 : i32
    %dma_wait3A_118 = tpu.memref_slice %arg11[%add3A_77, %dma_wait3A_117] : memref<10240x128xf32, #tpu.memory_space<vmem_shared>> -> memref<64x128xf32, #tpu.memory_space<vmem_shared>>
    %dma_wait3A_119 = arith.constant 0 : i32
    %dma_wait3A_120 = tpu.memref_slice %arg11[%add3A_77, %dma_wait3A_119] : memref<10240x128xf32, #tpu.memory_space<vmem_shared>> -> memref<64x128xf32, #tpu.memory_space<vmem_shared>>
    tpu.wait_dma2 semaphore(%arg10 : memref<!tpu.dma_semaphore, #tpu.memory_space<semaphore_mem>>) src(%arg9 : memref<64x128xf32, #tpu.memory_space<vmem>>) dst(%dma_wait3A_120 : memref<64x128xf32, #tpu.memory_space<vmem_shared>>)
    %barrier3A = arith.constant 0 : index
    tpu.barrier barrier_id(%barrier3A)
    %scan3A = arith.constant 0 : i32
    %scan3A_121 = arith.constant 0 : i32
    %scan3A_122 = arith.constant 79 : i32
    %scan3A_123 = arith.addi %scan3A_121, %scan3A_122 : i32
    %scan3A_124 = arith.constant 1 : i32
    scf.for %scan3A_269 = %scan3A_121 to %scan3A_123 step %scan3A_124  : i32 {
      "tpu.region"() ({
        %run_scoped3A_270 = tpu.sem_alloc : memref<!tpu.dma_semaphore, #tpu.memory_space<semaphore_mem>>
        %dma_start3A_271 = arith.constant 0 : i32
        %dma_start3A_272 = tpu.memref_slice %arg6[%scan3A_269, %dma_start3A_271] : memref<79x128xi32, #tpu.memory_space<vmem>> -> memref<1x128xi32, #tpu.memory_space<vmem>>
        %dma_start3A_273 = tpu.memref_squeeze %dma_start3A_272 : memref<1x128xi32, #tpu.memory_space<vmem>> -> memref<128xi32, #tpu.memory_space<vmem>>
        %dma_start3A_274 = arith.constant 0 : i32
        %dma_start3A_275 = arith.constant 0 : i32
        %dma_start3A_276 = tpu.memref_slice %arg2[%add3A_2, %dma_start3A_274, %dma_start3A_275] : memref<4x10240x128xf32, #tpu.memory_space<hbm>> -> memref<1x10240x128xf32, #tpu.memory_space<hbm>>
        %dma_start3A_277 = tpu.memref_squeeze %dma_start3A_276 : memref<1x10240x128xf32, #tpu.memory_space<hbm>> -> memref<10240x128xf32, #tpu.memory_space<hbm>>
        %dma_start3A_278 = arith.constant 0 : i32
        %dma_start3A_279 = arith.constant 0 : i32
        %dma_start3A_280 = tpu.memref_slice %dma_start3A_277[%dma_start3A_278, %dma_start3A_279] : memref<10240x128xf32, #tpu.memory_space<hbm>> -> memref<10240x128xf32, #tpu.memory_space<hbm>>
        tpu.enqueue_indirect_dma source(%dma_start3A_280 : memref<10240x128xf32, #tpu.memory_space<hbm>>) target(%arg8 : memref<128x128xf32, #tpu.memory_space<vmem>>) offsets(%dma_start3A_273 : memref<128xi32, #tpu.memory_space<vmem>>) semaphore(%run_scoped3A_270 : memref<!tpu.dma_semaphore, #tpu.memory_space<semaphore_mem>>)
        %dma_wait3A_281 = arith.constant 0 : i32
        %dma_wait3A_282 = tpu.memref_slice %arg6[%scan3A_269, %dma_wait3A_281] : memref<79x128xi32, #tpu.memory_space<vmem>> -> memref<1x128xi32, #tpu.memory_space<vmem>>
        %dma_wait3A_283 = tpu.memref_squeeze %dma_wait3A_282 : memref<1x128xi32, #tpu.memory_space<vmem>> -> memref<128xi32, #tpu.memory_space<vmem>>
        %dma_wait3A_284 = arith.constant 0 : i32
        %dma_wait3A_285 = arith.constant 0 : i32
        %dma_wait3A_286 = tpu.memref_slice %arg2[%add3A_2, %dma_wait3A_284, %dma_wait3A_285] : memref<4x10240x128xf32, #tpu.memory_space<hbm>> -> memref<1x10240x128xf32, #tpu.memory_space<hbm>>
        %dma_wait3A_287 = tpu.memref_squeeze %dma_wait3A_286 : memref<1x10240x128xf32, #tpu.memory_space<hbm>> -> memref<10240x128xf32, #tpu.memory_space<hbm>>
        %dma_wait3A_288 = arith.constant 0 : i32
        %dma_wait3A_289 = arith.constant 0 : i32
        %dma_wait3A_290 = tpu.memref_slice %dma_wait3A_287[%dma_wait3A_288, %dma_wait3A_289] : memref<10240x128xf32, #tpu.memory_space<hbm>> -> memref<10240x128xf32, #tpu.memory_space<hbm>>
        tpu.wait_indirect_dma semaphore(%run_scoped3A_270 : memref<!tpu.dma_semaphore, #tpu.memory_space<semaphore_mem>>) src(%dma_wait3A_290 : memref<10240x128xf32, #tpu.memory_space<hbm>>) dst(%arg8 : memref<128x128xf32, #tpu.memory_space<vmem>>)
        tpu.yield
      }) : () -> ()
      "tpu.region"() ({
        %run_scoped3A_270 = tpu.sem_alloc : memref<!tpu.dma_semaphore, #tpu.memory_space<semaphore_mem>>
        %dma_start3A_271 = arith.constant 0 : i32
        %dma_start3A_272 = tpu.memref_slice %arg7[%scan3A_269, %dma_start3A_271] : memref<79x128xi32, #tpu.memory_space<vmem>> -> memref<1x128xi32, #tpu.memory_space<vmem>>
        %dma_start3A_273 = tpu.memref_squeeze %dma_start3A_272 : memref<1x128xi32, #tpu.memory_space<vmem>> -> memref<128xi32, #tpu.memory_space<vmem>>
        %dma_start3A_274 = arith.constant 0 : i32
        %dma_start3A_275 = arith.constant 0 : i32
        %dma_start3A_276 = tpu.memref_slice %arg11[%dma_start3A_274, %dma_start3A_275] : memref<10240x128xf32, #tpu.memory_space<vmem_shared>> -> memref<10240x128xf32, #tpu.memory_space<vmem_shared>>
        tpu.enqueue_indirect_dma source(%arg8 : memref<128x128xf32, #tpu.memory_space<vmem>>) target(%dma_start3A_276 : memref<10240x128xf32, #tpu.memory_space<vmem_shared>>) offsets(%dma_start3A_273 : memref<128xi32, #tpu.memory_space<vmem>>) semaphore(%run_scoped3A_270 : memref<!tpu.dma_semaphore, #tpu.memory_space<semaphore_mem>>) {add = true}
        %dma_wait3A_277 = arith.constant 0 : i32
        %dma_wait3A_278 = tpu.memref_slice %arg7[%scan3A_269, %dma_wait3A_277] : memref<79x128xi32, #tpu.memory_space<vmem>> -> memref<1x128xi32, #tpu.memory_space<vmem>>
        %dma_wait3A_279 = tpu.memref_squeeze %dma_wait3A_278 : memref<1x128xi32, #tpu.memory_space<vmem>> -> memref<128xi32, #tpu.memory_space<vmem>>
        %dma_wait3A_280 = arith.constant 0 : i32
        %dma_wait3A_281 = arith.constant 0 : i32
        %dma_wait3A_282 = tpu.memref_slice %arg11[%dma_wait3A_280, %dma_wait3A_281] : memref<10240x128xf32, #tpu.memory_space<vmem_shared>> -> memref<10240x128xf32, #tpu.memory_space<vmem_shared>>
        tpu.wait_indirect_dma semaphore(%run_scoped3A_270 : memref<!tpu.dma_semaphore, #tpu.memory_space<semaphore_mem>>) src(%arg8 : memref<128x128xf32, #tpu.memory_space<vmem>>) dst(%dma_wait3A_282 : memref<10240x128xf32, #tpu.memory_space<vmem_shared>>)
        tpu.yield
      }) : () -> ()
    }
    %scan3A_125 = arith.constant 79 : i32
    %barrier3A_126 = arith.constant 0 : index
    tpu.barrier barrier_id(%barrier3A_126)
    %mul3A_127 = arith.constant 640 : i32
    %mul3A_128 = arith.muli %arg1, %mul3A_127 : i32
    %mul3A_129 = arith.constant 640 : i32
    %mul3A_130 = arith.muli %arg1, %mul3A_129 : i32
    "tpu.region"() ({
      %run_scoped3A_269 = tpu.sem_alloc : memref<!tpu.dma_semaphore, #tpu.memory_space<semaphore_mem>>
      %dma_start3A_270 = arith.constant 0 : i32
      %dma_start3A_271 = arith.constant 0 : i32
      %dma_start3A_272 = tpu.memref_slice %arg5[%add3A_2, %dma_start3A_270, %dma_start3A_271] : memref<4x10240x128xf32, #tpu.memory_space<hbm>> -> memref<1x10240x128xf32, #tpu.memory_space<hbm>>
      %dma_start3A_273 = tpu.memref_squeeze %dma_start3A_272 : memref<1x10240x128xf32, #tpu.memory_space<hbm>> -> memref<10240x128xf32, #tpu.memory_space<hbm>>
      %dma_start3A_274 = arith.constant 0 : i32
      %dma_start3A_275 = tpu.memref_slice %dma_start3A_273[%mul3A_130, %dma_start3A_274] : memref<10240x128xf32, #tpu.memory_space<hbm>> -> memref<640x128xf32, #tpu.memory_space<hbm>>
      %dma_start3A_276 = arith.constant 0 : i32
      %dma_start3A_277 = tpu.memref_slice %arg11[%mul3A_128, %dma_start3A_276] : memref<10240x128xf32, #tpu.memory_space<vmem_shared>> -> memref<640x128xf32, #tpu.memory_space<vmem_shared>>
      tpu.enqueue_dma source(%dma_start3A_277 : memref<640x128xf32, #tpu.memory_space<vmem_shared>>) target(%dma_start3A_275 : memref<640x128xf32, #tpu.memory_space<hbm>>) target_semaphore(%run_scoped3A_269 : memref<!tpu.dma_semaphore, #tpu.memory_space<semaphore_mem>>)
      %dma_wait3A_278 = arith.constant 0 : i32
      %dma_wait3A_279 = arith.constant 0 : i32
      %dma_wait3A_280 = tpu.memref_slice %arg5[%add3A_2, %dma_wait3A_278, %dma_wait3A_279] : memref<4x10240x128xf32, #tpu.memory_space<hbm>> -> memref<1x10240x128xf32, #tpu.memory_space<hbm>>
      %dma_wait3A_281 = tpu.memref_squeeze %dma_wait3A_280 : memref<1x10240x128xf32, #tpu.memory_space<hbm>> -> memref<10240x128xf32, #tpu.memory_space<hbm>>
      %dma_wait3A_282 = arith.constant 0 : i32
      %dma_wait3A_283 = tpu.memref_slice %dma_wait3A_281[%mul3A_130, %dma_wait3A_282] : memref<10240x128xf32, #tpu.memory_space<hbm>> -> memref<640x128xf32, #tpu.memory_space<hbm>>
      %dma_wait3A_284 = arith.constant 0 : i32
      %dma_wait3A_285 = tpu.memref_slice %arg11[%mul3A_128, %dma_wait3A_284] : memref<10240x128xf32, #tpu.memory_space<vmem_shared>> -> memref<640x128xf32, #tpu.memory_space<vmem_shared>>
      tpu.wait_dma2 semaphore(%run_scoped3A_269 : memref<!tpu.dma_semaphore, #tpu.memory_space<semaphore_mem>>) src(%dma_wait3A_285 : memref<640x128xf32, #tpu.memory_space<vmem_shared>>) dst(%dma_wait3A_283 : memref<640x128xf32, #tpu.memory_space<hbm>>)
      tpu.yield
    }) : () -> ()
    %barrier3A_131 = arith.constant 0 : index
    tpu.barrier barrier_id(%barrier3A_131)
    %mul3A_132 = arith.constant 2 : i32
    %mul3A_133 = arith.muli %arg0, %mul3A_132 : i32
    %add3A_134 = arith.constant 1 : i32
    %add3A_135 = arith.addi %mul3A_133, %add3A_134 : i32
    %mul3A_136 = arith.constant 640 : i32
    %mul3A_137 = arith.muli %arg1, %mul3A_136 : i32
    %add3A_138 = arith.constant 0 : i32
    %add3A_139 = arith.addi %mul3A_137, %add3A_138 : i32
    %dma_start3A_140 = arith.constant 0 : i32
    %dma_start3A_141 = tpu.memref_slice %arg11[%add3A_139, %dma_start3A_140] : memref<10240x128xf32, #tpu.memory_space<vmem_shared>> -> memref<64x128xf32, #tpu.memory_space<vmem_shared>>
    %dma_start3A_142 = arith.constant 0 : i32
    %dma_start3A_143 = tpu.memref_slice %arg11[%add3A_139, %dma_start3A_142] : memref<10240x128xf32, #tpu.memory_space<vmem_shared>> -> memref<64x128xf32, #tpu.memory_space<vmem_shared>>
    tpu.enqueue_dma source(%arg9 : memref<64x128xf32, #tpu.memory_space<vmem>>) target(%dma_start3A_143 : memref<64x128xf32, #tpu.memory_space<vmem_shared>>) target_semaphore(%arg10 : memref<!tpu.dma_semaphore, #tpu.memory_space<semaphore_mem>>)
    %mul3A_144 = arith.constant 640 : i32
    %mul3A_145 = arith.muli %arg1, %mul3A_144 : i32
    %add3A_146 = arith.constant 64 : i32
    %add3A_147 = arith.addi %mul3A_145, %add3A_146 : i32
    %dma_start3A_148 = arith.constant 0 : i32
    %dma_start3A_149 = tpu.memref_slice %arg11[%add3A_147, %dma_start3A_148] : memref<10240x128xf32, #tpu.memory_space<vmem_shared>> -> memref<64x128xf32, #tpu.memory_space<vmem_shared>>
    %dma_start3A_150 = arith.constant 0 : i32
    %dma_start3A_151 = tpu.memref_slice %arg11[%add3A_147, %dma_start3A_150] : memref<10240x128xf32, #tpu.memory_space<vmem_shared>> -> memref<64x128xf32, #tpu.memory_space<vmem_shared>>
    tpu.enqueue_dma source(%arg9 : memref<64x128xf32, #tpu.memory_space<vmem>>) target(%dma_start3A_151 : memref<64x128xf32, #tpu.memory_space<vmem_shared>>) target_semaphore(%arg10 : memref<!tpu.dma_semaphore, #tpu.memory_space<semaphore_mem>>)
    %mul3A_152 = arith.constant 640 : i32
    %mul3A_153 = arith.muli %arg1, %mul3A_152 : i32
    %add3A_154 = arith.constant 128 : i32
    %add3A_155 = arith.addi %mul3A_153, %add3A_154 : i32
    %dma_start3A_156 = arith.constant 0 : i32
    %dma_start3A_157 = tpu.memref_slice %arg11[%add3A_155, %dma_start3A_156] : memref<10240x128xf32, #tpu.memory_space<vmem_shared>> -> memref<64x128xf32, #tpu.memory_space<vmem_shared>>
    %dma_start3A_158 = arith.constant 0 : i32
    %dma_start3A_159 = tpu.memref_slice %arg11[%add3A_155, %dma_start3A_158] : memref<10240x128xf32, #tpu.memory_space<vmem_shared>> -> memref<64x128xf32, #tpu.memory_space<vmem_shared>>
    tpu.enqueue_dma source(%arg9 : memref<64x128xf32, #tpu.memory_space<vmem>>) target(%dma_start3A_159 : memref<64x128xf32, #tpu.memory_space<vmem_shared>>) target_semaphore(%arg10 : memref<!tpu.dma_semaphore, #tpu.memory_space<semaphore_mem>>)
    %mul3A_160 = arith.constant 640 : i32
    %mul3A_161 = arith.muli %arg1, %mul3A_160 : i32
    %add3A_162 = arith.constant 192 : i32
    %add3A_163 = arith.addi %mul3A_161, %add3A_162 : i32
    %dma_start3A_164 = arith.constant 0 : i32
    %dma_start3A_165 = tpu.memref_slice %arg11[%add3A_163, %dma_start3A_164] : memref<10240x128xf32, #tpu.memory_space<vmem_shared>> -> memref<64x128xf32, #tpu.memory_space<vmem_shared>>
    %dma_start3A_166 = arith.constant 0 : i32
    %dma_start3A_167 = tpu.memref_slice %arg11[%add3A_163, %dma_start3A_166] : memref<10240x128xf32, #tpu.memory_space<vmem_shared>> -> memref<64x128xf32, #tpu.memory_space<vmem_shared>>
    tpu.enqueue_dma source(%arg9 : memref<64x128xf32, #tpu.memory_space<vmem>>) target(%dma_start3A_167 : memref<64x128xf32, #tpu.memory_space<vmem_shared>>) target_semaphore(%arg10 : memref<!tpu.dma_semaphore, #tpu.memory_space<semaphore_mem>>)
    %mul3A_168 = arith.constant 640 : i32
    %mul3A_169 = arith.muli %arg1, %mul3A_168 : i32
    %add3A_170 = arith.constant 256 : i32
    %add3A_171 = arith.addi %mul3A_169, %add3A_170 : i32
    %dma_start3A_172 = arith.constant 0 : i32
    %dma_start3A_173 = tpu.memref_slice %arg11[%add3A_171, %dma_start3A_172] : memref<10240x128xf32, #tpu.memory_space<vmem_shared>> -> memref<64x128xf32, #tpu.memory_space<vmem_shared>>
    %dma_start3A_174 = arith.constant 0 : i32
    %dma_start3A_175 = tpu.memref_slice %arg11[%add3A_171, %dma_start3A_174] : memref<10240x128xf32, #tpu.memory_space<vmem_shared>> -> memref<64x128xf32, #tpu.memory_space<vmem_shared>>
    tpu.enqueue_dma source(%arg9 : memref<64x128xf32, #tpu.memory_space<vmem>>) target(%dma_start3A_175 : memref<64x128xf32, #tpu.memory_space<vmem_shared>>) target_semaphore(%arg10 : memref<!tpu.dma_semaphore, #tpu.memory_space<semaphore_mem>>)
    %mul3A_176 = arith.constant 640 : i32
    %mul3A_177 = arith.muli %arg1, %mul3A_176 : i32
    %add3A_178 = arith.constant 320 : i32
    %add3A_179 = arith.addi %mul3A_177, %add3A_178 : i32
    %dma_start3A_180 = arith.constant 0 : i32
    %dma_start3A_181 = tpu.memref_slice %arg11[%add3A_179, %dma_start3A_180] : memref<10240x128xf32, #tpu.memory_space<vmem_shared>> -> memref<64x128xf32, #tpu.memory_space<vmem_shared>>
    %dma_start3A_182 = arith.constant 0 : i32
    %dma_start3A_183 = tpu.memref_slice %arg11[%add3A_179, %dma_start3A_182] : memref<10240x128xf32, #tpu.memory_space<vmem_shared>> -> memref<64x128xf32, #tpu.memory_space<vmem_shared>>
    tpu.enqueue_dma source(%arg9 : memref<64x128xf32, #tpu.memory_space<vmem>>) target(%dma_start3A_183 : memref<64x128xf32, #tpu.memory_space<vmem_shared>>) target_semaphore(%arg10 : memref<!tpu.dma_semaphore, #tpu.memory_space<semaphore_mem>>)
    %mul3A_184 = arith.constant 640 : i32
    %mul3A_185 = arith.muli %arg1, %mul3A_184 : i32
    %add3A_186 = arith.constant 384 : i32
    %add3A_187 = arith.addi %mul3A_185, %add3A_186 : i32
    %dma_start3A_188 = arith.constant 0 : i32
    %dma_start3A_189 = tpu.memref_slice %arg11[%add3A_187, %dma_start3A_188] : memref<10240x128xf32, #tpu.memory_space<vmem_shared>> -> memref<64x128xf32, #tpu.memory_space<vmem_shared>>
    %dma_start3A_190 = arith.constant 0 : i32
    %dma_start3A_191 = tpu.memref_slice %arg11[%add3A_187, %dma_start3A_190] : memref<10240x128xf32, #tpu.memory_space<vmem_shared>> -> memref<64x128xf32, #tpu.memory_space<vmem_shared>>
    tpu.enqueue_dma source(%arg9 : memref<64x128xf32, #tpu.memory_space<vmem>>) target(%dma_start3A_191 : memref<64x128xf32, #tpu.memory_space<vmem_shared>>) target_semaphore(%arg10 : memref<!tpu.dma_semaphore, #tpu.memory_space<semaphore_mem>>)
    %mul3A_192 = arith.constant 640 : i32
    %mul3A_193 = arith.muli %arg1, %mul3A_192 : i32
    %add3A_194 = arith.constant 448 : i32
    %add3A_195 = arith.addi %mul3A_193, %add3A_194 : i32
    %dma_start3A_196 = arith.constant 0 : i32
    %dma_start3A_197 = tpu.memref_slice %arg11[%add3A_195, %dma_start3A_196] : memref<10240x128xf32, #tpu.memory_space<vmem_shared>> -> memref<64x128xf32, #tpu.memory_space<vmem_shared>>
    %dma_start3A_198 = arith.constant 0 : i32
    %dma_start3A_199 = tpu.memref_slice %arg11[%add3A_195, %dma_start3A_198] : memref<10240x128xf32, #tpu.memory_space<vmem_shared>> -> memref<64x128xf32, #tpu.memory_space<vmem_shared>>
    tpu.enqueue_dma source(%arg9 : memref<64x128xf32, #tpu.memory_space<vmem>>) target(%dma_start3A_199 : memref<64x128xf32, #tpu.memory_space<vmem_shared>>) target_semaphore(%arg10 : memref<!tpu.dma_semaphore, #tpu.memory_space<semaphore_mem>>)
    %mul3A_200 = arith.constant 640 : i32
    %mul3A_201 = arith.muli %arg1, %mul3A_200 : i32
    %add3A_202 = arith.constant 512 : i32
    %add3A_203 = arith.addi %mul3A_201, %add3A_202 : i32
    %dma_start3A_204 = arith.constant 0 : i32
    %dma_start3A_205 = tpu.memref_slice %arg11[%add3A_203, %dma_start3A_204] : memref<10240x128xf32, #tpu.memory_space<vmem_shared>> -> memref<64x128xf32, #tpu.memory_space<vmem_shared>>
    %dma_start3A_206 = arith.constant 0 : i32
    %dma_start3A_207 = tpu.memref_slice %arg11[%add3A_203, %dma_start3A_206] : memref<10240x128xf32, #tpu.memory_space<vmem_shared>> -> memref<64x128xf32, #tpu.memory_space<vmem_shared>>
    tpu.enqueue_dma source(%arg9 : memref<64x128xf32, #tpu.memory_space<vmem>>) target(%dma_start3A_207 : memref<64x128xf32, #tpu.memory_space<vmem_shared>>) target_semaphore(%arg10 : memref<!tpu.dma_semaphore, #tpu.memory_space<semaphore_mem>>)
    %mul3A_208 = arith.constant 640 : i32
    %mul3A_209 = arith.muli %arg1, %mul3A_208 : i32
    %add3A_210 = arith.constant 576 : i32
    %add3A_211 = arith.addi %mul3A_209, %add3A_210 : i32
    %dma_start3A_212 = arith.constant 0 : i32
    %dma_start3A_213 = tpu.memref_slice %arg11[%add3A_211, %dma_start3A_212] : memref<10240x128xf32, #tpu.memory_space<vmem_shared>> -> memref<64x128xf32, #tpu.memory_space<vmem_shared>>
    %dma_start3A_214 = arith.constant 0 : i32
    %dma_start3A_215 = tpu.memref_slice %arg11[%add3A_211, %dma_start3A_214] : memref<10240x128xf32, #tpu.memory_space<vmem_shared>> -> memref<64x128xf32, #tpu.memory_space<vmem_shared>>
    tpu.enqueue_dma source(%arg9 : memref<64x128xf32, #tpu.memory_space<vmem>>) target(%dma_start3A_215 : memref<64x128xf32, #tpu.memory_space<vmem_shared>>) target_semaphore(%arg10 : memref<!tpu.dma_semaphore, #tpu.memory_space<semaphore_mem>>)
    %dma_wait3A_216 = arith.constant 0 : i32
    %dma_wait3A_217 = tpu.memref_slice %arg11[%add3A_139, %dma_wait3A_216] : memref<10240x128xf32, #tpu.memory_space<vmem_shared>> -> memref<64x128xf32, #tpu.memory_space<vmem_shared>>
    %dma_wait3A_218 = arith.constant 0 : i32
    %dma_wait3A_219 = tpu.memref_slice %arg11[%add3A_139, %dma_wait3A_218] : memref<10240x128xf32, #tpu.memory_space<vmem_shared>> -> memref<64x128xf32, #tpu.memory_space<vmem_shared>>
    tpu.wait_dma2 semaphore(%arg10 : memref<!tpu.dma_semaphore, #tpu.memory_space<semaphore_mem>>) src(%arg9 : memref<64x128xf32, #tpu.memory_space<vmem>>) dst(%dma_wait3A_219 : memref<64x128xf32, #tpu.memory_space<vmem_shared>>)
    %dma_wait3A_220 = arith.constant 0 : i32
    %dma_wait3A_221 = tpu.memref_slice %arg11[%add3A_147, %dma_wait3A_220] : memref<10240x128xf32, #tpu.memory_space<vmem_shared>> -> memref<64x128xf32, #tpu.memory_space<vmem_shared>>
    %dma_wait3A_222 = arith.constant 0 : i32
    %dma_wait3A_223 = tpu.memref_slice %arg11[%add3A_147, %dma_wait3A_222] : memref<10240x128xf32, #tpu.memory_space<vmem_shared>> -> memref<64x128xf32, #tpu.memory_space<vmem_shared>>
    tpu.wait_dma2 semaphore(%arg10 : memref<!tpu.dma_semaphore, #tpu.memory_space<semaphore_mem>>) src(%arg9 : memref<64x128xf32, #tpu.memory_space<vmem>>) dst(%dma_wait3A_223 : memref<64x128xf32, #tpu.memory_space<vmem_shared>>)
    %dma_wait3A_224 = arith.constant 0 : i32
    %dma_wait3A_225 = tpu.memref_slice %arg11[%add3A_155, %dma_wait3A_224] : memref<10240x128xf32, #tpu.memory_space<vmem_shared>> -> memref<64x128xf32, #tpu.memory_space<vmem_shared>>
    %dma_wait3A_226 = arith.constant 0 : i32
    %dma_wait3A_227 = tpu.memref_slice %arg11[%add3A_155, %dma_wait3A_226] : memref<10240x128xf32, #tpu.memory_space<vmem_shared>> -> memref<64x128xf32, #tpu.memory_space<vmem_shared>>
    tpu.wait_dma2 semaphore(%arg10 : memref<!tpu.dma_semaphore, #tpu.memory_space<semaphore_mem>>) src(%arg9 : memref<64x128xf32, #tpu.memory_space<vmem>>) dst(%dma_wait3A_227 : memref<64x128xf32, #tpu.memory_space<vmem_shared>>)
    %dma_wait3A_228 = arith.constant 0 : i32
    %dma_wait3A_229 = tpu.memref_slice %arg11[%add3A_163, %dma_wait3A_228] : memref<10240x128xf32, #tpu.memory_space<vmem_shared>> -> memref<64x128xf32, #tpu.memory_space<vmem_shared>>
    %dma_wait3A_230 = arith.constant 0 : i32
    %dma_wait3A_231 = tpu.memref_slice %arg11[%add3A_163, %dma_wait3A_230] : memref<10240x128xf32, #tpu.memory_space<vmem_shared>> -> memref<64x128xf32, #tpu.memory_space<vmem_shared>>
    tpu.wait_dma2 semaphore(%arg10 : memref<!tpu.dma_semaphore, #tpu.memory_space<semaphore_mem>>) src(%arg9 : memref<64x128xf32, #tpu.memory_space<vmem>>) dst(%dma_wait3A_231 : memref<64x128xf32, #tpu.memory_space<vmem_shared>>)
    %dma_wait3A_232 = arith.constant 0 : i32
    %dma_wait3A_233 = tpu.memref_slice %arg11[%add3A_171, %dma_wait3A_232] : memref<10240x128xf32, #tpu.memory_space<vmem_shared>> -> memref<64x128xf32, #tpu.memory_space<vmem_shared>>
    %dma_wait3A_234 = arith.constant 0 : i32
    %dma_wait3A_235 = tpu.memref_slice %arg11[%add3A_171, %dma_wait3A_234] : memref<10240x128xf32, #tpu.memory_space<vmem_shared>> -> memref<64x128xf32, #tpu.memory_space<vmem_shared>>
    tpu.wait_dma2 semaphore(%arg10 : memref<!tpu.dma_semaphore, #tpu.memory_space<semaphore_mem>>) src(%arg9 : memref<64x128xf32, #tpu.memory_space<vmem>>) dst(%dma_wait3A_235 : memref<64x128xf32, #tpu.memory_space<vmem_shared>>)
    %dma_wait3A_236 = arith.constant 0 : i32
    %dma_wait3A_237 = tpu.memref_slice %arg11[%add3A_179, %dma_wait3A_236] : memref<10240x128xf32, #tpu.memory_space<vmem_shared>> -> memref<64x128xf32, #tpu.memory_space<vmem_shared>>
    %dma_wait3A_238 = arith.constant 0 : i32
    %dma_wait3A_239 = tpu.memref_slice %arg11[%add3A_179, %dma_wait3A_238] : memref<10240x128xf32, #tpu.memory_space<vmem_shared>> -> memref<64x128xf32, #tpu.memory_space<vmem_shared>>
    tpu.wait_dma2 semaphore(%arg10 : memref<!tpu.dma_semaphore, #tpu.memory_space<semaphore_mem>>) src(%arg9 : memref<64x128xf32, #tpu.memory_space<vmem>>) dst(%dma_wait3A_239 : memref<64x128xf32, #tpu.memory_space<vmem_shared>>)
    %dma_wait3A_240 = arith.constant 0 : i32
    %dma_wait3A_241 = tpu.memref_slice %arg11[%add3A_187, %dma_wait3A_240] : memref<10240x128xf32, #tpu.memory_space<vmem_shared>> -> memref<64x128xf32, #tpu.memory_space<vmem_shared>>
    %dma_wait3A_242 = arith.constant 0 : i32
    %dma_wait3A_243 = tpu.memref_slice %arg11[%add3A_187, %dma_wait3A_242] : memref<10240x128xf32, #tpu.memory_space<vmem_shared>> -> memref<64x128xf32, #tpu.memory_space<vmem_shared>>
    tpu.wait_dma2 semaphore(%arg10 : memref<!tpu.dma_semaphore, #tpu.memory_space<semaphore_mem>>) src(%arg9 : memref<64x128xf32, #tpu.memory_space<vmem>>) dst(%dma_wait3A_243 : memref<64x128xf32, #tpu.memory_space<vmem_shared>>)
    %dma_wait3A_244 = arith.constant 0 : i32
    %dma_wait3A_245 = tpu.memref_slice %arg11[%add3A_195, %dma_wait3A_244] : memref<10240x128xf32, #tpu.memory_space<vmem_shared>> -> memref<64x128xf32, #tpu.memory_space<vmem_shared>>
    %dma_wait3A_246 = arith.constant 0 : i32
    %dma_wait3A_247 = tpu.memref_slice %arg11[%add3A_195, %dma_wait3A_246] : memref<10240x128xf32, #tpu.memory_space<vmem_shared>> -> memref<64x128xf32, #tpu.memory_space<vmem_shared>>
    tpu.wait_dma2 semaphore(%arg10 : memref<!tpu.dma_semaphore, #tpu.memory_space<semaphore_mem>>) src(%arg9 : memref<64x128xf32, #tpu.memory_space<vmem>>) dst(%dma_wait3A_247 : memref<64x128xf32, #tpu.memory_space<vmem_shared>>)
    %dma_wait3A_248 = arith.constant 0 : i32
    %dma_wait3A_249 = tpu.memref_slice %arg11[%add3A_203, %dma_wait3A_248] : memref<10240x128xf32, #tpu.memory_space<vmem_shared>> -> memref<64x128xf32, #tpu.memory_space<vmem_shared>>
    %dma_wait3A_250 = arith.constant 0 : i32
    %dma_wait3A_251 = tpu.memref_slice %arg11[%add3A_203, %dma_wait3A_250] : memref<10240x128xf32, #tpu.memory_space<vmem_shared>> -> memref<64x128xf32, #tpu.memory_space<vmem_shared>>
    tpu.wait_dma2 semaphore(%arg10 : memref<!tpu.dma_semaphore, #tpu.memory_space<semaphore_mem>>) src(%arg9 : memref<64x128xf32, #tpu.memory_space<vmem>>) dst(%dma_wait3A_251 : memref<64x128xf32, #tpu.memory_space<vmem_shared>>)
    %dma_wait3A_252 = arith.constant 0 : i32
    %dma_wait3A_253 = tpu.memref_slice %arg11[%add3A_211, %dma_wait3A_252] : memref<10240x128xf32, #tpu.memory_space<vmem_shared>> -> memref<64x128xf32, #tpu.memory_space<vmem_shared>>
    %dma_wait3A_254 = arith.constant 0 : i32
    %dma_wait3A_255 = tpu.memref_slice %arg11[%add3A_211, %dma_wait3A_254] : memref<10240x128xf32, #tpu.memory_space<vmem_shared>> -> memref<64x128xf32, #tpu.memory_space<vmem_shared>>
    tpu.wait_dma2 semaphore(%arg10 : memref<!tpu.dma_semaphore, #tpu.memory_space<semaphore_mem>>) src(%arg9 : memref<64x128xf32, #tpu.memory_space<vmem>>) dst(%dma_wait3A_255 : memref<64x128xf32, #tpu.memory_space<vmem_shared>>)
    %barrier3A_256 = arith.constant 0 : index
    tpu.barrier barrier_id(%barrier3A_256)
    %scan3A_257 = arith.constant 0 : i32
    %scan3A_258 = arith.constant 0 : i32
    %scan3A_259 = arith.constant 79 : i32
    %scan3A_260 = arith.addi %scan3A_258, %scan3A_259 : i32
    %scan3A_261 = arith.constant 1 : i32
    scf.for %scan3A_269 = %scan3A_258 to %scan3A_260 step %scan3A_261  : i32 {
      "tpu.region"() ({
        %run_scoped3A_270 = tpu.sem_alloc : memref<!tpu.dma_semaphore, #tpu.memory_space<semaphore_mem>>
        %dma_start3A_271 = arith.constant 0 : i32
        %dma_start3A_272 = tpu.memref_slice %arg6[%scan3A_269, %dma_start3A_271] : memref<79x128xi32, #tpu.memory_space<vmem>> -> memref<1x128xi32, #tpu.memory_space<vmem>>
        %dma_start3A_273 = tpu.memref_squeeze %dma_start3A_272 : memref<1x128xi32, #tpu.memory_space<vmem>> -> memref<128xi32, #tpu.memory_space<vmem>>
        %dma_start3A_274 = arith.constant 0 : i32
        %dma_start3A_275 = arith.constant 0 : i32
        %dma_start3A_276 = tpu.memref_slice %arg2[%add3A_135, %dma_start3A_274, %dma_start3A_275] : memref<4x10240x128xf32, #tpu.memory_space<hbm>> -> memref<1x10240x128xf32, #tpu.memory_space<hbm>>
        %dma_start3A_277 = tpu.memref_squeeze %dma_start3A_276 : memref<1x10240x128xf32, #tpu.memory_space<hbm>> -> memref<10240x128xf32, #tpu.memory_space<hbm>>
        %dma_start3A_278 = arith.constant 0 : i32
        %dma_start3A_279 = arith.constant 0 : i32
        %dma_start3A_280 = tpu.memref_slice %dma_start3A_277[%dma_start3A_278, %dma_start3A_279] : memref<10240x128xf32, #tpu.memory_space<hbm>> -> memref<10240x128xf32, #tpu.memory_space<hbm>>
        tpu.enqueue_indirect_dma source(%dma_start3A_280 : memref<10240x128xf32, #tpu.memory_space<hbm>>) target(%arg8 : memref<128x128xf32, #tpu.memory_space<vmem>>) offsets(%dma_start3A_273 : memref<128xi32, #tpu.memory_space<vmem>>) semaphore(%run_scoped3A_270 : memref<!tpu.dma_semaphore, #tpu.memory_space<semaphore_mem>>)
        %dma_wait3A_281 = arith.constant 0 : i32
        %dma_wait3A_282 = tpu.memref_slice %arg6[%scan3A_269, %dma_wait3A_281] : memref<79x128xi32, #tpu.memory_space<vmem>> -> memref<1x128xi32, #tpu.memory_space<vmem>>
        %dma_wait3A_283 = tpu.memref_squeeze %dma_wait3A_282 : memref<1x128xi32, #tpu.memory_space<vmem>> -> memref<128xi32, #tpu.memory_space<vmem>>
        %dma_wait3A_284 = arith.constant 0 : i32
        %dma_wait3A_285 = arith.constant 0 : i32
        %dma_wait3A_286 = tpu.memref_slice %arg2[%add3A_135, %dma_wait3A_284, %dma_wait3A_285] : memref<4x10240x128xf32, #tpu.memory_space<hbm>> -> memref<1x10240x128xf32, #tpu.memory_space<hbm>>
        %dma_wait3A_287 = tpu.memref_squeeze %dma_wait3A_286 : memref<1x10240x128xf32, #tpu.memory_space<hbm>> -> memref<10240x128xf32, #tpu.memory_space<hbm>>
        %dma_wait3A_288 = arith.constant 0 : i32
        %dma_wait3A_289 = arith.constant 0 : i32
        %dma_wait3A_290 = tpu.memref_slice %dma_wait3A_287[%dma_wait3A_288, %dma_wait3A_289] : memref<10240x128xf32, #tpu.memory_space<hbm>> -> memref<10240x128xf32, #tpu.memory_space<hbm>>
        tpu.wait_indirect_dma semaphore(%run_scoped3A_270 : memref<!tpu.dma_semaphore, #tpu.memory_space<semaphore_mem>>) src(%dma_wait3A_290 : memref<10240x128xf32, #tpu.memory_space<hbm>>) dst(%arg8 : memref<128x128xf32, #tpu.memory_space<vmem>>)
        tpu.yield
      }) : () -> ()
      "tpu.region"() ({
        %run_scoped3A_270 = tpu.sem_alloc : memref<!tpu.dma_semaphore, #tpu.memory_space<semaphore_mem>>
        %dma_start3A_271 = arith.constant 0 : i32
        %dma_start3A_272 = tpu.memref_slice %arg7[%scan3A_269, %dma_start3A_271] : memref<79x128xi32, #tpu.memory_space<vmem>> -> memref<1x128xi32, #tpu.memory_space<vmem>>
        %dma_start3A_273 = tpu.memref_squeeze %dma_start3A_272 : memref<1x128xi32, #tpu.memory_space<vmem>> -> memref<128xi32, #tpu.memory_space<vmem>>
        %dma_start3A_274 = arith.constant 0 : i32
        %dma_start3A_275 = arith.constant 0 : i32
        %dma_start3A_276 = tpu.memref_slice %arg11[%dma_start3A_274, %dma_start3A_275] : memref<10240x128xf32, #tpu.memory_space<vmem_shared>> -> memref<10240x128xf32, #tpu.memory_space<vmem_shared>>
        tpu.enqueue_indirect_dma source(%arg8 : memref<128x128xf32, #tpu.memory_space<vmem>>) target(%dma_start3A_276 : memref<10240x128xf32, #tpu.memory_space<vmem_shared>>) offsets(%dma_start3A_273 : memref<128xi32, #tpu.memory_space<vmem>>) semaphore(%run_scoped3A_270 : memref<!tpu.dma_semaphore, #tpu.memory_space<semaphore_mem>>) {add = true}
        %dma_wait3A_277 = arith.constant 0 : i32
        %dma_wait3A_278 = tpu.memref_slice %arg7[%scan3A_269, %dma_wait3A_277] : memref<79x128xi32, #tpu.memory_space<vmem>> -> memref<1x128xi32, #tpu.memory_space<vmem>>
        %dma_wait3A_279 = tpu.memref_squeeze %dma_wait3A_278 : memref<1x128xi32, #tpu.memory_space<vmem>> -> memref<128xi32, #tpu.memory_space<vmem>>
        %dma_wait3A_280 = arith.constant 0 : i32
        %dma_wait3A_281 = arith.constant 0 : i32
        %dma_wait3A_282 = tpu.memref_slice %arg11[%dma_wait3A_280, %dma_wait3A_281] : memref<10240x128xf32, #tpu.memory_space<vmem_shared>> -> memref<10240x128xf32, #tpu.memory_space<vmem_shared>>
        tpu.wait_indirect_dma semaphore(%run_scoped3A_270 : memref<!tpu.dma_semaphore, #tpu.memory_space<semaphore_mem>>) src(%arg8 : memref<128x128xf32, #tpu.memory_space<vmem>>) dst(%dma_wait3A_282 : memref<10240x128xf32, #tpu.memory_space<vmem_shared>>)
        tpu.yield
      }) : () -> ()
    }
    %scan3A_262 = arith.constant 79 : i32
    %barrier3A_263 = arith.constant 0 : index
    tpu.barrier barrier_id(%barrier3A_263)
    %mul3A_264 = arith.constant 640 : i32
    %mul3A_265 = arith.muli %arg1, %mul3A_264 : i32
    %mul3A_266 = arith.constant 640 : i32
    %mul3A_267 = arith.muli %arg1, %mul3A_266 : i32
    "tpu.region"() ({
      %run_scoped3A_269 = tpu.sem_alloc : memref<!tpu.dma_semaphore, #tpu.memory_space<semaphore_mem>>
      %dma_start3A_270 = arith.constant 0 : i32
      %dma_start3A_271 = arith.constant 0 : i32
      %dma_start3A_272 = tpu.memref_slice %arg5[%add3A_135, %dma_start3A_270, %dma_start3A_271] : memref<4x10240x128xf32, #tpu.memory_space<hbm>> -> memref<1x10240x128xf32, #tpu.memory_space<hbm>>
      %dma_start3A_273 = tpu.memref_squeeze %dma_start3A_272 : memref<1x10240x128xf32, #tpu.memory_space<hbm>> -> memref<10240x128xf32, #tpu.memory_space<hbm>>
      %dma_start3A_274 = arith.constant 0 : i32
      %dma_start3A_275 = tpu.memref_slice %dma_start3A_273[%mul3A_267, %dma_start3A_274] : memref<10240x128xf32, #tpu.memory_space<hbm>> -> memref<640x128xf32, #tpu.memory_space<hbm>>
      %dma_start3A_276 = arith.constant 0 : i32
      %dma_start3A_277 = tpu.memref_slice %arg11[%mul3A_265, %dma_start3A_276] : memref<10240x128xf32, #tpu.memory_space<vmem_shared>> -> memref<640x128xf32, #tpu.memory_space<vmem_shared>>
      tpu.enqueue_dma source(%dma_start3A_277 : memref<640x128xf32, #tpu.memory_space<vmem_shared>>) target(%dma_start3A_275 : memref<640x128xf32, #tpu.memory_space<hbm>>) target_semaphore(%run_scoped3A_269 : memref<!tpu.dma_semaphore, #tpu.memory_space<semaphore_mem>>)
      %dma_wait3A_278 = arith.constant 0 : i32
      %dma_wait3A_279 = arith.constant 0 : i32
      %dma_wait3A_280 = tpu.memref_slice %arg5[%add3A_135, %dma_wait3A_278, %dma_wait3A_279] : memref<4x10240x128xf32, #tpu.memory_space<hbm>> -> memref<1x10240x128xf32, #tpu.memory_space<hbm>>
      %dma_wait3A_281 = tpu.memref_squeeze %dma_wait3A_280 : memref<1x10240x128xf32, #tpu.memory_space<hbm>> -> memref<10240x128xf32, #tpu.memory_space<hbm>>
      %dma_wait3A_282 = arith.constant 0 : i32
      %dma_wait3A_283 = tpu.memref_slice %dma_wait3A_281[%mul3A_267, %dma_wait3A_282] : memref<10240x128xf32, #tpu.memory_space<hbm>> -> memref<640x128xf32, #tpu.memory_space<hbm>>
      %dma_wait3A_284 = arith.constant 0 : i32
      %dma_wait3A_285 = tpu.memref_slice %arg11[%mul3A_265, %dma_wait3A_284] : memref<10240x128xf32, #tpu.memory_space<vmem_shared>> -> memref<640x128xf32, #tpu.memory_space<vmem_shared>>
      tpu.wait_dma2 semaphore(%run_scoped3A_269 : memref<!tpu.dma_semaphore, #tpu.memory_space<semaphore_mem>>) src(%dma_wait3A_285 : memref<640x128xf32, #tpu.memory_space<vmem_shared>>) dst(%dma_wait3A_283 : memref<640x128xf32, #tpu.memory_space<hbm>>)
      tpu.yield
    }) : () -> ()
    %barrier3A_268 = arith.constant 0 : index
    tpu.barrier barrier_id(%barrier3A_268)
    return
  }
}

#map = affine_map<(d0, d1) -> (0, 0, 0)>
#map1 = affine_map<(d0, d1) -> (0, 0, 0, 0)>
#map2 = affine_map<(d0, d1) -> (0, 0)>
module attributes {stable_mosaic.version = 14 : i64} {
  func.func @prop(%arg0: i32, %arg1: i32, %arg2: memref<4x10240x128xf32, #tpu.memory_space<hbm>>, %arg3: memref<2x16x79x128xi32, #tpu.memory_space<hbm>>, %arg4: memref<64x128xf32, #tpu.memory_space<hbm>>, %arg5: memref<4x10240x128xf32, #tpu.memory_space<hbm>>, %arg6: memref<79x128xi32, #tpu.memory_space<vmem>>, %arg7: memref<79x128xi32, #tpu.memory_space<vmem>>, %arg8: memref<128x128xf32, #tpu.memory_space<vmem>>, %arg9: memref<64x128xf32, #tpu.memory_space<vmem>>, %arg10: memref<!tpu.dma_semaphore, #tpu.memory_space<semaphore_mem>>, %arg11: memref<10240x128xf32, #tpu.memory_space<vmem_shared>>) attributes {dimension_semantics = [#tpu.dimension_semantics<core_parallel>, #tpu.dimension_semantics<subcore_parallel>], iteration_bounds = array<i64: 2, 16>, scalar_prefetch = 0 : i64, scratch_operands = 6 : i64, tpu.core_type = #tpu.core_type<sc_vector_subcore>, window_params = [{transform_indices = #map}, {transform_indices = #map1}, {transform_indices = #map2}, {transform_indices = #map}]} {
    %run_scoped3A = arith.constant 0 : i32
    "tpu.region"() ({
      %run_scoped3A_269 = tpu.sem_alloc : memref<!tpu.dma_semaphore, #tpu.memory_space<semaphore_mem>>
      %dma_start3A_270 = arith.constant 0 : i32
      %dma_start3A_271 = arith.constant 0 : i32
      %dma_start3A_272 = arith.constant 0 : i32
      %dma_start3A_273 = tpu.memref_slice %arg3[%run_scoped3A, %dma_start3A_270, %dma_start3A_271, %dma_start3A_272] : memref<2x16x79x128xi32, #tpu.memory_space<hbm>> -> memref<1x16x79x128xi32, #tpu.memory_space<hbm>>
      %dma_start3A_274 = tpu.memref_squeeze %dma_start3A_273 : memref<1x16x79x128xi32, #tpu.memory_space<hbm>> -> memref<16x79x128xi32, #tpu.memory_space<hbm>>
      %dma_start3A_275 = arith.constant 0 : i32
      %dma_start3A_276 = arith.constant 0 : i32
      %dma_start3A_277 = tpu.memref_slice %dma_start3A_274[%arg1, %dma_start3A_275, %dma_start3A_276] : memref<16x79x128xi32, #tpu.memory_space<hbm>> -> memref<1x79x128xi32, #tpu.memory_space<hbm>>
      %dma_start3A_278 = tpu.memref_squeeze %dma_start3A_277 : memref<1x79x128xi32, #tpu.memory_space<hbm>> -> memref<79x128xi32, #tpu.memory_space<hbm>>
      %dma_start3A_279 = arith.constant 0 : i32
      %dma_start3A_280 = arith.constant 0 : i32
      %dma_start3A_281 = arith.constant 0 : i32
      %dma_start3A_282 = tpu.memref_slice %arg3[%run_scoped3A, %dma_start3A_279, %dma_start3A_280, %dma_start3A_281] : memref<2x16x79x128xi32, #tpu.memory_space<hbm>> -> memref<1x16x79x128xi32, #tpu.memory_space<hbm>>
      %dma_start3A_283 = tpu.memref_squeeze %dma_start3A_282 : memref<1x16x79x128xi32, #tpu.memory_space<hbm>> -> memref<16x79x128xi32, #tpu.memory_space<hbm>>
      %dma_start3A_284 = arith.constant 0 : i32
      %dma_start3A_285 = arith.constant 0 : i32
      %dma_start3A_286 = tpu.memref_slice %dma_start3A_283[%arg1, %dma_start3A_284, %dma_start3A_285] : memref<16x79x128xi32, #tpu.memory_space<hbm>> -> memref<1x79x128xi32, #tpu.memory_space<hbm>>
      %dma_start3A_287 = tpu.memref_squeeze %dma_start3A_286 : memref<1x79x128xi32, #tpu.memory_space<hbm>> -> memref<79x128xi32, #tpu.memory_space<hbm>>
      tpu.enqueue_dma source(%dma_start3A_287 : memref<79x128xi32, #tpu.memory_space<hbm>>) target(%arg6 : memref<79x128xi32, #tpu.memory_space<vmem>>) target_semaphore(%run_scoped3A_269 : memref<!tpu.dma_semaphore, #tpu.memory_space<semaphore_mem>>)
      %dma_wait3A_288 = arith.constant 0 : i32
      %dma_wait3A_289 = arith.constant 0 : i32
      %dma_wait3A_290 = arith.constant 0 : i32
      %dma_wait3A_291 = tpu.memref_slice %arg3[%run_scoped3A, %dma_wait3A_288, %dma_wait3A_289, %dma_wait3A_290] : memref<2x16x79x128xi32, #tpu.memory_space<hbm>> -> memref<1x16x79x128xi32, #tpu.memory_space<hbm>>
      %dma_wait3A_292 = tpu.memref_squeeze %dma_wait3A_291 : memref<1x16x79x128xi32, #tpu.memory_space<hbm>> -> memref<16x79x128xi32, #tpu.memory_space<hbm>>
      %dma_wait3A_293 = arith.constant 0 : i32
      %dma_wait3A_294 = arith.constant 0 : i32
      %dma_wait3A_295 = tpu.memref_slice %dma_wait3A_292[%arg1, %dma_wait3A_293, %dma_wait3A_294] : memref<16x79x128xi32, #tpu.memory_space<hbm>> -> memref<1x79x128xi32, #tpu.memory_space<hbm>>
      %dma_wait3A_296 = tpu.memref_squeeze %dma_wait3A_295 : memref<1x79x128xi32, #tpu.memory_space<hbm>> -> memref<79x128xi32, #tpu.memory_space<hbm>>
      %dma_wait3A_297 = arith.constant 0 : i32
      %dma_wait3A_298 = arith.constant 0 : i32
      %dma_wait3A_299 = arith.constant 0 : i32
      %dma_wait3A_300 = tpu.memref_slice %arg3[%run_scoped3A, %dma_wait3A_297, %dma_wait3A_298, %dma_wait3A_299] : memref<2x16x79x128xi32, #tpu.memory_space<hbm>> -> memref<1x16x79x128xi32, #tpu.memory_space<hbm>>
      %dma_wait3A_301 = tpu.memref_squeeze %dma_wait3A_300 : memref<1x16x79x128xi32, #tpu.memory_space<hbm>> -> memref<16x79x128xi32, #tpu.memory_space<hbm>>
      %dma_wait3A_302 = arith.constant 0 : i32
      %dma_wait3A_303 = arith.constant 0 : i32
      %dma_wait3A_304 = tpu.memref_slice %dma_wait3A_301[%arg1, %dma_wait3A_302, %dma_wait3A_303] : memref<16x79x128xi32, #tpu.memory_space<hbm>> -> memref<1x79x128xi32, #tpu.memory_space<hbm>>
      %dma_wait3A_305 = tpu.memref_squeeze %dma_wait3A_304 : memref<1x79x128xi32, #tpu.memory_space<hbm>> -> memref<79x128xi32, #tpu.memory_space<hbm>>
      tpu.wait_dma2 semaphore(%run_scoped3A_269 : memref<!tpu.dma_semaphore, #tpu.memory_space<semaphore_mem>>) src(%dma_wait3A_305 : memref<79x128xi32, #tpu.memory_space<hbm>>) dst(%arg6 : memref<79x128xi32, #tpu.memory_space<vmem>>)
      tpu.yield
    }) : () -> ()
    %run_scoped3A_0 = arith.constant 1 : i32
    "tpu.region"() ({
      %run_scoped3A_269 = tpu.sem_alloc : memref<!tpu.dma_semaphore, #tpu.memory_space<semaphore_mem>>
      %dma_start3A_270 = arith.constant 0 : i32
      %dma_start3A_271 = arith.constant 0 : i32
      %dma_start3A_272 = arith.constant 0 : i32
      %dma_start3A_273 = tpu.memref_slice %arg3[%run_scoped3A_0, %dma_start3A_270, %dma_start3A_271, %dma_start3A_272] : memref<2x16x79x128xi32, #tpu.memory_space<hbm>> -> memref<1x16x79x128xi32, #tpu.memory_space<hbm>>
      %dma_start3A_274 = tpu.memref_squeeze %dma_start3A_273 : memref<1x16x79x128xi32, #tpu.memory_space<hbm>> -> memref<16x79x128xi32, #tpu.memory_space<hbm>>
      %dma_start3A_275 = arith.constant 0 : i32
      %dma_start3A_276 = arith.constant 0 : i32
      %dma_start3A_277 = tpu.memref_slice %dma_start3A_274[%arg1, %dma_start3A_275, %dma_start3A_276] : memref<16x79x128xi32, #tpu.memory_space<hbm>> -> memref<1x79x128xi32, #tpu.memory_space<hbm>>
      %dma_start3A_278 = tpu.memref_squeeze %dma_start3A_277 : memref<1x79x128xi32, #tpu.memory_space<hbm>> -> memref<79x128xi32, #tpu.memory_space<hbm>>
      %dma_start3A_279 = arith.constant 0 : i32
      %dma_start3A_280 = arith.constant 0 : i32
      %dma_start3A_281 = arith.constant 0 : i32
      %dma_start3A_282 = tpu.memref_slice %arg3[%run_scoped3A_0, %dma_start3A_279, %dma_start3A_280, %dma_start3A_281] : memref<2x16x79x128xi32, #tpu.memory_space<hbm>> -> memref<1x16x79x128xi32, #tpu.memory_space<hbm>>
      %dma_start3A_283 = tpu.memref_squeeze %dma_start3A_282 : memref<1x16x79x128xi32, #tpu.memory_space<hbm>> -> memref<16x79x128xi32, #tpu.memory_space<hbm>>
      %dma_start3A_284 = arith.constant 0 : i32
      %dma_start3A_285 = arith.constant 0 : i32
      %dma_start3A_286 = tpu.memref_slice %dma_start3A_283[%arg1, %dma_start3A_284, %dma_start3A_285] : memref<16x79x128xi32, #tpu.memory_space<hbm>> -> memref<1x79x128xi32, #tpu.memory_space<hbm>>
      %dma_start3A_287 = tpu.memref_squeeze %dma_start3A_286 : memref<1x79x128xi32, #tpu.memory_space<hbm>> -> memref<79x128xi32, #tpu.memory_space<hbm>>
      tpu.enqueue_dma source(%dma_start3A_287 : memref<79x128xi32, #tpu.memory_space<hbm>>) target(%arg7 : memref<79x128xi32, #tpu.memory_space<vmem>>) target_semaphore(%run_scoped3A_269 : memref<!tpu.dma_semaphore, #tpu.memory_space<semaphore_mem>>)
      %dma_wait3A_288 = arith.constant 0 : i32
      %dma_wait3A_289 = arith.constant 0 : i32
      %dma_wait3A_290 = arith.constant 0 : i32
      %dma_wait3A_291 = tpu.memref_slice %arg3[%run_scoped3A_0, %dma_wait3A_288, %dma_wait3A_289, %dma_wait3A_290] : memref<2x16x79x128xi32, #tpu.memory_space<hbm>> -> memref<1x16x79x128xi32, #tpu.memory_space<hbm>>
      %dma_wait3A_292 = tpu.memref_squeeze %dma_wait3A_291 : memref<1x16x79x128xi32, #tpu.memory_space<hbm>> -> memref<16x79x128xi32, #tpu.memory_space<hbm>>
      %dma_wait3A_293 = arith.constant 0 : i32
      %dma_wait3A_294 = arith.constant 0 : i32
      %dma_wait3A_295 = tpu.memref_slice %dma_wait3A_292[%arg1, %dma_wait3A_293, %dma_wait3A_294] : memref<16x79x128xi32, #tpu.memory_space<hbm>> -> memref<1x79x128xi32, #tpu.memory_space<hbm>>
      %dma_wait3A_296 = tpu.memref_squeeze %dma_wait3A_295 : memref<1x79x128xi32, #tpu.memory_space<hbm>> -> memref<79x128xi32, #tpu.memory_space<hbm>>
      %dma_wait3A_297 = arith.constant 0 : i32
      %dma_wait3A_298 = arith.constant 0 : i32
      %dma_wait3A_299 = arith.constant 0 : i32
      %dma_wait3A_300 = tpu.memref_slice %arg3[%run_scoped3A_0, %dma_wait3A_297, %dma_wait3A_298, %dma_wait3A_299] : memref<2x16x79x128xi32, #tpu.memory_space<hbm>> -> memref<1x16x79x128xi32, #tpu.memory_space<hbm>>
      %dma_wait3A_301 = tpu.memref_squeeze %dma_wait3A_300 : memref<1x16x79x128xi32, #tpu.memory_space<hbm>> -> memref<16x79x128xi32, #tpu.memory_space<hbm>>
      %dma_wait3A_302 = arith.constant 0 : i32
      %dma_wait3A_303 = arith.constant 0 : i32
      %dma_wait3A_304 = tpu.memref_slice %dma_wait3A_301[%arg1, %dma_wait3A_302, %dma_wait3A_303] : memref<16x79x128xi32, #tpu.memory_space<hbm>> -> memref<1x79x128xi32, #tpu.memory_space<hbm>>
      %dma_wait3A_305 = tpu.memref_squeeze %dma_wait3A_304 : memref<1x79x128xi32, #tpu.memory_space<hbm>> -> memref<79x128xi32, #tpu.memory_space<hbm>>
      tpu.wait_dma2 semaphore(%run_scoped3A_269 : memref<!tpu.dma_semaphore, #tpu.memory_space<semaphore_mem>>) src(%dma_wait3A_305 : memref<79x128xi32, #tpu.memory_space<hbm>>) dst(%arg7 : memref<79x128xi32, #tpu.memory_space<vmem>>)
      tpu.yield
    }) : () -> ()
    "tpu.region"() ({
      %run_scoped3A_269 = tpu.sem_alloc : memref<!tpu.dma_semaphore, #tpu.memory_space<semaphore_mem>>
      tpu.enqueue_dma source(%arg4 : memref<64x128xf32, #tpu.memory_space<hbm>>) target(%arg9 : memref<64x128xf32, #tpu.memory_space<vmem>>) target_semaphore(%run_scoped3A_269 : memref<!tpu.dma_semaphore, #tpu.memory_space<semaphore_mem>>)
      tpu.wait_dma2 semaphore(%run_scoped3A_269 : memref<!tpu.dma_semaphore, #tpu.memory_space<semaphore_mem>>) src(%arg4 : memref<64x128xf32, #tpu.memory_space<hbm>>) dst(%arg9 : memref<64x128xf32, #tpu.memory_space<vmem>>)
      tpu.yield
    }) : () -> ()
    %mul3A = arith.constant 2 : i32
    %mul3A_1 = arith.muli %arg0, %mul3A : i32
    %add3A = arith.constant 0 : i32
    %add3A_2 = arith.addi %mul3A_1, %add3A : i32
    %mul3A_3 = arith.constant 640 : i32
    %mul3A_4 = arith.muli %arg1, %mul3A_3 : i32
    %add3A_5 = arith.constant 0 : i32
    %add3A_6 = arith.addi %mul3A_4, %add3A_5 : i32
    %dma_start3A = arith.constant 0 : i32
    %dma_start3A_7 = tpu.memref_slice %arg11[%add3A_6, %dma_start3A] : memref<10240x128xf32, #tpu.memory_space<vmem_shared>> -> memref<64x128xf32, #tpu.memory_space<vmem_shared>>
    %dma_start3A_8 = arith.constant 0 : i32
    %dma_start3A_9 = tpu.memref_slice %arg11[%add3A_6, %dma_start3A_8] : memref<10240x128xf32, #tpu.memory_space<vmem_shared>> -> memref<64x128xf32, #tpu.memory_space<vmem_shared>>
    tpu.enqueue_dma source(%arg9 : memref<64x128xf32, #tpu.memory_space<vmem>>) target(%dma_start3A_9 : memref<64x128xf32, #tpu.memory_space<vmem_shared>>) target_semaphore(%arg10 : memref<!tpu.dma_semaphore, #tpu.memory_space<semaphore_mem>>)
    %mul3A_10 = arith.constant 640 : i32
    %mul3A_11 = arith.muli %arg1, %mul3A_10 : i32
    %add3A_12 = arith.constant 64 : i32
    %add3A_13 = arith.addi %mul3A_11, %add3A_12 : i32
    %dma_start3A_14 = arith.constant 0 : i32
    %dma_start3A_15 = tpu.memref_slice %arg11[%add3A_13, %dma_start3A_14] : memref<10240x128xf32, #tpu.memory_space<vmem_shared>> -> memref<64x128xf32, #tpu.memory_space<vmem_shared>>
    %dma_start3A_16 = arith.constant 0 : i32
    %dma_start3A_17 = tpu.memref_slice %arg11[%add3A_13, %dma_start3A_16] : memref<10240x128xf32, #tpu.memory_space<vmem_shared>> -> memref<64x128xf32, #tpu.memory_space<vmem_shared>>
    tpu.enqueue_dma source(%arg9 : memref<64x128xf32, #tpu.memory_space<vmem>>) target(%dma_start3A_17 : memref<64x128xf32, #tpu.memory_space<vmem_shared>>) target_semaphore(%arg10 : memref<!tpu.dma_semaphore, #tpu.memory_space<semaphore_mem>>)
    %mul3A_18 = arith.constant 640 : i32
    %mul3A_19 = arith.muli %arg1, %mul3A_18 : i32
    %add3A_20 = arith.constant 128 : i32
    %add3A_21 = arith.addi %mul3A_19, %add3A_20 : i32
    %dma_start3A_22 = arith.constant 0 : i32
    %dma_start3A_23 = tpu.memref_slice %arg11[%add3A_21, %dma_start3A_22] : memref<10240x128xf32, #tpu.memory_space<vmem_shared>> -> memref<64x128xf32, #tpu.memory_space<vmem_shared>>
    %dma_start3A_24 = arith.constant 0 : i32
    %dma_start3A_25 = tpu.memref_slice %arg11[%add3A_21, %dma_start3A_24] : memref<10240x128xf32, #tpu.memory_space<vmem_shared>> -> memref<64x128xf32, #tpu.memory_space<vmem_shared>>
    tpu.enqueue_dma source(%arg9 : memref<64x128xf32, #tpu.memory_space<vmem>>) target(%dma_start3A_25 : memref<64x128xf32, #tpu.memory_space<vmem_shared>>) target_semaphore(%arg10 : memref<!tpu.dma_semaphore, #tpu.memory_space<semaphore_mem>>)
    %mul3A_26 = arith.constant 640 : i32
    %mul3A_27 = arith.muli %arg1, %mul3A_26 : i32
    %add3A_28 = arith.constant 192 : i32
    %add3A_29 = arith.addi %mul3A_27, %add3A_28 : i32
    %dma_start3A_30 = arith.constant 0 : i32
    %dma_start3A_31 = tpu.memref_slice %arg11[%add3A_29, %dma_start3A_30] : memref<10240x128xf32, #tpu.memory_space<vmem_shared>> -> memref<64x128xf32, #tpu.memory_space<vmem_shared>>
    %dma_start3A_32 = arith.constant 0 : i32
    %dma_start3A_33 = tpu.memref_slice %arg11[%add3A_29, %dma_start3A_32] : memref<10240x128xf32, #tpu.memory_space<vmem_shared>> -> memref<64x128xf32, #tpu.memory_space<vmem_shared>>
    tpu.enqueue_dma source(%arg9 : memref<64x128xf32, #tpu.memory_space<vmem>>) target(%dma_start3A_33 : memref<64x128xf32, #tpu.memory_space<vmem_shared>>) target_semaphore(%arg10 : memref<!tpu.dma_semaphore, #tpu.memory_space<semaphore_mem>>)
    %mul3A_34 = arith.constant 640 : i32
    %mul3A_35 = arith.muli %arg1, %mul3A_34 : i32
    %add3A_36 = arith.constant 256 : i32
    %add3A_37 = arith.addi %mul3A_35, %add3A_36 : i32
    %dma_start3A_38 = arith.constant 0 : i32
    %dma_start3A_39 = tpu.memref_slice %arg11[%add3A_37, %dma_start3A_38] : memref<10240x128xf32, #tpu.memory_space<vmem_shared>> -> memref<64x128xf32, #tpu.memory_space<vmem_shared>>
    %dma_start3A_40 = arith.constant 0 : i32
    %dma_start3A_41 = tpu.memref_slice %arg11[%add3A_37, %dma_start3A_40] : memref<10240x128xf32, #tpu.memory_space<vmem_shared>> -> memref<64x128xf32, #tpu.memory_space<vmem_shared>>
    tpu.enqueue_dma source(%arg9 : memref<64x128xf32, #tpu.memory_space<vmem>>) target(%dma_start3A_41 : memref<64x128xf32, #tpu.memory_space<vmem_shared>>) target_semaphore(%arg10 : memref<!tpu.dma_semaphore, #tpu.memory_space<semaphore_mem>>)
    %mul3A_42 = arith.constant 640 : i32
    %mul3A_43 = arith.muli %arg1, %mul3A_42 : i32
    %add3A_44 = arith.constant 320 : i32
    %add3A_45 = arith.addi %mul3A_43, %add3A_44 : i32
    %dma_start3A_46 = arith.constant 0 : i32
    %dma_start3A_47 = tpu.memref_slice %arg11[%add3A_45, %dma_start3A_46] : memref<10240x128xf32, #tpu.memory_space<vmem_shared>> -> memref<64x128xf32, #tpu.memory_space<vmem_shared>>
    %dma_start3A_48 = arith.constant 0 : i32
    %dma_start3A_49 = tpu.memref_slice %arg11[%add3A_45, %dma_start3A_48] : memref<10240x128xf32, #tpu.memory_space<vmem_shared>> -> memref<64x128xf32, #tpu.memory_space<vmem_shared>>
    tpu.enqueue_dma source(%arg9 : memref<64x128xf32, #tpu.memory_space<vmem>>) target(%dma_start3A_49 : memref<64x128xf32, #tpu.memory_space<vmem_shared>>) target_semaphore(%arg10 : memref<!tpu.dma_semaphore, #tpu.memory_space<semaphore_mem>>)
    %mul3A_50 = arith.constant 640 : i32
    %mul3A_51 = arith.muli %arg1, %mul3A_50 : i32
    %add3A_52 = arith.constant 384 : i32
    %add3A_53 = arith.addi %mul3A_51, %add3A_52 : i32
    %dma_start3A_54 = arith.constant 0 : i32
    %dma_start3A_55 = tpu.memref_slice %arg11[%add3A_53, %dma_start3A_54] : memref<10240x128xf32, #tpu.memory_space<vmem_shared>> -> memref<64x128xf32, #tpu.memory_space<vmem_shared>>
    %dma_start3A_56 = arith.constant 0 : i32
    %dma_start3A_57 = tpu.memref_slice %arg11[%add3A_53, %dma_start3A_56] : memref<10240x128xf32, #tpu.memory_space<vmem_shared>> -> memref<64x128xf32, #tpu.memory_space<vmem_shared>>
    tpu.enqueue_dma source(%arg9 : memref<64x128xf32, #tpu.memory_space<vmem>>) target(%dma_start3A_57 : memref<64x128xf32, #tpu.memory_space<vmem_shared>>) target_semaphore(%arg10 : memref<!tpu.dma_semaphore, #tpu.memory_space<semaphore_mem>>)
    %mul3A_58 = arith.constant 640 : i32
    %mul3A_59 = arith.muli %arg1, %mul3A_58 : i32
    %add3A_60 = arith.constant 448 : i32
    %add3A_61 = arith.addi %mul3A_59, %add3A_60 : i32
    %dma_start3A_62 = arith.constant 0 : i32
    %dma_start3A_63 = tpu.memref_slice %arg11[%add3A_61, %dma_start3A_62] : memref<10240x128xf32, #tpu.memory_space<vmem_shared>> -> memref<64x128xf32, #tpu.memory_space<vmem_shared>>
    %dma_start3A_64 = arith.constant 0 : i32
    %dma_start3A_65 = tpu.memref_slice %arg11[%add3A_61, %dma_start3A_64] : memref<10240x128xf32, #tpu.memory_space<vmem_shared>> -> memref<64x128xf32, #tpu.memory_space<vmem_shared>>
    tpu.enqueue_dma source(%arg9 : memref<64x128xf32, #tpu.memory_space<vmem>>) target(%dma_start3A_65 : memref<64x128xf32, #tpu.memory_space<vmem_shared>>) target_semaphore(%arg10 : memref<!tpu.dma_semaphore, #tpu.memory_space<semaphore_mem>>)
    %mul3A_66 = arith.constant 640 : i32
    %mul3A_67 = arith.muli %arg1, %mul3A_66 : i32
    %add3A_68 = arith.constant 512 : i32
    %add3A_69 = arith.addi %mul3A_67, %add3A_68 : i32
    %dma_start3A_70 = arith.constant 0 : i32
    %dma_start3A_71 = tpu.memref_slice %arg11[%add3A_69, %dma_start3A_70] : memref<10240x128xf32, #tpu.memory_space<vmem_shared>> -> memref<64x128xf32, #tpu.memory_space<vmem_shared>>
    %dma_start3A_72 = arith.constant 0 : i32
    %dma_start3A_73 = tpu.memref_slice %arg11[%add3A_69, %dma_start3A_72] : memref<10240x128xf32, #tpu.memory_space<vmem_shared>> -> memref<64x128xf32, #tpu.memory_space<vmem_shared>>
    tpu.enqueue_dma source(%arg9 : memref<64x128xf32, #tpu.memory_space<vmem>>) target(%dma_start3A_73 : memref<64x128xf32, #tpu.memory_space<vmem_shared>>) target_semaphore(%arg10 : memref<!tpu.dma_semaphore, #tpu.memory_space<semaphore_mem>>)
    %mul3A_74 = arith.constant 640 : i32
    %mul3A_75 = arith.muli %arg1, %mul3A_74 : i32
    %add3A_76 = arith.constant 576 : i32
    %add3A_77 = arith.addi %mul3A_75, %add3A_76 : i32
    %dma_start3A_78 = arith.constant 0 : i32
    %dma_start3A_79 = tpu.memref_slice %arg11[%add3A_77, %dma_start3A_78] : memref<10240x128xf32, #tpu.memory_space<vmem_shared>> -> memref<64x128xf32, #tpu.memory_space<vmem_shared>>
    %dma_start3A_80 = arith.constant 0 : i32
    %dma_start3A_81 = tpu.memref_slice %arg11[%add3A_77, %dma_start3A_80] : memref<10240x128xf32, #tpu.memory_space<vmem_shared>> -> memref<64x128xf32, #tpu.memory_space<vmem_shared>>
    tpu.enqueue_dma source(%arg9 : memref<64x128xf32, #tpu.memory_space<vmem>>) target(%dma_start3A_81 : memref<64x128xf32, #tpu.memory_space<vmem_shared>>) target_semaphore(%arg10 : memref<!tpu.dma_semaphore, #tpu.memory_space<semaphore_mem>>)
    %dma_wait3A = arith.constant 0 : i32
    %dma_wait3A_82 = tpu.memref_slice %arg11[%add3A_6, %dma_wait3A] : memref<10240x128xf32, #tpu.memory_space<vmem_shared>> -> memref<64x128xf32, #tpu.memory_space<vmem_shared>>
    %dma_wait3A_83 = arith.constant 0 : i32
    %dma_wait3A_84 = tpu.memref_slice %arg11[%add3A_6, %dma_wait3A_83] : memref<10240x128xf32, #tpu.memory_space<vmem_shared>> -> memref<64x128xf32, #tpu.memory_space<vmem_shared>>
    tpu.wait_dma2 semaphore(%arg10 : memref<!tpu.dma_semaphore, #tpu.memory_space<semaphore_mem>>) src(%arg9 : memref<64x128xf32, #tpu.memory_space<vmem>>) dst(%dma_wait3A_84 : memref<64x128xf32, #tpu.memory_space<vmem_shared>>)
    %dma_wait3A_85 = arith.constant 0 : i32
    %dma_wait3A_86 = tpu.memref_slice %arg11[%add3A_13, %dma_wait3A_85] : memref<10240x128xf32, #tpu.memory_space<vmem_shared>> -> memref<64x128xf32, #tpu.memory_space<vmem_shared>>
    %dma_wait3A_87 = arith.constant 0 : i32
    %dma_wait3A_88 = tpu.memref_slice %arg11[%add3A_13, %dma_wait3A_87] : memref<10240x128xf32, #tpu.memory_space<vmem_shared>> -> memref<64x128xf32, #tpu.memory_space<vmem_shared>>
    tpu.wait_dma2 semaphore(%arg10 : memref<!tpu.dma_semaphore, #tpu.memory_space<semaphore_mem>>) src(%arg9 : memref<64x128xf32, #tpu.memory_space<vmem>>) dst(%dma_wait3A_88 : memref<64x128xf32, #tpu.memory_space<vmem_shared>>)
    %dma_wait3A_89 = arith.constant 0 : i32
    %dma_wait3A_90 = tpu.memref_slice %arg11[%add3A_21, %dma_wait3A_89] : memref<10240x128xf32, #tpu.memory_space<vmem_shared>> -> memref<64x128xf32, #tpu.memory_space<vmem_shared>>
    %dma_wait3A_91 = arith.constant 0 : i32
    %dma_wait3A_92 = tpu.memref_slice %arg11[%add3A_21, %dma_wait3A_91] : memref<10240x128xf32, #tpu.memory_space<vmem_shared>> -> memref<64x128xf32, #tpu.memory_space<vmem_shared>>
    tpu.wait_dma2 semaphore(%arg10 : memref<!tpu.dma_semaphore, #tpu.memory_space<semaphore_mem>>) src(%arg9 : memref<64x128xf32, #tpu.memory_space<vmem>>) dst(%dma_wait3A_92 : memref<64x128xf32, #tpu.memory_space<vmem_shared>>)
    %dma_wait3A_93 = arith.constant 0 : i32
    %dma_wait3A_94 = tpu.memref_slice %arg11[%add3A_29, %dma_wait3A_93] : memref<10240x128xf32, #tpu.memory_space<vmem_shared>> -> memref<64x128xf32, #tpu.memory_space<vmem_shared>>
    %dma_wait3A_95 = arith.constant 0 : i32
    %dma_wait3A_96 = tpu.memref_slice %arg11[%add3A_29, %dma_wait3A_95] : memref<10240x128xf32, #tpu.memory_space<vmem_shared>> -> memref<64x128xf32, #tpu.memory_space<vmem_shared>>
    tpu.wait_dma2 semaphore(%arg10 : memref<!tpu.dma_semaphore, #tpu.memory_space<semaphore_mem>>) src(%arg9 : memref<64x128xf32, #tpu.memory_space<vmem>>) dst(%dma_wait3A_96 : memref<64x128xf32, #tpu.memory_space<vmem_shared>>)
    %dma_wait3A_97 = arith.constant 0 : i32
    %dma_wait3A_98 = tpu.memref_slice %arg11[%add3A_37, %dma_wait3A_97] : memref<10240x128xf32, #tpu.memory_space<vmem_shared>> -> memref<64x128xf32, #tpu.memory_space<vmem_shared>>
    %dma_wait3A_99 = arith.constant 0 : i32
    %dma_wait3A_100 = tpu.memref_slice %arg11[%add3A_37, %dma_wait3A_99] : memref<10240x128xf32, #tpu.memory_space<vmem_shared>> -> memref<64x128xf32, #tpu.memory_space<vmem_shared>>
    tpu.wait_dma2 semaphore(%arg10 : memref<!tpu.dma_semaphore, #tpu.memory_space<semaphore_mem>>) src(%arg9 : memref<64x128xf32, #tpu.memory_space<vmem>>) dst(%dma_wait3A_100 : memref<64x128xf32, #tpu.memory_space<vmem_shared>>)
    %dma_wait3A_101 = arith.constant 0 : i32
    %dma_wait3A_102 = tpu.memref_slice %arg11[%add3A_45, %dma_wait3A_101] : memref<10240x128xf32, #tpu.memory_space<vmem_shared>> -> memref<64x128xf32, #tpu.memory_space<vmem_shared>>
    %dma_wait3A_103 = arith.constant 0 : i32
    %dma_wait3A_104 = tpu.memref_slice %arg11[%add3A_45, %dma_wait3A_103] : memref<10240x128xf32, #tpu.memory_space<vmem_shared>> -> memref<64x128xf32, #tpu.memory_space<vmem_shared>>
    tpu.wait_dma2 semaphore(%arg10 : memref<!tpu.dma_semaphore, #tpu.memory_space<semaphore_mem>>) src(%arg9 : memref<64x128xf32, #tpu.memory_space<vmem>>) dst(%dma_wait3A_104 : memref<64x128xf32, #tpu.memory_space<vmem_shared>>)
    %dma_wait3A_105 = arith.constant 0 : i32
    %dma_wait3A_106 = tpu.memref_slice %arg11[%add3A_53, %dma_wait3A_105] : memref<10240x128xf32, #tpu.memory_space<vmem_shared>> -> memref<64x128xf32, #tpu.memory_space<vmem_shared>>
    %dma_wait3A_107 = arith.constant 0 : i32
    %dma_wait3A_108 = tpu.memref_slice %arg11[%add3A_53, %dma_wait3A_107] : memref<10240x128xf32, #tpu.memory_space<vmem_shared>> -> memref<64x128xf32, #tpu.memory_space<vmem_shared>>
    tpu.wait_dma2 semaphore(%arg10 : memref<!tpu.dma_semaphore, #tpu.memory_space<semaphore_mem>>) src(%arg9 : memref<64x128xf32, #tpu.memory_space<vmem>>) dst(%dma_wait3A_108 : memref<64x128xf32, #tpu.memory_space<vmem_shared>>)
    %dma_wait3A_109 = arith.constant 0 : i32
    %dma_wait3A_110 = tpu.memref_slice %arg11[%add3A_61, %dma_wait3A_109] : memref<10240x128xf32, #tpu.memory_space<vmem_shared>> -> memref<64x128xf32, #tpu.memory_space<vmem_shared>>
    %dma_wait3A_111 = arith.constant 0 : i32
    %dma_wait3A_112 = tpu.memref_slice %arg11[%add3A_61, %dma_wait3A_111] : memref<10240x128xf32, #tpu.memory_space<vmem_shared>> -> memref<64x128xf32, #tpu.memory_space<vmem_shared>>
    tpu.wait_dma2 semaphore(%arg10 : memref<!tpu.dma_semaphore, #tpu.memory_space<semaphore_mem>>) src(%arg9 : memref<64x128xf32, #tpu.memory_space<vmem>>) dst(%dma_wait3A_112 : memref<64x128xf32, #tpu.memory_space<vmem_shared>>)
    %dma_wait3A_113 = arith.constant 0 : i32
    %dma_wait3A_114 = tpu.memref_slice %arg11[%add3A_69, %dma_wait3A_113] : memref<10240x128xf32, #tpu.memory_space<vmem_shared>> -> memref<64x128xf32, #tpu.memory_space<vmem_shared>>
    %dma_wait3A_115 = arith.constant 0 : i32
    %dma_wait3A_116 = tpu.memref_slice %arg11[%add3A_69, %dma_wait3A_115] : memref<10240x128xf32, #tpu.memory_space<vmem_shared>> -> memref<64x128xf32, #tpu.memory_space<vmem_shared>>
    tpu.wait_dma2 semaphore(%arg10 : memref<!tpu.dma_semaphore, #tpu.memory_space<semaphore_mem>>) src(%arg9 : memref<64x128xf32, #tpu.memory_space<vmem>>) dst(%dma_wait3A_116 : memref<64x128xf32, #tpu.memory_space<vmem_shared>>)
    %dma_wait3A_117 = arith.constant 0 : i32
    %dma_wait3A_118 = tpu.memref_slice %arg11[%add3A_77, %dma_wait3A_117] : memref<10240x128xf32, #tpu.memory_space<vmem_shared>> -> memref<64x128xf32, #tpu.memory_space<vmem_shared>>
    %dma_wait3A_119 = arith.constant 0 : i32
    %dma_wait3A_120 = tpu.memref_slice %arg11[%add3A_77, %dma_wait3A_119] : memref<10240x128xf32, #tpu.memory_space<vmem_shared>> -> memref<64x128xf32, #tpu.memory_space<vmem_shared>>
    tpu.wait_dma2 semaphore(%arg10 : memref<!tpu.dma_semaphore, #tpu.memory_space<semaphore_mem>>) src(%arg9 : memref<64x128xf32, #tpu.memory_space<vmem>>) dst(%dma_wait3A_120 : memref<64x128xf32, #tpu.memory_space<vmem_shared>>)
    %barrier3A = arith.constant 0 : index
    tpu.barrier barrier_id(%barrier3A)
    %scan3A = arith.constant 0 : i32
    %scan3A_121 = arith.constant 0 : i32
    %scan3A_122 = arith.constant 79 : i32
    %scan3A_123 = arith.addi %scan3A_121, %scan3A_122 : i32
    %scan3A_124 = arith.constant 1 : i32
    scf.for %scan3A_269 = %scan3A_121 to %scan3A_123 step %scan3A_124  : i32 {
      "tpu.region"() ({
        %run_scoped3A_270 = tpu.sem_alloc : memref<!tpu.dma_semaphore, #tpu.memory_space<semaphore_mem>>
        %dma_start3A_271 = arith.constant 0 : i32
        %dma_start3A_272 = tpu.memref_slice %arg6[%scan3A_269, %dma_start3A_271] : memref<79x128xi32, #tpu.memory_space<vmem>> -> memref<1x128xi32, #tpu.memory_space<vmem>>
        %dma_start3A_273 = tpu.memref_squeeze %dma_start3A_272 : memref<1x128xi32, #tpu.memory_space<vmem>> -> memref<128xi32, #tpu.memory_space<vmem>>
        %dma_start3A_274 = arith.constant 0 : i32
        %dma_start3A_275 = arith.constant 0 : i32
        %dma_start3A_276 = tpu.memref_slice %arg2[%add3A_2, %dma_start3A_274, %dma_start3A_275] : memref<4x10240x128xf32, #tpu.memory_space<hbm>> -> memref<1x10240x128xf32, #tpu.memory_space<hbm>>
        %dma_start3A_277 = tpu.memref_squeeze %dma_start3A_276 : memref<1x10240x128xf32, #tpu.memory_space<hbm>> -> memref<10240x128xf32, #tpu.memory_space<hbm>>
        %dma_start3A_278 = arith.constant 0 : i32
        %dma_start3A_279 = arith.constant 0 : i32
        %dma_start3A_280 = tpu.memref_slice %dma_start3A_277[%dma_start3A_278, %dma_start3A_279] : memref<10240x128xf32, #tpu.memory_space<hbm>> -> memref<10240x128xf32, #tpu.memory_space<hbm>>
        tpu.enqueue_indirect_dma source(%dma_start3A_280 : memref<10240x128xf32, #tpu.memory_space<hbm>>) target(%arg8 : memref<128x128xf32, #tpu.memory_space<vmem>>) offsets(%dma_start3A_273 : memref<128xi32, #tpu.memory_space<vmem>>) semaphore(%run_scoped3A_270 : memref<!tpu.dma_semaphore, #tpu.memory_space<semaphore_mem>>)
        %dma_wait3A_281 = arith.constant 0 : i32
        %dma_wait3A_282 = tpu.memref_slice %arg6[%scan3A_269, %dma_wait3A_281] : memref<79x128xi32, #tpu.memory_space<vmem>> -> memref<1x128xi32, #tpu.memory_space<vmem>>
        %dma_wait3A_283 = tpu.memref_squeeze %dma_wait3A_282 : memref<1x128xi32, #tpu.memory_space<vmem>> -> memref<128xi32, #tpu.memory_space<vmem>>
        %dma_wait3A_284 = arith.constant 0 : i32
        %dma_wait3A_285 = arith.constant 0 : i32
        %dma_wait3A_286 = tpu.memref_slice %arg2[%add3A_2, %dma_wait3A_284, %dma_wait3A_285] : memref<4x10240x128xf32, #tpu.memory_space<hbm>> -> memref<1x10240x128xf32, #tpu.memory_space<hbm>>
        %dma_wait3A_287 = tpu.memref_squeeze %dma_wait3A_286 : memref<1x10240x128xf32, #tpu.memory_space<hbm>> -> memref<10240x128xf32, #tpu.memory_space<hbm>>
        %dma_wait3A_288 = arith.constant 0 : i32
        %dma_wait3A_289 = arith.constant 0 : i32
        %dma_wait3A_290 = tpu.memref_slice %dma_wait3A_287[%dma_wait3A_288, %dma_wait3A_289] : memref<10240x128xf32, #tpu.memory_space<hbm>> -> memref<10240x128xf32, #tpu.memory_space<hbm>>
        tpu.wait_indirect_dma semaphore(%run_scoped3A_270 : memref<!tpu.dma_semaphore, #tpu.memory_space<semaphore_mem>>) src(%dma_wait3A_290 : memref<10240x128xf32, #tpu.memory_space<hbm>>) dst(%arg8 : memref<128x128xf32, #tpu.memory_space<vmem>>)
        tpu.yield
      }) : () -> ()
      "tpu.region"() ({
        %run_scoped3A_270 = tpu.sem_alloc : memref<!tpu.dma_semaphore, #tpu.memory_space<semaphore_mem>>
        %dma_start3A_271 = arith.constant 0 : i32
        %dma_start3A_272 = tpu.memref_slice %arg7[%scan3A_269, %dma_start3A_271] : memref<79x128xi32, #tpu.memory_space<vmem>> -> memref<1x128xi32, #tpu.memory_space<vmem>>
        %dma_start3A_273 = tpu.memref_squeeze %dma_start3A_272 : memref<1x128xi32, #tpu.memory_space<vmem>> -> memref<128xi32, #tpu.memory_space<vmem>>
        %dma_start3A_274 = arith.constant 0 : i32
        %dma_start3A_275 = arith.constant 0 : i32
        %dma_start3A_276 = tpu.memref_slice %arg11[%dma_start3A_274, %dma_start3A_275] : memref<10240x128xf32, #tpu.memory_space<vmem_shared>> -> memref<10240x128xf32, #tpu.memory_space<vmem_shared>>
        tpu.enqueue_indirect_dma source(%arg8 : memref<128x128xf32, #tpu.memory_space<vmem>>) target(%dma_start3A_276 : memref<10240x128xf32, #tpu.memory_space<vmem_shared>>) offsets(%dma_start3A_273 : memref<128xi32, #tpu.memory_space<vmem>>) semaphore(%run_scoped3A_270 : memref<!tpu.dma_semaphore, #tpu.memory_space<semaphore_mem>>) {add = true}
        %dma_wait3A_277 = arith.constant 0 : i32
        %dma_wait3A_278 = tpu.memref_slice %arg7[%scan3A_269, %dma_wait3A_277] : memref<79x128xi32, #tpu.memory_space<vmem>> -> memref<1x128xi32, #tpu.memory_space<vmem>>
        %dma_wait3A_279 = tpu.memref_squeeze %dma_wait3A_278 : memref<1x128xi32, #tpu.memory_space<vmem>> -> memref<128xi32, #tpu.memory_space<vmem>>
        %dma_wait3A_280 = arith.constant 0 : i32
        %dma_wait3A_281 = arith.constant 0 : i32
        %dma_wait3A_282 = tpu.memref_slice %arg11[%dma_wait3A_280, %dma_wait3A_281] : memref<10240x128xf32, #tpu.memory_space<vmem_shared>> -> memref<10240x128xf32, #tpu.memory_space<vmem_shared>>
        tpu.wait_indirect_dma semaphore(%run_scoped3A_270 : memref<!tpu.dma_semaphore, #tpu.memory_space<semaphore_mem>>) src(%arg8 : memref<128x128xf32, #tpu.memory_space<vmem>>) dst(%dma_wait3A_282 : memref<10240x128xf32, #tpu.memory_space<vmem_shared>>)
        tpu.yield
      }) : () -> ()
    }
    %scan3A_125 = arith.constant 79 : i32
    %barrier3A_126 = arith.constant 0 : index
    tpu.barrier barrier_id(%barrier3A_126)
    %mul3A_127 = arith.constant 640 : i32
    %mul3A_128 = arith.muli %arg1, %mul3A_127 : i32
    %mul3A_129 = arith.constant 640 : i32
    %mul3A_130 = arith.muli %arg1, %mul3A_129 : i32
    "tpu.region"() ({
      %run_scoped3A_269 = tpu.sem_alloc : memref<!tpu.dma_semaphore, #tpu.memory_space<semaphore_mem>>
      %dma_start3A_270 = arith.constant 0 : i32
      %dma_start3A_271 = arith.constant 0 : i32
      %dma_start3A_272 = tpu.memref_slice %arg5[%add3A_2, %dma_start3A_270, %dma_start3A_271] : memref<4x10240x128xf32, #tpu.memory_space<hbm>> -> memref<1x10240x128xf32, #tpu.memory_space<hbm>>
      %dma_start3A_273 = tpu.memref_squeeze %dma_start3A_272 : memref<1x10240x128xf32, #tpu.memory_space<hbm>> -> memref<10240x128xf32, #tpu.memory_space<hbm>>
      %dma_start3A_274 = arith.constant 0 : i32
      %dma_start3A_275 = tpu.memref_slice %dma_start3A_273[%mul3A_130, %dma_start3A_274] : memref<10240x128xf32, #tpu.memory_space<hbm>> -> memref<640x128xf32, #tpu.memory_space<hbm>>
      %dma_start3A_276 = arith.constant 0 : i32
      %dma_start3A_277 = tpu.memref_slice %arg11[%mul3A_128, %dma_start3A_276] : memref<10240x128xf32, #tpu.memory_space<vmem_shared>> -> memref<640x128xf32, #tpu.memory_space<vmem_shared>>
      tpu.enqueue_dma source(%dma_start3A_277 : memref<640x128xf32, #tpu.memory_space<vmem_shared>>) target(%dma_start3A_275 : memref<640x128xf32, #tpu.memory_space<hbm>>) target_semaphore(%run_scoped3A_269 : memref<!tpu.dma_semaphore, #tpu.memory_space<semaphore_mem>>)
      %dma_wait3A_278 = arith.constant 0 : i32
      %dma_wait3A_279 = arith.constant 0 : i32
      %dma_wait3A_280 = tpu.memref_slice %arg5[%add3A_2, %dma_wait3A_278, %dma_wait3A_279] : memref<4x10240x128xf32, #tpu.memory_space<hbm>> -> memref<1x10240x128xf32, #tpu.memory_space<hbm>>
      %dma_wait3A_281 = tpu.memref_squeeze %dma_wait3A_280 : memref<1x10240x128xf32, #tpu.memory_space<hbm>> -> memref<10240x128xf32, #tpu.memory_space<hbm>>
      %dma_wait3A_282 = arith.constant 0 : i32
      %dma_wait3A_283 = tpu.memref_slice %dma_wait3A_281[%mul3A_130, %dma_wait3A_282] : memref<10240x128xf32, #tpu.memory_space<hbm>> -> memref<640x128xf32, #tpu.memory_space<hbm>>
      %dma_wait3A_284 = arith.constant 0 : i32
      %dma_wait3A_285 = tpu.memref_slice %arg11[%mul3A_128, %dma_wait3A_284] : memref<10240x128xf32, #tpu.memory_space<vmem_shared>> -> memref<640x128xf32, #tpu.memory_space<vmem_shared>>
      tpu.wait_dma2 semaphore(%run_scoped3A_269 : memref<!tpu.dma_semaphore, #tpu.memory_space<semaphore_mem>>) src(%dma_wait3A_285 : memref<640x128xf32, #tpu.memory_space<vmem_shared>>) dst(%dma_wait3A_283 : memref<640x128xf32, #tpu.memory_space<hbm>>)
      tpu.yield
    }) : () -> ()
    %barrier3A_131 = arith.constant 0 : index
    tpu.barrier barrier_id(%barrier3A_131)
    %mul3A_132 = arith.constant 2 : i32
    %mul3A_133 = arith.muli %arg0, %mul3A_132 : i32
    %add3A_134 = arith.constant 1 : i32
    %add3A_135 = arith.addi %mul3A_133, %add3A_134 : i32
    %mul3A_136 = arith.constant 640 : i32
    %mul3A_137 = arith.muli %arg1, %mul3A_136 : i32
    %add3A_138 = arith.constant 0 : i32
    %add3A_139 = arith.addi %mul3A_137, %add3A_138 : i32
    %dma_start3A_140 = arith.constant 0 : i32
    %dma_start3A_141 = tpu.memref_slice %arg11[%add3A_139, %dma_start3A_140] : memref<10240x128xf32, #tpu.memory_space<vmem_shared>> -> memref<64x128xf32, #tpu.memory_space<vmem_shared>>
    %dma_start3A_142 = arith.constant 0 : i32
    %dma_start3A_143 = tpu.memref_slice %arg11[%add3A_139, %dma_start3A_142] : memref<10240x128xf32, #tpu.memory_space<vmem_shared>> -> memref<64x128xf32, #tpu.memory_space<vmem_shared>>
    tpu.enqueue_dma source(%arg9 : memref<64x128xf32, #tpu.memory_space<vmem>>) target(%dma_start3A_143 : memref<64x128xf32, #tpu.memory_space<vmem_shared>>) target_semaphore(%arg10 : memref<!tpu.dma_semaphore, #tpu.memory_space<semaphore_mem>>)
    %mul3A_144 = arith.constant 640 : i32
    %mul3A_145 = arith.muli %arg1, %mul3A_144 : i32
    %add3A_146 = arith.constant 64 : i32
    %add3A_147 = arith.addi %mul3A_145, %add3A_146 : i32
    %dma_start3A_148 = arith.constant 0 : i32
    %dma_start3A_149 = tpu.memref_slice %arg11[%add3A_147, %dma_start3A_148] : memref<10240x128xf32, #tpu.memory_space<vmem_shared>> -> memref<64x128xf32, #tpu.memory_space<vmem_shared>>
    %dma_start3A_150 = arith.constant 0 : i32
    %dma_start3A_151 = tpu.memref_slice %arg11[%add3A_147, %dma_start3A_150] : memref<10240x128xf32, #tpu.memory_space<vmem_shared>> -> memref<64x128xf32, #tpu.memory_space<vmem_shared>>
    tpu.enqueue_dma source(%arg9 : memref<64x128xf32, #tpu.memory_space<vmem>>) target(%dma_start3A_151 : memref<64x128xf32, #tpu.memory_space<vmem_shared>>) target_semaphore(%arg10 : memref<!tpu.dma_semaphore, #tpu.memory_space<semaphore_mem>>)
    %mul3A_152 = arith.constant 640 : i32
    %mul3A_153 = arith.muli %arg1, %mul3A_152 : i32
    %add3A_154 = arith.constant 128 : i32
    %add3A_155 = arith.addi %mul3A_153, %add3A_154 : i32
    %dma_start3A_156 = arith.constant 0 : i32
    %dma_start3A_157 = tpu.memref_slice %arg11[%add3A_155, %dma_start3A_156] : memref<10240x128xf32, #tpu.memory_space<vmem_shared>> -> memref<64x128xf32, #tpu.memory_space<vmem_shared>>
    %dma_start3A_158 = arith.constant 0 : i32
    %dma_start3A_159 = tpu.memref_slice %arg11[%add3A_155, %dma_start3A_158] : memref<10240x128xf32, #tpu.memory_space<vmem_shared>> -> memref<64x128xf32, #tpu.memory_space<vmem_shared>>
    tpu.enqueue_dma source(%arg9 : memref<64x128xf32, #tpu.memory_space<vmem>>) target(%dma_start3A_159 : memref<64x128xf32, #tpu.memory_space<vmem_shared>>) target_semaphore(%arg10 : memref<!tpu.dma_semaphore, #tpu.memory_space<semaphore_mem>>)
    %mul3A_160 = arith.constant 640 : i32
    %mul3A_161 = arith.muli %arg1, %mul3A_160 : i32
    %add3A_162 = arith.constant 192 : i32
    %add3A_163 = arith.addi %mul3A_161, %add3A_162 : i32
    %dma_start3A_164 = arith.constant 0 : i32
    %dma_start3A_165 = tpu.memref_slice %arg11[%add3A_163, %dma_start3A_164] : memref<10240x128xf32, #tpu.memory_space<vmem_shared>> -> memref<64x128xf32, #tpu.memory_space<vmem_shared>>
    %dma_start3A_166 = arith.constant 0 : i32
    %dma_start3A_167 = tpu.memref_slice %arg11[%add3A_163, %dma_start3A_166] : memref<10240x128xf32, #tpu.memory_space<vmem_shared>> -> memref<64x128xf32, #tpu.memory_space<vmem_shared>>
    tpu.enqueue_dma source(%arg9 : memref<64x128xf32, #tpu.memory_space<vmem>>) target(%dma_start3A_167 : memref<64x128xf32, #tpu.memory_space<vmem_shared>>) target_semaphore(%arg10 : memref<!tpu.dma_semaphore, #tpu.memory_space<semaphore_mem>>)
    %mul3A_168 = arith.constant 640 : i32
    %mul3A_169 = arith.muli %arg1, %mul3A_168 : i32
    %add3A_170 = arith.constant 256 : i32
    %add3A_171 = arith.addi %mul3A_169, %add3A_170 : i32
    %dma_start3A_172 = arith.constant 0 : i32
    %dma_start3A_173 = tpu.memref_slice %arg11[%add3A_171, %dma_start3A_172] : memref<10240x128xf32, #tpu.memory_space<vmem_shared>> -> memref<64x128xf32, #tpu.memory_space<vmem_shared>>
    %dma_start3A_174 = arith.constant 0 : i32
    %dma_start3A_175 = tpu.memref_slice %arg11[%add3A_171, %dma_start3A_174] : memref<10240x128xf32, #tpu.memory_space<vmem_shared>> -> memref<64x128xf32, #tpu.memory_space<vmem_shared>>
    tpu.enqueue_dma source(%arg9 : memref<64x128xf32, #tpu.memory_space<vmem>>) target(%dma_start3A_175 : memref<64x128xf32, #tpu.memory_space<vmem_shared>>) target_semaphore(%arg10 : memref<!tpu.dma_semaphore, #tpu.memory_space<semaphore_mem>>)
    %mul3A_176 = arith.constant 640 : i32
    %mul3A_177 = arith.muli %arg1, %mul3A_176 : i32
    %add3A_178 = arith.constant 320 : i32
    %add3A_179 = arith.addi %mul3A_177, %add3A_178 : i32
    %dma_start3A_180 = arith.constant 0 : i32
    %dma_start3A_181 = tpu.memref_slice %arg11[%add3A_179, %dma_start3A_180] : memref<10240x128xf32, #tpu.memory_space<vmem_shared>> -> memref<64x128xf32, #tpu.memory_space<vmem_shared>>
    %dma_start3A_182 = arith.constant 0 : i32
    %dma_start3A_183 = tpu.memref_slice %arg11[%add3A_179, %dma_start3A_182] : memref<10240x128xf32, #tpu.memory_space<vmem_shared>> -> memref<64x128xf32, #tpu.memory_space<vmem_shared>>
    tpu.enqueue_dma source(%arg9 : memref<64x128xf32, #tpu.memory_space<vmem>>) target(%dma_start3A_183 : memref<64x128xf32, #tpu.memory_space<vmem_shared>>) target_semaphore(%arg10 : memref<!tpu.dma_semaphore, #tpu.memory_space<semaphore_mem>>)
    %mul3A_184 = arith.constant 640 : i32
    %mul3A_185 = arith.muli %arg1, %mul3A_184 : i32
    %add3A_186 = arith.constant 384 : i32
    %add3A_187 = arith.addi %mul3A_185, %add3A_186 : i32
    %dma_start3A_188 = arith.constant 0 : i32
    %dma_start3A_189 = tpu.memref_slice %arg11[%add3A_187, %dma_start3A_188] : memref<10240x128xf32, #tpu.memory_space<vmem_shared>> -> memref<64x128xf32, #tpu.memory_space<vmem_shared>>
    %dma_start3A_190 = arith.constant 0 : i32
    %dma_start3A_191 = tpu.memref_slice %arg11[%add3A_187, %dma_start3A_190] : memref<10240x128xf32, #tpu.memory_space<vmem_shared>> -> memref<64x128xf32, #tpu.memory_space<vmem_shared>>
    tpu.enqueue_dma source(%arg9 : memref<64x128xf32, #tpu.memory_space<vmem>>) target(%dma_start3A_191 : memref<64x128xf32, #tpu.memory_space<vmem_shared>>) target_semaphore(%arg10 : memref<!tpu.dma_semaphore, #tpu.memory_space<semaphore_mem>>)
    %mul3A_192 = arith.constant 640 : i32
    %mul3A_193 = arith.muli %arg1, %mul3A_192 : i32
    %add3A_194 = arith.constant 448 : i32
    %add3A_195 = arith.addi %mul3A_193, %add3A_194 : i32
    %dma_start3A_196 = arith.constant 0 : i32
    %dma_start3A_197 = tpu.memref_slice %arg11[%add3A_195, %dma_start3A_196] : memref<10240x128xf32, #tpu.memory_space<vmem_shared>> -> memref<64x128xf32, #tpu.memory_space<vmem_shared>>
    %dma_start3A_198 = arith.constant 0 : i32
    %dma_start3A_199 = tpu.memref_slice %arg11[%add3A_195, %dma_start3A_198] : memref<10240x128xf32, #tpu.memory_space<vmem_shared>> -> memref<64x128xf32, #tpu.memory_space<vmem_shared>>
    tpu.enqueue_dma source(%arg9 : memref<64x128xf32, #tpu.memory_space<vmem>>) target(%dma_start3A_199 : memref<64x128xf32, #tpu.memory_space<vmem_shared>>) target_semaphore(%arg10 : memref<!tpu.dma_semaphore, #tpu.memory_space<semaphore_mem>>)
    %mul3A_200 = arith.constant 640 : i32
    %mul3A_201 = arith.muli %arg1, %mul3A_200 : i32
    %add3A_202 = arith.constant 512 : i32
    %add3A_203 = arith.addi %mul3A_201, %add3A_202 : i32
    %dma_start3A_204 = arith.constant 0 : i32
    %dma_start3A_205 = tpu.memref_slice %arg11[%add3A_203, %dma_start3A_204] : memref<10240x128xf32, #tpu.memory_space<vmem_shared>> -> memref<64x128xf32, #tpu.memory_space<vmem_shared>>
    %dma_start3A_206 = arith.constant 0 : i32
    %dma_start3A_207 = tpu.memref_slice %arg11[%add3A_203, %dma_start3A_206] : memref<10240x128xf32, #tpu.memory_space<vmem_shared>> -> memref<64x128xf32, #tpu.memory_space<vmem_shared>>
    tpu.enqueue_dma source(%arg9 : memref<64x128xf32, #tpu.memory_space<vmem>>) target(%dma_start3A_207 : memref<64x128xf32, #tpu.memory_space<vmem_shared>>) target_semaphore(%arg10 : memref<!tpu.dma_semaphore, #tpu.memory_space<semaphore_mem>>)
    %mul3A_208 = arith.constant 640 : i32
    %mul3A_209 = arith.muli %arg1, %mul3A_208 : i32
    %add3A_210 = arith.constant 576 : i32
    %add3A_211 = arith.addi %mul3A_209, %add3A_210 : i32
    %dma_start3A_212 = arith.constant 0 : i32
    %dma_start3A_213 = tpu.memref_slice %arg11[%add3A_211, %dma_start3A_212] : memref<10240x128xf32, #tpu.memory_space<vmem_shared>> -> memref<64x128xf32, #tpu.memory_space<vmem_shared>>
    %dma_start3A_214 = arith.constant 0 : i32
    %dma_start3A_215 = tpu.memref_slice %arg11[%add3A_211, %dma_start3A_214] : memref<10240x128xf32, #tpu.memory_space<vmem_shared>> -> memref<64x128xf32, #tpu.memory_space<vmem_shared>>
    tpu.enqueue_dma source(%arg9 : memref<64x128xf32, #tpu.memory_space<vmem>>) target(%dma_start3A_215 : memref<64x128xf32, #tpu.memory_space<vmem_shared>>) target_semaphore(%arg10 : memref<!tpu.dma_semaphore, #tpu.memory_space<semaphore_mem>>)
    %dma_wait3A_216 = arith.constant 0 : i32
    %dma_wait3A_217 = tpu.memref_slice %arg11[%add3A_139, %dma_wait3A_216] : memref<10240x128xf32, #tpu.memory_space<vmem_shared>> -> memref<64x128xf32, #tpu.memory_space<vmem_shared>>
    %dma_wait3A_218 = arith.constant 0 : i32
    %dma_wait3A_219 = tpu.memref_slice %arg11[%add3A_139, %dma_wait3A_218] : memref<10240x128xf32, #tpu.memory_space<vmem_shared>> -> memref<64x128xf32, #tpu.memory_space<vmem_shared>>
    tpu.wait_dma2 semaphore(%arg10 : memref<!tpu.dma_semaphore, #tpu.memory_space<semaphore_mem>>) src(%arg9 : memref<64x128xf32, #tpu.memory_space<vmem>>) dst(%dma_wait3A_219 : memref<64x128xf32, #tpu.memory_space<vmem_shared>>)
    %dma_wait3A_220 = arith.constant 0 : i32
    %dma_wait3A_221 = tpu.memref_slice %arg11[%add3A_147, %dma_wait3A_220] : memref<10240x128xf32, #tpu.memory_space<vmem_shared>> -> memref<64x128xf32, #tpu.memory_space<vmem_shared>>
    %dma_wait3A_222 = arith.constant 0 : i32
    %dma_wait3A_223 = tpu.memref_slice %arg11[%add3A_147, %dma_wait3A_222] : memref<10240x128xf32, #tpu.memory_space<vmem_shared>> -> memref<64x128xf32, #tpu.memory_space<vmem_shared>>
    tpu.wait_dma2 semaphore(%arg10 : memref<!tpu.dma_semaphore, #tpu.memory_space<semaphore_mem>>) src(%arg9 : memref<64x128xf32, #tpu.memory_space<vmem>>) dst(%dma_wait3A_223 : memref<64x128xf32, #tpu.memory_space<vmem_shared>>)
    %dma_wait3A_224 = arith.constant 0 : i32
    %dma_wait3A_225 = tpu.memref_slice %arg11[%add3A_155, %dma_wait3A_224] : memref<10240x128xf32, #tpu.memory_space<vmem_shared>> -> memref<64x128xf32, #tpu.memory_space<vmem_shared>>
    %dma_wait3A_226 = arith.constant 0 : i32
    %dma_wait3A_227 = tpu.memref_slice %arg11[%add3A_155, %dma_wait3A_226] : memref<10240x128xf32, #tpu.memory_space<vmem_shared>> -> memref<64x128xf32, #tpu.memory_space<vmem_shared>>
    tpu.wait_dma2 semaphore(%arg10 : memref<!tpu.dma_semaphore, #tpu.memory_space<semaphore_mem>>) src(%arg9 : memref<64x128xf32, #tpu.memory_space<vmem>>) dst(%dma_wait3A_227 : memref<64x128xf32, #tpu.memory_space<vmem_shared>>)
    %dma_wait3A_228 = arith.constant 0 : i32
    %dma_wait3A_229 = tpu.memref_slice %arg11[%add3A_163, %dma_wait3A_228] : memref<10240x128xf32, #tpu.memory_space<vmem_shared>> -> memref<64x128xf32, #tpu.memory_space<vmem_shared>>
    %dma_wait3A_230 = arith.constant 0 : i32
    %dma_wait3A_231 = tpu.memref_slice %arg11[%add3A_163, %dma_wait3A_230] : memref<10240x128xf32, #tpu.memory_space<vmem_shared>> -> memref<64x128xf32, #tpu.memory_space<vmem_shared>>
    tpu.wait_dma2 semaphore(%arg10 : memref<!tpu.dma_semaphore, #tpu.memory_space<semaphore_mem>>) src(%arg9 : memref<64x128xf32, #tpu.memory_space<vmem>>) dst(%dma_wait3A_231 : memref<64x128xf32, #tpu.memory_space<vmem_shared>>)
    %dma_wait3A_232 = arith.constant 0 : i32
    %dma_wait3A_233 = tpu.memref_slice %arg11[%add3A_171, %dma_wait3A_232] : memref<10240x128xf32, #tpu.memory_space<vmem_shared>> -> memref<64x128xf32, #tpu.memory_space<vmem_shared>>
    %dma_wait3A_234 = arith.constant 0 : i32
    %dma_wait3A_235 = tpu.memref_slice %arg11[%add3A_171, %dma_wait3A_234] : memref<10240x128xf32, #tpu.memory_space<vmem_shared>> -> memref<64x128xf32, #tpu.memory_space<vmem_shared>>
    tpu.wait_dma2 semaphore(%arg10 : memref<!tpu.dma_semaphore, #tpu.memory_space<semaphore_mem>>) src(%arg9 : memref<64x128xf32, #tpu.memory_space<vmem>>) dst(%dma_wait3A_235 : memref<64x128xf32, #tpu.memory_space<vmem_shared>>)
    %dma_wait3A_236 = arith.constant 0 : i32
    %dma_wait3A_237 = tpu.memref_slice %arg11[%add3A_179, %dma_wait3A_236] : memref<10240x128xf32, #tpu.memory_space<vmem_shared>> -> memref<64x128xf32, #tpu.memory_space<vmem_shared>>
    %dma_wait3A_238 = arith.constant 0 : i32
    %dma_wait3A_239 = tpu.memref_slice %arg11[%add3A_179, %dma_wait3A_238] : memref<10240x128xf32, #tpu.memory_space<vmem_shared>> -> memref<64x128xf32, #tpu.memory_space<vmem_shared>>
    tpu.wait_dma2 semaphore(%arg10 : memref<!tpu.dma_semaphore, #tpu.memory_space<semaphore_mem>>) src(%arg9 : memref<64x128xf32, #tpu.memory_space<vmem>>) dst(%dma_wait3A_239 : memref<64x128xf32, #tpu.memory_space<vmem_shared>>)
    %dma_wait3A_240 = arith.constant 0 : i32
    %dma_wait3A_241 = tpu.memref_slice %arg11[%add3A_187, %dma_wait3A_240] : memref<10240x128xf32, #tpu.memory_space<vmem_shared>> -> memref<64x128xf32, #tpu.memory_space<vmem_shared>>
    %dma_wait3A_242 = arith.constant 0 : i32
    %dma_wait3A_243 = tpu.memref_slice %arg11[%add3A_187, %dma_wait3A_242] : memref<10240x128xf32, #tpu.memory_space<vmem_shared>> -> memref<64x128xf32, #tpu.memory_space<vmem_shared>>
    tpu.wait_dma2 semaphore(%arg10 : memref<!tpu.dma_semaphore, #tpu.memory_space<semaphore_mem>>) src(%arg9 : memref<64x128xf32, #tpu.memory_space<vmem>>) dst(%dma_wait3A_243 : memref<64x128xf32, #tpu.memory_space<vmem_shared>>)
    %dma_wait3A_244 = arith.constant 0 : i32
    %dma_wait3A_245 = tpu.memref_slice %arg11[%add3A_195, %dma_wait3A_244] : memref<10240x128xf32, #tpu.memory_space<vmem_shared>> -> memref<64x128xf32, #tpu.memory_space<vmem_shared>>
    %dma_wait3A_246 = arith.constant 0 : i32
    %dma_wait3A_247 = tpu.memref_slice %arg11[%add3A_195, %dma_wait3A_246] : memref<10240x128xf32, #tpu.memory_space<vmem_shared>> -> memref<64x128xf32, #tpu.memory_space<vmem_shared>>
    tpu.wait_dma2 semaphore(%arg10 : memref<!tpu.dma_semaphore, #tpu.memory_space<semaphore_mem>>) src(%arg9 : memref<64x128xf32, #tpu.memory_space<vmem>>) dst(%dma_wait3A_247 : memref<64x128xf32, #tpu.memory_space<vmem_shared>>)
    %dma_wait3A_248 = arith.constant 0 : i32
    %dma_wait3A_249 = tpu.memref_slice %arg11[%add3A_203, %dma_wait3A_248] : memref<10240x128xf32, #tpu.memory_space<vmem_shared>> -> memref<64x128xf32, #tpu.memory_space<vmem_shared>>
    %dma_wait3A_250 = arith.constant 0 : i32
    %dma_wait3A_251 = tpu.memref_slice %arg11[%add3A_203, %dma_wait3A_250] : memref<10240x128xf32, #tpu.memory_space<vmem_shared>> -> memref<64x128xf32, #tpu.memory_space<vmem_shared>>
    tpu.wait_dma2 semaphore(%arg10 : memref<!tpu.dma_semaphore, #tpu.memory_space<semaphore_mem>>) src(%arg9 : memref<64x128xf32, #tpu.memory_space<vmem>>) dst(%dma_wait3A_251 : memref<64x128xf32, #tpu.memory_space<vmem_shared>>)
    %dma_wait3A_252 = arith.constant 0 : i32
    %dma_wait3A_253 = tpu.memref_slice %arg11[%add3A_211, %dma_wait3A_252] : memref<10240x128xf32, #tpu.memory_space<vmem_shared>> -> memref<64x128xf32, #tpu.memory_space<vmem_shared>>
    %dma_wait3A_254 = arith.constant 0 : i32
    %dma_wait3A_255 = tpu.memref_slice %arg11[%add3A_211, %dma_wait3A_254] : memref<10240x128xf32, #tpu.memory_space<vmem_shared>> -> memref<64x128xf32, #tpu.memory_space<vmem_shared>>
    tpu.wait_dma2 semaphore(%arg10 : memref<!tpu.dma_semaphore, #tpu.memory_space<semaphore_mem>>) src(%arg9 : memref<64x128xf32, #tpu.memory_space<vmem>>) dst(%dma_wait3A_255 : memref<64x128xf32, #tpu.memory_space<vmem_shared>>)
    %barrier3A_256 = arith.constant 0 : index
    tpu.barrier barrier_id(%barrier3A_256)
    %scan3A_257 = arith.constant 0 : i32
    %scan3A_258 = arith.constant 0 : i32
    %scan3A_259 = arith.constant 79 : i32
    %scan3A_260 = arith.addi %scan3A_258, %scan3A_259 : i32
    %scan3A_261 = arith.constant 1 : i32
    scf.for %scan3A_269 = %scan3A_258 to %scan3A_260 step %scan3A_261  : i32 {
      "tpu.region"() ({
        %run_scoped3A_270 = tpu.sem_alloc : memref<!tpu.dma_semaphore, #tpu.memory_space<semaphore_mem>>
        %dma_start3A_271 = arith.constant 0 : i32
        %dma_start3A_272 = tpu.memref_slice %arg6[%scan3A_269, %dma_start3A_271] : memref<79x128xi32, #tpu.memory_space<vmem>> -> memref<1x128xi32, #tpu.memory_space<vmem>>
        %dma_start3A_273 = tpu.memref_squeeze %dma_start3A_272 : memref<1x128xi32, #tpu.memory_space<vmem>> -> memref<128xi32, #tpu.memory_space<vmem>>
        %dma_start3A_274 = arith.constant 0 : i32
        %dma_start3A_275 = arith.constant 0 : i32
        %dma_start3A_276 = tpu.memref_slice %arg2[%add3A_135, %dma_start3A_274, %dma_start3A_275] : memref<4x10240x128xf32, #tpu.memory_space<hbm>> -> memref<1x10240x128xf32, #tpu.memory_space<hbm>>
        %dma_start3A_277 = tpu.memref_squeeze %dma_start3A_276 : memref<1x10240x128xf32, #tpu.memory_space<hbm>> -> memref<10240x128xf32, #tpu.memory_space<hbm>>
        %dma_start3A_278 = arith.constant 0 : i32
        %dma_start3A_279 = arith.constant 0 : i32
        %dma_start3A_280 = tpu.memref_slice %dma_start3A_277[%dma_start3A_278, %dma_start3A_279] : memref<10240x128xf32, #tpu.memory_space<hbm>> -> memref<10240x128xf32, #tpu.memory_space<hbm>>
        tpu.enqueue_indirect_dma source(%dma_start3A_280 : memref<10240x128xf32, #tpu.memory_space<hbm>>) target(%arg8 : memref<128x128xf32, #tpu.memory_space<vmem>>) offsets(%dma_start3A_273 : memref<128xi32, #tpu.memory_space<vmem>>) semaphore(%run_scoped3A_270 : memref<!tpu.dma_semaphore, #tpu.memory_space<semaphore_mem>>)
        %dma_wait3A_281 = arith.constant 0 : i32
        %dma_wait3A_282 = tpu.memref_slice %arg6[%scan3A_269, %dma_wait3A_281] : memref<79x128xi32, #tpu.memory_space<vmem>> -> memref<1x128xi32, #tpu.memory_space<vmem>>
        %dma_wait3A_283 = tpu.memref_squeeze %dma_wait3A_282 : memref<1x128xi32, #tpu.memory_space<vmem>> -> memref<128xi32, #tpu.memory_space<vmem>>
        %dma_wait3A_284 = arith.constant 0 : i32
        %dma_wait3A_285 = arith.constant 0 : i32
        %dma_wait3A_286 = tpu.memref_slice %arg2[%add3A_135, %dma_wait3A_284, %dma_wait3A_285] : memref<4x10240x128xf32, #tpu.memory_space<hbm>> -> memref<1x10240x128xf32, #tpu.memory_space<hbm>>
        %dma_wait3A_287 = tpu.memref_squeeze %dma_wait3A_286 : memref<1x10240x128xf32, #tpu.memory_space<hbm>> -> memref<10240x128xf32, #tpu.memory_space<hbm>>
        %dma_wait3A_288 = arith.constant 0 : i32
        %dma_wait3A_289 = arith.constant 0 : i32
        %dma_wait3A_290 = tpu.memref_slice %dma_wait3A_287[%dma_wait3A_288, %dma_wait3A_289] : memref<10240x128xf32, #tpu.memory_space<hbm>> -> memref<10240x128xf32, #tpu.memory_space<hbm>>
        tpu.wait_indirect_dma semaphore(%run_scoped3A_270 : memref<!tpu.dma_semaphore, #tpu.memory_space<semaphore_mem>>) src(%dma_wait3A_290 : memref<10240x128xf32, #tpu.memory_space<hbm>>) dst(%arg8 : memref<128x128xf32, #tpu.memory_space<vmem>>)
        tpu.yield
      }) : () -> ()
      "tpu.region"() ({
        %run_scoped3A_270 = tpu.sem_alloc : memref<!tpu.dma_semaphore, #tpu.memory_space<semaphore_mem>>
        %dma_start3A_271 = arith.constant 0 : i32
        %dma_start3A_272 = tpu.memref_slice %arg7[%scan3A_269, %dma_start3A_271] : memref<79x128xi32, #tpu.memory_space<vmem>> -> memref<1x128xi32, #tpu.memory_space<vmem>>
        %dma_start3A_273 = tpu.memref_squeeze %dma_start3A_272 : memref<1x128xi32, #tpu.memory_space<vmem>> -> memref<128xi32, #tpu.memory_space<vmem>>
        %dma_start3A_274 = arith.constant 0 : i32
        %dma_start3A_275 = arith.constant 0 : i32
        %dma_start3A_276 = tpu.memref_slice %arg11[%dma_start3A_274, %dma_start3A_275] : memref<10240x128xf32, #tpu.memory_space<vmem_shared>> -> memref<10240x128xf32, #tpu.memory_space<vmem_shared>>
        tpu.enqueue_indirect_dma source(%arg8 : memref<128x128xf32, #tpu.memory_space<vmem>>) target(%dma_start3A_276 : memref<10240x128xf32, #tpu.memory_space<vmem_shared>>) offsets(%dma_start3A_273 : memref<128xi32, #tpu.memory_space<vmem>>) semaphore(%run_scoped3A_270 : memref<!tpu.dma_semaphore, #tpu.memory_space<semaphore_mem>>) {add = true}
        %dma_wait3A_277 = arith.constant 0 : i32
        %dma_wait3A_278 = tpu.memref_slice %arg7[%scan3A_269, %dma_wait3A_277] : memref<79x128xi32, #tpu.memory_space<vmem>> -> memref<1x128xi32, #tpu.memory_space<vmem>>
        %dma_wait3A_279 = tpu.memref_squeeze %dma_wait3A_278 : memref<1x128xi32, #tpu.memory_space<vmem>> -> memref<128xi32, #tpu.memory_space<vmem>>
        %dma_wait3A_280 = arith.constant 0 : i32
        %dma_wait3A_281 = arith.constant 0 : i32
        %dma_wait3A_282 = tpu.memref_slice %arg11[%dma_wait3A_280, %dma_wait3A_281] : memref<10240x128xf32, #tpu.memory_space<vmem_shared>> -> memref<10240x128xf32, #tpu.memory_space<vmem_shared>>
        tpu.wait_indirect_dma semaphore(%run_scoped3A_270 : memref<!tpu.dma_semaphore, #tpu.memory_space<semaphore_mem>>) src(%arg8 : memref<128x128xf32, #tpu.memory_space<vmem>>) dst(%dma_wait3A_282 : memref<10240x128xf32, #tpu.memory_space<vmem_shared>>)
        tpu.yield
      }) : () -> ()
    }
    %scan3A_262 = arith.constant 79 : i32
    %barrier3A_263 = arith.constant 0 : index
    tpu.barrier barrier_id(%barrier3A_263)
    %mul3A_264 = arith.constant 640 : i32
    %mul3A_265 = arith.muli %arg1, %mul3A_264 : i32
    %mul3A_266 = arith.constant 640 : i32
    %mul3A_267 = arith.muli %arg1, %mul3A_266 : i32
    "tpu.region"() ({
      %run_scoped3A_269 = tpu.sem_alloc : memref<!tpu.dma_semaphore, #tpu.memory_space<semaphore_mem>>
      %dma_start3A_270 = arith.constant 0 : i32
      %dma_start3A_271 = arith.constant 0 : i32
      %dma_start3A_272 = tpu.memref_slice %arg5[%add3A_135, %dma_start3A_270, %dma_start3A_271] : memref<4x10240x128xf32, #tpu.memory_space<hbm>> -> memref<1x10240x128xf32, #tpu.memory_space<hbm>>
      %dma_start3A_273 = tpu.memref_squeeze %dma_start3A_272 : memref<1x10240x128xf32, #tpu.memory_space<hbm>> -> memref<10240x128xf32, #tpu.memory_space<hbm>>
      %dma_start3A_274 = arith.constant 0 : i32
      %dma_start3A_275 = tpu.memref_slice %dma_start3A_273[%mul3A_267, %dma_start3A_274] : memref<10240x128xf32, #tpu.memory_space<hbm>> -> memref<640x128xf32, #tpu.memory_space<hbm>>
      %dma_start3A_276 = arith.constant 0 : i32
      %dma_start3A_277 = tpu.memref_slice %arg11[%mul3A_265, %dma_start3A_276] : memref<10240x128xf32, #tpu.memory_space<vmem_shared>> -> memref<640x128xf32, #tpu.memory_space<vmem_shared>>
      tpu.enqueue_dma source(%dma_start3A_277 : memref<640x128xf32, #tpu.memory_space<vmem_shared>>) target(%dma_start3A_275 : memref<640x128xf32, #tpu.memory_space<hbm>>) target_semaphore(%run_scoped3A_269 : memref<!tpu.dma_semaphore, #tpu.memory_space<semaphore_mem>>)
      %dma_wait3A_278 = arith.constant 0 : i32
      %dma_wait3A_279 = arith.constant 0 : i32
      %dma_wait3A_280 = tpu.memref_slice %arg5[%add3A_135, %dma_wait3A_278, %dma_wait3A_279] : memref<4x10240x128xf32, #tpu.memory_space<hbm>> -> memref<1x10240x128xf32, #tpu.memory_space<hbm>>
      %dma_wait3A_281 = tpu.memref_squeeze %dma_wait3A_280 : memref<1x10240x128xf32, #tpu.memory_space<hbm>> -> memref<10240x128xf32, #tpu.memory_space<hbm>>
      %dma_wait3A_282 = arith.constant 0 : i32
      %dma_wait3A_283 = tpu.memref_slice %dma_wait3A_281[%mul3A_267, %dma_wait3A_282] : memref<10240x128xf32, #tpu.memory_space<hbm>> -> memref<640x128xf32, #tpu.memory_space<hbm>>
      %dma_wait3A_284 = arith.constant 0 : i32
      %dma_wait3A_285 = tpu.memref_slice %arg11[%mul3A_265, %dma_wait3A_284] : memref<10240x128xf32, #tpu.memory_space<vmem_shared>> -> memref<640x128xf32, #tpu.memory_space<vmem_shared>>
      tpu.wait_dma2 semaphore(%run_scoped3A_269 : memref<!tpu.dma_semaphore, #tpu.memory_space<semaphore_mem>>) src(%dma_wait3A_285 : memref<640x128xf32, #tpu.memory_space<vmem_shared>>) dst(%dma_wait3A_283 : memref<640x128xf32, #tpu.memory_space<hbm>>)
      tpu.yield
    }) : () -> ()
    %barrier3A_268 = arith.constant 0 : index
    tpu.barrier barrier_id(%barrier3A_268)
    return
  }
}

#map = affine_map<(d0, d1) -> (0, 0, 0)>
#map1 = affine_map<(d0, d1) -> (0, 0, 0, 0)>
#map2 = affine_map<(d0, d1) -> (0, 0)>
module attributes {stable_mosaic.version = 14 : i64} {
  func.func @prop(%arg0: i32, %arg1: i32, %arg2: memref<4x10240x128xf32, #tpu.memory_space<hbm>>, %arg3: memref<2x16x79x128xi32, #tpu.memory_space<hbm>>, %arg4: memref<64x128xf32, #tpu.memory_space<hbm>>, %arg5: memref<4x10240x128xf32, #tpu.memory_space<hbm>>, %arg6: memref<79x128xi32, #tpu.memory_space<vmem>>, %arg7: memref<79x128xi32, #tpu.memory_space<vmem>>, %arg8: memref<128x128xf32, #tpu.memory_space<vmem>>, %arg9: memref<64x128xf32, #tpu.memory_space<vmem>>, %arg10: memref<!tpu.dma_semaphore, #tpu.memory_space<semaphore_mem>>, %arg11: memref<10240x128xf32, #tpu.memory_space<vmem_shared>>) attributes {dimension_semantics = [#tpu.dimension_semantics<core_parallel>, #tpu.dimension_semantics<subcore_parallel>], iteration_bounds = array<i64: 2, 16>, scalar_prefetch = 0 : i64, scratch_operands = 6 : i64, tpu.core_type = #tpu.core_type<sc_vector_subcore>, window_params = [{transform_indices = #map}, {transform_indices = #map1}, {transform_indices = #map2}, {transform_indices = #map}]} {
    %run_scoped3A = arith.constant 0 : i32
    "tpu.region"() ({
      %run_scoped3A_269 = tpu.sem_alloc : memref<!tpu.dma_semaphore, #tpu.memory_space<semaphore_mem>>
      %dma_start3A_270 = arith.constant 0 : i32
      %dma_start3A_271 = arith.constant 0 : i32
      %dma_start3A_272 = arith.constant 0 : i32
      %dma_start3A_273 = tpu.memref_slice %arg3[%run_scoped3A, %dma_start3A_270, %dma_start3A_271, %dma_start3A_272] : memref<2x16x79x128xi32, #tpu.memory_space<hbm>> -> memref<1x16x79x128xi32, #tpu.memory_space<hbm>>
      %dma_start3A_274 = tpu.memref_squeeze %dma_start3A_273 : memref<1x16x79x128xi32, #tpu.memory_space<hbm>> -> memref<16x79x128xi32, #tpu.memory_space<hbm>>
      %dma_start3A_275 = arith.constant 0 : i32
      %dma_start3A_276 = arith.constant 0 : i32
      %dma_start3A_277 = tpu.memref_slice %dma_start3A_274[%arg1, %dma_start3A_275, %dma_start3A_276] : memref<16x79x128xi32, #tpu.memory_space<hbm>> -> memref<1x79x128xi32, #tpu.memory_space<hbm>>
      %dma_start3A_278 = tpu.memref_squeeze %dma_start3A_277 : memref<1x79x128xi32, #tpu.memory_space<hbm>> -> memref<79x128xi32, #tpu.memory_space<hbm>>
      %dma_start3A_279 = arith.constant 0 : i32
      %dma_start3A_280 = arith.constant 0 : i32
      %dma_start3A_281 = arith.constant 0 : i32
      %dma_start3A_282 = tpu.memref_slice %arg3[%run_scoped3A, %dma_start3A_279, %dma_start3A_280, %dma_start3A_281] : memref<2x16x79x128xi32, #tpu.memory_space<hbm>> -> memref<1x16x79x128xi32, #tpu.memory_space<hbm>>
      %dma_start3A_283 = tpu.memref_squeeze %dma_start3A_282 : memref<1x16x79x128xi32, #tpu.memory_space<hbm>> -> memref<16x79x128xi32, #tpu.memory_space<hbm>>
      %dma_start3A_284 = arith.constant 0 : i32
      %dma_start3A_285 = arith.constant 0 : i32
      %dma_start3A_286 = tpu.memref_slice %dma_start3A_283[%arg1, %dma_start3A_284, %dma_start3A_285] : memref<16x79x128xi32, #tpu.memory_space<hbm>> -> memref<1x79x128xi32, #tpu.memory_space<hbm>>
      %dma_start3A_287 = tpu.memref_squeeze %dma_start3A_286 : memref<1x79x128xi32, #tpu.memory_space<hbm>> -> memref<79x128xi32, #tpu.memory_space<hbm>>
      tpu.enqueue_dma source(%dma_start3A_287 : memref<79x128xi32, #tpu.memory_space<hbm>>) target(%arg6 : memref<79x128xi32, #tpu.memory_space<vmem>>) target_semaphore(%run_scoped3A_269 : memref<!tpu.dma_semaphore, #tpu.memory_space<semaphore_mem>>)
      %dma_wait3A_288 = arith.constant 0 : i32
      %dma_wait3A_289 = arith.constant 0 : i32
      %dma_wait3A_290 = arith.constant 0 : i32
      %dma_wait3A_291 = tpu.memref_slice %arg3[%run_scoped3A, %dma_wait3A_288, %dma_wait3A_289, %dma_wait3A_290] : memref<2x16x79x128xi32, #tpu.memory_space<hbm>> -> memref<1x16x79x128xi32, #tpu.memory_space<hbm>>
      %dma_wait3A_292 = tpu.memref_squeeze %dma_wait3A_291 : memref<1x16x79x128xi32, #tpu.memory_space<hbm>> -> memref<16x79x128xi32, #tpu.memory_space<hbm>>
      %dma_wait3A_293 = arith.constant 0 : i32
      %dma_wait3A_294 = arith.constant 0 : i32
      %dma_wait3A_295 = tpu.memref_slice %dma_wait3A_292[%arg1, %dma_wait3A_293, %dma_wait3A_294] : memref<16x79x128xi32, #tpu.memory_space<hbm>> -> memref<1x79x128xi32, #tpu.memory_space<hbm>>
      %dma_wait3A_296 = tpu.memref_squeeze %dma_wait3A_295 : memref<1x79x128xi32, #tpu.memory_space<hbm>> -> memref<79x128xi32, #tpu.memory_space<hbm>>
      %dma_wait3A_297 = arith.constant 0 : i32
      %dma_wait3A_298 = arith.constant 0 : i32
      %dma_wait3A_299 = arith.constant 0 : i32
      %dma_wait3A_300 = tpu.memref_slice %arg3[%run_scoped3A, %dma_wait3A_297, %dma_wait3A_298, %dma_wait3A_299] : memref<2x16x79x128xi32, #tpu.memory_space<hbm>> -> memref<1x16x79x128xi32, #tpu.memory_space<hbm>>
      %dma_wait3A_301 = tpu.memref_squeeze %dma_wait3A_300 : memref<1x16x79x128xi32, #tpu.memory_space<hbm>> -> memref<16x79x128xi32, #tpu.memory_space<hbm>>
      %dma_wait3A_302 = arith.constant 0 : i32
      %dma_wait3A_303 = arith.constant 0 : i32
      %dma_wait3A_304 = tpu.memref_slice %dma_wait3A_301[%arg1, %dma_wait3A_302, %dma_wait3A_303] : memref<16x79x128xi32, #tpu.memory_space<hbm>> -> memref<1x79x128xi32, #tpu.memory_space<hbm>>
      %dma_wait3A_305 = tpu.memref_squeeze %dma_wait3A_304 : memref<1x79x128xi32, #tpu.memory_space<hbm>> -> memref<79x128xi32, #tpu.memory_space<hbm>>
      tpu.wait_dma2 semaphore(%run_scoped3A_269 : memref<!tpu.dma_semaphore, #tpu.memory_space<semaphore_mem>>) src(%dma_wait3A_305 : memref<79x128xi32, #tpu.memory_space<hbm>>) dst(%arg6 : memref<79x128xi32, #tpu.memory_space<vmem>>)
      tpu.yield
    }) : () -> ()
    %run_scoped3A_0 = arith.constant 1 : i32
    "tpu.region"() ({
      %run_scoped3A_269 = tpu.sem_alloc : memref<!tpu.dma_semaphore, #tpu.memory_space<semaphore_mem>>
      %dma_start3A_270 = arith.constant 0 : i32
      %dma_start3A_271 = arith.constant 0 : i32
      %dma_start3A_272 = arith.constant 0 : i32
      %dma_start3A_273 = tpu.memref_slice %arg3[%run_scoped3A_0, %dma_start3A_270, %dma_start3A_271, %dma_start3A_272] : memref<2x16x79x128xi32, #tpu.memory_space<hbm>> -> memref<1x16x79x128xi32, #tpu.memory_space<hbm>>
      %dma_start3A_274 = tpu.memref_squeeze %dma_start3A_273 : memref<1x16x79x128xi32, #tpu.memory_space<hbm>> -> memref<16x79x128xi32, #tpu.memory_space<hbm>>
      %dma_start3A_275 = arith.constant 0 : i32
      %dma_start3A_276 = arith.constant 0 : i32
      %dma_start3A_277 = tpu.memref_slice %dma_start3A_274[%arg1, %dma_start3A_275, %dma_start3A_276] : memref<16x79x128xi32, #tpu.memory_space<hbm>> -> memref<1x79x128xi32, #tpu.memory_space<hbm>>
      %dma_start3A_278 = tpu.memref_squeeze %dma_start3A_277 : memref<1x79x128xi32, #tpu.memory_space<hbm>> -> memref<79x128xi32, #tpu.memory_space<hbm>>
      %dma_start3A_279 = arith.constant 0 : i32
      %dma_start3A_280 = arith.constant 0 : i32
      %dma_start3A_281 = arith.constant 0 : i32
      %dma_start3A_282 = tpu.memref_slice %arg3[%run_scoped3A_0, %dma_start3A_279, %dma_start3A_280, %dma_start3A_281] : memref<2x16x79x128xi32, #tpu.memory_space<hbm>> -> memref<1x16x79x128xi32, #tpu.memory_space<hbm>>
      %dma_start3A_283 = tpu.memref_squeeze %dma_start3A_282 : memref<1x16x79x128xi32, #tpu.memory_space<hbm>> -> memref<16x79x128xi32, #tpu.memory_space<hbm>>
      %dma_start3A_284 = arith.constant 0 : i32
      %dma_start3A_285 = arith.constant 0 : i32
      %dma_start3A_286 = tpu.memref_slice %dma_start3A_283[%arg1, %dma_start3A_284, %dma_start3A_285] : memref<16x79x128xi32, #tpu.memory_space<hbm>> -> memref<1x79x128xi32, #tpu.memory_space<hbm>>
      %dma_start3A_287 = tpu.memref_squeeze %dma_start3A_286 : memref<1x79x128xi32, #tpu.memory_space<hbm>> -> memref<79x128xi32, #tpu.memory_space<hbm>>
      tpu.enqueue_dma source(%dma_start3A_287 : memref<79x128xi32, #tpu.memory_space<hbm>>) target(%arg7 : memref<79x128xi32, #tpu.memory_space<vmem>>) target_semaphore(%run_scoped3A_269 : memref<!tpu.dma_semaphore, #tpu.memory_space<semaphore_mem>>)
      %dma_wait3A_288 = arith.constant 0 : i32
      %dma_wait3A_289 = arith.constant 0 : i32
      %dma_wait3A_290 = arith.constant 0 : i32
      %dma_wait3A_291 = tpu.memref_slice %arg3[%run_scoped3A_0, %dma_wait3A_288, %dma_wait3A_289, %dma_wait3A_290] : memref<2x16x79x128xi32, #tpu.memory_space<hbm>> -> memref<1x16x79x128xi32, #tpu.memory_space<hbm>>
      %dma_wait3A_292 = tpu.memref_squeeze %dma_wait3A_291 : memref<1x16x79x128xi32, #tpu.memory_space<hbm>> -> memref<16x79x128xi32, #tpu.memory_space<hbm>>
      %dma_wait3A_293 = arith.constant 0 : i32
      %dma_wait3A_294 = arith.constant 0 : i32
      %dma_wait3A_295 = tpu.memref_slice %dma_wait3A_292[%arg1, %dma_wait3A_293, %dma_wait3A_294] : memref<16x79x128xi32, #tpu.memory_space<hbm>> -> memref<1x79x128xi32, #tpu.memory_space<hbm>>
      %dma_wait3A_296 = tpu.memref_squeeze %dma_wait3A_295 : memref<1x79x128xi32, #tpu.memory_space<hbm>> -> memref<79x128xi32, #tpu.memory_space<hbm>>
      %dma_wait3A_297 = arith.constant 0 : i32
      %dma_wait3A_298 = arith.constant 0 : i32
      %dma_wait3A_299 = arith.constant 0 : i32
      %dma_wait3A_300 = tpu.memref_slice %arg3[%run_scoped3A_0, %dma_wait3A_297, %dma_wait3A_298, %dma_wait3A_299] : memref<2x16x79x128xi32, #tpu.memory_space<hbm>> -> memref<1x16x79x128xi32, #tpu.memory_space<hbm>>
      %dma_wait3A_301 = tpu.memref_squeeze %dma_wait3A_300 : memref<1x16x79x128xi32, #tpu.memory_space<hbm>> -> memref<16x79x128xi32, #tpu.memory_space<hbm>>
      %dma_wait3A_302 = arith.constant 0 : i32
      %dma_wait3A_303 = arith.constant 0 : i32
      %dma_wait3A_304 = tpu.memref_slice %dma_wait3A_301[%arg1, %dma_wait3A_302, %dma_wait3A_303] : memref<16x79x128xi32, #tpu.memory_space<hbm>> -> memref<1x79x128xi32, #tpu.memory_space<hbm>>
      %dma_wait3A_305 = tpu.memref_squeeze %dma_wait3A_304 : memref<1x79x128xi32, #tpu.memory_space<hbm>> -> memref<79x128xi32, #tpu.memory_space<hbm>>
      tpu.wait_dma2 semaphore(%run_scoped3A_269 : memref<!tpu.dma_semaphore, #tpu.memory_space<semaphore_mem>>) src(%dma_wait3A_305 : memref<79x128xi32, #tpu.memory_space<hbm>>) dst(%arg7 : memref<79x128xi32, #tpu.memory_space<vmem>>)
      tpu.yield
    }) : () -> ()
    "tpu.region"() ({
      %run_scoped3A_269 = tpu.sem_alloc : memref<!tpu.dma_semaphore, #tpu.memory_space<semaphore_mem>>
      tpu.enqueue_dma source(%arg4 : memref<64x128xf32, #tpu.memory_space<hbm>>) target(%arg9 : memref<64x128xf32, #tpu.memory_space<vmem>>) target_semaphore(%run_scoped3A_269 : memref<!tpu.dma_semaphore, #tpu.memory_space<semaphore_mem>>)
      tpu.wait_dma2 semaphore(%run_scoped3A_269 : memref<!tpu.dma_semaphore, #tpu.memory_space<semaphore_mem>>) src(%arg4 : memref<64x128xf32, #tpu.memory_space<hbm>>) dst(%arg9 : memref<64x128xf32, #tpu.memory_space<vmem>>)
      tpu.yield
    }) : () -> ()
    %mul3A = arith.constant 2 : i32
    %mul3A_1 = arith.muli %arg0, %mul3A : i32
    %add3A = arith.constant 0 : i32
    %add3A_2 = arith.addi %mul3A_1, %add3A : i32
    %mul3A_3 = arith.constant 640 : i32
    %mul3A_4 = arith.muli %arg1, %mul3A_3 : i32
    %add3A_5 = arith.constant 0 : i32
    %add3A_6 = arith.addi %mul3A_4, %add3A_5 : i32
    %dma_start3A = arith.constant 0 : i32
    %dma_start3A_7 = tpu.memref_slice %arg11[%add3A_6, %dma_start3A] : memref<10240x128xf32, #tpu.memory_space<vmem_shared>> -> memref<64x128xf32, #tpu.memory_space<vmem_shared>>
    %dma_start3A_8 = arith.constant 0 : i32
    %dma_start3A_9 = tpu.memref_slice %arg11[%add3A_6, %dma_start3A_8] : memref<10240x128xf32, #tpu.memory_space<vmem_shared>> -> memref<64x128xf32, #tpu.memory_space<vmem_shared>>
    tpu.enqueue_dma source(%arg9 : memref<64x128xf32, #tpu.memory_space<vmem>>) target(%dma_start3A_9 : memref<64x128xf32, #tpu.memory_space<vmem_shared>>) target_semaphore(%arg10 : memref<!tpu.dma_semaphore, #tpu.memory_space<semaphore_mem>>)
    %mul3A_10 = arith.constant 640 : i32
    %mul3A_11 = arith.muli %arg1, %mul3A_10 : i32
    %add3A_12 = arith.constant 64 : i32
    %add3A_13 = arith.addi %mul3A_11, %add3A_12 : i32
    %dma_start3A_14 = arith.constant 0 : i32
    %dma_start3A_15 = tpu.memref_slice %arg11[%add3A_13, %dma_start3A_14] : memref<10240x128xf32, #tpu.memory_space<vmem_shared>> -> memref<64x128xf32, #tpu.memory_space<vmem_shared>>
    %dma_start3A_16 = arith.constant 0 : i32
    %dma_start3A_17 = tpu.memref_slice %arg11[%add3A_13, %dma_start3A_16] : memref<10240x128xf32, #tpu.memory_space<vmem_shared>> -> memref<64x128xf32, #tpu.memory_space<vmem_shared>>
    tpu.enqueue_dma source(%arg9 : memref<64x128xf32, #tpu.memory_space<vmem>>) target(%dma_start3A_17 : memref<64x128xf32, #tpu.memory_space<vmem_shared>>) target_semaphore(%arg10 : memref<!tpu.dma_semaphore, #tpu.memory_space<semaphore_mem>>)
    %mul3A_18 = arith.constant 640 : i32
    %mul3A_19 = arith.muli %arg1, %mul3A_18 : i32
    %add3A_20 = arith.constant 128 : i32
    %add3A_21 = arith.addi %mul3A_19, %add3A_20 : i32
    %dma_start3A_22 = arith.constant 0 : i32
    %dma_start3A_23 = tpu.memref_slice %arg11[%add3A_21, %dma_start3A_22] : memref<10240x128xf32, #tpu.memory_space<vmem_shared>> -> memref<64x128xf32, #tpu.memory_space<vmem_shared>>
    %dma_start3A_24 = arith.constant 0 : i32
    %dma_start3A_25 = tpu.memref_slice %arg11[%add3A_21, %dma_start3A_24] : memref<10240x128xf32, #tpu.memory_space<vmem_shared>> -> memref<64x128xf32, #tpu.memory_space<vmem_shared>>
    tpu.enqueue_dma source(%arg9 : memref<64x128xf32, #tpu.memory_space<vmem>>) target(%dma_start3A_25 : memref<64x128xf32, #tpu.memory_space<vmem_shared>>) target_semaphore(%arg10 : memref<!tpu.dma_semaphore, #tpu.memory_space<semaphore_mem>>)
    %mul3A_26 = arith.constant 640 : i32
    %mul3A_27 = arith.muli %arg1, %mul3A_26 : i32
    %add3A_28 = arith.constant 192 : i32
    %add3A_29 = arith.addi %mul3A_27, %add3A_28 : i32
    %dma_start3A_30 = arith.constant 0 : i32
    %dma_start3A_31 = tpu.memref_slice %arg11[%add3A_29, %dma_start3A_30] : memref<10240x128xf32, #tpu.memory_space<vmem_shared>> -> memref<64x128xf32, #tpu.memory_space<vmem_shared>>
    %dma_start3A_32 = arith.constant 0 : i32
    %dma_start3A_33 = tpu.memref_slice %arg11[%add3A_29, %dma_start3A_32] : memref<10240x128xf32, #tpu.memory_space<vmem_shared>> -> memref<64x128xf32, #tpu.memory_space<vmem_shared>>
    tpu.enqueue_dma source(%arg9 : memref<64x128xf32, #tpu.memory_space<vmem>>) target(%dma_start3A_33 : memref<64x128xf32, #tpu.memory_space<vmem_shared>>) target_semaphore(%arg10 : memref<!tpu.dma_semaphore, #tpu.memory_space<semaphore_mem>>)
    %mul3A_34 = arith.constant 640 : i32
    %mul3A_35 = arith.muli %arg1, %mul3A_34 : i32
    %add3A_36 = arith.constant 256 : i32
    %add3A_37 = arith.addi %mul3A_35, %add3A_36 : i32
    %dma_start3A_38 = arith.constant 0 : i32
    %dma_start3A_39 = tpu.memref_slice %arg11[%add3A_37, %dma_start3A_38] : memref<10240x128xf32, #tpu.memory_space<vmem_shared>> -> memref<64x128xf32, #tpu.memory_space<vmem_shared>>
    %dma_start3A_40 = arith.constant 0 : i32
    %dma_start3A_41 = tpu.memref_slice %arg11[%add3A_37, %dma_start3A_40] : memref<10240x128xf32, #tpu.memory_space<vmem_shared>> -> memref<64x128xf32, #tpu.memory_space<vmem_shared>>
    tpu.enqueue_dma source(%arg9 : memref<64x128xf32, #tpu.memory_space<vmem>>) target(%dma_start3A_41 : memref<64x128xf32, #tpu.memory_space<vmem_shared>>) target_semaphore(%arg10 : memref<!tpu.dma_semaphore, #tpu.memory_space<semaphore_mem>>)
    %mul3A_42 = arith.constant 640 : i32
    %mul3A_43 = arith.muli %arg1, %mul3A_42 : i32
    %add3A_44 = arith.constant 320 : i32
    %add3A_45 = arith.addi %mul3A_43, %add3A_44 : i32
    %dma_start3A_46 = arith.constant 0 : i32
    %dma_start3A_47 = tpu.memref_slice %arg11[%add3A_45, %dma_start3A_46] : memref<10240x128xf32, #tpu.memory_space<vmem_shared>> -> memref<64x128xf32, #tpu.memory_space<vmem_shared>>
    %dma_start3A_48 = arith.constant 0 : i32
    %dma_start3A_49 = tpu.memref_slice %arg11[%add3A_45, %dma_start3A_48] : memref<10240x128xf32, #tpu.memory_space<vmem_shared>> -> memref<64x128xf32, #tpu.memory_space<vmem_shared>>
    tpu.enqueue_dma source(%arg9 : memref<64x128xf32, #tpu.memory_space<vmem>>) target(%dma_start3A_49 : memref<64x128xf32, #tpu.memory_space<vmem_shared>>) target_semaphore(%arg10 : memref<!tpu.dma_semaphore, #tpu.memory_space<semaphore_mem>>)
    %mul3A_50 = arith.constant 640 : i32
    %mul3A_51 = arith.muli %arg1, %mul3A_50 : i32
    %add3A_52 = arith.constant 384 : i32
    %add3A_53 = arith.addi %mul3A_51, %add3A_52 : i32
    %dma_start3A_54 = arith.constant 0 : i32
    %dma_start3A_55 = tpu.memref_slice %arg11[%add3A_53, %dma_start3A_54] : memref<10240x128xf32, #tpu.memory_space<vmem_shared>> -> memref<64x128xf32, #tpu.memory_space<vmem_shared>>
    %dma_start3A_56 = arith.constant 0 : i32
    %dma_start3A_57 = tpu.memref_slice %arg11[%add3A_53, %dma_start3A_56] : memref<10240x128xf32, #tpu.memory_space<vmem_shared>> -> memref<64x128xf32, #tpu.memory_space<vmem_shared>>
    tpu.enqueue_dma source(%arg9 : memref<64x128xf32, #tpu.memory_space<vmem>>) target(%dma_start3A_57 : memref<64x128xf32, #tpu.memory_space<vmem_shared>>) target_semaphore(%arg10 : memref<!tpu.dma_semaphore, #tpu.memory_space<semaphore_mem>>)
    %mul3A_58 = arith.constant 640 : i32
    %mul3A_59 = arith.muli %arg1, %mul3A_58 : i32
    %add3A_60 = arith.constant 448 : i32
    %add3A_61 = arith.addi %mul3A_59, %add3A_60 : i32
    %dma_start3A_62 = arith.constant 0 : i32
    %dma_start3A_63 = tpu.memref_slice %arg11[%add3A_61, %dma_start3A_62] : memref<10240x128xf32, #tpu.memory_space<vmem_shared>> -> memref<64x128xf32, #tpu.memory_space<vmem_shared>>
    %dma_start3A_64 = arith.constant 0 : i32
    %dma_start3A_65 = tpu.memref_slice %arg11[%add3A_61, %dma_start3A_64] : memref<10240x128xf32, #tpu.memory_space<vmem_shared>> -> memref<64x128xf32, #tpu.memory_space<vmem_shared>>
    tpu.enqueue_dma source(%arg9 : memref<64x128xf32, #tpu.memory_space<vmem>>) target(%dma_start3A_65 : memref<64x128xf32, #tpu.memory_space<vmem_shared>>) target_semaphore(%arg10 : memref<!tpu.dma_semaphore, #tpu.memory_space<semaphore_mem>>)
    %mul3A_66 = arith.constant 640 : i32
    %mul3A_67 = arith.muli %arg1, %mul3A_66 : i32
    %add3A_68 = arith.constant 512 : i32
    %add3A_69 = arith.addi %mul3A_67, %add3A_68 : i32
    %dma_start3A_70 = arith.constant 0 : i32
    %dma_start3A_71 = tpu.memref_slice %arg11[%add3A_69, %dma_start3A_70] : memref<10240x128xf32, #tpu.memory_space<vmem_shared>> -> memref<64x128xf32, #tpu.memory_space<vmem_shared>>
    %dma_start3A_72 = arith.constant 0 : i32
    %dma_start3A_73 = tpu.memref_slice %arg11[%add3A_69, %dma_start3A_72] : memref<10240x128xf32, #tpu.memory_space<vmem_shared>> -> memref<64x128xf32, #tpu.memory_space<vmem_shared>>
    tpu.enqueue_dma source(%arg9 : memref<64x128xf32, #tpu.memory_space<vmem>>) target(%dma_start3A_73 : memref<64x128xf32, #tpu.memory_space<vmem_shared>>) target_semaphore(%arg10 : memref<!tpu.dma_semaphore, #tpu.memory_space<semaphore_mem>>)
    %mul3A_74 = arith.constant 640 : i32
    %mul3A_75 = arith.muli %arg1, %mul3A_74 : i32
    %add3A_76 = arith.constant 576 : i32
    %add3A_77 = arith.addi %mul3A_75, %add3A_76 : i32
    %dma_start3A_78 = arith.constant 0 : i32
    %dma_start3A_79 = tpu.memref_slice %arg11[%add3A_77, %dma_start3A_78] : memref<10240x128xf32, #tpu.memory_space<vmem_shared>> -> memref<64x128xf32, #tpu.memory_space<vmem_shared>>
    %dma_start3A_80 = arith.constant 0 : i32
    %dma_start3A_81 = tpu.memref_slice %arg11[%add3A_77, %dma_start3A_80] : memref<10240x128xf32, #tpu.memory_space<vmem_shared>> -> memref<64x128xf32, #tpu.memory_space<vmem_shared>>
    tpu.enqueue_dma source(%arg9 : memref<64x128xf32, #tpu.memory_space<vmem>>) target(%dma_start3A_81 : memref<64x128xf32, #tpu.memory_space<vmem_shared>>) target_semaphore(%arg10 : memref<!tpu.dma_semaphore, #tpu.memory_space<semaphore_mem>>)
    %dma_wait3A = arith.constant 0 : i32
    %dma_wait3A_82 = tpu.memref_slice %arg11[%add3A_6, %dma_wait3A] : memref<10240x128xf32, #tpu.memory_space<vmem_shared>> -> memref<64x128xf32, #tpu.memory_space<vmem_shared>>
    %dma_wait3A_83 = arith.constant 0 : i32
    %dma_wait3A_84 = tpu.memref_slice %arg11[%add3A_6, %dma_wait3A_83] : memref<10240x128xf32, #tpu.memory_space<vmem_shared>> -> memref<64x128xf32, #tpu.memory_space<vmem_shared>>
    tpu.wait_dma2 semaphore(%arg10 : memref<!tpu.dma_semaphore, #tpu.memory_space<semaphore_mem>>) src(%arg9 : memref<64x128xf32, #tpu.memory_space<vmem>>) dst(%dma_wait3A_84 : memref<64x128xf32, #tpu.memory_space<vmem_shared>>)
    %dma_wait3A_85 = arith.constant 0 : i32
    %dma_wait3A_86 = tpu.memref_slice %arg11[%add3A_13, %dma_wait3A_85] : memref<10240x128xf32, #tpu.memory_space<vmem_shared>> -> memref<64x128xf32, #tpu.memory_space<vmem_shared>>
    %dma_wait3A_87 = arith.constant 0 : i32
    %dma_wait3A_88 = tpu.memref_slice %arg11[%add3A_13, %dma_wait3A_87] : memref<10240x128xf32, #tpu.memory_space<vmem_shared>> -> memref<64x128xf32, #tpu.memory_space<vmem_shared>>
    tpu.wait_dma2 semaphore(%arg10 : memref<!tpu.dma_semaphore, #tpu.memory_space<semaphore_mem>>) src(%arg9 : memref<64x128xf32, #tpu.memory_space<vmem>>) dst(%dma_wait3A_88 : memref<64x128xf32, #tpu.memory_space<vmem_shared>>)
    %dma_wait3A_89 = arith.constant 0 : i32
    %dma_wait3A_90 = tpu.memref_slice %arg11[%add3A_21, %dma_wait3A_89] : memref<10240x128xf32, #tpu.memory_space<vmem_shared>> -> memref<64x128xf32, #tpu.memory_space<vmem_shared>>
    %dma_wait3A_91 = arith.constant 0 : i32
    %dma_wait3A_92 = tpu.memref_slice %arg11[%add3A_21, %dma_wait3A_91] : memref<10240x128xf32, #tpu.memory_space<vmem_shared>> -> memref<64x128xf32, #tpu.memory_space<vmem_shared>>
    tpu.wait_dma2 semaphore(%arg10 : memref<!tpu.dma_semaphore, #tpu.memory_space<semaphore_mem>>) src(%arg9 : memref<64x128xf32, #tpu.memory_space<vmem>>) dst(%dma_wait3A_92 : memref<64x128xf32, #tpu.memory_space<vmem_shared>>)
    %dma_wait3A_93 = arith.constant 0 : i32
    %dma_wait3A_94 = tpu.memref_slice %arg11[%add3A_29, %dma_wait3A_93] : memref<10240x128xf32, #tpu.memory_space<vmem_shared>> -> memref<64x128xf32, #tpu.memory_space<vmem_shared>>
    %dma_wait3A_95 = arith.constant 0 : i32
    %dma_wait3A_96 = tpu.memref_slice %arg11[%add3A_29, %dma_wait3A_95] : memref<10240x128xf32, #tpu.memory_space<vmem_shared>> -> memref<64x128xf32, #tpu.memory_space<vmem_shared>>
    tpu.wait_dma2 semaphore(%arg10 : memref<!tpu.dma_semaphore, #tpu.memory_space<semaphore_mem>>) src(%arg9 : memref<64x128xf32, #tpu.memory_space<vmem>>) dst(%dma_wait3A_96 : memref<64x128xf32, #tpu.memory_space<vmem_shared>>)
    %dma_wait3A_97 = arith.constant 0 : i32
    %dma_wait3A_98 = tpu.memref_slice %arg11[%add3A_37, %dma_wait3A_97] : memref<10240x128xf32, #tpu.memory_space<vmem_shared>> -> memref<64x128xf32, #tpu.memory_space<vmem_shared>>
    %dma_wait3A_99 = arith.constant 0 : i32
    %dma_wait3A_100 = tpu.memref_slice %arg11[%add3A_37, %dma_wait3A_99] : memref<10240x128xf32, #tpu.memory_space<vmem_shared>> -> memref<64x128xf32, #tpu.memory_space<vmem_shared>>
    tpu.wait_dma2 semaphore(%arg10 : memref<!tpu.dma_semaphore, #tpu.memory_space<semaphore_mem>>) src(%arg9 : memref<64x128xf32, #tpu.memory_space<vmem>>) dst(%dma_wait3A_100 : memref<64x128xf32, #tpu.memory_space<vmem_shared>>)
    %dma_wait3A_101 = arith.constant 0 : i32
    %dma_wait3A_102 = tpu.memref_slice %arg11[%add3A_45, %dma_wait3A_101] : memref<10240x128xf32, #tpu.memory_space<vmem_shared>> -> memref<64x128xf32, #tpu.memory_space<vmem_shared>>
    %dma_wait3A_103 = arith.constant 0 : i32
    %dma_wait3A_104 = tpu.memref_slice %arg11[%add3A_45, %dma_wait3A_103] : memref<10240x128xf32, #tpu.memory_space<vmem_shared>> -> memref<64x128xf32, #tpu.memory_space<vmem_shared>>
    tpu.wait_dma2 semaphore(%arg10 : memref<!tpu.dma_semaphore, #tpu.memory_space<semaphore_mem>>) src(%arg9 : memref<64x128xf32, #tpu.memory_space<vmem>>) dst(%dma_wait3A_104 : memref<64x128xf32, #tpu.memory_space<vmem_shared>>)
    %dma_wait3A_105 = arith.constant 0 : i32
    %dma_wait3A_106 = tpu.memref_slice %arg11[%add3A_53, %dma_wait3A_105] : memref<10240x128xf32, #tpu.memory_space<vmem_shared>> -> memref<64x128xf32, #tpu.memory_space<vmem_shared>>
    %dma_wait3A_107 = arith.constant 0 : i32
    %dma_wait3A_108 = tpu.memref_slice %arg11[%add3A_53, %dma_wait3A_107] : memref<10240x128xf32, #tpu.memory_space<vmem_shared>> -> memref<64x128xf32, #tpu.memory_space<vmem_shared>>
    tpu.wait_dma2 semaphore(%arg10 : memref<!tpu.dma_semaphore, #tpu.memory_space<semaphore_mem>>) src(%arg9 : memref<64x128xf32, #tpu.memory_space<vmem>>) dst(%dma_wait3A_108 : memref<64x128xf32, #tpu.memory_space<vmem_shared>>)
    %dma_wait3A_109 = arith.constant 0 : i32
    %dma_wait3A_110 = tpu.memref_slice %arg11[%add3A_61, %dma_wait3A_109] : memref<10240x128xf32, #tpu.memory_space<vmem_shared>> -> memref<64x128xf32, #tpu.memory_space<vmem_shared>>
    %dma_wait3A_111 = arith.constant 0 : i32
    %dma_wait3A_112 = tpu.memref_slice %arg11[%add3A_61, %dma_wait3A_111] : memref<10240x128xf32, #tpu.memory_space<vmem_shared>> -> memref<64x128xf32, #tpu.memory_space<vmem_shared>>
    tpu.wait_dma2 semaphore(%arg10 : memref<!tpu.dma_semaphore, #tpu.memory_space<semaphore_mem>>) src(%arg9 : memref<64x128xf32, #tpu.memory_space<vmem>>) dst(%dma_wait3A_112 : memref<64x128xf32, #tpu.memory_space<vmem_shared>>)
    %dma_wait3A_113 = arith.constant 0 : i32
    %dma_wait3A_114 = tpu.memref_slice %arg11[%add3A_69, %dma_wait3A_113] : memref<10240x128xf32, #tpu.memory_space<vmem_shared>> -> memref<64x128xf32, #tpu.memory_space<vmem_shared>>
    %dma_wait3A_115 = arith.constant 0 : i32
    %dma_wait3A_116 = tpu.memref_slice %arg11[%add3A_69, %dma_wait3A_115] : memref<10240x128xf32, #tpu.memory_space<vmem_shared>> -> memref<64x128xf32, #tpu.memory_space<vmem_shared>>
    tpu.wait_dma2 semaphore(%arg10 : memref<!tpu.dma_semaphore, #tpu.memory_space<semaphore_mem>>) src(%arg9 : memref<64x128xf32, #tpu.memory_space<vmem>>) dst(%dma_wait3A_116 : memref<64x128xf32, #tpu.memory_space<vmem_shared>>)
    %dma_wait3A_117 = arith.constant 0 : i32
    %dma_wait3A_118 = tpu.memref_slice %arg11[%add3A_77, %dma_wait3A_117] : memref<10240x128xf32, #tpu.memory_space<vmem_shared>> -> memref<64x128xf32, #tpu.memory_space<vmem_shared>>
    %dma_wait3A_119 = arith.constant 0 : i32
    %dma_wait3A_120 = tpu.memref_slice %arg11[%add3A_77, %dma_wait3A_119] : memref<10240x128xf32, #tpu.memory_space<vmem_shared>> -> memref<64x128xf32, #tpu.memory_space<vmem_shared>>
    tpu.wait_dma2 semaphore(%arg10 : memref<!tpu.dma_semaphore, #tpu.memory_space<semaphore_mem>>) src(%arg9 : memref<64x128xf32, #tpu.memory_space<vmem>>) dst(%dma_wait3A_120 : memref<64x128xf32, #tpu.memory_space<vmem_shared>>)
    %barrier3A = arith.constant 0 : index
    tpu.barrier barrier_id(%barrier3A)
    %scan3A = arith.constant 0 : i32
    %scan3A_121 = arith.constant 0 : i32
    %scan3A_122 = arith.constant 79 : i32
    %scan3A_123 = arith.addi %scan3A_121, %scan3A_122 : i32
    %scan3A_124 = arith.constant 1 : i32
    scf.for %scan3A_269 = %scan3A_121 to %scan3A_123 step %scan3A_124  : i32 {
      "tpu.region"() ({
        %run_scoped3A_270 = tpu.sem_alloc : memref<!tpu.dma_semaphore, #tpu.memory_space<semaphore_mem>>
        %dma_start3A_271 = arith.constant 0 : i32
        %dma_start3A_272 = tpu.memref_slice %arg6[%scan3A_269, %dma_start3A_271] : memref<79x128xi32, #tpu.memory_space<vmem>> -> memref<1x128xi32, #tpu.memory_space<vmem>>
        %dma_start3A_273 = tpu.memref_squeeze %dma_start3A_272 : memref<1x128xi32, #tpu.memory_space<vmem>> -> memref<128xi32, #tpu.memory_space<vmem>>
        %dma_start3A_274 = arith.constant 0 : i32
        %dma_start3A_275 = arith.constant 0 : i32
        %dma_start3A_276 = tpu.memref_slice %arg2[%add3A_2, %dma_start3A_274, %dma_start3A_275] : memref<4x10240x128xf32, #tpu.memory_space<hbm>> -> memref<1x10240x128xf32, #tpu.memory_space<hbm>>
        %dma_start3A_277 = tpu.memref_squeeze %dma_start3A_276 : memref<1x10240x128xf32, #tpu.memory_space<hbm>> -> memref<10240x128xf32, #tpu.memory_space<hbm>>
        %dma_start3A_278 = arith.constant 0 : i32
        %dma_start3A_279 = arith.constant 0 : i32
        %dma_start3A_280 = tpu.memref_slice %dma_start3A_277[%dma_start3A_278, %dma_start3A_279] : memref<10240x128xf32, #tpu.memory_space<hbm>> -> memref<10240x128xf32, #tpu.memory_space<hbm>>
        tpu.enqueue_indirect_dma source(%dma_start3A_280 : memref<10240x128xf32, #tpu.memory_space<hbm>>) target(%arg8 : memref<128x128xf32, #tpu.memory_space<vmem>>) offsets(%dma_start3A_273 : memref<128xi32, #tpu.memory_space<vmem>>) semaphore(%run_scoped3A_270 : memref<!tpu.dma_semaphore, #tpu.memory_space<semaphore_mem>>)
        %dma_wait3A_281 = arith.constant 0 : i32
        %dma_wait3A_282 = tpu.memref_slice %arg6[%scan3A_269, %dma_wait3A_281] : memref<79x128xi32, #tpu.memory_space<vmem>> -> memref<1x128xi32, #tpu.memory_space<vmem>>
        %dma_wait3A_283 = tpu.memref_squeeze %dma_wait3A_282 : memref<1x128xi32, #tpu.memory_space<vmem>> -> memref<128xi32, #tpu.memory_space<vmem>>
        %dma_wait3A_284 = arith.constant 0 : i32
        %dma_wait3A_285 = arith.constant 0 : i32
        %dma_wait3A_286 = tpu.memref_slice %arg2[%add3A_2, %dma_wait3A_284, %dma_wait3A_285] : memref<4x10240x128xf32, #tpu.memory_space<hbm>> -> memref<1x10240x128xf32, #tpu.memory_space<hbm>>
        %dma_wait3A_287 = tpu.memref_squeeze %dma_wait3A_286 : memref<1x10240x128xf32, #tpu.memory_space<hbm>> -> memref<10240x128xf32, #tpu.memory_space<hbm>>
        %dma_wait3A_288 = arith.constant 0 : i32
        %dma_wait3A_289 = arith.constant 0 : i32
        %dma_wait3A_290 = tpu.memref_slice %dma_wait3A_287[%dma_wait3A_288, %dma_wait3A_289] : memref<10240x128xf32, #tpu.memory_space<hbm>> -> memref<10240x128xf32, #tpu.memory_space<hbm>>
        tpu.wait_indirect_dma semaphore(%run_scoped3A_270 : memref<!tpu.dma_semaphore, #tpu.memory_space<semaphore_mem>>) src(%dma_wait3A_290 : memref<10240x128xf32, #tpu.memory_space<hbm>>) dst(%arg8 : memref<128x128xf32, #tpu.memory_space<vmem>>)
        tpu.yield
      }) : () -> ()
      "tpu.region"() ({
        %run_scoped3A_270 = tpu.sem_alloc : memref<!tpu.dma_semaphore, #tpu.memory_space<semaphore_mem>>
        %dma_start3A_271 = arith.constant 0 : i32
        %dma_start3A_272 = tpu.memref_slice %arg7[%scan3A_269, %dma_start3A_271] : memref<79x128xi32, #tpu.memory_space<vmem>> -> memref<1x128xi32, #tpu.memory_space<vmem>>
        %dma_start3A_273 = tpu.memref_squeeze %dma_start3A_272 : memref<1x128xi32, #tpu.memory_space<vmem>> -> memref<128xi32, #tpu.memory_space<vmem>>
        %dma_start3A_274 = arith.constant 0 : i32
        %dma_start3A_275 = arith.constant 0 : i32
        %dma_start3A_276 = tpu.memref_slice %arg11[%dma_start3A_274, %dma_start3A_275] : memref<10240x128xf32, #tpu.memory_space<vmem_shared>> -> memref<10240x128xf32, #tpu.memory_space<vmem_shared>>
        tpu.enqueue_indirect_dma source(%arg8 : memref<128x128xf32, #tpu.memory_space<vmem>>) target(%dma_start3A_276 : memref<10240x128xf32, #tpu.memory_space<vmem_shared>>) offsets(%dma_start3A_273 : memref<128xi32, #tpu.memory_space<vmem>>) semaphore(%run_scoped3A_270 : memref<!tpu.dma_semaphore, #tpu.memory_space<semaphore_mem>>) {add = true}
        %dma_wait3A_277 = arith.constant 0 : i32
        %dma_wait3A_278 = tpu.memref_slice %arg7[%scan3A_269, %dma_wait3A_277] : memref<79x128xi32, #tpu.memory_space<vmem>> -> memref<1x128xi32, #tpu.memory_space<vmem>>
        %dma_wait3A_279 = tpu.memref_squeeze %dma_wait3A_278 : memref<1x128xi32, #tpu.memory_space<vmem>> -> memref<128xi32, #tpu.memory_space<vmem>>
        %dma_wait3A_280 = arith.constant 0 : i32
        %dma_wait3A_281 = arith.constant 0 : i32
        %dma_wait3A_282 = tpu.memref_slice %arg11[%dma_wait3A_280, %dma_wait3A_281] : memref<10240x128xf32, #tpu.memory_space<vmem_shared>> -> memref<10240x128xf32, #tpu.memory_space<vmem_shared>>
        tpu.wait_indirect_dma semaphore(%run_scoped3A_270 : memref<!tpu.dma_semaphore, #tpu.memory_space<semaphore_mem>>) src(%arg8 : memref<128x128xf32, #tpu.memory_space<vmem>>) dst(%dma_wait3A_282 : memref<10240x128xf32, #tpu.memory_space<vmem_shared>>)
        tpu.yield
      }) : () -> ()
    }
    %scan3A_125 = arith.constant 79 : i32
    %barrier3A_126 = arith.constant 0 : index
    tpu.barrier barrier_id(%barrier3A_126)
    %mul3A_127 = arith.constant 640 : i32
    %mul3A_128 = arith.muli %arg1, %mul3A_127 : i32
    %mul3A_129 = arith.constant 640 : i32
    %mul3A_130 = arith.muli %arg1, %mul3A_129 : i32
    "tpu.region"() ({
      %run_scoped3A_269 = tpu.sem_alloc : memref<!tpu.dma_semaphore, #tpu.memory_space<semaphore_mem>>
      %dma_start3A_270 = arith.constant 0 : i32
      %dma_start3A_271 = arith.constant 0 : i32
      %dma_start3A_272 = tpu.memref_slice %arg5[%add3A_2, %dma_start3A_270, %dma_start3A_271] : memref<4x10240x128xf32, #tpu.memory_space<hbm>> -> memref<1x10240x128xf32, #tpu.memory_space<hbm>>
      %dma_start3A_273 = tpu.memref_squeeze %dma_start3A_272 : memref<1x10240x128xf32, #tpu.memory_space<hbm>> -> memref<10240x128xf32, #tpu.memory_space<hbm>>
      %dma_start3A_274 = arith.constant 0 : i32
      %dma_start3A_275 = tpu.memref_slice %dma_start3A_273[%mul3A_130, %dma_start3A_274] : memref<10240x128xf32, #tpu.memory_space<hbm>> -> memref<640x128xf32, #tpu.memory_space<hbm>>
      %dma_start3A_276 = arith.constant 0 : i32
      %dma_start3A_277 = tpu.memref_slice %arg11[%mul3A_128, %dma_start3A_276] : memref<10240x128xf32, #tpu.memory_space<vmem_shared>> -> memref<640x128xf32, #tpu.memory_space<vmem_shared>>
      tpu.enqueue_dma source(%dma_start3A_277 : memref<640x128xf32, #tpu.memory_space<vmem_shared>>) target(%dma_start3A_275 : memref<640x128xf32, #tpu.memory_space<hbm>>) target_semaphore(%run_scoped3A_269 : memref<!tpu.dma_semaphore, #tpu.memory_space<semaphore_mem>>)
      %dma_wait3A_278 = arith.constant 0 : i32
      %dma_wait3A_279 = arith.constant 0 : i32
      %dma_wait3A_280 = tpu.memref_slice %arg5[%add3A_2, %dma_wait3A_278, %dma_wait3A_279] : memref<4x10240x128xf32, #tpu.memory_space<hbm>> -> memref<1x10240x128xf32, #tpu.memory_space<hbm>>
      %dma_wait3A_281 = tpu.memref_squeeze %dma_wait3A_280 : memref<1x10240x128xf32, #tpu.memory_space<hbm>> -> memref<10240x128xf32, #tpu.memory_space<hbm>>
      %dma_wait3A_282 = arith.constant 0 : i32
      %dma_wait3A_283 = tpu.memref_slice %dma_wait3A_281[%mul3A_130, %dma_wait3A_282] : memref<10240x128xf32, #tpu.memory_space<hbm>> -> memref<640x128xf32, #tpu.memory_space<hbm>>
      %dma_wait3A_284 = arith.constant 0 : i32
      %dma_wait3A_285 = tpu.memref_slice %arg11[%mul3A_128, %dma_wait3A_284] : memref<10240x128xf32, #tpu.memory_space<vmem_shared>> -> memref<640x128xf32, #tpu.memory_space<vmem_shared>>
      tpu.wait_dma2 semaphore(%run_scoped3A_269 : memref<!tpu.dma_semaphore, #tpu.memory_space<semaphore_mem>>) src(%dma_wait3A_285 : memref<640x128xf32, #tpu.memory_space<vmem_shared>>) dst(%dma_wait3A_283 : memref<640x128xf32, #tpu.memory_space<hbm>>)
      tpu.yield
    }) : () -> ()
    %barrier3A_131 = arith.constant 0 : index
    tpu.barrier barrier_id(%barrier3A_131)
    %mul3A_132 = arith.constant 2 : i32
    %mul3A_133 = arith.muli %arg0, %mul3A_132 : i32
    %add3A_134 = arith.constant 1 : i32
    %add3A_135 = arith.addi %mul3A_133, %add3A_134 : i32
    %mul3A_136 = arith.constant 640 : i32
    %mul3A_137 = arith.muli %arg1, %mul3A_136 : i32
    %add3A_138 = arith.constant 0 : i32
    %add3A_139 = arith.addi %mul3A_137, %add3A_138 : i32
    %dma_start3A_140 = arith.constant 0 : i32
    %dma_start3A_141 = tpu.memref_slice %arg11[%add3A_139, %dma_start3A_140] : memref<10240x128xf32, #tpu.memory_space<vmem_shared>> -> memref<64x128xf32, #tpu.memory_space<vmem_shared>>
    %dma_start3A_142 = arith.constant 0 : i32
    %dma_start3A_143 = tpu.memref_slice %arg11[%add3A_139, %dma_start3A_142] : memref<10240x128xf32, #tpu.memory_space<vmem_shared>> -> memref<64x128xf32, #tpu.memory_space<vmem_shared>>
    tpu.enqueue_dma source(%arg9 : memref<64x128xf32, #tpu.memory_space<vmem>>) target(%dma_start3A_143 : memref<64x128xf32, #tpu.memory_space<vmem_shared>>) target_semaphore(%arg10 : memref<!tpu.dma_semaphore, #tpu.memory_space<semaphore_mem>>)
    %mul3A_144 = arith.constant 640 : i32
    %mul3A_145 = arith.muli %arg1, %mul3A_144 : i32
    %add3A_146 = arith.constant 64 : i32
    %add3A_147 = arith.addi %mul3A_145, %add3A_146 : i32
    %dma_start3A_148 = arith.constant 0 : i32
    %dma_start3A_149 = tpu.memref_slice %arg11[%add3A_147, %dma_start3A_148] : memref<10240x128xf32, #tpu.memory_space<vmem_shared>> -> memref<64x128xf32, #tpu.memory_space<vmem_shared>>
    %dma_start3A_150 = arith.constant 0 : i32
    %dma_start3A_151 = tpu.memref_slice %arg11[%add3A_147, %dma_start3A_150] : memref<10240x128xf32, #tpu.memory_space<vmem_shared>> -> memref<64x128xf32, #tpu.memory_space<vmem_shared>>
    tpu.enqueue_dma source(%arg9 : memref<64x128xf32, #tpu.memory_space<vmem>>) target(%dma_start3A_151 : memref<64x128xf32, #tpu.memory_space<vmem_shared>>) target_semaphore(%arg10 : memref<!tpu.dma_semaphore, #tpu.memory_space<semaphore_mem>>)
    %mul3A_152 = arith.constant 640 : i32
    %mul3A_153 = arith.muli %arg1, %mul3A_152 : i32
    %add3A_154 = arith.constant 128 : i32
    %add3A_155 = arith.addi %mul3A_153, %add3A_154 : i32
    %dma_start3A_156 = arith.constant 0 : i32
    %dma_start3A_157 = tpu.memref_slice %arg11[%add3A_155, %dma_start3A_156] : memref<10240x128xf32, #tpu.memory_space<vmem_shared>> -> memref<64x128xf32, #tpu.memory_space<vmem_shared>>
    %dma_start3A_158 = arith.constant 0 : i32
    %dma_start3A_159 = tpu.memref_slice %arg11[%add3A_155, %dma_start3A_158] : memref<10240x128xf32, #tpu.memory_space<vmem_shared>> -> memref<64x128xf32, #tpu.memory_space<vmem_shared>>
    tpu.enqueue_dma source(%arg9 : memref<64x128xf32, #tpu.memory_space<vmem>>) target(%dma_start3A_159 : memref<64x128xf32, #tpu.memory_space<vmem_shared>>) target_semaphore(%arg10 : memref<!tpu.dma_semaphore, #tpu.memory_space<semaphore_mem>>)
    %mul3A_160 = arith.constant 640 : i32
    %mul3A_161 = arith.muli %arg1, %mul3A_160 : i32
    %add3A_162 = arith.constant 192 : i32
    %add3A_163 = arith.addi %mul3A_161, %add3A_162 : i32
    %dma_start3A_164 = arith.constant 0 : i32
    %dma_start3A_165 = tpu.memref_slice %arg11[%add3A_163, %dma_start3A_164] : memref<10240x128xf32, #tpu.memory_space<vmem_shared>> -> memref<64x128xf32, #tpu.memory_space<vmem_shared>>
    %dma_start3A_166 = arith.constant 0 : i32
    %dma_start3A_167 = tpu.memref_slice %arg11[%add3A_163, %dma_start3A_166] : memref<10240x128xf32, #tpu.memory_space<vmem_shared>> -> memref<64x128xf32, #tpu.memory_space<vmem_shared>>
    tpu.enqueue_dma source(%arg9 : memref<64x128xf32, #tpu.memory_space<vmem>>) target(%dma_start3A_167 : memref<64x128xf32, #tpu.memory_space<vmem_shared>>) target_semaphore(%arg10 : memref<!tpu.dma_semaphore, #tpu.memory_space<semaphore_mem>>)
    %mul3A_168 = arith.constant 640 : i32
    %mul3A_169 = arith.muli %arg1, %mul3A_168 : i32
    %add3A_170 = arith.constant 256 : i32
    %add3A_171 = arith.addi %mul3A_169, %add3A_170 : i32
    %dma_start3A_172 = arith.constant 0 : i32
    %dma_start3A_173 = tpu.memref_slice %arg11[%add3A_171, %dma_start3A_172] : memref<10240x128xf32, #tpu.memory_space<vmem_shared>> -> memref<64x128xf32, #tpu.memory_space<vmem_shared>>
    %dma_start3A_174 = arith.constant 0 : i32
    %dma_start3A_175 = tpu.memref_slice %arg11[%add3A_171, %dma_start3A_174] : memref<10240x128xf32, #tpu.memory_space<vmem_shared>> -> memref<64x128xf32, #tpu.memory_space<vmem_shared>>
    tpu.enqueue_dma source(%arg9 : memref<64x128xf32, #tpu.memory_space<vmem>>) target(%dma_start3A_175 : memref<64x128xf32, #tpu.memory_space<vmem_shared>>) target_semaphore(%arg10 : memref<!tpu.dma_semaphore, #tpu.memory_space<semaphore_mem>>)
    %mul3A_176 = arith.constant 640 : i32
    %mul3A_177 = arith.muli %arg1, %mul3A_176 : i32
    %add3A_178 = arith.constant 320 : i32
    %add3A_179 = arith.addi %mul3A_177, %add3A_178 : i32
    %dma_start3A_180 = arith.constant 0 : i32
    %dma_start3A_181 = tpu.memref_slice %arg11[%add3A_179, %dma_start3A_180] : memref<10240x128xf32, #tpu.memory_space<vmem_shared>> -> memref<64x128xf32, #tpu.memory_space<vmem_shared>>
    %dma_start3A_182 = arith.constant 0 : i32
    %dma_start3A_183 = tpu.memref_slice %arg11[%add3A_179, %dma_start3A_182] : memref<10240x128xf32, #tpu.memory_space<vmem_shared>> -> memref<64x128xf32, #tpu.memory_space<vmem_shared>>
    tpu.enqueue_dma source(%arg9 : memref<64x128xf32, #tpu.memory_space<vmem>>) target(%dma_start3A_183 : memref<64x128xf32, #tpu.memory_space<vmem_shared>>) target_semaphore(%arg10 : memref<!tpu.dma_semaphore, #tpu.memory_space<semaphore_mem>>)
    %mul3A_184 = arith.constant 640 : i32
    %mul3A_185 = arith.muli %arg1, %mul3A_184 : i32
    %add3A_186 = arith.constant 384 : i32
    %add3A_187 = arith.addi %mul3A_185, %add3A_186 : i32
    %dma_start3A_188 = arith.constant 0 : i32
    %dma_start3A_189 = tpu.memref_slice %arg11[%add3A_187, %dma_start3A_188] : memref<10240x128xf32, #tpu.memory_space<vmem_shared>> -> memref<64x128xf32, #tpu.memory_space<vmem_shared>>
    %dma_start3A_190 = arith.constant 0 : i32
    %dma_start3A_191 = tpu.memref_slice %arg11[%add3A_187, %dma_start3A_190] : memref<10240x128xf32, #tpu.memory_space<vmem_shared>> -> memref<64x128xf32, #tpu.memory_space<vmem_shared>>
    tpu.enqueue_dma source(%arg9 : memref<64x128xf32, #tpu.memory_space<vmem>>) target(%dma_start3A_191 : memref<64x128xf32, #tpu.memory_space<vmem_shared>>) target_semaphore(%arg10 : memref<!tpu.dma_semaphore, #tpu.memory_space<semaphore_mem>>)
    %mul3A_192 = arith.constant 640 : i32
    %mul3A_193 = arith.muli %arg1, %mul3A_192 : i32
    %add3A_194 = arith.constant 448 : i32
    %add3A_195 = arith.addi %mul3A_193, %add3A_194 : i32
    %dma_start3A_196 = arith.constant 0 : i32
    %dma_start3A_197 = tpu.memref_slice %arg11[%add3A_195, %dma_start3A_196] : memref<10240x128xf32, #tpu.memory_space<vmem_shared>> -> memref<64x128xf32, #tpu.memory_space<vmem_shared>>
    %dma_start3A_198 = arith.constant 0 : i32
    %dma_start3A_199 = tpu.memref_slice %arg11[%add3A_195, %dma_start3A_198] : memref<10240x128xf32, #tpu.memory_space<vmem_shared>> -> memref<64x128xf32, #tpu.memory_space<vmem_shared>>
    tpu.enqueue_dma source(%arg9 : memref<64x128xf32, #tpu.memory_space<vmem>>) target(%dma_start3A_199 : memref<64x128xf32, #tpu.memory_space<vmem_shared>>) target_semaphore(%arg10 : memref<!tpu.dma_semaphore, #tpu.memory_space<semaphore_mem>>)
    %mul3A_200 = arith.constant 640 : i32
    %mul3A_201 = arith.muli %arg1, %mul3A_200 : i32
    %add3A_202 = arith.constant 512 : i32
    %add3A_203 = arith.addi %mul3A_201, %add3A_202 : i32
    %dma_start3A_204 = arith.constant 0 : i32
    %dma_start3A_205 = tpu.memref_slice %arg11[%add3A_203, %dma_start3A_204] : memref<10240x128xf32, #tpu.memory_space<vmem_shared>> -> memref<64x128xf32, #tpu.memory_space<vmem_shared>>
    %dma_start3A_206 = arith.constant 0 : i32
    %dma_start3A_207 = tpu.memref_slice %arg11[%add3A_203, %dma_start3A_206] : memref<10240x128xf32, #tpu.memory_space<vmem_shared>> -> memref<64x128xf32, #tpu.memory_space<vmem_shared>>
    tpu.enqueue_dma source(%arg9 : memref<64x128xf32, #tpu.memory_space<vmem>>) target(%dma_start3A_207 : memref<64x128xf32, #tpu.memory_space<vmem_shared>>) target_semaphore(%arg10 : memref<!tpu.dma_semaphore, #tpu.memory_space<semaphore_mem>>)
    %mul3A_208 = arith.constant 640 : i32
    %mul3A_209 = arith.muli %arg1, %mul3A_208 : i32
    %add3A_210 = arith.constant 576 : i32
    %add3A_211 = arith.addi %mul3A_209, %add3A_210 : i32
    %dma_start3A_212 = arith.constant 0 : i32
    %dma_start3A_213 = tpu.memref_slice %arg11[%add3A_211, %dma_start3A_212] : memref<10240x128xf32, #tpu.memory_space<vmem_shared>> -> memref<64x128xf32, #tpu.memory_space<vmem_shared>>
    %dma_start3A_214 = arith.constant 0 : i32
    %dma_start3A_215 = tpu.memref_slice %arg11[%add3A_211, %dma_start3A_214] : memref<10240x128xf32, #tpu.memory_space<vmem_shared>> -> memref<64x128xf32, #tpu.memory_space<vmem_shared>>
    tpu.enqueue_dma source(%arg9 : memref<64x128xf32, #tpu.memory_space<vmem>>) target(%dma_start3A_215 : memref<64x128xf32, #tpu.memory_space<vmem_shared>>) target_semaphore(%arg10 : memref<!tpu.dma_semaphore, #tpu.memory_space<semaphore_mem>>)
    %dma_wait3A_216 = arith.constant 0 : i32
    %dma_wait3A_217 = tpu.memref_slice %arg11[%add3A_139, %dma_wait3A_216] : memref<10240x128xf32, #tpu.memory_space<vmem_shared>> -> memref<64x128xf32, #tpu.memory_space<vmem_shared>>
    %dma_wait3A_218 = arith.constant 0 : i32
    %dma_wait3A_219 = tpu.memref_slice %arg11[%add3A_139, %dma_wait3A_218] : memref<10240x128xf32, #tpu.memory_space<vmem_shared>> -> memref<64x128xf32, #tpu.memory_space<vmem_shared>>
    tpu.wait_dma2 semaphore(%arg10 : memref<!tpu.dma_semaphore, #tpu.memory_space<semaphore_mem>>) src(%arg9 : memref<64x128xf32, #tpu.memory_space<vmem>>) dst(%dma_wait3A_219 : memref<64x128xf32, #tpu.memory_space<vmem_shared>>)
    %dma_wait3A_220 = arith.constant 0 : i32
    %dma_wait3A_221 = tpu.memref_slice %arg11[%add3A_147, %dma_wait3A_220] : memref<10240x128xf32, #tpu.memory_space<vmem_shared>> -> memref<64x128xf32, #tpu.memory_space<vmem_shared>>
    %dma_wait3A_222 = arith.constant 0 : i32
    %dma_wait3A_223 = tpu.memref_slice %arg11[%add3A_147, %dma_wait3A_222] : memref<10240x128xf32, #tpu.memory_space<vmem_shared>> -> memref<64x128xf32, #tpu.memory_space<vmem_shared>>
    tpu.wait_dma2 semaphore(%arg10 : memref<!tpu.dma_semaphore, #tpu.memory_space<semaphore_mem>>) src(%arg9 : memref<64x128xf32, #tpu.memory_space<vmem>>) dst(%dma_wait3A_223 : memref<64x128xf32, #tpu.memory_space<vmem_shared>>)
    %dma_wait3A_224 = arith.constant 0 : i32
    %dma_wait3A_225 = tpu.memref_slice %arg11[%add3A_155, %dma_wait3A_224] : memref<10240x128xf32, #tpu.memory_space<vmem_shared>> -> memref<64x128xf32, #tpu.memory_space<vmem_shared>>
    %dma_wait3A_226 = arith.constant 0 : i32
    %dma_wait3A_227 = tpu.memref_slice %arg11[%add3A_155, %dma_wait3A_226] : memref<10240x128xf32, #tpu.memory_space<vmem_shared>> -> memref<64x128xf32, #tpu.memory_space<vmem_shared>>
    tpu.wait_dma2 semaphore(%arg10 : memref<!tpu.dma_semaphore, #tpu.memory_space<semaphore_mem>>) src(%arg9 : memref<64x128xf32, #tpu.memory_space<vmem>>) dst(%dma_wait3A_227 : memref<64x128xf32, #tpu.memory_space<vmem_shared>>)
    %dma_wait3A_228 = arith.constant 0 : i32
    %dma_wait3A_229 = tpu.memref_slice %arg11[%add3A_163, %dma_wait3A_228] : memref<10240x128xf32, #tpu.memory_space<vmem_shared>> -> memref<64x128xf32, #tpu.memory_space<vmem_shared>>
    %dma_wait3A_230 = arith.constant 0 : i32
    %dma_wait3A_231 = tpu.memref_slice %arg11[%add3A_163, %dma_wait3A_230] : memref<10240x128xf32, #tpu.memory_space<vmem_shared>> -> memref<64x128xf32, #tpu.memory_space<vmem_shared>>
    tpu.wait_dma2 semaphore(%arg10 : memref<!tpu.dma_semaphore, #tpu.memory_space<semaphore_mem>>) src(%arg9 : memref<64x128xf32, #tpu.memory_space<vmem>>) dst(%dma_wait3A_231 : memref<64x128xf32, #tpu.memory_space<vmem_shared>>)
    %dma_wait3A_232 = arith.constant 0 : i32
    %dma_wait3A_233 = tpu.memref_slice %arg11[%add3A_171, %dma_wait3A_232] : memref<10240x128xf32, #tpu.memory_space<vmem_shared>> -> memref<64x128xf32, #tpu.memory_space<vmem_shared>>
    %dma_wait3A_234 = arith.constant 0 : i32
    %dma_wait3A_235 = tpu.memref_slice %arg11[%add3A_171, %dma_wait3A_234] : memref<10240x128xf32, #tpu.memory_space<vmem_shared>> -> memref<64x128xf32, #tpu.memory_space<vmem_shared>>
    tpu.wait_dma2 semaphore(%arg10 : memref<!tpu.dma_semaphore, #tpu.memory_space<semaphore_mem>>) src(%arg9 : memref<64x128xf32, #tpu.memory_space<vmem>>) dst(%dma_wait3A_235 : memref<64x128xf32, #tpu.memory_space<vmem_shared>>)
    %dma_wait3A_236 = arith.constant 0 : i32
    %dma_wait3A_237 = tpu.memref_slice %arg11[%add3A_179, %dma_wait3A_236] : memref<10240x128xf32, #tpu.memory_space<vmem_shared>> -> memref<64x128xf32, #tpu.memory_space<vmem_shared>>
    %dma_wait3A_238 = arith.constant 0 : i32
    %dma_wait3A_239 = tpu.memref_slice %arg11[%add3A_179, %dma_wait3A_238] : memref<10240x128xf32, #tpu.memory_space<vmem_shared>> -> memref<64x128xf32, #tpu.memory_space<vmem_shared>>
    tpu.wait_dma2 semaphore(%arg10 : memref<!tpu.dma_semaphore, #tpu.memory_space<semaphore_mem>>) src(%arg9 : memref<64x128xf32, #tpu.memory_space<vmem>>) dst(%dma_wait3A_239 : memref<64x128xf32, #tpu.memory_space<vmem_shared>>)
    %dma_wait3A_240 = arith.constant 0 : i32
    %dma_wait3A_241 = tpu.memref_slice %arg11[%add3A_187, %dma_wait3A_240] : memref<10240x128xf32, #tpu.memory_space<vmem_shared>> -> memref<64x128xf32, #tpu.memory_space<vmem_shared>>
    %dma_wait3A_242 = arith.constant 0 : i32
    %dma_wait3A_243 = tpu.memref_slice %arg11[%add3A_187, %dma_wait3A_242] : memref<10240x128xf32, #tpu.memory_space<vmem_shared>> -> memref<64x128xf32, #tpu.memory_space<vmem_shared>>
    tpu.wait_dma2 semaphore(%arg10 : memref<!tpu.dma_semaphore, #tpu.memory_space<semaphore_mem>>) src(%arg9 : memref<64x128xf32, #tpu.memory_space<vmem>>) dst(%dma_wait3A_243 : memref<64x128xf32, #tpu.memory_space<vmem_shared>>)
    %dma_wait3A_244 = arith.constant 0 : i32
    %dma_wait3A_245 = tpu.memref_slice %arg11[%add3A_195, %dma_wait3A_244] : memref<10240x128xf32, #tpu.memory_space<vmem_shared>> -> memref<64x128xf32, #tpu.memory_space<vmem_shared>>
    %dma_wait3A_246 = arith.constant 0 : i32
    %dma_wait3A_247 = tpu.memref_slice %arg11[%add3A_195, %dma_wait3A_246] : memref<10240x128xf32, #tpu.memory_space<vmem_shared>> -> memref<64x128xf32, #tpu.memory_space<vmem_shared>>
    tpu.wait_dma2 semaphore(%arg10 : memref<!tpu.dma_semaphore, #tpu.memory_space<semaphore_mem>>) src(%arg9 : memref<64x128xf32, #tpu.memory_space<vmem>>) dst(%dma_wait3A_247 : memref<64x128xf32, #tpu.memory_space<vmem_shared>>)
    %dma_wait3A_248 = arith.constant 0 : i32
    %dma_wait3A_249 = tpu.memref_slice %arg11[%add3A_203, %dma_wait3A_248] : memref<10240x128xf32, #tpu.memory_space<vmem_shared>> -> memref<64x128xf32, #tpu.memory_space<vmem_shared>>
    %dma_wait3A_250 = arith.constant 0 : i32
    %dma_wait3A_251 = tpu.memref_slice %arg11[%add3A_203, %dma_wait3A_250] : memref<10240x128xf32, #tpu.memory_space<vmem_shared>> -> memref<64x128xf32, #tpu.memory_space<vmem_shared>>
    tpu.wait_dma2 semaphore(%arg10 : memref<!tpu.dma_semaphore, #tpu.memory_space<semaphore_mem>>) src(%arg9 : memref<64x128xf32, #tpu.memory_space<vmem>>) dst(%dma_wait3A_251 : memref<64x128xf32, #tpu.memory_space<vmem_shared>>)
    %dma_wait3A_252 = arith.constant 0 : i32
    %dma_wait3A_253 = tpu.memref_slice %arg11[%add3A_211, %dma_wait3A_252] : memref<10240x128xf32, #tpu.memory_space<vmem_shared>> -> memref<64x128xf32, #tpu.memory_space<vmem_shared>>
    %dma_wait3A_254 = arith.constant 0 : i32
    %dma_wait3A_255 = tpu.memref_slice %arg11[%add3A_211, %dma_wait3A_254] : memref<10240x128xf32, #tpu.memory_space<vmem_shared>> -> memref<64x128xf32, #tpu.memory_space<vmem_shared>>
    tpu.wait_dma2 semaphore(%arg10 : memref<!tpu.dma_semaphore, #tpu.memory_space<semaphore_mem>>) src(%arg9 : memref<64x128xf32, #tpu.memory_space<vmem>>) dst(%dma_wait3A_255 : memref<64x128xf32, #tpu.memory_space<vmem_shared>>)
    %barrier3A_256 = arith.constant 0 : index
    tpu.barrier barrier_id(%barrier3A_256)
    %scan3A_257 = arith.constant 0 : i32
    %scan3A_258 = arith.constant 0 : i32
    %scan3A_259 = arith.constant 79 : i32
    %scan3A_260 = arith.addi %scan3A_258, %scan3A_259 : i32
    %scan3A_261 = arith.constant 1 : i32
    scf.for %scan3A_269 = %scan3A_258 to %scan3A_260 step %scan3A_261  : i32 {
      "tpu.region"() ({
        %run_scoped3A_270 = tpu.sem_alloc : memref<!tpu.dma_semaphore, #tpu.memory_space<semaphore_mem>>
        %dma_start3A_271 = arith.constant 0 : i32
        %dma_start3A_272 = tpu.memref_slice %arg6[%scan3A_269, %dma_start3A_271] : memref<79x128xi32, #tpu.memory_space<vmem>> -> memref<1x128xi32, #tpu.memory_space<vmem>>
        %dma_start3A_273 = tpu.memref_squeeze %dma_start3A_272 : memref<1x128xi32, #tpu.memory_space<vmem>> -> memref<128xi32, #tpu.memory_space<vmem>>
        %dma_start3A_274 = arith.constant 0 : i32
        %dma_start3A_275 = arith.constant 0 : i32
        %dma_start3A_276 = tpu.memref_slice %arg2[%add3A_135, %dma_start3A_274, %dma_start3A_275] : memref<4x10240x128xf32, #tpu.memory_space<hbm>> -> memref<1x10240x128xf32, #tpu.memory_space<hbm>>
        %dma_start3A_277 = tpu.memref_squeeze %dma_start3A_276 : memref<1x10240x128xf32, #tpu.memory_space<hbm>> -> memref<10240x128xf32, #tpu.memory_space<hbm>>
        %dma_start3A_278 = arith.constant 0 : i32
        %dma_start3A_279 = arith.constant 0 : i32
        %dma_start3A_280 = tpu.memref_slice %dma_start3A_277[%dma_start3A_278, %dma_start3A_279] : memref<10240x128xf32, #tpu.memory_space<hbm>> -> memref<10240x128xf32, #tpu.memory_space<hbm>>
        tpu.enqueue_indirect_dma source(%dma_start3A_280 : memref<10240x128xf32, #tpu.memory_space<hbm>>) target(%arg8 : memref<128x128xf32, #tpu.memory_space<vmem>>) offsets(%dma_start3A_273 : memref<128xi32, #tpu.memory_space<vmem>>) semaphore(%run_scoped3A_270 : memref<!tpu.dma_semaphore, #tpu.memory_space<semaphore_mem>>)
        %dma_wait3A_281 = arith.constant 0 : i32
        %dma_wait3A_282 = tpu.memref_slice %arg6[%scan3A_269, %dma_wait3A_281] : memref<79x128xi32, #tpu.memory_space<vmem>> -> memref<1x128xi32, #tpu.memory_space<vmem>>
        %dma_wait3A_283 = tpu.memref_squeeze %dma_wait3A_282 : memref<1x128xi32, #tpu.memory_space<vmem>> -> memref<128xi32, #tpu.memory_space<vmem>>
        %dma_wait3A_284 = arith.constant 0 : i32
        %dma_wait3A_285 = arith.constant 0 : i32
        %dma_wait3A_286 = tpu.memref_slice %arg2[%add3A_135, %dma_wait3A_284, %dma_wait3A_285] : memref<4x10240x128xf32, #tpu.memory_space<hbm>> -> memref<1x10240x128xf32, #tpu.memory_space<hbm>>
        %dma_wait3A_287 = tpu.memref_squeeze %dma_wait3A_286 : memref<1x10240x128xf32, #tpu.memory_space<hbm>> -> memref<10240x128xf32, #tpu.memory_space<hbm>>
        %dma_wait3A_288 = arith.constant 0 : i32
        %dma_wait3A_289 = arith.constant 0 : i32
        %dma_wait3A_290 = tpu.memref_slice %dma_wait3A_287[%dma_wait3A_288, %dma_wait3A_289] : memref<10240x128xf32, #tpu.memory_space<hbm>> -> memref<10240x128xf32, #tpu.memory_space<hbm>>
        tpu.wait_indirect_dma semaphore(%run_scoped3A_270 : memref<!tpu.dma_semaphore, #tpu.memory_space<semaphore_mem>>) src(%dma_wait3A_290 : memref<10240x128xf32, #tpu.memory_space<hbm>>) dst(%arg8 : memref<128x128xf32, #tpu.memory_space<vmem>>)
        tpu.yield
      }) : () -> ()
      "tpu.region"() ({
        %run_scoped3A_270 = tpu.sem_alloc : memref<!tpu.dma_semaphore, #tpu.memory_space<semaphore_mem>>
        %dma_start3A_271 = arith.constant 0 : i32
        %dma_start3A_272 = tpu.memref_slice %arg7[%scan3A_269, %dma_start3A_271] : memref<79x128xi32, #tpu.memory_space<vmem>> -> memref<1x128xi32, #tpu.memory_space<vmem>>
        %dma_start3A_273 = tpu.memref_squeeze %dma_start3A_272 : memref<1x128xi32, #tpu.memory_space<vmem>> -> memref<128xi32, #tpu.memory_space<vmem>>
        %dma_start3A_274 = arith.constant 0 : i32
        %dma_start3A_275 = arith.constant 0 : i32
        %dma_start3A_276 = tpu.memref_slice %arg11[%dma_start3A_274, %dma_start3A_275] : memref<10240x128xf32, #tpu.memory_space<vmem_shared>> -> memref<10240x128xf32, #tpu.memory_space<vmem_shared>>
        tpu.enqueue_indirect_dma source(%arg8 : memref<128x128xf32, #tpu.memory_space<vmem>>) target(%dma_start3A_276 : memref<10240x128xf32, #tpu.memory_space<vmem_shared>>) offsets(%dma_start3A_273 : memref<128xi32, #tpu.memory_space<vmem>>) semaphore(%run_scoped3A_270 : memref<!tpu.dma_semaphore, #tpu.memory_space<semaphore_mem>>) {add = true}
        %dma_wait3A_277 = arith.constant 0 : i32
        %dma_wait3A_278 = tpu.memref_slice %arg7[%scan3A_269, %dma_wait3A_277] : memref<79x128xi32, #tpu.memory_space<vmem>> -> memref<1x128xi32, #tpu.memory_space<vmem>>
        %dma_wait3A_279 = tpu.memref_squeeze %dma_wait3A_278 : memref<1x128xi32, #tpu.memory_space<vmem>> -> memref<128xi32, #tpu.memory_space<vmem>>
        %dma_wait3A_280 = arith.constant 0 : i32
        %dma_wait3A_281 = arith.constant 0 : i32
        %dma_wait3A_282 = tpu.memref_slice %arg11[%dma_wait3A_280, %dma_wait3A_281] : memref<10240x128xf32, #tpu.memory_space<vmem_shared>> -> memref<10240x128xf32, #tpu.memory_space<vmem_shared>>
        tpu.wait_indirect_dma semaphore(%run_scoped3A_270 : memref<!tpu.dma_semaphore, #tpu.memory_space<semaphore_mem>>) src(%arg8 : memref<128x128xf32, #tpu.memory_space<vmem>>) dst(%dma_wait3A_282 : memref<10240x128xf32, #tpu.memory_space<vmem_shared>>)
        tpu.yield
      }) : () -> ()
    }
    %scan3A_262 = arith.constant 79 : i32
    %barrier3A_263 = arith.constant 0 : index
    tpu.barrier barrier_id(%barrier3A_263)
    %mul3A_264 = arith.constant 640 : i32
    %mul3A_265 = arith.muli %arg1, %mul3A_264 : i32
    %mul3A_266 = arith.constant 640 : i32
    %mul3A_267 = arith.muli %arg1, %mul3A_266 : i32
    "tpu.region"() ({
      %run_scoped3A_269 = tpu.sem_alloc : memref<!tpu.dma_semaphore, #tpu.memory_space<semaphore_mem>>
      %dma_start3A_270 = arith.constant 0 : i32
      %dma_start3A_271 = arith.constant 0 : i32
      %dma_start3A_272 = tpu.memref_slice %arg5[%add3A_135, %dma_start3A_270, %dma_start3A_271] : memref<4x10240x128xf32, #tpu.memory_space<hbm>> -> memref<1x10240x128xf32, #tpu.memory_space<hbm>>
      %dma_start3A_273 = tpu.memref_squeeze %dma_start3A_272 : memref<1x10240x128xf32, #tpu.memory_space<hbm>> -> memref<10240x128xf32, #tpu.memory_space<hbm>>
      %dma_start3A_274 = arith.constant 0 : i32
      %dma_start3A_275 = tpu.memref_slice %dma_start3A_273[%mul3A_267, %dma_start3A_274] : memref<10240x128xf32, #tpu.memory_space<hbm>> -> memref<640x128xf32, #tpu.memory_space<hbm>>
      %dma_start3A_276 = arith.constant 0 : i32
      %dma_start3A_277 = tpu.memref_slice %arg11[%mul3A_265, %dma_start3A_276] : memref<10240x128xf32, #tpu.memory_space<vmem_shared>> -> memref<640x128xf32, #tpu.memory_space<vmem_shared>>
      tpu.enqueue_dma source(%dma_start3A_277 : memref<640x128xf32, #tpu.memory_space<vmem_shared>>) target(%dma_start3A_275 : memref<640x128xf32, #tpu.memory_space<hbm>>) target_semaphore(%run_scoped3A_269 : memref<!tpu.dma_semaphore, #tpu.memory_space<semaphore_mem>>)
      %dma_wait3A_278 = arith.constant 0 : i32
      %dma_wait3A_279 = arith.constant 0 : i32
      %dma_wait3A_280 = tpu.memref_slice %arg5[%add3A_135, %dma_wait3A_278, %dma_wait3A_279] : memref<4x10240x128xf32, #tpu.memory_space<hbm>> -> memref<1x10240x128xf32, #tpu.memory_space<hbm>>
      %dma_wait3A_281 = tpu.memref_squeeze %dma_wait3A_280 : memref<1x10240x128xf32, #tpu.memory_space<hbm>> -> memref<10240x128xf32, #tpu.memory_space<hbm>>
      %dma_wait3A_282 = arith.constant 0 : i32
      %dma_wait3A_283 = tpu.memref_slice %dma_wait3A_281[%mul3A_267, %dma_wait3A_282] : memref<10240x128xf32, #tpu.memory_space<hbm>> -> memref<640x128xf32, #tpu.memory_space<hbm>>
      %dma_wait3A_284 = arith.constant 0 : i32
      %dma_wait3A_285 = tpu.memref_slice %arg11[%mul3A_265, %dma_wait3A_284] : memref<10240x128xf32, #tpu.memory_space<vmem_shared>> -> memref<640x128xf32, #tpu.memory_space<vmem_shared>>
      tpu.wait_dma2 semaphore(%run_scoped3A_269 : memref<!tpu.dma_semaphore, #tpu.memory_space<semaphore_mem>>) src(%dma_wait3A_285 : memref<640x128xf32, #tpu.memory_space<vmem_shared>>) dst(%dma_wait3A_283 : memref<640x128xf32, #tpu.memory_space<hbm>>)
      tpu.yield
    }) : () -> ()
    %barrier3A_268 = arith.constant 0 : index
    tpu.barrier barrier_id(%barrier3A_268)
    return
  }
}

#map = affine_map<(d0, d1) -> (0, 0, 0)>
#map1 = affine_map<(d0, d1) -> (0, 0, 0, 0)>
#map2 = affine_map<(d0, d1) -> (0, 0)>
module attributes {stable_mosaic.version = 14 : i64} {
  func.func @prop(%arg0: i32, %arg1: i32, %arg2: memref<2x10240x128xf32, #tpu.memory_space<hbm>>, %arg3: memref<2x16x79x128xi32, #tpu.memory_space<hbm>>, %arg4: memref<64x128xf32, #tpu.memory_space<hbm>>, %arg5: memref<2x10240x128xf32, #tpu.memory_space<hbm>>, %arg6: memref<79x128xi32, #tpu.memory_space<vmem>>, %arg7: memref<79x128xi32, #tpu.memory_space<vmem>>, %arg8: memref<128x128xf32, #tpu.memory_space<vmem>>, %arg9: memref<64x128xf32, #tpu.memory_space<vmem>>, %arg10: memref<!tpu.dma_semaphore, #tpu.memory_space<semaphore_mem>>, %arg11: memref<10240x128xf32, #tpu.memory_space<vmem_shared>>) attributes {dimension_semantics = [#tpu.dimension_semantics<core_parallel>, #tpu.dimension_semantics<subcore_parallel>], iteration_bounds = array<i64: 2, 16>, scalar_prefetch = 0 : i64, scratch_operands = 6 : i64, tpu.core_type = #tpu.core_type<sc_vector_subcore>, window_params = [{transform_indices = #map}, {transform_indices = #map1}, {transform_indices = #map2}, {transform_indices = #map}]} {
    %run_scoped3A = arith.constant 0 : i32
    "tpu.region"() ({
      %run_scoped3A_132 = tpu.sem_alloc : memref<!tpu.dma_semaphore, #tpu.memory_space<semaphore_mem>>
      %dma_start3A_133 = arith.constant 0 : i32
      %dma_start3A_134 = arith.constant 0 : i32
      %dma_start3A_135 = arith.constant 0 : i32
      %dma_start3A_136 = tpu.memref_slice %arg3[%run_scoped3A, %dma_start3A_133, %dma_start3A_134, %dma_start3A_135] : memref<2x16x79x128xi32, #tpu.memory_space<hbm>> -> memref<1x16x79x128xi32, #tpu.memory_space<hbm>>
      %dma_start3A_137 = tpu.memref_squeeze %dma_start3A_136 : memref<1x16x79x128xi32, #tpu.memory_space<hbm>> -> memref<16x79x128xi32, #tpu.memory_space<hbm>>
      %dma_start3A_138 = arith.constant 0 : i32
      %dma_start3A_139 = arith.constant 0 : i32
      %dma_start3A_140 = tpu.memref_slice %dma_start3A_137[%arg1, %dma_start3A_138, %dma_start3A_139] : memref<16x79x128xi32, #tpu.memory_space<hbm>> -> memref<1x79x128xi32, #tpu.memory_space<hbm>>
      %dma_start3A_141 = tpu.memref_squeeze %dma_start3A_140 : memref<1x79x128xi32, #tpu.memory_space<hbm>> -> memref<79x128xi32, #tpu.memory_space<hbm>>
      %dma_start3A_142 = arith.constant 0 : i32
      %dma_start3A_143 = arith.constant 0 : i32
      %dma_start3A_144 = arith.constant 0 : i32
      %dma_start3A_145 = tpu.memref_slice %arg3[%run_scoped3A, %dma_start3A_142, %dma_start3A_143, %dma_start3A_144] : memref<2x16x79x128xi32, #tpu.memory_space<hbm>> -> memref<1x16x79x128xi32, #tpu.memory_space<hbm>>
      %dma_start3A_146 = tpu.memref_squeeze %dma_start3A_145 : memref<1x16x79x128xi32, #tpu.memory_space<hbm>> -> memref<16x79x128xi32, #tpu.memory_space<hbm>>
      %dma_start3A_147 = arith.constant 0 : i32
      %dma_start3A_148 = arith.constant 0 : i32
      %dma_start3A_149 = tpu.memref_slice %dma_start3A_146[%arg1, %dma_start3A_147, %dma_start3A_148] : memref<16x79x128xi32, #tpu.memory_space<hbm>> -> memref<1x79x128xi32, #tpu.memory_space<hbm>>
      %dma_start3A_150 = tpu.memref_squeeze %dma_start3A_149 : memref<1x79x128xi32, #tpu.memory_space<hbm>> -> memref<79x128xi32, #tpu.memory_space<hbm>>
      tpu.enqueue_dma source(%dma_start3A_150 : memref<79x128xi32, #tpu.memory_space<hbm>>) target(%arg6 : memref<79x128xi32, #tpu.memory_space<vmem>>) target_semaphore(%run_scoped3A_132 : memref<!tpu.dma_semaphore, #tpu.memory_space<semaphore_mem>>)
      %dma_wait3A_151 = arith.constant 0 : i32
      %dma_wait3A_152 = arith.constant 0 : i32
      %dma_wait3A_153 = arith.constant 0 : i32
      %dma_wait3A_154 = tpu.memref_slice %arg3[%run_scoped3A, %dma_wait3A_151, %dma_wait3A_152, %dma_wait3A_153] : memref<2x16x79x128xi32, #tpu.memory_space<hbm>> -> memref<1x16x79x128xi32, #tpu.memory_space<hbm>>
      %dma_wait3A_155 = tpu.memref_squeeze %dma_wait3A_154 : memref<1x16x79x128xi32, #tpu.memory_space<hbm>> -> memref<16x79x128xi32, #tpu.memory_space<hbm>>
      %dma_wait3A_156 = arith.constant 0 : i32
      %dma_wait3A_157 = arith.constant 0 : i32
      %dma_wait3A_158 = tpu.memref_slice %dma_wait3A_155[%arg1, %dma_wait3A_156, %dma_wait3A_157] : memref<16x79x128xi32, #tpu.memory_space<hbm>> -> memref<1x79x128xi32, #tpu.memory_space<hbm>>
      %dma_wait3A_159 = tpu.memref_squeeze %dma_wait3A_158 : memref<1x79x128xi32, #tpu.memory_space<hbm>> -> memref<79x128xi32, #tpu.memory_space<hbm>>
      %dma_wait3A_160 = arith.constant 0 : i32
      %dma_wait3A_161 = arith.constant 0 : i32
      %dma_wait3A_162 = arith.constant 0 : i32
      %dma_wait3A_163 = tpu.memref_slice %arg3[%run_scoped3A, %dma_wait3A_160, %dma_wait3A_161, %dma_wait3A_162] : memref<2x16x79x128xi32, #tpu.memory_space<hbm>> -> memref<1x16x79x128xi32, #tpu.memory_space<hbm>>
      %dma_wait3A_164 = tpu.memref_squeeze %dma_wait3A_163 : memref<1x16x79x128xi32, #tpu.memory_space<hbm>> -> memref<16x79x128xi32, #tpu.memory_space<hbm>>
      %dma_wait3A_165 = arith.constant 0 : i32
      %dma_wait3A_166 = arith.constant 0 : i32
      %dma_wait3A_167 = tpu.memref_slice %dma_wait3A_164[%arg1, %dma_wait3A_165, %dma_wait3A_166] : memref<16x79x128xi32, #tpu.memory_space<hbm>> -> memref<1x79x128xi32, #tpu.memory_space<hbm>>
      %dma_wait3A_168 = tpu.memref_squeeze %dma_wait3A_167 : memref<1x79x128xi32, #tpu.memory_space<hbm>> -> memref<79x128xi32, #tpu.memory_space<hbm>>
      tpu.wait_dma2 semaphore(%run_scoped3A_132 : memref<!tpu.dma_semaphore, #tpu.memory_space<semaphore_mem>>) src(%dma_wait3A_168 : memref<79x128xi32, #tpu.memory_space<hbm>>) dst(%arg6 : memref<79x128xi32, #tpu.memory_space<vmem>>)
      tpu.yield
    }) : () -> ()
    %run_scoped3A_0 = arith.constant 1 : i32
    "tpu.region"() ({
      %run_scoped3A_132 = tpu.sem_alloc : memref<!tpu.dma_semaphore, #tpu.memory_space<semaphore_mem>>
      %dma_start3A_133 = arith.constant 0 : i32
      %dma_start3A_134 = arith.constant 0 : i32
      %dma_start3A_135 = arith.constant 0 : i32
      %dma_start3A_136 = tpu.memref_slice %arg3[%run_scoped3A_0, %dma_start3A_133, %dma_start3A_134, %dma_start3A_135] : memref<2x16x79x128xi32, #tpu.memory_space<hbm>> -> memref<1x16x79x128xi32, #tpu.memory_space<hbm>>
      %dma_start3A_137 = tpu.memref_squeeze %dma_start3A_136 : memref<1x16x79x128xi32, #tpu.memory_space<hbm>> -> memref<16x79x128xi32, #tpu.memory_space<hbm>>
      %dma_start3A_138 = arith.constant 0 : i32
      %dma_start3A_139 = arith.constant 0 : i32
      %dma_start3A_140 = tpu.memref_slice %dma_start3A_137[%arg1, %dma_start3A_138, %dma_start3A_139] : memref<16x79x128xi32, #tpu.memory_space<hbm>> -> memref<1x79x128xi32, #tpu.memory_space<hbm>>
      %dma_start3A_141 = tpu.memref_squeeze %dma_start3A_140 : memref<1x79x128xi32, #tpu.memory_space<hbm>> -> memref<79x128xi32, #tpu.memory_space<hbm>>
      %dma_start3A_142 = arith.constant 0 : i32
      %dma_start3A_143 = arith.constant 0 : i32
      %dma_start3A_144 = arith.constant 0 : i32
      %dma_start3A_145 = tpu.memref_slice %arg3[%run_scoped3A_0, %dma_start3A_142, %dma_start3A_143, %dma_start3A_144] : memref<2x16x79x128xi32, #tpu.memory_space<hbm>> -> memref<1x16x79x128xi32, #tpu.memory_space<hbm>>
      %dma_start3A_146 = tpu.memref_squeeze %dma_start3A_145 : memref<1x16x79x128xi32, #tpu.memory_space<hbm>> -> memref<16x79x128xi32, #tpu.memory_space<hbm>>
      %dma_start3A_147 = arith.constant 0 : i32
      %dma_start3A_148 = arith.constant 0 : i32
      %dma_start3A_149 = tpu.memref_slice %dma_start3A_146[%arg1, %dma_start3A_147, %dma_start3A_148] : memref<16x79x128xi32, #tpu.memory_space<hbm>> -> memref<1x79x128xi32, #tpu.memory_space<hbm>>
      %dma_start3A_150 = tpu.memref_squeeze %dma_start3A_149 : memref<1x79x128xi32, #tpu.memory_space<hbm>> -> memref<79x128xi32, #tpu.memory_space<hbm>>
      tpu.enqueue_dma source(%dma_start3A_150 : memref<79x128xi32, #tpu.memory_space<hbm>>) target(%arg7 : memref<79x128xi32, #tpu.memory_space<vmem>>) target_semaphore(%run_scoped3A_132 : memref<!tpu.dma_semaphore, #tpu.memory_space<semaphore_mem>>)
      %dma_wait3A_151 = arith.constant 0 : i32
      %dma_wait3A_152 = arith.constant 0 : i32
      %dma_wait3A_153 = arith.constant 0 : i32
      %dma_wait3A_154 = tpu.memref_slice %arg3[%run_scoped3A_0, %dma_wait3A_151, %dma_wait3A_152, %dma_wait3A_153] : memref<2x16x79x128xi32, #tpu.memory_space<hbm>> -> memref<1x16x79x128xi32, #tpu.memory_space<hbm>>
      %dma_wait3A_155 = tpu.memref_squeeze %dma_wait3A_154 : memref<1x16x79x128xi32, #tpu.memory_space<hbm>> -> memref<16x79x128xi32, #tpu.memory_space<hbm>>
      %dma_wait3A_156 = arith.constant 0 : i32
      %dma_wait3A_157 = arith.constant 0 : i32
      %dma_wait3A_158 = tpu.memref_slice %dma_wait3A_155[%arg1, %dma_wait3A_156, %dma_wait3A_157] : memref<16x79x128xi32, #tpu.memory_space<hbm>> -> memref<1x79x128xi32, #tpu.memory_space<hbm>>
      %dma_wait3A_159 = tpu.memref_squeeze %dma_wait3A_158 : memref<1x79x128xi32, #tpu.memory_space<hbm>> -> memref<79x128xi32, #tpu.memory_space<hbm>>
      %dma_wait3A_160 = arith.constant 0 : i32
      %dma_wait3A_161 = arith.constant 0 : i32
      %dma_wait3A_162 = arith.constant 0 : i32
      %dma_wait3A_163 = tpu.memref_slice %arg3[%run_scoped3A_0, %dma_wait3A_160, %dma_wait3A_161, %dma_wait3A_162] : memref<2x16x79x128xi32, #tpu.memory_space<hbm>> -> memref<1x16x79x128xi32, #tpu.memory_space<hbm>>
      %dma_wait3A_164 = tpu.memref_squeeze %dma_wait3A_163 : memref<1x16x79x128xi32, #tpu.memory_space<hbm>> -> memref<16x79x128xi32, #tpu.memory_space<hbm>>
      %dma_wait3A_165 = arith.constant 0 : i32
      %dma_wait3A_166 = arith.constant 0 : i32
      %dma_wait3A_167 = tpu.memref_slice %dma_wait3A_164[%arg1, %dma_wait3A_165, %dma_wait3A_166] : memref<16x79x128xi32, #tpu.memory_space<hbm>> -> memref<1x79x128xi32, #tpu.memory_space<hbm>>
      %dma_wait3A_168 = tpu.memref_squeeze %dma_wait3A_167 : memref<1x79x128xi32, #tpu.memory_space<hbm>> -> memref<79x128xi32, #tpu.memory_space<hbm>>
      tpu.wait_dma2 semaphore(%run_scoped3A_132 : memref<!tpu.dma_semaphore, #tpu.memory_space<semaphore_mem>>) src(%dma_wait3A_168 : memref<79x128xi32, #tpu.memory_space<hbm>>) dst(%arg7 : memref<79x128xi32, #tpu.memory_space<vmem>>)
      tpu.yield
    }) : () -> ()
    "tpu.region"() ({
      %run_scoped3A_132 = tpu.sem_alloc : memref<!tpu.dma_semaphore, #tpu.memory_space<semaphore_mem>>
      tpu.enqueue_dma source(%arg4 : memref<64x128xf32, #tpu.memory_space<hbm>>) target(%arg9 : memref<64x128xf32, #tpu.memory_space<vmem>>) target_semaphore(%run_scoped3A_132 : memref<!tpu.dma_semaphore, #tpu.memory_space<semaphore_mem>>)
      tpu.wait_dma2 semaphore(%run_scoped3A_132 : memref<!tpu.dma_semaphore, #tpu.memory_space<semaphore_mem>>) src(%arg4 : memref<64x128xf32, #tpu.memory_space<hbm>>) dst(%arg9 : memref<64x128xf32, #tpu.memory_space<vmem>>)
      tpu.yield
    }) : () -> ()
    %mul3A = arith.constant 1 : i32
    %mul3A_1 = arith.muli %arg0, %mul3A : i32
    %add3A = arith.constant 0 : i32
    %add3A_2 = arith.addi %mul3A_1, %add3A : i32
    %mul3A_3 = arith.constant 640 : i32
    %mul3A_4 = arith.muli %arg1, %mul3A_3 : i32
    %add3A_5 = arith.constant 0 : i32
    %add3A_6 = arith.addi %mul3A_4, %add3A_5 : i32
    %dma_start3A = arith.constant 0 : i32
    %dma_start3A_7 = tpu.memref_slice %arg11[%add3A_6, %dma_start3A] : memref<10240x128xf32, #tpu.memory_space<vmem_shared>> -> memref<64x128xf32, #tpu.memory_space<vmem_shared>>
    %dma_start3A_8 = arith.constant 0 : i32
    %dma_start3A_9 = tpu.memref_slice %arg11[%add3A_6, %dma_start3A_8] : memref<10240x128xf32, #tpu.memory_space<vmem_shared>> -> memref<64x128xf32, #tpu.memory_space<vmem_shared>>
    tpu.enqueue_dma source(%arg9 : memref<64x128xf32, #tpu.memory_space<vmem>>) target(%dma_start3A_9 : memref<64x128xf32, #tpu.memory_space<vmem_shared>>) target_semaphore(%arg10 : memref<!tpu.dma_semaphore, #tpu.memory_space<semaphore_mem>>)
    %mul3A_10 = arith.constant 640 : i32
    %mul3A_11 = arith.muli %arg1, %mul3A_10 : i32
    %add3A_12 = arith.constant 64 : i32
    %add3A_13 = arith.addi %mul3A_11, %add3A_12 : i32
    %dma_start3A_14 = arith.constant 0 : i32
    %dma_start3A_15 = tpu.memref_slice %arg11[%add3A_13, %dma_start3A_14] : memref<10240x128xf32, #tpu.memory_space<vmem_shared>> -> memref<64x128xf32, #tpu.memory_space<vmem_shared>>
    %dma_start3A_16 = arith.constant 0 : i32
    %dma_start3A_17 = tpu.memref_slice %arg11[%add3A_13, %dma_start3A_16] : memref<10240x128xf32, #tpu.memory_space<vmem_shared>> -> memref<64x128xf32, #tpu.memory_space<vmem_shared>>
    tpu.enqueue_dma source(%arg9 : memref<64x128xf32, #tpu.memory_space<vmem>>) target(%dma_start3A_17 : memref<64x128xf32, #tpu.memory_space<vmem_shared>>) target_semaphore(%arg10 : memref<!tpu.dma_semaphore, #tpu.memory_space<semaphore_mem>>)
    %mul3A_18 = arith.constant 640 : i32
    %mul3A_19 = arith.muli %arg1, %mul3A_18 : i32
    %add3A_20 = arith.constant 128 : i32
    %add3A_21 = arith.addi %mul3A_19, %add3A_20 : i32
    %dma_start3A_22 = arith.constant 0 : i32
    %dma_start3A_23 = tpu.memref_slice %arg11[%add3A_21, %dma_start3A_22] : memref<10240x128xf32, #tpu.memory_space<vmem_shared>> -> memref<64x128xf32, #tpu.memory_space<vmem_shared>>
    %dma_start3A_24 = arith.constant 0 : i32
    %dma_start3A_25 = tpu.memref_slice %arg11[%add3A_21, %dma_start3A_24] : memref<10240x128xf32, #tpu.memory_space<vmem_shared>> -> memref<64x128xf32, #tpu.memory_space<vmem_shared>>
    tpu.enqueue_dma source(%arg9 : memref<64x128xf32, #tpu.memory_space<vmem>>) target(%dma_start3A_25 : memref<64x128xf32, #tpu.memory_space<vmem_shared>>) target_semaphore(%arg10 : memref<!tpu.dma_semaphore, #tpu.memory_space<semaphore_mem>>)
    %mul3A_26 = arith.constant 640 : i32
    %mul3A_27 = arith.muli %arg1, %mul3A_26 : i32
    %add3A_28 = arith.constant 192 : i32
    %add3A_29 = arith.addi %mul3A_27, %add3A_28 : i32
    %dma_start3A_30 = arith.constant 0 : i32
    %dma_start3A_31 = tpu.memref_slice %arg11[%add3A_29, %dma_start3A_30] : memref<10240x128xf32, #tpu.memory_space<vmem_shared>> -> memref<64x128xf32, #tpu.memory_space<vmem_shared>>
    %dma_start3A_32 = arith.constant 0 : i32
    %dma_start3A_33 = tpu.memref_slice %arg11[%add3A_29, %dma_start3A_32] : memref<10240x128xf32, #tpu.memory_space<vmem_shared>> -> memref<64x128xf32, #tpu.memory_space<vmem_shared>>
    tpu.enqueue_dma source(%arg9 : memref<64x128xf32, #tpu.memory_space<vmem>>) target(%dma_start3A_33 : memref<64x128xf32, #tpu.memory_space<vmem_shared>>) target_semaphore(%arg10 : memref<!tpu.dma_semaphore, #tpu.memory_space<semaphore_mem>>)
    %mul3A_34 = arith.constant 640 : i32
    %mul3A_35 = arith.muli %arg1, %mul3A_34 : i32
    %add3A_36 = arith.constant 256 : i32
    %add3A_37 = arith.addi %mul3A_35, %add3A_36 : i32
    %dma_start3A_38 = arith.constant 0 : i32
    %dma_start3A_39 = tpu.memref_slice %arg11[%add3A_37, %dma_start3A_38] : memref<10240x128xf32, #tpu.memory_space<vmem_shared>> -> memref<64x128xf32, #tpu.memory_space<vmem_shared>>
    %dma_start3A_40 = arith.constant 0 : i32
    %dma_start3A_41 = tpu.memref_slice %arg11[%add3A_37, %dma_start3A_40] : memref<10240x128xf32, #tpu.memory_space<vmem_shared>> -> memref<64x128xf32, #tpu.memory_space<vmem_shared>>
    tpu.enqueue_dma source(%arg9 : memref<64x128xf32, #tpu.memory_space<vmem>>) target(%dma_start3A_41 : memref<64x128xf32, #tpu.memory_space<vmem_shared>>) target_semaphore(%arg10 : memref<!tpu.dma_semaphore, #tpu.memory_space<semaphore_mem>>)
    %mul3A_42 = arith.constant 640 : i32
    %mul3A_43 = arith.muli %arg1, %mul3A_42 : i32
    %add3A_44 = arith.constant 320 : i32
    %add3A_45 = arith.addi %mul3A_43, %add3A_44 : i32
    %dma_start3A_46 = arith.constant 0 : i32
    %dma_start3A_47 = tpu.memref_slice %arg11[%add3A_45, %dma_start3A_46] : memref<10240x128xf32, #tpu.memory_space<vmem_shared>> -> memref<64x128xf32, #tpu.memory_space<vmem_shared>>
    %dma_start3A_48 = arith.constant 0 : i32
    %dma_start3A_49 = tpu.memref_slice %arg11[%add3A_45, %dma_start3A_48] : memref<10240x128xf32, #tpu.memory_space<vmem_shared>> -> memref<64x128xf32, #tpu.memory_space<vmem_shared>>
    tpu.enqueue_dma source(%arg9 : memref<64x128xf32, #tpu.memory_space<vmem>>) target(%dma_start3A_49 : memref<64x128xf32, #tpu.memory_space<vmem_shared>>) target_semaphore(%arg10 : memref<!tpu.dma_semaphore, #tpu.memory_space<semaphore_mem>>)
    %mul3A_50 = arith.constant 640 : i32
    %mul3A_51 = arith.muli %arg1, %mul3A_50 : i32
    %add3A_52 = arith.constant 384 : i32
    %add3A_53 = arith.addi %mul3A_51, %add3A_52 : i32
    %dma_start3A_54 = arith.constant 0 : i32
    %dma_start3A_55 = tpu.memref_slice %arg11[%add3A_53, %dma_start3A_54] : memref<10240x128xf32, #tpu.memory_space<vmem_shared>> -> memref<64x128xf32, #tpu.memory_space<vmem_shared>>
    %dma_start3A_56 = arith.constant 0 : i32
    %dma_start3A_57 = tpu.memref_slice %arg11[%add3A_53, %dma_start3A_56] : memref<10240x128xf32, #tpu.memory_space<vmem_shared>> -> memref<64x128xf32, #tpu.memory_space<vmem_shared>>
    tpu.enqueue_dma source(%arg9 : memref<64x128xf32, #tpu.memory_space<vmem>>) target(%dma_start3A_57 : memref<64x128xf32, #tpu.memory_space<vmem_shared>>) target_semaphore(%arg10 : memref<!tpu.dma_semaphore, #tpu.memory_space<semaphore_mem>>)
    %mul3A_58 = arith.constant 640 : i32
    %mul3A_59 = arith.muli %arg1, %mul3A_58 : i32
    %add3A_60 = arith.constant 448 : i32
    %add3A_61 = arith.addi %mul3A_59, %add3A_60 : i32
    %dma_start3A_62 = arith.constant 0 : i32
    %dma_start3A_63 = tpu.memref_slice %arg11[%add3A_61, %dma_start3A_62] : memref<10240x128xf32, #tpu.memory_space<vmem_shared>> -> memref<64x128xf32, #tpu.memory_space<vmem_shared>>
    %dma_start3A_64 = arith.constant 0 : i32
    %dma_start3A_65 = tpu.memref_slice %arg11[%add3A_61, %dma_start3A_64] : memref<10240x128xf32, #tpu.memory_space<vmem_shared>> -> memref<64x128xf32, #tpu.memory_space<vmem_shared>>
    tpu.enqueue_dma source(%arg9 : memref<64x128xf32, #tpu.memory_space<vmem>>) target(%dma_start3A_65 : memref<64x128xf32, #tpu.memory_space<vmem_shared>>) target_semaphore(%arg10 : memref<!tpu.dma_semaphore, #tpu.memory_space<semaphore_mem>>)
    %mul3A_66 = arith.constant 640 : i32
    %mul3A_67 = arith.muli %arg1, %mul3A_66 : i32
    %add3A_68 = arith.constant 512 : i32
    %add3A_69 = arith.addi %mul3A_67, %add3A_68 : i32
    %dma_start3A_70 = arith.constant 0 : i32
    %dma_start3A_71 = tpu.memref_slice %arg11[%add3A_69, %dma_start3A_70] : memref<10240x128xf32, #tpu.memory_space<vmem_shared>> -> memref<64x128xf32, #tpu.memory_space<vmem_shared>>
    %dma_start3A_72 = arith.constant 0 : i32
    %dma_start3A_73 = tpu.memref_slice %arg11[%add3A_69, %dma_start3A_72] : memref<10240x128xf32, #tpu.memory_space<vmem_shared>> -> memref<64x128xf32, #tpu.memory_space<vmem_shared>>
    tpu.enqueue_dma source(%arg9 : memref<64x128xf32, #tpu.memory_space<vmem>>) target(%dma_start3A_73 : memref<64x128xf32, #tpu.memory_space<vmem_shared>>) target_semaphore(%arg10 : memref<!tpu.dma_semaphore, #tpu.memory_space<semaphore_mem>>)
    %mul3A_74 = arith.constant 640 : i32
    %mul3A_75 = arith.muli %arg1, %mul3A_74 : i32
    %add3A_76 = arith.constant 576 : i32
    %add3A_77 = arith.addi %mul3A_75, %add3A_76 : i32
    %dma_start3A_78 = arith.constant 0 : i32
    %dma_start3A_79 = tpu.memref_slice %arg11[%add3A_77, %dma_start3A_78] : memref<10240x128xf32, #tpu.memory_space<vmem_shared>> -> memref<64x128xf32, #tpu.memory_space<vmem_shared>>
    %dma_start3A_80 = arith.constant 0 : i32
    %dma_start3A_81 = tpu.memref_slice %arg11[%add3A_77, %dma_start3A_80] : memref<10240x128xf32, #tpu.memory_space<vmem_shared>> -> memref<64x128xf32, #tpu.memory_space<vmem_shared>>
    tpu.enqueue_dma source(%arg9 : memref<64x128xf32, #tpu.memory_space<vmem>>) target(%dma_start3A_81 : memref<64x128xf32, #tpu.memory_space<vmem_shared>>) target_semaphore(%arg10 : memref<!tpu.dma_semaphore, #tpu.memory_space<semaphore_mem>>)
    %dma_wait3A = arith.constant 0 : i32
    %dma_wait3A_82 = tpu.memref_slice %arg11[%add3A_6, %dma_wait3A] : memref<10240x128xf32, #tpu.memory_space<vmem_shared>> -> memref<64x128xf32, #tpu.memory_space<vmem_shared>>
    %dma_wait3A_83 = arith.constant 0 : i32
    %dma_wait3A_84 = tpu.memref_slice %arg11[%add3A_6, %dma_wait3A_83] : memref<10240x128xf32, #tpu.memory_space<vmem_shared>> -> memref<64x128xf32, #tpu.memory_space<vmem_shared>>
    tpu.wait_dma2 semaphore(%arg10 : memref<!tpu.dma_semaphore, #tpu.memory_space<semaphore_mem>>) src(%arg9 : memref<64x128xf32, #tpu.memory_space<vmem>>) dst(%dma_wait3A_84 : memref<64x128xf32, #tpu.memory_space<vmem_shared>>)
    %dma_wait3A_85 = arith.constant 0 : i32
    %dma_wait3A_86 = tpu.memref_slice %arg11[%add3A_13, %dma_wait3A_85] : memref<10240x128xf32, #tpu.memory_space<vmem_shared>> -> memref<64x128xf32, #tpu.memory_space<vmem_shared>>
    %dma_wait3A_87 = arith.constant 0 : i32
    %dma_wait3A_88 = tpu.memref_slice %arg11[%add3A_13, %dma_wait3A_87] : memref<10240x128xf32, #tpu.memory_space<vmem_shared>> -> memref<64x128xf32, #tpu.memory_space<vmem_shared>>
    tpu.wait_dma2 semaphore(%arg10 : memref<!tpu.dma_semaphore, #tpu.memory_space<semaphore_mem>>) src(%arg9 : memref<64x128xf32, #tpu.memory_space<vmem>>) dst(%dma_wait3A_88 : memref<64x128xf32, #tpu.memory_space<vmem_shared>>)
    %dma_wait3A_89 = arith.constant 0 : i32
    %dma_wait3A_90 = tpu.memref_slice %arg11[%add3A_21, %dma_wait3A_89] : memref<10240x128xf32, #tpu.memory_space<vmem_shared>> -> memref<64x128xf32, #tpu.memory_space<vmem_shared>>
    %dma_wait3A_91 = arith.constant 0 : i32
    %dma_wait3A_92 = tpu.memref_slice %arg11[%add3A_21, %dma_wait3A_91] : memref<10240x128xf32, #tpu.memory_space<vmem_shared>> -> memref<64x128xf32, #tpu.memory_space<vmem_shared>>
    tpu.wait_dma2 semaphore(%arg10 : memref<!tpu.dma_semaphore, #tpu.memory_space<semaphore_mem>>) src(%arg9 : memref<64x128xf32, #tpu.memory_space<vmem>>) dst(%dma_wait3A_92 : memref<64x128xf32, #tpu.memory_space<vmem_shared>>)
    %dma_wait3A_93 = arith.constant 0 : i32
    %dma_wait3A_94 = tpu.memref_slice %arg11[%add3A_29, %dma_wait3A_93] : memref<10240x128xf32, #tpu.memory_space<vmem_shared>> -> memref<64x128xf32, #tpu.memory_space<vmem_shared>>
    %dma_wait3A_95 = arith.constant 0 : i32
    %dma_wait3A_96 = tpu.memref_slice %arg11[%add3A_29, %dma_wait3A_95] : memref<10240x128xf32, #tpu.memory_space<vmem_shared>> -> memref<64x128xf32, #tpu.memory_space<vmem_shared>>
    tpu.wait_dma2 semaphore(%arg10 : memref<!tpu.dma_semaphore, #tpu.memory_space<semaphore_mem>>) src(%arg9 : memref<64x128xf32, #tpu.memory_space<vmem>>) dst(%dma_wait3A_96 : memref<64x128xf32, #tpu.memory_space<vmem_shared>>)
    %dma_wait3A_97 = arith.constant 0 : i32
    %dma_wait3A_98 = tpu.memref_slice %arg11[%add3A_37, %dma_wait3A_97] : memref<10240x128xf32, #tpu.memory_space<vmem_shared>> -> memref<64x128xf32, #tpu.memory_space<vmem_shared>>
    %dma_wait3A_99 = arith.constant 0 : i32
    %dma_wait3A_100 = tpu.memref_slice %arg11[%add3A_37, %dma_wait3A_99] : memref<10240x128xf32, #tpu.memory_space<vmem_shared>> -> memref<64x128xf32, #tpu.memory_space<vmem_shared>>
    tpu.wait_dma2 semaphore(%arg10 : memref<!tpu.dma_semaphore, #tpu.memory_space<semaphore_mem>>) src(%arg9 : memref<64x128xf32, #tpu.memory_space<vmem>>) dst(%dma_wait3A_100 : memref<64x128xf32, #tpu.memory_space<vmem_shared>>)
    %dma_wait3A_101 = arith.constant 0 : i32
    %dma_wait3A_102 = tpu.memref_slice %arg11[%add3A_45, %dma_wait3A_101] : memref<10240x128xf32, #tpu.memory_space<vmem_shared>> -> memref<64x128xf32, #tpu.memory_space<vmem_shared>>
    %dma_wait3A_103 = arith.constant 0 : i32
    %dma_wait3A_104 = tpu.memref_slice %arg11[%add3A_45, %dma_wait3A_103] : memref<10240x128xf32, #tpu.memory_space<vmem_shared>> -> memref<64x128xf32, #tpu.memory_space<vmem_shared>>
    tpu.wait_dma2 semaphore(%arg10 : memref<!tpu.dma_semaphore, #tpu.memory_space<semaphore_mem>>) src(%arg9 : memref<64x128xf32, #tpu.memory_space<vmem>>) dst(%dma_wait3A_104 : memref<64x128xf32, #tpu.memory_space<vmem_shared>>)
    %dma_wait3A_105 = arith.constant 0 : i32
    %dma_wait3A_106 = tpu.memref_slice %arg11[%add3A_53, %dma_wait3A_105] : memref<10240x128xf32, #tpu.memory_space<vmem_shared>> -> memref<64x128xf32, #tpu.memory_space<vmem_shared>>
    %dma_wait3A_107 = arith.constant 0 : i32
    %dma_wait3A_108 = tpu.memref_slice %arg11[%add3A_53, %dma_wait3A_107] : memref<10240x128xf32, #tpu.memory_space<vmem_shared>> -> memref<64x128xf32, #tpu.memory_space<vmem_shared>>
    tpu.wait_dma2 semaphore(%arg10 : memref<!tpu.dma_semaphore, #tpu.memory_space<semaphore_mem>>) src(%arg9 : memref<64x128xf32, #tpu.memory_space<vmem>>) dst(%dma_wait3A_108 : memref<64x128xf32, #tpu.memory_space<vmem_shared>>)
    %dma_wait3A_109 = arith.constant 0 : i32
    %dma_wait3A_110 = tpu.memref_slice %arg11[%add3A_61, %dma_wait3A_109] : memref<10240x128xf32, #tpu.memory_space<vmem_shared>> -> memref<64x128xf32, #tpu.memory_space<vmem_shared>>
    %dma_wait3A_111 = arith.constant 0 : i32
    %dma_wait3A_112 = tpu.memref_slice %arg11[%add3A_61, %dma_wait3A_111] : memref<10240x128xf32, #tpu.memory_space<vmem_shared>> -> memref<64x128xf32, #tpu.memory_space<vmem_shared>>
    tpu.wait_dma2 semaphore(%arg10 : memref<!tpu.dma_semaphore, #tpu.memory_space<semaphore_mem>>) src(%arg9 : memref<64x128xf32, #tpu.memory_space<vmem>>) dst(%dma_wait3A_112 : memref<64x128xf32, #tpu.memory_space<vmem_shared>>)
    %dma_wait3A_113 = arith.constant 0 : i32
    %dma_wait3A_114 = tpu.memref_slice %arg11[%add3A_69, %dma_wait3A_113] : memref<10240x128xf32, #tpu.memory_space<vmem_shared>> -> memref<64x128xf32, #tpu.memory_space<vmem_shared>>
    %dma_wait3A_115 = arith.constant 0 : i32
    %dma_wait3A_116 = tpu.memref_slice %arg11[%add3A_69, %dma_wait3A_115] : memref<10240x128xf32, #tpu.memory_space<vmem_shared>> -> memref<64x128xf32, #tpu.memory_space<vmem_shared>>
    tpu.wait_dma2 semaphore(%arg10 : memref<!tpu.dma_semaphore, #tpu.memory_space<semaphore_mem>>) src(%arg9 : memref<64x128xf32, #tpu.memory_space<vmem>>) dst(%dma_wait3A_116 : memref<64x128xf32, #tpu.memory_space<vmem_shared>>)
    %dma_wait3A_117 = arith.constant 0 : i32
    %dma_wait3A_118 = tpu.memref_slice %arg11[%add3A_77, %dma_wait3A_117] : memref<10240x128xf32, #tpu.memory_space<vmem_shared>> -> memref<64x128xf32, #tpu.memory_space<vmem_shared>>
    %dma_wait3A_119 = arith.constant 0 : i32
    %dma_wait3A_120 = tpu.memref_slice %arg11[%add3A_77, %dma_wait3A_119] : memref<10240x128xf32, #tpu.memory_space<vmem_shared>> -> memref<64x128xf32, #tpu.memory_space<vmem_shared>>
    tpu.wait_dma2 semaphore(%arg10 : memref<!tpu.dma_semaphore, #tpu.memory_space<semaphore_mem>>) src(%arg9 : memref<64x128xf32, #tpu.memory_space<vmem>>) dst(%dma_wait3A_120 : memref<64x128xf32, #tpu.memory_space<vmem_shared>>)
    %barrier3A = arith.constant 0 : index
    tpu.barrier barrier_id(%barrier3A)
    %scan3A = arith.constant 0 : i32
    %scan3A_121 = arith.constant 0 : i32
    %scan3A_122 = arith.constant 79 : i32
    %scan3A_123 = arith.addi %scan3A_121, %scan3A_122 : i32
    %scan3A_124 = arith.constant 1 : i32
    scf.for %scan3A_132 = %scan3A_121 to %scan3A_123 step %scan3A_124  : i32 {
      "tpu.region"() ({
        %run_scoped3A_133 = tpu.sem_alloc : memref<!tpu.dma_semaphore, #tpu.memory_space<semaphore_mem>>
        %dma_start3A_134 = arith.constant 0 : i32
        %dma_start3A_135 = tpu.memref_slice %arg6[%scan3A_132, %dma_start3A_134] : memref<79x128xi32, #tpu.memory_space<vmem>> -> memref<1x128xi32, #tpu.memory_space<vmem>>
        %dma_start3A_136 = tpu.memref_squeeze %dma_start3A_135 : memref<1x128xi32, #tpu.memory_space<vmem>> -> memref<128xi32, #tpu.memory_space<vmem>>
        %dma_start3A_137 = arith.constant 0 : i32
        %dma_start3A_138 = arith.constant 0 : i32
        %dma_start3A_139 = tpu.memref_slice %arg2[%add3A_2, %dma_start3A_137, %dma_start3A_138] : memref<2x10240x128xf32, #tpu.memory_space<hbm>> -> memref<1x10240x128xf32, #tpu.memory_space<hbm>>
        %dma_start3A_140 = tpu.memref_squeeze %dma_start3A_139 : memref<1x10240x128xf32, #tpu.memory_space<hbm>> -> memref<10240x128xf32, #tpu.memory_space<hbm>>
        %dma_start3A_141 = arith.constant 0 : i32
        %dma_start3A_142 = arith.constant 0 : i32
        %dma_start3A_143 = tpu.memref_slice %dma_start3A_140[%dma_start3A_141, %dma_start3A_142] : memref<10240x128xf32, #tpu.memory_space<hbm>> -> memref<10240x128xf32, #tpu.memory_space<hbm>>
        tpu.enqueue_indirect_dma source(%dma_start3A_143 : memref<10240x128xf32, #tpu.memory_space<hbm>>) target(%arg8 : memref<128x128xf32, #tpu.memory_space<vmem>>) offsets(%dma_start3A_136 : memref<128xi32, #tpu.memory_space<vmem>>) semaphore(%run_scoped3A_133 : memref<!tpu.dma_semaphore, #tpu.memory_space<semaphore_mem>>)
        %dma_wait3A_144 = arith.constant 0 : i32
        %dma_wait3A_145 = tpu.memref_slice %arg6[%scan3A_132, %dma_wait3A_144] : memref<79x128xi32, #tpu.memory_space<vmem>> -> memref<1x128xi32, #tpu.memory_space<vmem>>
        %dma_wait3A_146 = tpu.memref_squeeze %dma_wait3A_145 : memref<1x128xi32, #tpu.memory_space<vmem>> -> memref<128xi32, #tpu.memory_space<vmem>>
        %dma_wait3A_147 = arith.constant 0 : i32
        %dma_wait3A_148 = arith.constant 0 : i32
        %dma_wait3A_149 = tpu.memref_slice %arg2[%add3A_2, %dma_wait3A_147, %dma_wait3A_148] : memref<2x10240x128xf32, #tpu.memory_space<hbm>> -> memref<1x10240x128xf32, #tpu.memory_space<hbm>>
        %dma_wait3A_150 = tpu.memref_squeeze %dma_wait3A_149 : memref<1x10240x128xf32, #tpu.memory_space<hbm>> -> memref<10240x128xf32, #tpu.memory_space<hbm>>
        %dma_wait3A_151 = arith.constant 0 : i32
        %dma_wait3A_152 = arith.constant 0 : i32
        %dma_wait3A_153 = tpu.memref_slice %dma_wait3A_150[%dma_wait3A_151, %dma_wait3A_152] : memref<10240x128xf32, #tpu.memory_space<hbm>> -> memref<10240x128xf32, #tpu.memory_space<hbm>>
        tpu.wait_indirect_dma semaphore(%run_scoped3A_133 : memref<!tpu.dma_semaphore, #tpu.memory_space<semaphore_mem>>) src(%dma_wait3A_153 : memref<10240x128xf32, #tpu.memory_space<hbm>>) dst(%arg8 : memref<128x128xf32, #tpu.memory_space<vmem>>)
        tpu.yield
      }) : () -> ()
      "tpu.region"() ({
        %run_scoped3A_133 = tpu.sem_alloc : memref<!tpu.dma_semaphore, #tpu.memory_space<semaphore_mem>>
        %dma_start3A_134 = arith.constant 0 : i32
        %dma_start3A_135 = tpu.memref_slice %arg7[%scan3A_132, %dma_start3A_134] : memref<79x128xi32, #tpu.memory_space<vmem>> -> memref<1x128xi32, #tpu.memory_space<vmem>>
        %dma_start3A_136 = tpu.memref_squeeze %dma_start3A_135 : memref<1x128xi32, #tpu.memory_space<vmem>> -> memref<128xi32, #tpu.memory_space<vmem>>
        %dma_start3A_137 = arith.constant 0 : i32
        %dma_start3A_138 = arith.constant 0 : i32
        %dma_start3A_139 = tpu.memref_slice %arg11[%dma_start3A_137, %dma_start3A_138] : memref<10240x128xf32, #tpu.memory_space<vmem_shared>> -> memref<10240x128xf32, #tpu.memory_space<vmem_shared>>
        tpu.enqueue_indirect_dma source(%arg8 : memref<128x128xf32, #tpu.memory_space<vmem>>) target(%dma_start3A_139 : memref<10240x128xf32, #tpu.memory_space<vmem_shared>>) offsets(%dma_start3A_136 : memref<128xi32, #tpu.memory_space<vmem>>) semaphore(%run_scoped3A_133 : memref<!tpu.dma_semaphore, #tpu.memory_space<semaphore_mem>>) {add = true}
        %dma_wait3A_140 = arith.constant 0 : i32
        %dma_wait3A_141 = tpu.memref_slice %arg7[%scan3A_132, %dma_wait3A_140] : memref<79x128xi32, #tpu.memory_space<vmem>> -> memref<1x128xi32, #tpu.memory_space<vmem>>
        %dma_wait3A_142 = tpu.memref_squeeze %dma_wait3A_141 : memref<1x128xi32, #tpu.memory_space<vmem>> -> memref<128xi32, #tpu.memory_space<vmem>>
        %dma_wait3A_143 = arith.constant 0 : i32
        %dma_wait3A_144 = arith.constant 0 : i32
        %dma_wait3A_145 = tpu.memref_slice %arg11[%dma_wait3A_143, %dma_wait3A_144] : memref<10240x128xf32, #tpu.memory_space<vmem_shared>> -> memref<10240x128xf32, #tpu.memory_space<vmem_shared>>
        tpu.wait_indirect_dma semaphore(%run_scoped3A_133 : memref<!tpu.dma_semaphore, #tpu.memory_space<semaphore_mem>>) src(%arg8 : memref<128x128xf32, #tpu.memory_space<vmem>>) dst(%dma_wait3A_145 : memref<10240x128xf32, #tpu.memory_space<vmem_shared>>)
        tpu.yield
      }) : () -> ()
    }
    %scan3A_125 = arith.constant 79 : i32
    %barrier3A_126 = arith.constant 0 : index
    tpu.barrier barrier_id(%barrier3A_126)
    %mul3A_127 = arith.constant 640 : i32
    %mul3A_128 = arith.muli %arg1, %mul3A_127 : i32
    %mul3A_129 = arith.constant 640 : i32
    %mul3A_130 = arith.muli %arg1, %mul3A_129 : i32
    "tpu.region"() ({
      %run_scoped3A_132 = tpu.sem_alloc : memref<!tpu.dma_semaphore, #tpu.memory_space<semaphore_mem>>
      %dma_start3A_133 = arith.constant 0 : i32
      %dma_start3A_134 = arith.constant 0 : i32
      %dma_start3A_135 = tpu.memref_slice %arg5[%add3A_2, %dma_start3A_133, %dma_start3A_134] : memref<2x10240x128xf32, #tpu.memory_space<hbm>> -> memref<1x10240x128xf32, #tpu.memory_space<hbm>>
      %dma_start3A_136 = tpu.memref_squeeze %dma_start3A_135 : memref<1x10240x128xf32, #tpu.memory_space<hbm>> -> memref<10240x128xf32, #tpu.memory_space<hbm>>
      %dma_start3A_137 = arith.constant 0 : i32
      %dma_start3A_138 = tpu.memref_slice %dma_start3A_136[%mul3A_130, %dma_start3A_137] : memref<10240x128xf32, #tpu.memory_space<hbm>> -> memref<640x128xf32, #tpu.memory_space<hbm>>
      %dma_start3A_139 = arith.constant 0 : i32
      %dma_start3A_140 = tpu.memref_slice %arg11[%mul3A_128, %dma_start3A_139] : memref<10240x128xf32, #tpu.memory_space<vmem_shared>> -> memref<640x128xf32, #tpu.memory_space<vmem_shared>>
      tpu.enqueue_dma source(%dma_start3A_140 : memref<640x128xf32, #tpu.memory_space<vmem_shared>>) target(%dma_start3A_138 : memref<640x128xf32, #tpu.memory_space<hbm>>) target_semaphore(%run_scoped3A_132 : memref<!tpu.dma_semaphore, #tpu.memory_space<semaphore_mem>>)
      %dma_wait3A_141 = arith.constant 0 : i32
      %dma_wait3A_142 = arith.constant 0 : i32
      %dma_wait3A_143 = tpu.memref_slice %arg5[%add3A_2, %dma_wait3A_141, %dma_wait3A_142] : memref<2x10240x128xf32, #tpu.memory_space<hbm>> -> memref<1x10240x128xf32, #tpu.memory_space<hbm>>
      %dma_wait3A_144 = tpu.memref_squeeze %dma_wait3A_143 : memref<1x10240x128xf32, #tpu.memory_space<hbm>> -> memref<10240x128xf32, #tpu.memory_space<hbm>>
      %dma_wait3A_145 = arith.constant 0 : i32
      %dma_wait3A_146 = tpu.memref_slice %dma_wait3A_144[%mul3A_130, %dma_wait3A_145] : memref<10240x128xf32, #tpu.memory_space<hbm>> -> memref<640x128xf32, #tpu.memory_space<hbm>>
      %dma_wait3A_147 = arith.constant 0 : i32
      %dma_wait3A_148 = tpu.memref_slice %arg11[%mul3A_128, %dma_wait3A_147] : memref<10240x128xf32, #tpu.memory_space<vmem_shared>> -> memref<640x128xf32, #tpu.memory_space<vmem_shared>>
      tpu.wait_dma2 semaphore(%run_scoped3A_132 : memref<!tpu.dma_semaphore, #tpu.memory_space<semaphore_mem>>) src(%dma_wait3A_148 : memref<640x128xf32, #tpu.memory_space<vmem_shared>>) dst(%dma_wait3A_146 : memref<640x128xf32, #tpu.memory_space<hbm>>)
      tpu.yield
    }) : () -> ()
    %barrier3A_131 = arith.constant 0 : index
    tpu.barrier barrier_id(%barrier3A_131)
    return
  }
}

module attributes {stable_mosaic.version = 14 : i64} {
  func.func @_scale_body(%arg0: i32, %arg1: memref<2x512xf32, #tpu.memory_space<vmem>>, %arg2: memref<512x256xf32, #tpu.memory_space<vmem>>, %arg3: memref<2x512x128xf32, #tpu.memory_space<vmem>>) attributes {dimension_semantics = [#tpu.dimension_semantics<arbitrary>], iteration_bounds = array<i64: 20>, scalar_prefetch = 0 : i64, scratch_operands = 0 : i64, tpu.core_type = #tpu.core_type<tc>, window_params = [{transform_indices = @transform_0, window_bounds = array<i64: 2, 512>}, {transform_indices = @transform_1, window_bounds = array<i64: 512, 256>}, {transform_indices = @transform_2, window_bounds = array<i64: 2, 512, 128>}]} {
    %get3A = arith.constant 0 : index
    %get3A_0 = arith.constant 0 : index
    %get3A_1 = vector.load %arg1[%get3A, %get3A_0] : memref<2x512xf32, #tpu.memory_space<vmem>>, vector<1x512xf32>
    %get3A_2 = vector.shape_cast %get3A_1 : vector<1x512xf32> to vector<512xf32>
    %jit3A = arith.constant 1.000000e+00 : f32
    %max3A = vector.broadcast %jit3A : f32 to vector<512xf32>
    %max3A_3 = arith.maximumf %max3A, %get3A_2 : vector<512xf32>
    %rsqrt3A = math.rsqrt %max3A_3 : vector<512xf32>
    %get3A_4 = arith.constant 0 : index
    %get3A_5 = arith.constant 0 : index
    %get3A_6 = vector.load %arg2[%get3A_4, %get3A_5] : memref<512x256xf32, #tpu.memory_space<vmem>>, vector<512x256xf32>
    %broadcast_in_dim3A = vector.shape_cast %rsqrt3A : vector<512xf32> to vector<512x1xf32>
    %mul3A = vector.broadcast %broadcast_in_dim3A : vector<512x1xf32> to vector<512x256xf32>
    %mul3A_7 = arith.mulf %get3A_6, %mul3A : vector<512x256xf32>
    %slice3A = vector.extract_strided_slice %mul3A_7 {offsets = [0, 0], sizes = [512, 128], strides = [1, 1]} : vector<512x256xf32> to vector<512x128xf32>
    %swap3A = arith.constant 0 : index
    %swap3A_8 = arith.constant 0 : index
    %swap3A_9 = arith.constant 0 : index
    %swap3A_10 = vector.load %arg3[%swap3A, %swap3A_8, %swap3A_9] : memref<2x512x128xf32, #tpu.memory_space<vmem>>, vector<1x512x128xf32>
    %swap3A_11 = vector.shape_cast %swap3A_10 : vector<1x512x128xf32> to vector<512x128xf32>
    %swap3A_12 = vector.shape_cast %slice3A : vector<512x128xf32> to vector<1x512x128xf32>
    tpu.vector_store %arg3[%swap3A, %swap3A_8, %swap3A_9], %swap3A_12 {strides = array<i32>} : memref<2x512x128xf32, #tpu.memory_space<vmem>>, vector<1x512x128xf32>,
    %slice3A_13 = vector.extract_strided_slice %mul3A_7 {offsets = [0, 128], sizes = [512, 128], strides = [1, 1]} : vector<512x256xf32> to vector<512x128xf32>
    %swap3A_14 = arith.constant 1 : index
    %swap3A_15 = arith.constant 0 : index
    %swap3A_16 = arith.constant 0 : index
    %swap3A_17 = vector.load %arg3[%swap3A_14, %swap3A_15, %swap3A_16] : memref<2x512x128xf32, #tpu.memory_space<vmem>>, vector<1x512x128xf32>
    %swap3A_18 = vector.shape_cast %swap3A_17 : vector<1x512x128xf32> to vector<512x128xf32>
    %swap3A_19 = vector.shape_cast %slice3A_13 : vector<512x128xf32> to vector<1x512x128xf32>
    tpu.vector_store %arg3[%swap3A_14, %swap3A_15, %swap3A_16], %swap3A_19 {strides = array<i32>} : memref<2x512x128xf32, #tpu.memory_space<vmem>>, vector<1x512x128xf32>,
    return
  }
  func.func @transform_0(%arg0: i32) -> (i32, i32) {
    %c0_i32 = arith.constant 0 : i32
    %c0_i32_0 = arith.constant 0 : i32
    return %c0_i32, %arg0 : i32, i32
  }
  func.func @transform_1(%arg0: i32) -> (i32, i32) {
    %c0_i32 = arith.constant 0 : i32
    %c0_i32_0 = arith.constant 0 : i32
    return %arg0, %c0_i32 : i32, i32
  }
  func.func @transform_2(%arg0: i32) -> (i32, i32, i32) {
    %c0_i32 = arith.constant 0 : i32
    %c0_i32_0 = arith.constant 0 : i32
    %c0_i32_1 = arith.constant 0 : i32
    return %c0_i32, %arg0, %c0_i32_0 : i32, i32, i32
  }
}

module attributes {stable_mosaic.version = 14 : i64} {
  func.func @_m1_body(%arg0: i32, %arg1: i32, %arg2: memref<2x512x128xf32, #tpu.memory_space<vmem>>, %arg3: memref<256x128xf32, #tpu.memory_space<vmem>>, %arg4: memref<1x128xf32, #tpu.memory_space<vmem>>, %arg5: memref<2x512xf32, #tpu.memory_space<vmem>>, %arg6: memref<512x128xf32, #tpu.memory_space<vmem>>) attributes {dimension_semantics = [#tpu.dimension_semantics<arbitrary>, #tpu.dimension_semantics<arbitrary>], iteration_bounds = array<i64: 20, 16>, scalar_prefetch = 0 : i64, scratch_operands = 0 : i64, tpu.core_type = #tpu.core_type<tc>, window_params = [{transform_indices = @transform_0, window_bounds = array<i64: 2, 512, 128>}, {transform_indices = @transform_1, window_bounds = array<i64: 256, 128>}, {transform_indices = @transform_2, window_bounds = array<i64: 1, 128>}, {transform_indices = @transform_3, window_bounds = array<i64: 2, 512>}, {transform_indices = @transform_4, window_bounds = array<i64: 512, 128>}]} {
    %get3A = arith.constant 0 : index
    %get3A_0 = arith.constant 0 : index
    %get3A_1 = arith.constant 0 : index
    %get3A_2 = vector.load %arg2[%get3A, %get3A_0, %get3A_1] : memref<2x512x128xf32, #tpu.memory_space<vmem>>, vector<1x512x128xf32>
    %get3A_3 = vector.shape_cast %get3A_2 : vector<1x512x128xf32> to vector<512x128xf32>
    %get3A_4 = arith.constant 1 : index
    %get3A_5 = arith.constant 0 : index
    %get3A_6 = arith.constant 0 : index
    %get3A_7 = vector.load %arg2[%get3A_4, %get3A_5, %get3A_6] : memref<2x512x128xf32, #tpu.memory_space<vmem>>, vector<1x512x128xf32>
    %get3A_8 = vector.shape_cast %get3A_7 : vector<1x512x128xf32> to vector<512x128xf32>
    %concatenate3A = tpu.concatenate %get3A_3, %get3A_8 in 1 : vector<512x128xf32>, vector<512x128xf32> -> vector<512x256xf32>
    %get3A_9 = arith.constant 0 : index
    %get3A_10 = arith.constant 0 : index
    %get3A_11 = vector.load %arg3[%get3A_9, %get3A_10] : memref<256x128xf32, #tpu.memory_space<vmem>>, vector<256x128xf32>
    %dot_general3A = arith.constant dense<0.000000e+00> : vector<512x128xf32>
    %dot_general3A_12 = tpu.matmul %concatenate3A, %get3A_11, %dot_general3A {dimension_numbers = #tpu.dot_dimension_numbers<[1], [0], [0], [1], [0, 0, 1, 1], [], []>, transpose_lhs_hint = false} : vector<512x256xf32>, vector<256x128xf32>, vector<512x128xf32> -> vector<512x128xf32>
    %get3A_13 = arith.constant 1 : index
    %get3A_14 = arith.constant 0 : index
    %get3A_15 = vector.load %arg5[%get3A_13, %get3A_14] : memref<2x512xf32, #tpu.memory_space<vmem>>, vector<1x512xf32>
    %get3A_16 = vector.shape_cast %get3A_15 : vector<1x512xf32> to vector<512xf32>
    %jit3A = arith.constant 1.000000e+00 : f32
    %max3A = vector.broadcast %jit3A : f32 to vector<512xf32>
    %max3A_17 = arith.maximumf %max3A, %get3A_16 : vector<512xf32>
    %rsqrt3A = math.rsqrt %max3A_17 : vector<512xf32>
    %broadcast_in_dim3A = vector.shape_cast %rsqrt3A : vector<512xf32> to vector<512x1xf32>
    %mul3A = vector.broadcast %broadcast_in_dim3A : vector<512x1xf32> to vector<512x128xf32>
    %mul3A_18 = arith.mulf %dot_general3A_12, %mul3A : vector<512x128xf32>
    %get3A_19 = arith.constant 0 : index
    %get3A_20 = arith.constant 0 : index
    %get3A_21 = vector.load %arg4[%get3A_19, %get3A_20] : memref<1x128xf32, #tpu.memory_space<vmem>>, vector<1x128xf32>
    %get3A_22 = vector.shape_cast %get3A_21 : vector<1x128xf32> to vector<128xf32>
    %broadcast_in_dim3A_23 = vector.shape_cast %get3A_22 : vector<128xf32> to vector<1x128xf32>
    %add3A = vector.broadcast %broadcast_in_dim3A_23 : vector<1x128xf32> to vector<512x128xf32>
    %add3A_24 = arith.addf %mul3A_18, %add3A : vector<512x128xf32>
    %ge3A = arith.constant 0.000000e+00 : f32
    %ge3A_25 = vector.broadcast %ge3A : f32 to vector<512x128xf32>
    %ge3A_26 = arith.cmpf oge, %add3A_24, %ge3A_25 : vector<512x128xf32>
    %mul3A_27 = arith.constant 2.000000e-01 : f32
    %mul3A_28 = vector.broadcast %mul3A_27 : f32 to vector<512x128xf32>
    %mul3A_29 = arith.mulf %mul3A_28, %add3A_24 : vector<512x128xf32>
    %select_n3A = arith.select %ge3A_26, %add3A_24, %mul3A_29 : vector<512x128xi1>, vector<512x128xf32>
    %swap3A = arith.constant 0 : index
    %swap3A_30 = arith.constant 0 : index
    %swap3A_31 = vector.load %arg6[%swap3A, %swap3A_30] : memref<512x128xf32, #tpu.memory_space<vmem>>, vector<512x128xf32>
    tpu.vector_store %arg6[%swap3A, %swap3A_30], %select_n3A {strides = array<i32>} : memref<512x128xf32, #tpu.memory_space<vmem>>, vector<512x128xf32>,
    return
  }
  func.func @transform_0(%arg0: i32, %arg1: i32) -> (i32, i32, i32) {
    %c0_i32 = arith.constant 0 : i32
    %c0_i32_0 = arith.constant 0 : i32
    %c0_i32_1 = arith.constant 0 : i32
    return %c0_i32, %arg0, %c0_i32_0 : i32, i32, i32
  }
  func.func @transform_1(%arg0: i32, %arg1: i32) -> (i32, i32) {
    %c0_i32 = arith.constant 0 : i32
    %c0_i32_0 = arith.constant 0 : i32
    return %c0_i32, %arg1 : i32, i32
  }
  func.func @transform_2(%arg0: i32, %arg1: i32) -> (i32, i32) {
    %c0_i32 = arith.constant 0 : i32
    %c0_i32_0 = arith.constant 0 : i32
    return %c0_i32, %arg1 : i32, i32
  }
  func.func @transform_3(%arg0: i32, %arg1: i32) -> (i32, i32) {
    %c0_i32 = arith.constant 0 : i32
    %c0_i32_0 = arith.constant 0 : i32
    return %c0_i32, %arg0 : i32, i32
  }
  func.func @transform_4(%arg0: i32, %arg1: i32) -> (i32, i32) {
    %c0_i32 = arith.constant 0 : i32
    return %arg0, %arg1 : i32, i32
  }
}

module attributes {stable_mosaic.version = 14 : i64} {
  func.func @_mm2_body(%arg0: i32, %arg1: i32, %arg2: memref<512x512xf32, #tpu.memory_space<vmem>>, %arg3: memref<512x512xf32, #tpu.memory_space<vmem>>, %arg4: memref<2x512xf32, #tpu.memory_space<vmem>>, %arg5: memref<4x512x128xf32, #tpu.memory_space<vmem>>, %arg6: memref<512x512xf32, #tpu.memory_space<vmem>>) attributes {dimension_semantics = [#tpu.dimension_semantics<arbitrary>, #tpu.dimension_semantics<arbitrary>], iteration_bounds = array<i64: 20, 4>, scalar_prefetch = 0 : i64, scratch_operands = 1 : i64, tpu.core_type = #tpu.core_type<tc>, window_params = [{transform_indices = @transform_0, window_bounds = array<i64: 512, 512>}, {transform_indices = @transform_1, window_bounds = array<i64: 512, 512>}, {transform_indices = @transform_2, window_bounds = array<i64: 2, 512>}, {transform_indices = @transform_3, window_bounds = array<i64: 4, 512, 128>}]} {
    %eq3A = arith.constant 0 : i32
    %eq3A_0 = arith.cmpi eq, %arg1, %eq3A : i32
    %convert_element_type3A = arith.extui %eq3A_0 : i1 to i32
    %cond3A = arith.constant 0 : i32
    %cond3A_1 = arith.cmpi ne, %convert_element_type3A, %cond3A : i32
    scf.if %cond3A_1 {
      %broadcast_in_dim3A = arith.constant 0.000000e+00 : f32
      %broadcast_in_dim3A_18 = vector.broadcast %broadcast_in_dim3A : f32 to vector<512x512xf32>
      %swap3A_19 = arith.constant 0 : index
      %swap3A_20 = arith.constant 0 : index
      %swap3A_21 = vector.load %arg6[%swap3A_19, %swap3A_20] : memref<512x512xf32, #tpu.memory_space<vmem>>, vector<512x512xf32>
      tpu.vector_store %arg6[%swap3A_19, %swap3A_20], %broadcast_in_dim3A_18 {strides = array<i32>} : memref<512x512xf32, #tpu.memory_space<vmem>>, vector<512x512xf32>,
    } else {
    }
    %get3A = arith.constant 0 : index
    %get3A_2 = arith.constant 0 : index
    %get3A_3 = vector.load %arg6[%get3A, %get3A_2] : memref<512x512xf32, #tpu.memory_space<vmem>>, vector<512x512xf32>
    %get3A_4 = arith.constant 0 : index
    %get3A_5 = arith.constant 0 : index
    %get3A_6 = vector.load %arg2[%get3A_4, %get3A_5] : memref<512x512xf32, #tpu.memory_space<vmem>>, vector<512x512xf32>
    %get3A_7 = arith.constant 0 : index
    %get3A_8 = arith.constant 0 : index
    %get3A_9 = vector.load %arg3[%get3A_7, %get3A_8] : memref<512x512xf32, #tpu.memory_space<vmem>>, vector<512x512xf32>
    %dot_general3A = arith.constant dense<0.000000e+00> : vector<512x512xf32>
    %dot_general3A_10 = tpu.matmul %get3A_6, %get3A_9, %dot_general3A {dimension_numbers = #tpu.dot_dimension_numbers<[1], [0], [0], [1], [0, 0, 1, 1], [], []>, transpose_lhs_hint = false} : vector<512x512xf32>, vector<512x512xf32>, vector<512x512xf32> -> vector<512x512xf32>
    %add3A = arith.addf %get3A_3, %dot_general3A_10 : vector<512x512xf32>
    %swap3A = arith.constant 0 : index
    %swap3A_11 = arith.constant 0 : index
    %swap3A_12 = vector.load %arg6[%swap3A, %swap3A_11] : memref<512x512xf32, #tpu.memory_space<vmem>>, vector<512x512xf32>
    tpu.vector_store %arg6[%swap3A, %swap3A_11], %add3A {strides = array<i32>} : memref<512x512xf32, #tpu.memory_space<vmem>>, vector<512x512xf32>,
    %eq3A_13 = arith.constant 3 : i32
    %eq3A_14 = arith.cmpi eq, %arg1, %eq3A_13 : i32
    %convert_element_type3A_15 = arith.extui %eq3A_14 : i1 to i32
    %cond3A_16 = arith.constant 0 : i32
    %cond3A_17 = arith.cmpi ne, %convert_element_type3A_15, %cond3A_16 : i32
    scf.if %cond3A_17 {
      %get3A_18 = arith.constant 0 : index
      %get3A_19 = arith.constant 0 : index
      %get3A_20 = vector.load %arg4[%get3A_18, %get3A_19] : memref<2x512xf32, #tpu.memory_space<vmem>>, vector<1x512xf32>
      %get3A_21 = vector.shape_cast %get3A_20 : vector<1x512xf32> to vector<512xf32>
      %jit3A = arith.constant 1.000000e+00 : f32
      %max3A = vector.broadcast %jit3A : f32 to vector<512xf32>
      %max3A_22 = arith.maximumf %max3A, %get3A_21 : vector<512xf32>
      %rsqrt3A = math.rsqrt %max3A_22 : vector<512xf32>
      %get3A_23 = arith.constant 0 : index
      %get3A_24 = arith.constant 0 : index
      %get3A_25 = vector.load %arg6[%get3A_23, %get3A_24] : memref<512x512xf32, #tpu.memory_space<vmem>>, vector<512x512xf32>
      %broadcast_in_dim3A = vector.shape_cast %rsqrt3A : vector<512xf32> to vector<512x1xf32>
      %mul3A = vector.broadcast %broadcast_in_dim3A : vector<512x1xf32> to vector<512x512xf32>
      %mul3A_26 = arith.mulf %get3A_25, %mul3A : vector<512x512xf32>
      %slice3A = vector.extract_strided_slice %mul3A_26 {offsets = [0, 0], sizes = [512, 128], strides = [1, 1]} : vector<512x512xf32> to vector<512x128xf32>
      %swap3A_27 = arith.constant 0 : index
      %swap3A_28 = arith.constant 0 : index
      %swap3A_29 = arith.constant 0 : index
      %swap3A_30 = vector.load %arg5[%swap3A_27, %swap3A_28, %swap3A_29] : memref<4x512x128xf32, #tpu.memory_space<vmem>>, vector<1x512x128xf32>
      %swap3A_31 = vector.shape_cast %swap3A_30 : vector<1x512x128xf32> to vector<512x128xf32>
      %swap3A_32 = vector.shape_cast %slice3A : vector<512x128xf32> to vector<1x512x128xf32>
      tpu.vector_store %arg5[%swap3A_27, %swap3A_28, %swap3A_29], %swap3A_32 {strides = array<i32>} : memref<4x512x128xf32, #tpu.memory_space<vmem>>, vector<1x512x128xf32>,
      %slice3A_33 = vector.extract_strided_slice %mul3A_26 {offsets = [0, 128], sizes = [512, 128], strides = [1, 1]} : vector<512x512xf32> to vector<512x128xf32>
      %swap3A_34 = arith.constant 1 : index
      %swap3A_35 = arith.constant 0 : index
      %swap3A_36 = arith.constant 0 : index
      %swap3A_37 = vector.load %arg5[%swap3A_34, %swap3A_35, %swap3A_36] : memref<4x512x128xf32, #tpu.memory_space<vmem>>, vector<1x512x128xf32>
      %swap3A_38 = vector.shape_cast %swap3A_37 : vector<1x512x128xf32> to vector<512x128xf32>
      %swap3A_39 = vector.shape_cast %slice3A_33 : vector<512x128xf32> to vector<1x512x128xf32>
      tpu.vector_store %arg5[%swap3A_34, %swap3A_35, %swap3A_36], %swap3A_39 {strides = array<i32>} : memref<4x512x128xf32, #tpu.memory_space<vmem>>, vector<1x512x128xf32>,
      %slice3A_40 = vector.extract_strided_slice %mul3A_26 {offsets = [0, 256], sizes = [512, 128], strides = [1, 1]} : vector<512x512xf32> to vector<512x128xf32>
      %swap3A_41 = arith.constant 2 : index
      %swap3A_42 = arith.constant 0 : index
      %swap3A_43 = arith.constant 0 : index
      %swap3A_44 = vector.load %arg5[%swap3A_41, %swap3A_42, %swap3A_43] : memref<4x512x128xf32, #tpu.memory_space<vmem>>, vector<1x512x128xf32>
      %swap3A_45 = vector.shape_cast %swap3A_44 : vector<1x512x128xf32> to vector<512x128xf32>
      %swap3A_46 = vector.shape_cast %slice3A_40 : vector<512x128xf32> to vector<1x512x128xf32>
      tpu.vector_store %arg5[%swap3A_41, %swap3A_42, %swap3A_43], %swap3A_46 {strides = array<i32>} : memref<4x512x128xf32, #tpu.memory_space<vmem>>, vector<1x512x128xf32>,
      %slice3A_47 = vector.extract_strided_slice %mul3A_26 {offsets = [0, 384], sizes = [512, 128], strides = [1, 1]} : vector<512x512xf32> to vector<512x128xf32>
      %swap3A_48 = arith.constant 3 : index
      %swap3A_49 = arith.constant 0 : index
      %swap3A_50 = arith.constant 0 : index
      %swap3A_51 = vector.load %arg5[%swap3A_48, %swap3A_49, %swap3A_50] : memref<4x512x128xf32, #tpu.memory_space<vmem>>, vector<1x512x128xf32>
      %swap3A_52 = vector.shape_cast %swap3A_51 : vector<1x512x128xf32> to vector<512x128xf32>
      %swap3A_53 = vector.shape_cast %slice3A_47 : vector<512x128xf32> to vector<1x512x128xf32>
      tpu.vector_store %arg5[%swap3A_48, %swap3A_49, %swap3A_50], %swap3A_53 {strides = array<i32>} : memref<4x512x128xf32, #tpu.memory_space<vmem>>, vector<1x512x128xf32>,
    } else {
    }
    return
  }
  func.func @transform_0(%arg0: i32, %arg1: i32) -> (i32, i32) {
    %c0_i32 = arith.constant 0 : i32
    return %arg0, %arg1 : i32, i32
  }
  func.func @transform_1(%arg0: i32, %arg1: i32) -> (i32, i32) {
    %c0_i32 = arith.constant 0 : i32
    %c0_i32_0 = arith.constant 0 : i32
    return %arg1, %c0_i32 : i32, i32
  }
  func.func @transform_2(%arg0: i32, %arg1: i32) -> (i32, i32) {
    %c0_i32 = arith.constant 0 : i32
    %c0_i32_0 = arith.constant 0 : i32
    return %c0_i32, %arg0 : i32, i32
  }
  func.func @transform_3(%arg0: i32, %arg1: i32) -> (i32, i32, i32) {
    %c0_i32 = arith.constant 0 : i32
    %c0_i32_0 = arith.constant 0 : i32
    %c0_i32_1 = arith.constant 0 : i32
    return %c0_i32, %arg0, %c0_i32_0 : i32, i32, i32
  }
}

module attributes {stable_mosaic.version = 14 : i64} {
  func.func @_tacc_body(%arg0: i32, %arg1: memref<2x512x128xf32, #tpu.memory_space<vmem>>, %arg2: memref<4x512x128xf32, #tpu.memory_space<vmem>>, %arg3: memref<512x256xf32, #tpu.memory_space<vmem>>, %arg4: memref<1x512xf32, #tpu.memory_space<vmem>>, %arg5: memref<2x512xf32, #tpu.memory_space<vmem>>, %arg6: memref<2x512x128xf32, #tpu.memory_space<vmem>>) attributes {dimension_semantics = [#tpu.dimension_semantics<arbitrary>], iteration_bounds = array<i64: 20>, scalar_prefetch = 0 : i64, scratch_operands = 0 : i64, tpu.core_type = #tpu.core_type<tc>, window_params = [{transform_indices = @transform_0, window_bounds = array<i64: 2, 512, 128>}, {transform_indices = @transform_1, window_bounds = array<i64: 4, 512, 128>}, {pipeline_mode = #tpu.pipeline_mode<synchronous>, transform_indices = @transform_2, window_bounds = array<i64: 512, 256>}, {pipeline_mode = #tpu.pipeline_mode<synchronous>, transform_indices = @transform_3, window_bounds = array<i64: 1, 512>}, {transform_indices = @transform_4, window_bounds = array<i64: 2, 512>}, {transform_indices = @transform_5, window_bounds = array<i64: 2, 512, 128>}]} {
    %get3A = arith.constant 0 : index
    %get3A_0 = arith.constant 0 : index
    %get3A_1 = arith.constant 0 : index
    %get3A_2 = vector.load %arg2[%get3A, %get3A_0, %get3A_1] : memref<4x512x128xf32, #tpu.memory_space<vmem>>, vector<1x512x128xf32>
    %get3A_3 = vector.shape_cast %get3A_2 : vector<1x512x128xf32> to vector<512x128xf32>
    %get3A_4 = arith.constant 1 : index
    %get3A_5 = arith.constant 0 : index
    %get3A_6 = arith.constant 0 : index
    %get3A_7 = vector.load %arg2[%get3A_4, %get3A_5, %get3A_6] : memref<4x512x128xf32, #tpu.memory_space<vmem>>, vector<1x512x128xf32>
    %get3A_8 = vector.shape_cast %get3A_7 : vector<1x512x128xf32> to vector<512x128xf32>
    %get3A_9 = arith.constant 2 : index
    %get3A_10 = arith.constant 0 : index
    %get3A_11 = arith.constant 0 : index
    %get3A_12 = vector.load %arg2[%get3A_9, %get3A_10, %get3A_11] : memref<4x512x128xf32, #tpu.memory_space<vmem>>, vector<1x512x128xf32>
    %get3A_13 = vector.shape_cast %get3A_12 : vector<1x512x128xf32> to vector<512x128xf32>
    %get3A_14 = arith.constant 3 : index
    %get3A_15 = arith.constant 0 : index
    %get3A_16 = arith.constant 0 : index
    %get3A_17 = vector.load %arg2[%get3A_14, %get3A_15, %get3A_16] : memref<4x512x128xf32, #tpu.memory_space<vmem>>, vector<1x512x128xf32>
    %get3A_18 = vector.shape_cast %get3A_17 : vector<1x512x128xf32> to vector<512x128xf32>
    %concatenate3A = tpu.concatenate %get3A_3, %get3A_8, %get3A_13, %get3A_18 in 1 : vector<512x128xf32>, vector<512x128xf32>, vector<512x128xf32>, vector<512x128xf32> -> vector<512x512xf32>
    %get3A_19 = arith.constant 0 : index
    %get3A_20 = arith.constant 0 : index
    %get3A_21 = vector.load %arg5[%get3A_19, %get3A_20] : memref<2x512xf32, #tpu.memory_space<vmem>>, vector<1x512xf32>
    %get3A_22 = vector.shape_cast %get3A_21 : vector<1x512xf32> to vector<512xf32>
    %jit3A = arith.constant 1.000000e+00 : f32
    %max3A = vector.broadcast %jit3A : f32 to vector<512xf32>
    %max3A_23 = arith.maximumf %max3A, %get3A_22 : vector<512xf32>
    %rsqrt3A = math.rsqrt %max3A_23 : vector<512xf32>
    %get3A_24 = arith.constant 1 : index
    %get3A_25 = arith.constant 0 : index
    %get3A_26 = vector.load %arg5[%get3A_24, %get3A_25] : memref<2x512xf32, #tpu.memory_space<vmem>>, vector<1x512xf32>
    %get3A_27 = vector.shape_cast %get3A_26 : vector<1x512xf32> to vector<512xf32>
    %jit3A_28 = arith.constant 1.000000e+00 : f32
    %max3A_29 = vector.broadcast %jit3A_28 : f32 to vector<512xf32>
    %max3A_30 = arith.maximumf %max3A_29, %get3A_27 : vector<512xf32>
    %rsqrt3A_31 = math.rsqrt %max3A_30 : vector<512xf32>
    %broadcast_in_dim3A = vector.shape_cast %rsqrt3A_31 : vector<512xf32> to vector<512x1xf32>
    %mul3A = vector.broadcast %broadcast_in_dim3A : vector<512x1xf32> to vector<512x512xf32>
    %mul3A_32 = arith.mulf %concatenate3A, %mul3A : vector<512x512xf32>
    %get3A_33 = arith.constant 0 : index
    %get3A_34 = arith.constant 0 : index
    %get3A_35 = vector.load %arg4[%get3A_33, %get3A_34] : memref<1x512xf32, #tpu.memory_space<vmem>>, vector<1x512xf32>
    %get3A_36 = vector.shape_cast %get3A_35 : vector<1x512xf32> to vector<512xf32>
    %broadcast_in_dim3A_37 = vector.shape_cast %get3A_36 : vector<512xf32> to vector<1x512xf32>
    %add3A = vector.broadcast %broadcast_in_dim3A_37 : vector<1x512xf32> to vector<512x512xf32>
    %add3A_38 = arith.addf %mul3A_32, %add3A : vector<512x512xf32>
    %ge3A = arith.constant 0.000000e+00 : f32
    %ge3A_39 = vector.broadcast %ge3A : f32 to vector<512x512xf32>
    %ge3A_40 = arith.cmpf oge, %add3A_38, %ge3A_39 : vector<512x512xf32>
    %mul3A_41 = arith.constant 2.000000e-01 : f32
    %mul3A_42 = vector.broadcast %mul3A_41 : f32 to vector<512x512xf32>
    %mul3A_43 = arith.mulf %mul3A_42, %add3A_38 : vector<512x512xf32>
    %select_n3A = arith.select %ge3A_40, %add3A_38, %mul3A_43 : vector<512x512xi1>, vector<512x512xf32>
    %get3A_44 = arith.constant 0 : index
    %get3A_45 = arith.constant 0 : index
    %get3A_46 = vector.load %arg3[%get3A_44, %get3A_45] : memref<512x256xf32, #tpu.memory_space<vmem>>, vector<512x256xf32>
    %dot_general3A = arith.constant dense<0.000000e+00> : vector<512x256xf32>
    %dot_general3A_47 = tpu.matmul %select_n3A, %get3A_46, %dot_general3A {dimension_numbers = #tpu.dot_dimension_numbers<[1], [0], [0], [1], [0, 0, 1, 1], [], []>, transpose_lhs_hint = false} : vector<512x512xf32>, vector<512x256xf32>, vector<512x256xf32> -> vector<512x256xf32>
    %broadcast_in_dim3A_48 = vector.shape_cast %rsqrt3A : vector<512xf32> to vector<512x1xf32>
    %mul3A_49 = vector.broadcast %broadcast_in_dim3A_48 : vector<512x1xf32> to vector<512x256xf32>
    %mul3A_50 = arith.mulf %dot_general3A_47, %mul3A_49 : vector<512x256xf32>
    %get3A_51 = arith.constant 0 : index
    %get3A_52 = arith.constant 0 : index
    %get3A_53 = arith.constant 0 : index
    %get3A_54 = vector.load %arg1[%get3A_51, %get3A_52, %get3A_53] : memref<2x512x128xf32, #tpu.memory_space<vmem>>, vector<1x512x128xf32>
    %get3A_55 = vector.shape_cast %get3A_54 : vector<1x512x128xf32> to vector<512x128xf32>
    %slice3A = vector.extract_strided_slice %mul3A_50 {offsets = [0, 0], sizes = [512, 128], strides = [1, 1]} : vector<512x256xf32> to vector<512x128xf32>
    %add3A_56 = arith.addf %get3A_55, %slice3A : vector<512x128xf32>
    %swap3A = arith.constant 0 : index
    %swap3A_57 = arith.constant 0 : index
    %swap3A_58 = arith.constant 0 : index
    %swap3A_59 = vector.load %arg6[%swap3A, %swap3A_57, %swap3A_58] : memref<2x512x128xf32, #tpu.memory_space<vmem>>, vector<1x512x128xf32>
    %swap3A_60 = vector.shape_cast %swap3A_59 : vector<1x512x128xf32> to vector<512x128xf32>
    %swap3A_61 = vector.shape_cast %add3A_56 : vector<512x128xf32> to vector<1x512x128xf32>
    tpu.vector_store %arg6[%swap3A, %swap3A_57, %swap3A_58], %swap3A_61 {strides = array<i32>} : memref<2x512x128xf32, #tpu.memory_space<vmem>>, vector<1x512x128xf32>,
    %get3A_62 = arith.constant 1 : index
    %get3A_63 = arith.constant 0 : index
    %get3A_64 = arith.constant 0 : index
    %get3A_65 = vector.load %arg1[%get3A_62, %get3A_63, %get3A_64] : memref<2x512x128xf32, #tpu.memory_space<vmem>>, vector<1x512x128xf32>
    %get3A_66 = vector.shape_cast %get3A_65 : vector<1x512x128xf32> to vector<512x128xf32>
    %slice3A_67 = vector.extract_strided_slice %mul3A_50 {offsets = [0, 128], sizes = [512, 128], strides = [1, 1]} : vector<512x256xf32> to vector<512x128xf32>
    %add3A_68 = arith.addf %get3A_66, %slice3A_67 : vector<512x128xf32>
    %swap3A_69 = arith.constant 1 : index
    %swap3A_70 = arith.constant 0 : index
    %swap3A_71 = arith.constant 0 : index
    %swap3A_72 = vector.load %arg6[%swap3A_69, %swap3A_70, %swap3A_71] : memref<2x512x128xf32, #tpu.memory_space<vmem>>, vector<1x512x128xf32>
    %swap3A_73 = vector.shape_cast %swap3A_72 : vector<1x512x128xf32> to vector<512x128xf32>
    %swap3A_74 = vector.shape_cast %add3A_68 : vector<512x128xf32> to vector<1x512x128xf32>
    tpu.vector_store %arg6[%swap3A_69, %swap3A_70, %swap3A_71], %swap3A_74 {strides = array<i32>} : memref<2x512x128xf32, #tpu.memory_space<vmem>>, vector<1x512x128xf32>,
    return
  }
  func.func @transform_0(%arg0: i32) -> (i32, i32, i32) {
    %c0_i32 = arith.constant 0 : i32
    %c0_i32_0 = arith.constant 0 : i32
    %c0_i32_1 = arith.constant 0 : i32
    return %c0_i32, %arg0, %c0_i32_0 : i32, i32, i32
  }
  func.func @transform_1(%arg0: i32) -> (i32, i32, i32) {
    %c0_i32 = arith.constant 0 : i32
    %c0_i32_0 = arith.constant 0 : i32
    %c0_i32_1 = arith.constant 0 : i32
    return %c0_i32, %arg0, %c0_i32_0 : i32, i32, i32
  }
  func.func @transform_2(%arg0: i32) -> (i32, i32) {
    %c0_i32 = arith.constant 0 : i32
    %c0_i32_0 = arith.constant 0 : i32
    %c0_i32_1 = arith.constant 0 : i32
    return %c0_i32, %c0_i32_0 : i32, i32
  }
  func.func @transform_3(%arg0: i32) -> (i32, i32) {
    %c0_i32 = arith.constant 0 : i32
    %c0_i32_0 = arith.constant 0 : i32
    %c0_i32_1 = arith.constant 0 : i32
    return %c0_i32, %c0_i32_0 : i32, i32
  }
  func.func @transform_4(%arg0: i32) -> (i32, i32) {
    %c0_i32 = arith.constant 0 : i32
    %c0_i32_0 = arith.constant 0 : i32
    return %c0_i32, %arg0 : i32, i32
  }
  func.func @transform_5(%arg0: i32) -> (i32, i32, i32) {
    %c0_i32 = arith.constant 0 : i32
    %c0_i32_0 = arith.constant 0 : i32
    %c0_i32_1 = arith.constant 0 : i32
    return %c0_i32, %arg0, %c0_i32_0 : i32, i32, i32
  }
}

module attributes {stable_mosaic.version = 14 : i64} {
  func.func @_fin_body(%arg0: i32, %arg1: memref<2x512x128xf32, #tpu.memory_space<vmem>>, %arg2: memref<2x512xf32, #tpu.memory_space<vmem>>, %arg3: memref<1x256xf32, #tpu.memory_space<vmem>>, %arg4: memref<512x256xf32, #tpu.memory_space<vmem>>) attributes {dimension_semantics = [#tpu.dimension_semantics<arbitrary>], iteration_bounds = array<i64: 20>, scalar_prefetch = 0 : i64, scratch_operands = 0 : i64, tpu.core_type = #tpu.core_type<tc>, window_params = [{transform_indices = @transform_0, window_bounds = array<i64: 2, 512, 128>}, {transform_indices = @transform_1, window_bounds = array<i64: 2, 512>}, {pipeline_mode = #tpu.pipeline_mode<synchronous>, transform_indices = @transform_2, window_bounds = array<i64: 1, 256>}, {transform_indices = @transform_3, window_bounds = array<i64: 512, 256>}]} {
    %get3A = arith.constant 0 : index
    %get3A_0 = arith.constant 0 : index
    %get3A_1 = arith.constant 0 : index
    %get3A_2 = vector.load %arg1[%get3A, %get3A_0, %get3A_1] : memref<2x512x128xf32, #tpu.memory_space<vmem>>, vector<1x512x128xf32>
    %get3A_3 = vector.shape_cast %get3A_2 : vector<1x512x128xf32> to vector<512x128xf32>
    %get3A_4 = arith.constant 1 : index
    %get3A_5 = arith.constant 0 : index
    %get3A_6 = arith.constant 0 : index
    %get3A_7 = vector.load %arg1[%get3A_4, %get3A_5, %get3A_6] : memref<2x512x128xf32, #tpu.memory_space<vmem>>, vector<1x512x128xf32>
    %get3A_8 = vector.shape_cast %get3A_7 : vector<1x512x128xf32> to vector<512x128xf32>
    %concatenate3A = tpu.concatenate %get3A_3, %get3A_8 in 1 : vector<512x128xf32>, vector<512x128xf32> -> vector<512x256xf32>
    %get3A_9 = arith.constant 1 : index
    %get3A_10 = arith.constant 0 : index
    %get3A_11 = vector.load %arg2[%get3A_9, %get3A_10] : memref<2x512xf32, #tpu.memory_space<vmem>>, vector<1x512xf32>
    %get3A_12 = vector.shape_cast %get3A_11 : vector<1x512xf32> to vector<512xf32>
    %jit3A = arith.constant 1.000000e+00 : f32
    %max3A = vector.broadcast %jit3A : f32 to vector<512xf32>
    %max3A_13 = arith.maximumf %max3A, %get3A_12 : vector<512xf32>
    %rsqrt3A = math.rsqrt %max3A_13 : vector<512xf32>
    %broadcast_in_dim3A = vector.shape_cast %rsqrt3A : vector<512xf32> to vector<512x1xf32>
    %mul3A = vector.broadcast %broadcast_in_dim3A : vector<512x1xf32> to vector<512x256xf32>
    %mul3A_14 = arith.mulf %concatenate3A, %mul3A : vector<512x256xf32>
    %get3A_15 = arith.constant 0 : index
    %get3A_16 = arith.constant 0 : index
    %get3A_17 = vector.load %arg3[%get3A_15, %get3A_16] : memref<1x256xf32, #tpu.memory_space<vmem>>, vector<1x256xf32>
    %add3A = vector.broadcast %get3A_17 : vector<1x256xf32> to vector<512x256xf32>
    %add3A_18 = arith.addf %mul3A_14, %add3A : vector<512x256xf32>
    %mul3A_19 = arith.mulf %add3A_18, %add3A_18 : vector<512x256xf32>
    %reduce_sum3A = arith.constant dense<0.000000e+00> : vector<512xf32>
    %reduce_sum3A_20 = vector.multi_reduction <add>, %mul3A_19, %reduce_sum3A [1] : vector<512x256xf32> to vector<512xf32>
    %broadcast_in_dim3A_21 = vector.shape_cast %reduce_sum3A_20 : vector<512xf32> to vector<512x1xf32>
    %sqrt3A = math.sqrt %broadcast_in_dim3A_21 : vector<512x1xf32>
    %jit3A_22 = arith.constant 9.99999996E-13 : f32
    %max3A_23 = vector.broadcast %jit3A_22 : f32 to vector<512x1xf32>
    %max3A_24 = arith.maximumf %max3A_23, %sqrt3A : vector<512x1xf32>
    %div3A = vector.broadcast %max3A_24 : vector<512x1xf32> to vector<512x256xf32>
    %div3A_25 = arith.divf %add3A_18, %div3A : vector<512x256xf32>
    %swap3A = arith.constant 0 : index
    %swap3A_26 = arith.constant 0 : index
    %swap3A_27 = vector.load %arg4[%swap3A, %swap3A_26] : memref<512x256xf32, #tpu.memory_space<vmem>>, vector<512x256xf32>
    tpu.vector_store %arg4[%swap3A, %swap3A_26], %div3A_25 {strides = array<i32>} : memref<512x256xf32, #tpu.memory_space<vmem>>, vector<512x256xf32>,
    return
  }
  func.func @transform_0(%arg0: i32) -> (i32, i32, i32) {
    %c0_i32 = arith.constant 0 : i32
    %c0_i32_0 = arith.constant 0 : i32
    %c0_i32_1 = arith.constant 0 : i32
    return %c0_i32, %arg0, %c0_i32_0 : i32, i32, i32
  }
  func.func @transform_1(%arg0: i32) -> (i32, i32) {
    %c0_i32 = arith.constant 0 : i32
    %c0_i32_0 = arith.constant 0 : i32
    return %c0_i32, %arg0 : i32, i32
  }
  func.func @transform_2(%arg0: i32) -> (i32, i32) {
    %c0_i32 = arith.constant 0 : i32
    %c0_i32_0 = arith.constant 0 : i32
    %c0_i32_1 = arith.constant 0 : i32
    return %c0_i32, %c0_i32_0 : i32, i32
  }
  func.func @transform_3(%arg0: i32) -> (i32, i32) {
    %c0_i32 = arith.constant 0 : i32
    %c0_i32_0 = arith.constant 0 : i32
    return %arg0, %c0_i32 : i32, i32
  }
}

</mosaic_0001>

<sc_bundles>
// kernel: kernel.20.cloned.1.call-start
scs
__scs_entry_jumppad:
0x0: {  	(pc) =	sbr.rel $0x88, $3  }
0x1: {  	(tag) =	ssettag $0x0;
	lr =	simm.s32 $0x1  }
0x2: {  	[smem:$0x3F99] =	sst lr;
	_ =	strace $0xD0000000  }
0x3: {  	_ = 	snop  }
0x4: {  	_ = 	snop  }
0x5: {  	_ = 	snop  }
0x6: {  	_ = 	snop  }
0x7: {  	_ = 	snop  }
__scs_overlays_trampoline_lowered:
0x8: {  	[smem:$0x3FA8] =	sst s0  }
0x9: {  	[smem:$0x3FA9] =	sst s1  }
0xa: {  	[smem:$0x3FAA] =	sst s2  }
0xb: {  	[smem:$0x3FAB] =	sst s3  }
0xc: {  	[smem:$0x3FAC] =	sst s4  }
0xd: {  	[smem:$0x3FAD] =	sst s5  }
0xe: {  	[smem:$0x3FAE] =	sst s6  }
0xf: {  	[smem:$0x3FAF] =	sst s7  }
0x10: {  	[smem:$0x3FB0] =	sst s8  }
0x11: {  	[smem:$0x3FB1] =	sst s9;
	s0 =	simm.s32 @!p0 $0x0  }
0x12: {  	s1 =	sld [smem:$0x3F97];
	s0 =	simm.s32 @p0 $0x1  }
0x13: {  	[smem:$0x3FB2] =	sst s0;
	s0 =	simm.s32 @!p1 $0x0  }
0x14: {  	s2 =	sld [smem:$0x3F96];
	s0 =	simm.s32 @p1 $0x1  }
0x15: {  	[smem:$0x3FB3] =	sst s0;
	s0 =	simm.s32 @!p2 $0x0  }
0x16: {  	s3 =	sld [smem:$0x3FDB];
	s0 =	simm.s32 @p2 $0x1  }
0x17: {  	s4 =	simm.s32 $0x1BF5;
	[smem:$0x3FB5] =	sst s0  }
0x18: {  	s0 =	sld [smem:$0x3F98];
	_ =	swait.ge [sflag:s4], $0x0  }
0x19: {  	s7 =	sld [smem:$0x3F99]  }
0x1a: {  	s8 =	sadd.s32 $0xFFFFE003, lr  }
0x1b: {  	s9 =	sadd.s32 $0xFFFFFEF7, lr;
	s5 =	simm.s32 $0xFFFFFFFF;
	p2 =	slt.u32 s8, $0xFFFFF086  }
0x1c: {  	p1 =	slt.u32 s9, $0xF7A;
	s5 =	simm.s32 @!p2 $0x0  }
0x1d: {  	s5 =	simm.s32 @p1 $0x1;
	p0 =	seq.s32 s7, s2  }
0x1e: {  	s7 =	smul.u32 @!p0 $0xF7A, s2;
	p2 =	seq.s32 @!p0 s5, $0x0  }
0x1f: {  	s9 =	smul.u32 $0xF7A, s1;
	s8 =	simm.s32 @!p0 $0x1BF5;
	p2 =	por !p2, p0  }
0x20: {  	[sflag:s8] =	ssyncset.s32 @!p0 $0xFFFFF086;
	s6 =	sadd.s32 @!p0 s3, s7;
	s7 =	simm.s32 @!p0 $0x108  }
0x21: {  	s3 =	sadd.s32 s3, s9;
	s6 =	sadd.s32 @!p0 $0x88, s6;
	s7 =	simm.s32 @p2 $0x1082  }
0x22: {  	[simem:s7], [sflag:s8] =	dma.local @!p0 [hbm:s6], $0xF7A  }
0x23: {  	s9 =	sor.u32 $0xD0000000, s2;
	s6 =	simm.s32 $0x108;
	_ =	swait.ge @!p0 [sflag:s8], $0x0  }
0x24: {  	s3 =	sadd.s32 $0x88, s3;
	s6 =	simm.s32 @!p1 $0x1082;
	[sflag:s4] =	ssyncset.s32 $0xFFFFF086  }
0x25: {  	[simem:s6], [sflag:s4] =	dma.local [hbm:s3], $0xF7A  }
0x26: {  	[smem:$0x3F99] =	sst s1;
	(tag) =	ssettag s2;
	_ =	strace s9  }
0x27: {  	s1 =	sld [smem:$0x3FA9]  }
0x28: {  	s2 =	sld [smem:$0x3FAA]  }
0x29: {  	s4 =	sld [smem:$0x3FAC]  }
0x2a: {  	p0 =	seq.s32 s5, $0x0;
	s5 =	sld [smem:$0x3FAD]  }
0x2b: {  	s6 =	sld [smem:$0x3FAE]  }
0x2c: {  	s7 =	sld [smem:$0x3FAF]  }
0x2d: {  	s3 =	simm.s32 $0x108;
	s8 =	sld [smem:$0x3FB0]  }
0x2e: {  	s3 =	simm.s32 @!p0 $0x1082;
	s9 =	sld [smem:$0x3FB1]  }
0x2f: {  	lr =	sadd.s32 s0, s3;
	s0 =	sld [smem:$0x3FA8]  }
0x30: {  	s3 =	sld [smem:$0x3FAB]  }
0x31: {  	[smem:$0x3FB4] =	sst s10  }
0x32: {  	s10 =	sld [smem:$0x3FB2];
	_ =	sdelay $0x3  }
0x33: {  	p0 =	seq.s32 s10, $0x1;
	s10 =	sld [smem:$0x3FB4];
	_ =	sdelay $0x3  }
0x34: {  	[smem:$0x3FB4] =	sst s10  }
0x35: {  	s10 =	sld [smem:$0x3FB3];
	_ =	sdelay $0x3  }
0x36: {  	p1 =	seq.s32 s10, $0x1;
	s10 =	sld [smem:$0x3FB4];
	_ =	sdelay $0x3  }
0x37: {  	[smem:$0x3FB4] =	sst s10  }
0x38: {  	s10 =	sld [smem:$0x3FB5]  }
0x39: {  	_ = 	snop;
	(pc) =	sbr.ind lr, $3  }
0x3a: {  	_ = 	snop  }
0x3b: {  	_ = 	snop  }
0x3c: {  	p2 =	seq.s32 s10, $0x1;
	s10 =	sld [smem:$0x3FB4]  }
0x3d: {  	_ =	shalt  }
0x3e: {  	_ =	shalt  }
0x3f: {  	_ =	shalt  }
0x40: {  	_ =	shalt  }
0x41: {  	_ =	shalt  }
0x42: {  	_ =	shalt  }
0x43: {  	_ =	shalt  }
0x44: {  	_ =	shalt  }
0x45: {  	_ =	shalt  }
0x46: {  	_ =	shalt  }
0x47: {  	_ =	shalt  }
0x48: {  	_ =	shalt  }
0x49: {  	_ =	shalt  }
0x4a: {  	_ =	shalt  }
0x4b: {  	_ =	shalt  }
0x4c: {  	_ =	shalt  }
0x4d: {  	_ =	shalt  }
0x4e: {  	_ =	shalt  }
0x4f: {  	_ =	shalt  }
0x50: {  	_ =	shalt  }
0x51: {  	_ =	shalt  }
0x52: {  	_ =	shalt  }
0x53: {  	_ =	shalt  }
0x54: {  	_ =	shalt  }
0x55: {  	_ =	shalt  }
0x56: {  	_ =	shalt  }
0x57: {  	_ =	shalt  }
0x58: {  	_ =	shalt  }
0x59: {  	_ =	shalt  }
0x5a: {  	_ =	shalt  }
0x5b: {  	_ =	shalt  }
0x5c: {  	_ =	shalt  }
0x5d: {  	_ =	shalt  }
0x5e: {  	_ =	shalt  }
0x5f: {  	_ =	shalt  }
0x60: {  	_ =	shalt  }
0x61: {  	_ =	shalt  }
0x62: {  	_ =	shalt  }
0x63: {  	_ =	shalt  }
0x64: {  	_ =	shalt  }
0x65: {  	_ =	shalt  }
0x66: {  	_ =	shalt  }
0x67: {  	_ =	shalt  }
0x68: {  	_ =	shalt  }
0x69: {  	_ =	shalt  }
0x6a: {  	_ =	shalt  }
0x6b: {  	_ =	shalt  }
0x6c: {  	_ =	shalt  }
0x6d: {  	_ =	shalt  }
0x6e: {  	_ =	shalt  }
0x6f: {  	_ =	shalt  }
0x70: {  	_ =	shalt  }
0x71: {  	_ =	shalt  }
0x72: {  	_ =	shalt  }
0x73: {  	_ =	shalt  }
0x74: {  	_ =	shalt  }
0x75: {  	_ =	shalt  }
0x76: {  	_ =	shalt  }
0x77: {  	_ =	shalt  }
0x78: {  	_ =	shalt  }
0x79: {  	_ =	shalt  }
0x7a: {  	_ =	shalt  }
0x7b: {  	_ =	shalt  }
0x7c: {  	_ =	shalt  }
0x7d: {  	_ =	shalt  }
0x7e: {  	_ =	shalt  }
0x7f: {  	_ =	shalt  }
0x80: {  	_ =	shalt  }
0x81: {  	_ =	shalt  }
0x82: {  	_ =	shalt  }
0x83: {  	_ =	shalt  }
0x84: {  	_ =	shalt  }
0x85: {  	_ =	shalt  }
0x86: {  	_ =	shalt  }
0x87: {  	_ =	shalt  }
.Lfunc_end0:
.L_simem_size_0:
called_computation_lowered:
.L_overlay_start_0:
0x88: {  	s2 =	sld [smem:$0x3FD9]  }
0x89: {  	s3 =	sld [smem:$0x3FFE];
	_ =	sdelay $0x1  }
0x8a: {  	s1 =	srdreg.scid  }
0x8b: {  	s0 =	sand.u32 $0x1, s1  }
0x8c: {  	s17 =	sshll.u32 s0, $0xA;
	s2 =	sadd.s32 s3, s2  }
0x8d: {  	s2 =	sadd.s32 s2, s17  }
0x8e: {  	[smem:$0x3FC0] =	sst s2  }
0x8f: {  	_ = 	snop  }
0x90: {  	s2 =	sld [smem:$0x3FD0];
	(tm) =	ssettm $0x1  }
0x91: {  	s18 =	sld [smem:$0x3FFB];
	_ =	sdelay $0x3  }
0x92: {  	_ =	strace s18  }
0x93: {  	s3 =	sld [smem:$0x3FFC];
	_ =	sdelay $0x3  }
0x94: {  	_ =	strace s3  }
0x95: {  	s3 =	sld [smem:$0x3FFD];
	_ =	sdelay $0x3  }
0x96: {  	_ =	strace s3  }
0x97: {  	_ =	strace $0x8FFFFFFF  }
0x98: {  	s19 =	sld [smem:$0x3FDB];
	_ =	sdelay $0x1  }
0x99: {  	s4 =	simm.s32 $_scs_section_size  }
0x9a: {  	s5 =	simm.s32 $_size__tile_overlayer_lowered;
	s6 =	simm.s32 $_tile_overlayer_lowered  }
0x9b: {  	s22 =	simm.s32 $0x1BFF;
	s21 =	sshll.u32 s6, $0x1;
	s3 =	sadd.s32 s4, s19  }
0x9c: {  	s7 =	simm.s32 $0x0;
	s20 =	sshll.u32 s5, $0x1;
	s5 =	sadd.s32 s21, s3  }
0x9d: {  	[timem:s7], [sflag:s22] =	dma.local [hbm:s5], s20  }
0x9e: {  	_ =	swait.ge [sflag:s22], s20  }
0x9f: {  	s4 =	ssub.s32 $0x0, s20;
	[sflag:s22] =	ssyncset.done $0x0  }
0xa0: {  	[sflag:s22] =	ssyncadd.s32 s4;
	_ =	sdelay $0x1  }
0xa1: {  	s23 =	simm.s32 $0x1B8B  }
0xa2: {  	_ =	swait.ge [sflag:s23], $0x1  }
0xa3: {  	[sflag:s23] =	ssyncset.done $0x0  }
0xa4: {  	s25 =	simm.s32 $0x1B8E;
	s24 =	sld [smem:$0x3FFE];
	[sflag:s23] =	ssyncadd.s32 $0xFFFFFFFF  }
0xa5: {  	s26 =	simm.s32 $execute0_lowered;
	[smem:$0x3FD2] =	sst s25  }
0xa6: {  	s5 =	sshll.u32 s26, $0x1;
	_ =	strace $0x80000046;
	[dreg:$0x1] =	wrdreg $0xFFFFFFFF  }
0xa7: {  	s28 =	simm.s32 $_size_execute0_lowered;
	s3 =	sadd.s32 s3, s5;
	[dreg:$0x0] =	wrdreg $0x0  }
0xa8: {  	s5 =	sshll.u32 s28, $0x1;
	[dreg:$0x2] =	wrdreg s3  }
0xa9: {  	[dreg:$0x3] =	wrdreg s5  }
0xaa: {  	[dreg:$0x4] =	wrdreg $0xC0  }
0xab: {  	_ =	task [dreg:s7], $0x5FFFF  }
0xac: {  	[dreg:$0x1] =	wrdreg $0xFFFFFFFF  }
0xad: {  	[dreg:$0x0] =	wrdreg $0x60  }
0xae: {  	[dreg:$0x2] =	wrdreg s24  }
0xaf: {  	[dreg:$0x3] =	wrdreg s2  }
0xb0: {  	[dreg:$0x4] =	wrdreg $0x68000  }
0xb1: {  	[dreg:$0x5] =	wrdreg $0x9  }
0xb2: {  	_ =	task.clear_ibuf [dreg:s7], $0x6FFFF;
	_ =	strace $0x90000046  }
0xb3: {  	s29 =	simm.s32 $0x9;
	_ =	strace $0x80000048  }
0xb4: {  	_ =	swait.ge [sflag:s29], $0x1  }
0xb5: {  	[sflag:s29] =	ssyncadd.s32 $0xFFFFFFFF  }
0xb6: {  	_ =	strace $0x90000048  }
0xb7: {  	_ =	sfence  }
0xb8: {  	s30 =	sld [smem:$0x0];
	_ =	sdelay $0x2  }
0xb9: {  	s31 =	sshll.u32 s1, $0xD;
	s1 =	sshrl.u32 s1, $0x2  }
0xba: {  	s3 =	sand.u32 $0x4000, s31;
	s1 =	sadd.s32 s1, s30  }
0xbb: {  	s0 =	sor.u32 s3, s0;
	s1 =	sshll.u32 s1, $0x11  }
0xbc: {  	s0 =	sor.u32 s1, s0  }
0xbd: {  	s0 =	sadd.s32 $0x8F2B, s0  }
0xbe: {  	[sflag:s0] =	ssyncadd.remote.s32 $0x1  }
0xbf: {  	_ =	sfence.sel $0xFFFF  }
0xc0: {  	[dreg:$0x0] =	wrdreg $0xFFFFFFFF;
	(pc) =	sbr.abs _section_cstart, $3  }
0xc1: {  	[dreg:$0x1] =	wrdreg $0xFFFFFFFF  }
0xc2: {  	_ =	task.clear_ibuf [dreg:s7], $0x2FFFF;
	_ =	strace $0x9FFFFFFF  }
0xc3: {  	(tm) =	ssettm $0x7FFFFFFF  }
tec
execute0_lowered:
.L_overlay_start_1:
0x0: {  	(tag) =	ssettag $0x1  }
0x1: {  	s6 =	rddreg [dreg:$0x0];
	s4 =	srdreg.scid  }
0x2: {  	s1 =	rddreg [dreg:$0x1];
	s7 =	sand.u32 $0x1, s4  }
0x3: {  	s2 =	rddreg [dreg:$0x2];
	s5 =	smul.u32 $0x5000, s7  }
0x4: {  	s4 =	stileid.u32;
	s8 =	smul.u32 $0x28000, s7  }
0x5: {  	s0 =	rddreg [dreg:$0x3];
	s3 =	simm.s32 $0x0;
	s10 =	smul.u32 $0x500, s4  }
0x6: {  	s12 =	simm.s32 $0x80;
	[smem:$0x7FF] =	sst s3;
	s11 =	smul.u32 $0x50000, s4  }
0x7: {  	_ =	strace $0x80000047;
	s7 =	ssub.s32 $0x2, s7;
	s14 =	smul.u32 $0x2800, s4  }
0x8: {  	s31 =	sshll.u32 s4, $0x6;
	s29 =	sshrl.u32 s7, $0x1;
	s9 =	sadd.s32 s5, s6  }
0x9: {  	s5 =	sadd.s32 $0xF400, s6;
	s8 =	sadd.s32 s8, s6;
	s30 =	sshrl.u32 s11, $0x2  }
0xa: {  	s7 =	ssub.s32 s7, s29;
	s9 =	sadd.s32 s10, s9;
	s11 =	sadd.s32 s30, s2  }
0xb: {  	s13 =	sadd.s32 $0xFC00, s8;
	s7 =	smax.u32 s7, $0x1;
	s8 =	simm.s32 $0x1  }
0xc: {  	s10 =	sor.u32 $0x1C01, s31;
	s6 =	sadd.s32 $0x5400, s9;
	s9 =	simm.s32 $0x2800  }
0xd: {  	s11 =	sshrl.u32 s11, $0x3;
	s13 =	sadd.s32 s14, s13;
	s14 =	simm.s32 $0x0  }
.LBB2_1:
0xe: {  	[tilespmem:s3], [sflag:$0x1] =	stream.linear.gather [hbm4b:s6+s3], $0x2780, $0x38;
	[tilespmem:$0x1A800] =	vst v63  }
0xf: {  	_ =	swait.ge [sflag:s8], $0x2780  }
0x10: {  	[sflag:s8] =	ssyncset.done $0x0  }
0x11: {  	[sflag:s8] =	ssyncadd.s32 $0xFFFFD880  }
0x12: {  	[tilespmem:s9], [sflag:$0x1] =	stream.linear.gather [hbm4b:s5+s3], $0x4000, $0x38;
	[tilespmem:$0x1A800] =	vst v63  }
0x13: {  	_ =	swait.ge [sflag:s8], $0x4000  }
0x14: {  	[sflag:s8] =	ssyncset.done $0x0  }
0x15: {  	[sflag:s8] =	ssyncadd.s32 $0xFFFFC000  }
0x16: {  	[spmem:s11], [sflag:s10] =	dma.local [hbm:s1], $0x2800  }
0x17: {  	_ =	swait.ge [sflag:s8], $0x2800  }
0x18: {  	[sflag:s8] =	ssyncset.done $0x0  }
0x19: {  	[sflag:s8] =	ssyncadd.s32 $0xFFFFD800  }
0x1a: {  	s15 =	simm.s32 $0x0;
	[bflag:$0x0] =	sbarrier.arrive $0xFFFF  }
0x1b: {  	[spmem:s2] =	stream.indirect.scatter.add.f32 [tilespmem:s9], [sflag:$0x1], $0x80, s15, s12, $0xb8;
	[tilespmem:$0x1A800] =	vst v63  }
0x1c: {  	_ =	swait.ge [sflag:s8], $0x4000  }
0x1d: {  	s15 =	simm.s32 $0x200;
	[sflag:s8] =	ssyncset.done $0x0  }
.LBB2_2:
0x1e: {  	s16 =	sshra.s32 s15, $0x2;
	[sflag:s8] =	ssyncadd.s32 $0xFFFFC000;
	p0 =	sne.s32 s15, $0x9C00  }
0x1f: {  	[spmem:s2] =	stream.indirect.scatter.add.f32 [tilespmem:s9], [sflag:$0x1], $0x80, s16, s12, $0xb8;
	[tilespmem:$0x1A800] =	vst v63  }
.Ltmp0:
0x20: {  	_ = 	snop;
	(pc) =	sbr.rel @p0 .LBB2_2-.Ltmp0, $4  }
0x21: {  	_ = 	snop  }
0x22: {  	s15 =	sadd.s32 $0x200, s15  }
0x23: {  	_ =	swait.ge [sflag:s8], $0x4000  }
0x24: {  	[sflag:s8] =	ssyncset.done $0x0  }
0x25: {  	s14 =	sadd.s32 $0x1, s14  }
0x26: {  	[sflag:s8] =	ssyncadd.s32 $0xFFFFC000;
	p0 =	sne.s32 s14, s7  }
.Ltmp1:
0x27: {  	[bflag:$0x0] =	sbarrier.arrive $0xFFFF;
	(pc) =	sbr.rel @p0 .LBB2_1-.Ltmp1, $4  }
0x28: {  	[hbm:s13], [sflag:s10] =	dma.local [spmem:s11], $0x2800  }
0x29: {  	_ =	swait.ge [sflag:s8], $0x2800  }
0x2a: {  	[sflag:s8] =	ssyncset.done $0x0  }
0x2b: {  	[sflag:s8] =	ssyncadd.s32 $0xFFFFD800  }
0x2c: {  	_ =	sfence.sel $0x180000  }
0x2d: {  	[bflag:$0x0] =	sbarrier.arrive $0xFFFF  }
0x2e: {  	p0 =	sne.s32 s4, $0x0;
	_ =	strace $0x90000047  }
0x2f: {  	s0 =	sadd.s32 @!p0 $0x100000, s0;
	[bflag:$0x2] =	sbarrier.arrive $0xFFFF  }
0x30: {  	[sflag:s0] =	ssyncadd.tile.s32 @!p0 $0x1;
	_ =	shalt  }
.Lfunc_end2:
_tile_overlayer_lowered:
.L_overlay_start_2:
0x31: {  	(tag) =	ssettag $0x2  }
0x32: {  	s0 =	rddreg [dreg:$0x0];
	s2 =	stileid.u32  }
0x33: {  	s1 =	rddreg [dreg:$0x1];
	p0 =	sne.s32 s2, $0x0  }
0x34: {  	s3 =	rddreg [dreg:$0x2];
	[bflag:$0x3] =	sbarrier.arrive $0xFFFF;
	s2 =	simm.s32 @!p0 $0x1C01  }
0x35: {  	[timem:s3], [sflag:s2] =	dma.local @!p0 [hbm:s0], s1  }
0x36: {  	s0 =	simm.s32 @!p0 $0x1  }
0x37: {  	_ =	swait.ge @!p0 [sflag:s0], s1  }
0x38: {  	s1 =	ssub.s32 @!p0 $0x0, s1;
	[sflag:s0] =	ssyncset.done @!p0 $0x0  }
0x39: {  	[sflag:s0] =	ssyncadd.s32 @!p0 s1  }
0x3a: {  	[bflag:$0x3] =	sbarrier.arrive $0xFFFF  }
0x3b: {  	_ =	shalt  }

// kernel: kernel.23.cloned.1.call-start
scs
__scs_entry_jumppad:
0x0: {  	(pc) =	sbr.rel $0x88, $3  }
0x1: {  	(tag) =	ssettag $0x0;
	lr =	simm.s32 $0x1  }
0x2: {  	[smem:$0x3F99] =	sst lr;
	_ =	strace $0xD0000000  }
0x3: {  	_ = 	snop  }
0x4: {  	_ = 	snop  }
0x5: {  	_ = 	snop  }
0x6: {  	_ = 	snop  }
0x7: {  	_ = 	snop  }
__scs_overlays_trampoline_lowered:
0x8: {  	[smem:$0x3FA8] =	sst s0  }
0x9: {  	[smem:$0x3FA9] =	sst s1  }
0xa: {  	[smem:$0x3FAA] =	sst s2  }
0xb: {  	[smem:$0x3FAB] =	sst s3  }
0xc: {  	[smem:$0x3FAC] =	sst s4  }
0xd: {  	[smem:$0x3FAD] =	sst s5  }
0xe: {  	[smem:$0x3FAE] =	sst s6  }
0xf: {  	[smem:$0x3FAF] =	sst s7  }
0x10: {  	[smem:$0x3FB0] =	sst s8  }
0x11: {  	[smem:$0x3FB1] =	sst s9;
	s0 =	simm.s32 @!p0 $0x0  }
0x12: {  	s1 =	sld [smem:$0x3F97];
	s0 =	simm.s32 @p0 $0x1  }
0x13: {  	[smem:$0x3FB2] =	sst s0;
	s0 =	simm.s32 @!p1 $0x0  }
0x14: {  	s2 =	sld [smem:$0x3F96];
	s0 =	simm.s32 @p1 $0x1  }
0x15: {  	[smem:$0x3FB3] =	sst s0;
	s0 =	simm.s32 @!p2 $0x0  }
0x16: {  	s3 =	sld [smem:$0x3FDB];
	s0 =	simm.s32 @p2 $0x1  }
0x17: {  	s4 =	simm.s32 $0x1BF5;
	[smem:$0x3FB5] =	sst s0  }
0x18: {  	s0 =	sld [smem:$0x3F98];
	_ =	swait.ge [sflag:s4], $0x0  }
0x19: {  	s7 =	sld [smem:$0x3F99]  }
0x1a: {  	s8 =	sadd.s32 $0xFFFFE003, lr  }
0x1b: {  	s9 =	sadd.s32 $0xFFFFFEF7, lr;
	s5 =	simm.s32 $0xFFFFFFFF;
	p2 =	slt.u32 s8, $0xFFFFF086  }
0x1c: {  	p1 =	slt.u32 s9, $0xF7A;
	s5 =	simm.s32 @!p2 $0x0  }
0x1d: {  	s5 =	simm.s32 @p1 $0x1;
	p0 =	seq.s32 s7, s2  }
0x1e: {  	s7 =	smul.u32 @!p0 $0xF7A, s2;
	p2 =	seq.s32 @!p0 s5, $0x0  }
0x1f: {  	s9 =	smul.u32 $0xF7A, s1;
	s8 =	simm.s32 @!p0 $0x1BF5;
	p2 =	por !p2, p0  }
0x20: {  	[sflag:s8] =	ssyncset.s32 @!p0 $0xFFFFF086;
	s6 =	sadd.s32 @!p0 s3, s7;
	s7 =	simm.s32 @!p0 $0x108  }
0x21: {  	s3 =	sadd.s32 s3, s9;
	s6 =	sadd.s32 @!p0 $0x88, s6;
	s7 =	simm.s32 @p2 $0x1082  }
0x22: {  	[simem:s7], [sflag:s8] =	dma.local @!p0 [hbm:s6], $0xF7A  }
0x23: {  	s9 =	sor.u32 $0xD0000000, s2;
	s6 =	simm.s32 $0x108;
	_ =	swait.ge @!p0 [sflag:s8], $0x0  }
0x24: {  	s3 =	sadd.s32 $0x88, s3;
	s6 =	simm.s32 @!p1 $0x1082;
	[sflag:s4] =	ssyncset.s32 $0xFFFFF086  }
0x25: {  	[simem:s6], [sflag:s4] =	dma.local [hbm:s3], $0xF7A  }
0x26: {  	[smem:$0x3F99] =	sst s1;
	(tag) =	ssettag s2;
	_ =	strace s9  }
0x27: {  	s1 =	sld [smem:$0x3FA9]  }
0x28: {  	s2 =	sld [smem:$0x3FAA]  }
0x29: {  	s4 =	sld [smem:$0x3FAC]  }
0x2a: {  	p0 =	seq.s32 s5, $0x0;
	s5 =	sld [smem:$0x3FAD]  }
0x2b: {  	s6 =	sld [smem:$0x3FAE]  }
0x2c: {  	s7 =	sld [smem:$0x3FAF]  }
0x2d: {  	s3 =	simm.s32 $0x108;
	s8 =	sld [smem:$0x3FB0]  }
0x2e: {  	s3 =	simm.s32 @!p0 $0x1082;
	s9 =	sld [smem:$0x3FB1]  }
0x2f: {  	lr =	sadd.s32 s0, s3;
	s0 =	sld [smem:$0x3FA8]  }
0x30: {  	s3 =	sld [smem:$0x3FAB]  }
0x31: {  	[smem:$0x3FB4] =	sst s10  }
0x32: {  	s10 =	sld [smem:$0x3FB2];
	_ =	sdelay $0x3  }
0x33: {  	p0 =	seq.s32 s10, $0x1;
	s10 =	sld [smem:$0x3FB4];
	_ =	sdelay $0x3  }
0x34: {  	[smem:$0x3FB4] =	sst s10  }
0x35: {  	s10 =	sld [smem:$0x3FB3];
	_ =	sdelay $0x3  }
0x36: {  	p1 =	seq.s32 s10, $0x1;
	s10 =	sld [smem:$0x3FB4];
	_ =	sdelay $0x3  }
0x37: {  	[smem:$0x3FB4] =	sst s10  }
0x38: {  	s10 =	sld [smem:$0x3FB5]  }
0x39: {  	_ = 	snop;
	(pc) =	sbr.ind lr, $3  }
0x3a: {  	_ = 	snop  }
0x3b: {  	_ = 	snop  }
0x3c: {  	p2 =	seq.s32 s10, $0x1;
	s10 =	sld [smem:$0x3FB4]  }
0x3d: {  	_ =	shalt  }
0x3e: {  	_ =	shalt  }
0x3f: {  	_ =	shalt  }
0x40: {  	_ =	shalt  }
0x41: {  	_ =	shalt  }
0x42: {  	_ =	shalt  }
0x43: {  	_ =	shalt  }
0x44: {  	_ =	shalt  }
0x45: {  	_ =	shalt  }
0x46: {  	_ =	shalt  }
0x47: {  	_ =	shalt  }
0x48: {  	_ =	shalt  }
0x49: {  	_ =	shalt  }
0x4a: {  	_ =	shalt  }
0x4b: {  	_ =	shalt  }
0x4c: {  	_ =	shalt  }
0x4d: {  	_ =	shalt  }
0x4e: {  	_ =	shalt  }
0x4f: {  	_ =	shalt  }
0x50: {  	_ =	shalt  }
0x51: {  	_ =	shalt  }
0x52: {  	_ =	shalt  }
0x53: {  	_ =	shalt  }
0x54: {  	_ =	shalt  }
0x55: {  	_ =	shalt  }
0x56: {  	_ =	shalt  }
0x57: {  	_ =	shalt  }
0x58: {  	_ =	shalt  }
0x59: {  	_ =	shalt  }
0x5a: {  	_ =	shalt  }
0x5b: {  	_ =	shalt  }
0x5c: {  	_ =	shalt  }
0x5d: {  	_ =	shalt  }
0x5e: {  	_ =	shalt  }
0x5f: {  	_ =	shalt  }
0x60: {  	_ =	shalt  }
0x61: {  	_ =	shalt  }
0x62: {  	_ =	shalt  }
0x63: {  	_ =	shalt  }
0x64: {  	_ =	shalt  }
0x65: {  	_ =	shalt  }
0x66: {  	_ =	shalt  }
0x67: {  	_ =	shalt  }
0x68: {  	_ =	shalt  }
0x69: {  	_ =	shalt  }
0x6a: {  	_ =	shalt  }
0x6b: {  	_ =	shalt  }
0x6c: {  	_ =	shalt  }
0x6d: {  	_ =	shalt  }
0x6e: {  	_ =	shalt  }
0x6f: {  	_ =	shalt  }
0x70: {  	_ =	shalt  }
0x71: {  	_ =	shalt  }
0x72: {  	_ =	shalt  }
0x73: {  	_ =	shalt  }
0x74: {  	_ =	shalt  }
0x75: {  	_ =	shalt  }
0x76: {  	_ =	shalt  }
0x77: {  	_ =	shalt  }
0x78: {  	_ =	shalt  }
0x79: {  	_ =	shalt  }
0x7a: {  	_ =	shalt  }
0x7b: {  	_ =	shalt  }
0x7c: {  	_ =	shalt  }
0x7d: {  	_ =	shalt  }
0x7e: {  	_ =	shalt  }
0x7f: {  	_ =	shalt  }
0x80: {  	_ =	shalt  }
0x81: {  	_ =	shalt  }
0x82: {  	_ =	shalt  }
0x83: {  	_ =	shalt  }
0x84: {  	_ =	shalt  }
0x85: {  	_ =	shalt  }
0x86: {  	_ =	shalt  }
0x87: {  	_ =	shalt  }
.Lfunc_end0:
.L_simem_size_0:
called_computation.1_lowered:
.L_overlay_start_0:
0x88: {  	s2 =	sld [smem:$0x3FD9]  }
0x89: {  	s3 =	sld [smem:$0x3FFE];
	_ =	sdelay $0x1  }
0x8a: {  	s1 =	srdreg.scid  }
0x8b: {  	s0 =	sand.u32 $0x1, s1  }
0x8c: {  	s16 =	sshll.u32 s0, $0xA;
	s2 =	sadd.s32 s3, s2  }
0x8d: {  	s2 =	sadd.s32 s2, s16  }
0x8e: {  	[smem:$0x3FC0] =	sst s2  }
0x8f: {  	_ = 	snop  }
0x90: {  	(tm) =	ssettm $0x1  }
0x91: {  	s17 =	sld [smem:$0x3FFB];
	_ =	sdelay $0x3  }
0x92: {  	_ =	strace s17  }
0x93: {  	s2 =	sld [smem:$0x3FFC];
	_ =	sdelay $0x3  }
0x94: {  	_ =	strace s2  }
0x95: {  	s2 =	sld [smem:$0x3FFD];
	_ =	sdelay $0x3  }
0x96: {  	_ =	strace s2  }
0x97: {  	_ =	strace $0x8FFFFFFF  }
0x98: {  	s18 =	sld [smem:$0x3FDB];
	_ =	sdelay $0x1  }
0x99: {  	s19 =	simm.s32 $_scs_section_size  }
0x9a: {  	s4 =	simm.s32 $_size__tile_overlayer_lowered;
	s5 =	simm.s32 $_tile_overlayer_lowered  }
0x9b: {  	s22 =	simm.s32 $0x1BFF;
	s21 =	sshll.u32 s5, $0x1;
	s2 =	sadd.s32 s19, s18  }
0x9c: {  	s6 =	simm.s32 $0x0;
	s20 =	sshll.u32 s4, $0x1;
	s4 =	sadd.s32 s21, s2  }
0x9d: {  	[timem:s6], [sflag:s22] =	dma.local [hbm:s4], s20  }
0x9e: {  	_ =	swait.ge [sflag:s22], s20  }
0x9f: {  	s3 =	ssub.s32 $0x0, s20;
	[sflag:s22] =	ssyncset.done $0x0  }
0xa0: {  	[sflag:s22] =	ssyncadd.s32 s3;
	_ =	sdelay $0x1  }
0xa1: {  	s23 =	simm.s32 $0x1B8B  }
0xa2: {  	_ =	swait.ge [sflag:s23], $0x1  }
0xa3: {  	[sflag:s23] =	ssyncset.done $0x0  }
0xa4: {  	s25 =	simm.s32 $0x1B8E;
	s24 =	sld [smem:$0x3FFE];
	[sflag:s23] =	ssyncadd.s32 $0xFFFFFFFF  }
0xa5: {  	s26 =	simm.s32 $execute0_lowered;
	[smem:$0x3FD2] =	sst s25  }
0xa6: {  	s4 =	sshll.u32 s26, $0x1;
	_ =	strace $0x80000049;
	[dreg:$0x1] =	wrdreg $0xFFFFFFFF  }
0xa7: {  	s28 =	simm.s32 $_size_execute0_lowered;
	s2 =	sadd.s32 s2, s4;
	[dreg:$0x0] =	wrdreg $0x0  }
0xa8: {  	s4 =	sshll.u32 s28, $0x1;
	[dreg:$0x2] =	wrdreg s2  }
0xa9: {  	[dreg:$0x3] =	wrdreg s4  }
0xaa: {  	[dreg:$0x4] =	wrdreg $0xC0  }
0xab: {  	_ =	task [dreg:s6], $0x5FFFF  }
0xac: {  	[dreg:$0x1] =	wrdreg $0xFFFFFFFF  }
0xad: {  	[dreg:$0x0] =	wrdreg $0x60  }
0xae: {  	[dreg:$0x2] =	wrdreg s24  }
0xaf: {  	[dreg:$0x3] =	wrdreg $0xB0000  }
0xb0: {  	[dreg:$0x4] =	wrdreg $0x9  }
0xb1: {  	_ =	task.clear_ibuf [dreg:s6], $0x5FFFF;
	_ =	strace $0x90000049  }
0xb2: {  	s29 =	simm.s32 $0x9;
	_ =	strace $0x8000004B  }
0xb3: {  	_ =	swait.ge [sflag:s29], $0x1  }
0xb4: {  	[sflag:s29] =	ssyncadd.s32 $0xFFFFFFFF  }
0xb5: {  	_ =	strace $0x9000004B  }
0xb6: {  	_ =	sfence  }
0xb7: {  	s30 =	sld [smem:$0x0];
	_ =	sdelay $0x2  }
0xb8: {  	s31 =	sshll.u32 s1, $0xD;
	s1 =	sshrl.u32 s1, $0x2  }
0xb9: {  	s3 =	sand.u32 $0x4000, s31;
	s1 =	sadd.s32 s1, s30  }
0xba: {  	s0 =	sor.u32 s3, s0;
	s1 =	sshll.u32 s1, $0x11  }
0xbb: {  	s0 =	sor.u32 s1, s0  }
0xbc: {  	s0 =	sadd.s32 $0x8F2B, s0  }
0xbd: {  	[sflag:s0] =	ssyncadd.remote.s32 $0x1  }
0xbe: {  	_ =	sfence.sel $0xFFFF  }
0xbf: {  	[dreg:$0x0] =	wrdreg $0xFFFFFFFF;
	(pc) =	sbr.abs _section_cstart, $3  }
0xc0: {  	[dreg:$0x1] =	wrdreg $0xFFFFFFFF  }
0xc1: {  	_ =	task.clear_ibuf [dreg:s6], $0x2FFFF;
	_ =	strace $0x9FFFFFFF  }
0xc2: {  	(tm) =	ssettm $0x7FFFFFFF  }
0xc3: {  	_ =	shalt  }
tec
execute0_lowered:
.L_overlay_start_1:
0x0: {  	(tag) =	ssettag $0x1  }
0x1: {  	s7 =	rddreg [dreg:$0x0]  }
0x2: {  	s2 =	rddreg [dreg:$0x1]  }
0x3: {  	s0 =	rddreg [dreg:$0x2];
	s3 =	simm.s32 $0x0;
	s1 =	stileid.u32  }
0x4: {  	s4 =	srdreg.scid;
	s21 =	simm.s32 $0x9000;
	s22 =	simm.s32 $0x1  }
0x5: {  	s23 =	simm.s32 $0x80;
	s26 =	simm.s32 $0x0;
	s19 =	smul.u32 $0x500, s1  }
0x6: {  	[smem:$0x7FF] =	sst s3;
	s4 =	sand.u32 $0x1, s4;
	s5 =	smul.u32 $0x50000, s1  }
0x7: {  	s20 =	sadd.s32 $0xA400, s7;
	s25 =	smul.u32 $0x2800, s1;
	_ =	strace $0x8000004A  }
0x8: {  	s8 =	smul.u32 $0x28000, s4;
	s9 =	ssub.s32 $0x2, s4;
	s4 =	sadd.s32 $0x5F400, s7  }
0x9: {  	s6 =	sadd.s32 s19, s7;
	s10 =	sshrl.u32 s9, $0x1;
	s5 =	sshrl.u32 s5, $0x2  }
0xa: {  	s19 =	sadd.s32 s19, s20;
	s20 =	simm.s32 $0x2800;
	s17 =	sadd.s32 s8, s7  }
0xb: {  	s18 =	ssub.s32 s9, s10;
	s5 =	sadd.s32 s5, s2;
	s6 =	sadd.s32 $0x5400, s6  }
0xc: {  	s7 =	sadd.s32 $0x2000, s5;
	s8 =	sadd.s32 $0x4000, s5;
	s9 =	sadd.s32 $0x6000, s5  }
0xd: {  	s10 =	sadd.s32 $0x8000, s5;
	s11 =	sadd.s32 $0xA000, s5;
	s12 =	sadd.s32 $0xC000, s5  }
0xe: {  	s13 =	sadd.s32 $0xE000, s5;
	s14 =	sadd.s32 $0x10000, s5;
	s15 =	sadd.s32 $0x12000, s5  }
0xf: {  	s16 =	sadd.s32 $0xF400, s17;
	s24 =	sadd.s32 $0x5F800, s17;
	s17 =	smax.u32 s18, $0x1  }
0x10: {  	s18 =	simm.s32 $0x2;
	s24 =	sadd.s32 s25, s24;
	s25 =	simm.s32 $0x5000  }
.LBB2_1:
0x11: {  	[tilespmem:s3], [sflag:$0x2] =	stream.linear.gather [hbm4b:s6+s3], $0x2780, $0x38;
	[tilespmem:$0x1F000] =	vst v63  }
0x12: {  	_ =	swait.ge [sflag:s18], $0x2780  }
0x13: {  	[sflag:s18] =	ssyncset.done $0x0  }
0x14: {  	[sflag:s18] =	ssyncadd.s32 $0xFFFFD880  }
0x15: {  	[tilespmem:s20], [sflag:$0x2] =	stream.linear.gather [hbm4b:s19+s3], $0x2780, $0x38;
	[tilespmem:$0x1F000] =	vst v63  }
0x16: {  	_ =	swait.ge [sflag:s18], $0x2780  }
0x17: {  	[sflag:s18] =	ssyncset.done $0x0  }
0x18: {  	[sflag:s18] =	ssyncadd.s32 $0xFFFFD880  }
0x19: {  	[tilespmem:s21], [sflag:$0x2] =	stream.linear.gather [hbm4b:s4+s3], $0x2000, $0x38;
	[tilespmem:$0x1F000] =	vst v63  }
0x1a: {  	_ =	swait.ge [sflag:s18], $0x2000  }
0x1b: {  	[sflag:s18] =	ssyncset.done $0x0  }
0x1c: {  	[sflag:s18] =	ssyncadd.s32 $0xFFFFE000  }
0x1d: {  	[spmem:s5] =	stream.linear.scatter [tilespmem:s21], [sflag:$0x1], $0x2000, $0x38;
	[tilespmem:$0x1F000] =	vst v63  }
0x1e: {  	_ = 	snop  }
0x1f: {  	[spmem:s7] =	stream.linear.scatter [tilespmem:s21], [sflag:$0x1], $0x2000, $0x38;
	[tilespmem:$0x1F000] =	vst v63  }
0x20: {  	_ = 	snop  }
0x21: {  	[spmem:s8] =	stream.linear.scatter [tilespmem:s21], [sflag:$0x1], $0x2000, $0x38;
	[tilespmem:$0x1F000] =	vst v63  }
0x22: {  	_ = 	snop  }
0x23: {  	[spmem:s9] =	stream.linear.scatter [tilespmem:s21], [sflag:$0x1], $0x2000, $0x38;
	[tilespmem:$0x1F000] =	vst v63  }
0x24: {  	_ = 	snop  }
0x25: {  	[spmem:s10] =	stream.linear.scatter [tilespmem:s21], [sflag:$0x1], $0x2000, $0x38;
	[tilespmem:$0x1F000] =	vst v63  }
0x26: {  	_ = 	snop  }
0x27: {  	[spmem:s11] =	stream.linear.scatter [tilespmem:s21], [sflag:$0x1], $0x2000, $0x38;
	[tilespmem:$0x1F000] =	vst v63  }
0x28: {  	_ = 	snop  }
0x29: {  	[spmem:s12] =	stream.linear.scatter [tilespmem:s21], [sflag:$0x1], $0x2000, $0x38;
	[tilespmem:$0x1F000] =	vst v63  }
0x2a: {  	_ = 	snop  }
0x2b: {  	[spmem:s13] =	stream.linear.scatter [tilespmem:s21], [sflag:$0x1], $0x2000, $0x38;
	[tilespmem:$0x1F000] =	vst v63  }
0x2c: {  	_ = 	snop  }
0x2d: {  	[spmem:s14] =	stream.linear.scatter [tilespmem:s21], [sflag:$0x1], $0x2000, $0x38;
	[tilespmem:$0x1F000] =	vst v63  }
0x2e: {  	_ = 	snop  }
0x2f: {  	[spmem:s15] =	stream.linear.scatter [tilespmem:s21], [sflag:$0x1], $0x2000, $0x38;
	[tilespmem:$0x1F000] =	vst v63  }
0x30: {  	_ =	swait.ge [sflag:s22], $0x2000  }
0x31: {  	[sflag:s22] =	ssyncset.done $0x0  }
0x32: {  	[sflag:s22] =	ssyncadd.s32 $0xFFFFE000  }
0x33: {  	_ =	swait.ge [sflag:s22], $0x2000  }
0x34: {  	[sflag:s22] =	ssyncset.done $0x0  }
0x35: {  	[sflag:s22] =	ssyncadd.s32 $0xFFFFE000  }
0x36: {  	_ =	swait.ge [sflag:s22], $0x2000  }
0x37: {  	[sflag:s22] =	ssyncset.done $0x0  }
0x38: {  	[sflag:s22] =	ssyncadd.s32 $0xFFFFE000  }
0x39: {  	_ =	swait.ge [sflag:s22], $0x2000  }
0x3a: {  	[sflag:s22] =	ssyncset.done $0x0  }
0x3b: {  	[sflag:s22] =	ssyncadd.s32 $0xFFFFE000  }
0x3c: {  	_ =	swait.ge [sflag:s22], $0x2000  }
0x3d: {  	[sflag:s22] =	ssyncset.done $0x0  }
0x3e: {  	[sflag:s22] =	ssyncadd.s32 $0xFFFFE000  }
0x3f: {  	_ =	swait.ge [sflag:s22], $0x2000  }
0x40: {  	[sflag:s22] =	ssyncset.done $0x0  }
0x41: {  	[sflag:s22] =	ssyncadd.s32 $0xFFFFE000  }
0x42: {  	_ =	swait.ge [sflag:s22], $0x2000  }
0x43: {  	[sflag:s22] =	ssyncset.done $0x0  }
0x44: {  	[sflag:s22] =	ssyncadd.s32 $0xFFFFE000  }
0x45: {  	_ =	swait.ge [sflag:s22], $0x2000  }
0x46: {  	[sflag:s22] =	ssyncset.done $0x0  }
0x47: {  	[sflag:s22] =	ssyncadd.s32 $0xFFFFE000  }
0x48: {  	_ =	swait.ge [sflag:s22], $0x2000  }
0x49: {  	[sflag:s22] =	ssyncset.done $0x0  }
0x4a: {  	[sflag:s22] =	ssyncadd.s32 $0xFFFFE000  }
0x4b: {  	_ =	swait.ge [sflag:s22], $0x2000  }
0x4c: {  	[sflag:s22] =	ssyncset.done $0x0  }
0x4d: {  	[sflag:s22] =	ssyncadd.s32 $0xFFFFE000  }
0x4e: {  	s28 =	simm.s32 $0x0;
	[bflag:$0x0] =	sbarrier.arrive $0xFFFF  }
0x4f: {  	[tilespmem:s25], [sflag:$0x2] =	stream.indirect.gather [hbm4b:s16+s23], $0x80, s28, s23, $0xb8;
	[tilespmem:$0x1F000] =	vst v63  }
0x50: {  	_ =	swait.ge [sflag:s18], $0x4000  }
0x51: {  	[sflag:s18] =	ssyncset.done $0x0  }
0x52: {  	s28 =	simm.s32 $0x2800;
	[sflag:s18] =	ssyncadd.s32 $0xFFFFC000  }
0x53: {  	[spmem:s2] =	stream.indirect.scatter.add.f32 [tilespmem:s25], [sflag:$0x2], $0x80, s28, s23, $0xb8;
	[tilespmem:$0x1F000] =	vst v63  }
0x54: {  	_ =	swait.ge [sflag:s18], $0x4000  }
0x55: {  	s29 =	simm.s32 $0x400;
	s28 =	simm.s32 $0x200;
	[sflag:s18] =	ssyncset.done $0x0  }
.LBB2_2:
0x56: {  	s30 =	sshra.s32 s28, $0x2  }
0x57: {  	[sflag:s18] =	ssyncadd.s32 $0xFFFFC000;
	s28 =	smov.u32 s29;
	s31 =	sadd.s32 $0x200, s29  }
0x58: {  	[tilespmem:s25], [sflag:$0x2] =	stream.indirect.gather [hbm4b:s16+s23], $0x80, s30, s23, $0xb8;
	[tilespmem:$0x1F000] =	vst v63  }
0x59: {  	p0 =	sne.s32 s29, $0x9C00;
	_ =	swait.ge [sflag:s18], $0x4000  }
.Ltmp0:
0x5a: {  	[sflag:s18] =	ssyncset.done $0x0;
	(pc) =	sbr.rel @p0 .LBB2_2-.Ltmp0, $4  }
0x5b: {  	s29 =	sadd.s32 $0x2800, s30;
	[sflag:s18] =	ssyncadd.s32 $0xFFFFC000  }
0x5c: {  	[spmem:s2] =	stream.indirect.scatter.add.f32 [tilespmem:s25], [sflag:$0x2], $0x80, s29, s23, $0xb8;
	[tilespmem:$0x1F000] =	vst v63  }
0x5d: {  	_ =	swait.ge [sflag:s18], $0x4000  }
0x5e: {  	s29 =	smov.u32 s31;
	[sflag:s18] =	ssyncset.done $0x0  }
0x5f: {  	s28 =	sshra.s32 s28, $0x2;
	[sflag:s18] =	ssyncadd.s32 $0xFFFFC000  }
0x60: {  	[tilespmem:s25], [sflag:$0x2] =	stream.indirect.gather [hbm4b:s16+s23], $0x80, s28, s23, $0xb8;
	[tilespmem:$0x1F000] =	vst v63  }
0x61: {  	_ =	swait.ge [sflag:s18], $0x4000  }
0x62: {  	[sflag:s18] =	ssyncset.done $0x0  }
0x63: {  	s28 =	sadd.s32 $0x2800, s28;
	[sflag:s18] =	ssyncadd.s32 $0xFFFFC000  }
0x64: {  	[spmem:s2] =	stream.indirect.scatter.add.f32 [tilespmem:s25], [sflag:$0x2], $0x80, s28, s23, $0xb8;
	[tilespmem:$0x1F000] =	vst v63  }
0x65: {  	_ =	swait.ge [sflag:s18], $0x4000  }
0x66: {  	s31 =	sshll.u32 s1, $0x6;
	[sflag:s18] =	ssyncset.done $0x0  }
0x67: {  	s29 =	sshrl.u32 s5, $0x3;
	s26 =	sadd.s32 $0x1, s26;
	[sflag:s18] =	ssyncadd.s32 $0xFFFFC000  }
0x68: {  	p0 =	sne.s32 s26, s17;
	s28 =	sor.u32 $0x1C02, s31;
	[bflag:$0x0] =	sbarrier.arrive $0xFFFF  }
0x69: {  	[hbm:s24], [sflag:s28] =	dma.local [spmem:s29], $0x2800  }
.Ltmp1:
0x6a: {  	_ =	swait.ge [sflag:s18], $0x2800;
	(pc) =	sbr.rel @p0 .LBB2_1-.Ltmp1, $3  }
0x6b: {  	[sflag:s18] =	ssyncset.done $0x0  }
0x6c: {  	[sflag:s18] =	ssyncadd.s32 $0xFFFFD800  }
0x6d: {  	[bflag:$0x0] =	sbarrier.arrive $0xFFFF;
	_ =	sdelay $0x1  }
0x6e: {  	_ =	sfence.sel $0x180000  }
0x6f: {  	[bflag:$0x0] =	sbarrier.arrive $0xFFFF  }
0x70: {  	p0 =	sne.s32 s1, $0x0;
	_ =	strace $0x9000004A  }
0x71: {  	s0 =	sadd.s32 @!p0 $0x100000, s0;
	[bflag:$0x2] =	sbarrier.arrive $0xFFFF  }
0x72: {  	[sflag:s0] =	ssyncadd.tile.s32 @!p0 $0x1;
	_ =	shalt  }
.Lfunc_end2:
_tile_overlayer_lowered:
.L_overlay_start_2:
0x73: {  	(tag) =	ssettag $0x2  }
0x74: {  	s0 =	rddreg [dreg:$0x0];
	s2 =	stileid.u32  }
0x75: {  	s1 =	rddreg [dreg:$0x1];
	p0 =	sne.s32 s2, $0x0  }
0x76: {  	s3 =	rddreg [dreg:$0x2];
	[bflag:$0x3] =	sbarrier.arrive $0xFFFF;
	s2 =	simm.s32 @!p0 $0x1C02  }
0x77: {  	[timem:s3], [sflag:s2] =	dma.local @!p0 [hbm:s0], s1  }
0x78: {  	s0 =	simm.s32 @!p0 $0x2  }
0x79: {  	_ =	swait.ge @!p0 [sflag:s0], s1  }
0x7a: {  	s1 =	ssub.s32 @!p0 $0x0, s1;
	[sflag:s0] =	ssyncset.done @!p0 $0x0  }
0x7b: {  	[sflag:s0] =	ssyncadd.s32 @!p0 s1  }
0x7c: {  	[bflag:$0x3] =	sbarrier.arrive $0xFFFF  }
0x7d: {  	_ =	shalt  }

// kernel: kernel.26.cloned.1.call-start
scs
__scs_entry_jumppad:
0x0: {  	(pc) =	sbr.rel $0x88, $3  }
0x1: {  	(tag) =	ssettag $0x0;
	lr =	simm.s32 $0x1  }
0x2: {  	[smem:$0x3F99] =	sst lr;
	_ =	strace $0xD0000000  }
0x3: {  	_ = 	snop  }
0x4: {  	_ = 	snop  }
0x5: {  	_ = 	snop  }
0x6: {  	_ = 	snop  }
0x7: {  	_ = 	snop  }
__scs_overlays_trampoline_lowered:
0x8: {  	[smem:$0x3FA8] =	sst s0  }
0x9: {  	[smem:$0x3FA9] =	sst s1  }
0xa: {  	[smem:$0x3FAA] =	sst s2  }
0xb: {  	[smem:$0x3FAB] =	sst s3  }
0xc: {  	[smem:$0x3FAC] =	sst s4  }
0xd: {  	[smem:$0x3FAD] =	sst s5  }
0xe: {  	[smem:$0x3FAE] =	sst s6  }
0xf: {  	[smem:$0x3FAF] =	sst s7  }
0x10: {  	[smem:$0x3FB0] =	sst s8  }
0x11: {  	[smem:$0x3FB1] =	sst s9;
	s0 =	simm.s32 @!p0 $0x0  }
0x12: {  	s1 =	sld [smem:$0x3F97];
	s0 =	simm.s32 @p0 $0x1  }
0x13: {  	[smem:$0x3FB2] =	sst s0;
	s0 =	simm.s32 @!p1 $0x0  }
0x14: {  	s2 =	sld [smem:$0x3F96];
	s0 =	simm.s32 @p1 $0x1  }
0x15: {  	[smem:$0x3FB3] =	sst s0;
	s0 =	simm.s32 @!p2 $0x0  }
0x16: {  	s3 =	sld [smem:$0x3FDB];
	s0 =	simm.s32 @p2 $0x1  }
0x17: {  	s4 =	simm.s32 $0x1BF5;
	[smem:$0x3FB5] =	sst s0  }
0x18: {  	s0 =	sld [smem:$0x3F98];
	_ =	swait.ge [sflag:s4], $0x0  }
0x19: {  	s7 =	sld [smem:$0x3F99]  }
0x1a: {  	s8 =	sadd.s32 $0xFFFFE003, lr  }
0x1b: {  	s9 =	sadd.s32 $0xFFFFFEF7, lr;
	s5 =	simm.s32 $0xFFFFFFFF;
	p2 =	slt.u32 s8, $0xFFFFF086  }
0x1c: {  	p1 =	slt.u32 s9, $0xF7A;
	s5 =	simm.s32 @!p2 $0x0  }
0x1d: {  	s5 =	simm.s32 @p1 $0x1;
	p0 =	seq.s32 s7, s2  }
0x1e: {  	s7 =	smul.u32 @!p0 $0xF7A, s2;
	p2 =	seq.s32 @!p0 s5, $0x0  }
0x1f: {  	s9 =	smul.u32 $0xF7A, s1;
	s8 =	simm.s32 @!p0 $0x1BF5;
	p2 =	por !p2, p0  }
0x20: {  	[sflag:s8] =	ssyncset.s32 @!p0 $0xFFFFF086;
	s6 =	sadd.s32 @!p0 s3, s7;
	s7 =	simm.s32 @!p0 $0x108  }
0x21: {  	s3 =	sadd.s32 s3, s9;
	s6 =	sadd.s32 @!p0 $0x88, s6;
	s7 =	simm.s32 @p2 $0x1082  }
0x22: {  	[simem:s7], [sflag:s8] =	dma.local @!p0 [hbm:s6], $0xF7A  }
0x23: {  	s9 =	sor.u32 $0xD0000000, s2;
	s6 =	simm.s32 $0x108;
	_ =	swait.ge @!p0 [sflag:s8], $0x0  }
0x24: {  	s3 =	sadd.s32 $0x88, s3;
	s6 =	simm.s32 @!p1 $0x1082;
	[sflag:s4] =	ssyncset.s32 $0xFFFFF086  }
0x25: {  	[simem:s6], [sflag:s4] =	dma.local [hbm:s3], $0xF7A  }
0x26: {  	[smem:$0x3F99] =	sst s1;
	(tag) =	ssettag s2;
	_ =	strace s9  }
0x27: {  	s1 =	sld [smem:$0x3FA9]  }
0x28: {  	s2 =	sld [smem:$0x3FAA]  }
0x29: {  	s4 =	sld [smem:$0x3FAC]  }
0x2a: {  	p0 =	seq.s32 s5, $0x0;
	s5 =	sld [smem:$0x3FAD]  }
0x2b: {  	s6 =	sld [smem:$0x3FAE]  }
0x2c: {  	s7 =	sld [smem:$0x3FAF]  }
0x2d: {  	s3 =	simm.s32 $0x108;
	s8 =	sld [smem:$0x3FB0]  }
0x2e: {  	s3 =	simm.s32 @!p0 $0x1082;
	s9 =	sld [smem:$0x3FB1]  }
0x2f: {  	lr =	sadd.s32 s0, s3;
	s0 =	sld [smem:$0x3FA8]  }
0x30: {  	s3 =	sld [smem:$0x3FAB]  }
0x31: {  	[smem:$0x3FB4] =	sst s10  }
0x32: {  	s10 =	sld [smem:$0x3FB2];
	_ =	sdelay $0x3  }
0x33: {  	p0 =	seq.s32 s10, $0x1;
	s10 =	sld [smem:$0x3FB4];
	_ =	sdelay $0x3  }
0x34: {  	[smem:$0x3FB4] =	sst s10  }
0x35: {  	s10 =	sld [smem:$0x3FB3];
	_ =	sdelay $0x3  }
0x36: {  	p1 =	seq.s32 s10, $0x1;
	s10 =	sld [smem:$0x3FB4];
	_ =	sdelay $0x3  }
0x37: {  	[smem:$0x3FB4] =	sst s10  }
0x38: {  	s10 =	sld [smem:$0x3FB5]  }
0x39: {  	_ = 	snop;
	(pc) =	sbr.ind lr, $3  }
0x3a: {  	_ = 	snop  }
0x3b: {  	_ = 	snop  }
0x3c: {  	p2 =	seq.s32 s10, $0x1;
	s10 =	sld [smem:$0x3FB4]  }
0x3d: {  	_ =	shalt  }
0x3e: {  	_ =	shalt  }
0x3f: {  	_ =	shalt  }
0x40: {  	_ =	shalt  }
0x41: {  	_ =	shalt  }
0x42: {  	_ =	shalt  }
0x43: {  	_ =	shalt  }
0x44: {  	_ =	shalt  }
0x45: {  	_ =	shalt  }
0x46: {  	_ =	shalt  }
0x47: {  	_ =	shalt  }
0x48: {  	_ =	shalt  }
0x49: {  	_ =	shalt  }
0x4a: {  	_ =	shalt  }
0x4b: {  	_ =	shalt  }
0x4c: {  	_ =	shalt  }
0x4d: {  	_ =	shalt  }
0x4e: {  	_ =	shalt  }
0x4f: {  	_ =	shalt  }
0x50: {  	_ =	shalt  }
0x51: {  	_ =	shalt  }
0x52: {  	_ =	shalt  }
0x53: {  	_ =	shalt  }
0x54: {  	_ =	shalt  }
0x55: {  	_ =	shalt  }
0x56: {  	_ =	shalt  }
0x57: {  	_ =	shalt  }
0x58: {  	_ =	shalt  }
0x59: {  	_ =	shalt  }
0x5a: {  	_ =	shalt  }
0x5b: {  	_ =	shalt  }
0x5c: {  	_ =	shalt  }
0x5d: {  	_ =	shalt  }
0x5e: {  	_ =	shalt  }
0x5f: {  	_ =	shalt  }
0x60: {  	_ =	shalt  }
0x61: {  	_ =	shalt  }
0x62: {  	_ =	shalt  }
0x63: {  	_ =	shalt  }
0x64: {  	_ =	shalt  }
0x65: {  	_ =	shalt  }
0x66: {  	_ =	shalt  }
0x67: {  	_ =	shalt  }
0x68: {  	_ =	shalt  }
0x69: {  	_ =	shalt  }
0x6a: {  	_ =	shalt  }
0x6b: {  	_ =	shalt  }
0x6c: {  	_ =	shalt  }
0x6d: {  	_ =	shalt  }
0x6e: {  	_ =	shalt  }
0x6f: {  	_ =	shalt  }
0x70: {  	_ =	shalt  }
0x71: {  	_ =	shalt  }
0x72: {  	_ =	shalt  }
0x73: {  	_ =	shalt  }
0x74: {  	_ =	shalt  }
0x75: {  	_ =	shalt  }
0x76: {  	_ =	shalt  }
0x77: {  	_ =	shalt  }
0x78: {  	_ =	shalt  }
0x79: {  	_ =	shalt  }
0x7a: {  	_ =	shalt  }
0x7b: {  	_ =	shalt  }
0x7c: {  	_ =	shalt  }
0x7d: {  	_ =	shalt  }
0x7e: {  	_ =	shalt  }
0x7f: {  	_ =	shalt  }
0x80: {  	_ =	shalt  }
0x81: {  	_ =	shalt  }
0x82: {  	_ =	shalt  }
0x83: {  	_ =	shalt  }
0x84: {  	_ =	shalt  }
0x85: {  	_ =	shalt  }
0x86: {  	_ =	shalt  }
0x87: {  	_ =	shalt  }
.Lfunc_end0:
.L_simem_size_0:
called_computation.2_lowered:
.L_overlay_start_0:
0x88: {  	s2 =	sld [smem:$0x3FD9]  }
0x89: {  	s3 =	sld [smem:$0x3FFE];
	_ =	sdelay $0x1  }
0x8a: {  	s1 =	srdreg.scid  }
0x8b: {  	s0 =	sand.u32 $0x1, s1  }
0x8c: {  	s16 =	sshll.u32 s0, $0xA;
	s2 =	sadd.s32 s3, s2  }
0x8d: {  	s2 =	sadd.s32 s2, s16  }
0x8e: {  	[smem:$0x3FC0] =	sst s2  }
0x8f: {  	_ = 	snop  }
0x90: {  	(tm) =	ssettm $0x1  }
0x91: {  	s17 =	sld [smem:$0x3FFB];
	_ =	sdelay $0x3  }
0x92: {  	_ =	strace s17  }
0x93: {  	s2 =	sld [smem:$0x3FFC];
	_ =	sdelay $0x3  }
0x94: {  	_ =	strace s2  }
0x95: {  	s2 =	sld [smem:$0x3FFD];
	_ =	sdelay $0x3  }
0x96: {  	_ =	strace s2  }
0x97: {  	_ =	strace $0x8FFFFFFF  }
0x98: {  	s18 =	sld [smem:$0x3FDB];
	_ =	sdelay $0x1  }
0x99: {  	s19 =	simm.s32 $_scs_section_size  }
0x9a: {  	s4 =	simm.s32 $_size__tile_overlayer_lowered;
	s5 =	simm.s32 $_tile_overlayer_lowered  }
0x9b: {  	s22 =	simm.s32 $0x1BFF;
	s21 =	sshll.u32 s5, $0x1;
	s2 =	sadd.s32 s19, s18  }
0x9c: {  	s6 =	simm.s32 $0x0;
	s20 =	sshll.u32 s4, $0x1;
	s4 =	sadd.s32 s21, s2  }
0x9d: {  	[timem:s6], [sflag:s22] =	dma.local [hbm:s4], s20  }
0x9e: {  	_ =	swait.ge [sflag:s22], s20  }
0x9f: {  	s3 =	ssub.s32 $0x0, s20;
	[sflag:s22] =	ssyncset.done $0x0  }
0xa0: {  	[sflag:s22] =	ssyncadd.s32 s3;
	_ =	sdelay $0x1  }
0xa1: {  	s23 =	simm.s32 $0x1B8B  }
0xa2: {  	_ =	swait.ge [sflag:s23], $0x1  }
0xa3: {  	[sflag:s23] =	ssyncset.done $0x0  }
0xa4: {  	s25 =	simm.s32 $0x1B8E;
	s24 =	sld [smem:$0x3FFE];
	[sflag:s23] =	ssyncadd.s32 $0xFFFFFFFF  }
0xa5: {  	s26 =	simm.s32 $execute0_lowered;
	[smem:$0x3FD2] =	sst s25  }
0xa6: {  	s4 =	sshll.u32 s26, $0x1;
	_ =	strace $0x8000004C;
	[dreg:$0x1] =	wrdreg $0xFFFFFFFF  }
0xa7: {  	s28 =	simm.s32 $_size_execute0_lowered;
	s2 =	sadd.s32 s2, s4;
	[dreg:$0x0] =	wrdreg $0x0  }
0xa8: {  	s4 =	sshll.u32 s28, $0x1;
	[dreg:$0x2] =	wrdreg s2  }
0xa9: {  	[dreg:$0x3] =	wrdreg s4  }
0xaa: {  	[dreg:$0x4] =	wrdreg $0xC0  }
0xab: {  	_ =	task [dreg:s6], $0x5FFFF  }
0xac: {  	[dreg:$0x1] =	wrdreg $0xFFFFFFFF  }
0xad: {  	[dreg:$0x0] =	wrdreg $0x60  }
0xae: {  	[dreg:$0x2] =	wrdreg s24  }
0xaf: {  	[dreg:$0x3] =	wrdreg $0xB0000  }
0xb0: {  	[dreg:$0x4] =	wrdreg $0x9  }
0xb1: {  	_ =	task.clear_ibuf [dreg:s6], $0x5FFFF;
	_ =	strace $0x9000004C  }
0xb2: {  	s29 =	simm.s32 $0x9;
	_ =	strace $0x8000004E  }
0xb3: {  	_ =	swait.ge [sflag:s29], $0x1  }
0xb4: {  	[sflag:s29] =	ssyncadd.s32 $0xFFFFFFFF  }
0xb5: {  	_ =	strace $0x9000004E  }
0xb6: {  	_ =	sfence  }
0xb7: {  	s30 =	sld [smem:$0x0];
	_ =	sdelay $0x2  }
0xb8: {  	s31 =	sshll.u32 s1, $0xD;
	s1 =	sshrl.u32 s1, $0x2  }
0xb9: {  	s3 =	sand.u32 $0x4000, s31;
	s1 =	sadd.s32 s1, s30  }
0xba: {  	s0 =	sor.u32 s3, s0;
	s1 =	sshll.u32 s1, $0x11  }
0xbb: {  	s0 =	sor.u32 s1, s0  }
0xbc: {  	s0 =	sadd.s32 $0x8F2B, s0  }
0xbd: {  	[sflag:s0] =	ssyncadd.remote.s32 $0x1  }
0xbe: {  	_ =	sfence.sel $0xFFFF  }
0xbf: {  	[dreg:$0x0] =	wrdreg $0xFFFFFFFF;
	(pc) =	sbr.abs _section_cstart, $3  }
0xc0: {  	[dreg:$0x1] =	wrdreg $0xFFFFFFFF  }
0xc1: {  	_ =	task.clear_ibuf [dreg:s6], $0x2FFFF;
	_ =	strace $0x9FFFFFFF  }
0xc2: {  	(tm) =	ssettm $0x7FFFFFFF  }
0xc3: {  	_ =	shalt  }
tec
execute0_lowered:
.L_overlay_start_1:
0x0: {  	(tag) =	ssettag $0x1  }
0x1: {  	s0 =	rddreg [dreg:$0x0]  }
0x2: {  	s2 =	rddreg [dreg:$0x1];
	s3 =	simm.s32 $0x0  }
0x3: {  	s4 =	stileid.u32;
	s1 =	srdreg.scid;
	s22 =	simm.s32 $0x9000  }
0x4: {  	s26 =	simm.s32 $0x80;
	s28 =	simm.s32 $0x5000;
	s29 =	simm.s32 $0x0  }
0x5: {  	[smem:$0x7FF] =	sst s3;
	s20 =	smul.u32 $0x500, s4;
	s17 =	sadd.s32 $0x34F800, s0  }
0x6: {  	s1 =	sand.u32 $0x1, s1;
	s6 =	smul.u32 $0x50000, s4;
	s18 =	sadd.s32 $0x3EF800, s0  }
0x7: {  	s8 =	sadd.s32 $0x5F400, s0;
	s24 =	smul.u32 $0x2800, s4;
	_ =	strace $0x8000004D  }
0x8: {  	s5 =	ssub.s32 $0x2, s1;
	[dreg:$0x3] =	wrdreg s8;
	s1 =	smul.u32 $0x50000, s1  }
0x9: {  	s7 =	sadd.s32 s20, s0;
	s31 =	sshrl.u32 s5, $0x1;
	s6 =	sshrl.u32 s6, $0x2  }
0xa: {  	s0 =	sadd.s32 $0xA400, s0;
	s19 =	ssub.s32 s5, s31;
	s5 =	sadd.s32 $0x5400, s7  }
0xb: {  	s6 =	sadd.s32 s6, s2;
	s16 =	sadd.s32 s17, s1;
	s21 =	sadd.s32 $0x28000, s1  }
0xc: {  	s1 =	sadd.s32 s18, s1;
	s20 =	sadd.s32 s20, s0;
	s7 =	sadd.s32 $0x2000, s6  }
0xd: {  	s8 =	sadd.s32 $0x4000, s6;
	s9 =	sadd.s32 $0x6000, s6;
	s10 =	sadd.s32 $0x8000, s6  }
0xe: {  	s11 =	sadd.s32 $0xA000, s6;
	s12 =	sadd.s32 $0xC000, s6;
	s13 =	sadd.s32 $0xE000, s6  }
0xf: {  	s14 =	sadd.s32 $0x10000, s6;
	s15 =	sadd.s32 $0x12000, s6;
	s17 =	sadd.s32 s17, s21  }
0x10: {  	s25 =	sadd.s32 s18, s21;
	s18 =	smax.u32 s19, $0x1;
	s19 =	simm.s32 $0x2  }
0x11: {  	s23 =	sadd.s32 s24, s1;
	s24 =	sadd.s32 s24, s25;
	s25 =	simm.s32 $0x1  }
.LBB2_1:
0x12: {  	[tilespmem:s3], [sflag:$0x2] =	stream.linear.gather [hbm4b:s5+s3], $0x2780, $0x38;
	[tilespmem:$0x1F000] =	vst v63  }
0x13: {  	_ =	swait.ge [sflag:s19], $0x2780  }
0x14: {  	[sflag:s19] =	ssyncset.done $0x0  }
0x15: {  	s0 =	simm.s32 $0x2800;
	[sflag:s19] =	ssyncadd.s32 $0xFFFFD880  }
0x16: {  	[tilespmem:s0], [sflag:$0x2] =	stream.linear.gather [hbm4b:s20+s3], $0x2780, $0x38;
	[tilespmem:$0x1F000] =	vst v63  }
0x17: {  	_ =	swait.ge [sflag:s19], $0x2780  }
0x18: {  	[sflag:s19] =	ssyncset.done $0x0  }
0x19: {  	s4 =	rddreg [dreg:$0x3];
	[sflag:s19] =	ssyncadd.s32 $0xFFFFD880  }
0x1a: {  	[tilespmem:s22], [sflag:$0x2] =	stream.linear.gather [hbm4b:s4+s3], $0x2000, $0x38;
	[tilespmem:$0x1F000] =	vst v63  }
0x1b: {  	_ =	swait.ge [sflag:s19], $0x2000  }
0x1c: {  	[sflag:s19] =	ssyncset.done $0x0  }
0x1d: {  	[sflag:s19] =	ssyncadd.s32 $0xFFFFE000  }
0x1e: {  	[spmem:s6] =	stream.linear.scatter [tilespmem:s22], [sflag:$0x1], $0x2000, $0x38;
	[tilespmem:$0x1F000] =	vst v63  }
0x1f: {  	_ = 	snop  }
0x20: {  	[spmem:s7] =	stream.linear.scatter [tilespmem:s22], [sflag:$0x1], $0x2000, $0x38;
	[tilespmem:$0x1F000] =	vst v63  }
0x21: {  	_ = 	snop  }
0x22: {  	[spmem:s8] =	stream.linear.scatter [tilespmem:s22], [sflag:$0x1], $0x2000, $0x38;
	[tilespmem:$0x1F000] =	vst v63  }
0x23: {  	_ = 	snop  }
0x24: {  	[spmem:s9] =	stream.linear.scatter [tilespmem:s22], [sflag:$0x1], $0x2000, $0x38;
	[tilespmem:$0x1F000] =	vst v63  }
0x25: {  	_ = 	snop  }
0x26: {  	[spmem:s10] =	stream.linear.scatter [tilespmem:s22], [sflag:$0x1], $0x2000, $0x38;
	[tilespmem:$0x1F000] =	vst v63  }
0x27: {  	_ = 	snop  }
0x28: {  	[spmem:s11] =	stream.linear.scatter [tilespmem:s22], [sflag:$0x1], $0x2000, $0x38;
	[tilespmem:$0x1F000] =	vst v63  }
0x29: {  	_ = 	snop  }
0x2a: {  	[spmem:s12] =	stream.linear.scatter [tilespmem:s22], [sflag:$0x1], $0x2000, $0x38;
	[tilespmem:$0x1F000] =	vst v63  }
0x2b: {  	_ = 	snop  }
0x2c: {  	[spmem:s13] =	stream.linear.scatter [tilespmem:s22], [sflag:$0x1], $0x2000, $0x38;
	[tilespmem:$0x1F000] =	vst v63  }
0x2d: {  	_ = 	snop  }
0x2e: {  	[spmem:s14] =	stream.linear.scatter [tilespmem:s22], [sflag:$0x1], $0x2000, $0x38;
	[tilespmem:$0x1F000] =	vst v63  }
0x2f: {  	_ = 	snop  }
0x30: {  	[spmem:s15] =	stream.linear.scatter [tilespmem:s22], [sflag:$0x1], $0x2000, $0x38;
	[tilespmem:$0x1F000] =	vst v63  }
0x31: {  	_ =	swait.ge [sflag:s25], $0x2000  }
0x32: {  	[sflag:s25] =	ssyncset.done $0x0  }
0x33: {  	[sflag:s25] =	ssyncadd.s32 $0xFFFFE000  }
0x34: {  	_ =	swait.ge [sflag:s25], $0x2000  }
0x35: {  	[sflag:s25] =	ssyncset.done $0x0  }
0x36: {  	[sflag:s25] =	ssyncadd.s32 $0xFFFFE000  }
0x37: {  	_ =	swait.ge [sflag:s25], $0x2000  }
0x38: {  	[sflag:s25] =	ssyncset.done $0x0  }
0x39: {  	[sflag:s25] =	ssyncadd.s32 $0xFFFFE000  }
0x3a: {  	_ =	swait.ge [sflag:s25], $0x2000  }
0x3b: {  	[sflag:s25] =	ssyncset.done $0x0  }
0x3c: {  	[sflag:s25] =	ssyncadd.s32 $0xFFFFE000  }
0x3d: {  	_ =	swait.ge [sflag:s25], $0x2000  }
0x3e: {  	[sflag:s25] =	ssyncset.done $0x0  }
0x3f: {  	[sflag:s25] =	ssyncadd.s32 $0xFFFFE000  }
0x40: {  	_ =	swait.ge [sflag:s25], $0x2000  }
0x41: {  	[sflag:s25] =	ssyncset.done $0x0  }
0x42: {  	[sflag:s25] =	ssyncadd.s32 $0xFFFFE000  }
0x43: {  	_ =	swait.ge [sflag:s25], $0x2000  }
0x44: {  	[sflag:s25] =	ssyncset.done $0x0  }
0x45: {  	[sflag:s25] =	ssyncadd.s32 $0xFFFFE000  }
0x46: {  	_ =	swait.ge [sflag:s25], $0x2000  }
0x47: {  	[sflag:s25] =	ssyncset.done $0x0  }
0x48: {  	[sflag:s25] =	ssyncadd.s32 $0xFFFFE000  }
0x49: {  	_ =	swait.ge [sflag:s25], $0x2000  }
0x4a: {  	[sflag:s25] =	ssyncset.done $0x0  }
0x4b: {  	[sflag:s25] =	ssyncadd.s32 $0xFFFFE000  }
0x4c: {  	_ =	swait.ge [sflag:s25], $0x2000  }
0x4d: {  	[sflag:s25] =	ssyncset.done $0x0  }
0x4e: {  	[sflag:s25] =	ssyncadd.s32 $0xFFFFE000  }
0x4f: {  	s21 =	simm.s32 $0x0;
	[bflag:$0x0] =	sbarrier.arrive $0xFFFF  }
0x50: {  	[tilespmem:s28], [sflag:$0x2] =	stream.indirect.gather [hbm4b:s16+s26], $0x80, s21, s26, $0xb8;
	[tilespmem:$0x1F000] =	vst v63  }
0x51: {  	_ =	swait.ge [sflag:s19], $0x4000  }
0x52: {  	[sflag:s19] =	ssyncset.done $0x0  }
0x53: {  	s31 =	simm.s32 $0x2800;
	[sflag:s19] =	ssyncadd.s32 $0xFFFFC000  }
0x54: {  	[spmem:s2] =	stream.indirect.scatter.add.f32 [tilespmem:s28], [sflag:$0x2], $0x80, s31, s26, $0xb8;
	[tilespmem:$0x1F000] =	vst v63  }
0x55: {  	_ =	swait.ge [sflag:s19], $0x4000  }
0x56: {  	s30 =	simm.s32 $0x200;
	s0 =	simm.s32 $0x400;
	[sflag:s19] =	ssyncset.done $0x0  }
.LBB2_2:
0x57: {  	s1 =	sshra.s32 s30, $0x2  }
0x58: {  	[sflag:s19] =	ssyncadd.s32 $0xFFFFC000;
	s30 =	smov.u32 s0;
	s31 =	sadd.s32 $0x200, s0  }
0x59: {  	[tilespmem:s28], [sflag:$0x2] =	stream.indirect.gather [hbm4b:s16+s26], $0x80, s1, s26, $0xb8;
	[tilespmem:$0x1F000] =	vst v63  }
0x5a: {  	p0 =	sne.s32 s0, $0x9C00;
	_ =	swait.ge [sflag:s19], $0x4000  }
.Ltmp0:
0x5b: {  	[sflag:s19] =	ssyncset.done $0x0;
	(pc) =	sbr.rel @p0 .LBB2_2-.Ltmp0, $4  }
0x5c: {  	s0 =	sadd.s32 $0x2800, s1;
	[sflag:s19] =	ssyncadd.s32 $0xFFFFC000  }
0x5d: {  	[spmem:s2] =	stream.indirect.scatter.add.f32 [tilespmem:s28], [sflag:$0x2], $0x80, s0, s26, $0xb8;
	[tilespmem:$0x1F000] =	vst v63  }
0x5e: {  	_ =	swait.ge [sflag:s19], $0x4000  }
0x5f: {  	s0 =	smov.u32 s31;
	[sflag:s19] =	ssyncset.done $0x0  }
0x60: {  	s0 =	sshra.s32 s30, $0x2;
	[sflag:s19] =	ssyncadd.s32 $0xFFFFC000  }
0x61: {  	[tilespmem:s28], [sflag:$0x2] =	stream.indirect.gather [hbm4b:s16+s26], $0x80, s0, s26, $0xb8;
	[tilespmem:$0x1F000] =	vst v63  }
0x62: {  	_ =	swait.ge [sflag:s19], $0x4000  }
0x63: {  	[sflag:s19] =	ssyncset.done $0x0  }
0x64: {  	s0 =	sadd.s32 $0x2800, s0;
	[sflag:s19] =	ssyncadd.s32 $0xFFFFC000  }
0x65: {  	[spmem:s2] =	stream.indirect.scatter.add.f32 [tilespmem:s28], [sflag:$0x2], $0x80, s0, s26, $0xb8;
	[tilespmem:$0x1F000] =	vst v63  }
0x66: {  	_ =	swait.ge [sflag:s19], $0x4000  }
0x67: {  	s1 =	stileid.u32;
	[sflag:s19] =	ssyncset.done $0x0  }
0x68: {  	s0 =	sshll.u32 s1, $0x6;
	[sflag:s19] =	ssyncadd.s32 $0xFFFFC000  }
0x69: {  	s31 =	sshrl.u32 s6, $0x3;
	s30 =	sor.u32 $0x1C02, s0;
	[bflag:$0x0] =	sbarrier.arrive $0xFFFF  }
0x6a: {  	[hbm:s23], [sflag:s30] =	dma.local [spmem:s31], $0x2800  }
0x6b: {  	_ =	swait.ge [sflag:s19], $0x2800  }
0x6c: {  	[sflag:s19] =	ssyncset.done $0x0  }
0x6d: {  	[sflag:s19] =	ssyncadd.s32 $0xFFFFD800  }
0x6e: {  	[bflag:$0x0] =	sbarrier.arrive $0xFFFF  }
0x6f: {  	[spmem:s6] =	stream.linear.scatter [tilespmem:s22], [sflag:$0x1], $0x2000, $0x38;
	[tilespmem:$0x1F000] =	vst v63  }
0x70: {  	_ = 	snop  }
0x71: {  	[spmem:s7] =	stream.linear.scatter [tilespmem:s22], [sflag:$0x1], $0x2000, $0x38;
	[tilespmem:$0x1F000] =	vst v63  }
0x72: {  	_ = 	snop  }
0x73: {  	[spmem:s8] =	stream.linear.scatter [tilespmem:s22], [sflag:$0x1], $0x2000, $0x38;
	[tilespmem:$0x1F000] =	vst v63  }
0x74: {  	_ = 	snop  }
0x75: {  	[spmem:s9] =	stream.linear.scatter [tilespmem:s22], [sflag:$0x1], $0x2000, $0x38;
	[tilespmem:$0x1F000] =	vst v63  }
0x76: {  	_ = 	snop  }
0x77: {  	[spmem:s10] =	stream.linear.scatter [tilespmem:s22], [sflag:$0x1], $0x2000, $0x38;
	[tilespmem:$0x1F000] =	vst v63  }
0x78: {  	_ = 	snop  }
0x79: {  	[spmem:s11] =	stream.linear.scatter [tilespmem:s22], [sflag:$0x1], $0x2000, $0x38;
	[tilespmem:$0x1F000] =	vst v63  }
0x7a: {  	_ = 	snop  }
0x7b: {  	[spmem:s12] =	stream.linear.scatter [tilespmem:s22], [sflag:$0x1], $0x2000, $0x38;
	[tilespmem:$0x1F000] =	vst v63  }
0x7c: {  	_ = 	snop  }
0x7d: {  	[spmem:s13] =	stream.linear.scatter [tilespmem:s22], [sflag:$0x1], $0x2000, $0x38;
	[tilespmem:$0x1F000] =	vst v63  }
0x7e: {  	_ = 	snop  }
0x7f: {  	[spmem:s14] =	stream.linear.scatter [tilespmem:s22], [sflag:$0x1], $0x2000, $0x38;
	[tilespmem:$0x1F000] =	vst v63  }
0x80: {  	_ = 	snop  }
0x81: {  	[spmem:s15] =	stream.linear.scatter [tilespmem:s22], [sflag:$0x1], $0x2000, $0x38;
	[tilespmem:$0x1F000] =	vst v63  }
0x82: {  	_ =	swait.ge [sflag:s25], $0x2000  }
0x83: {  	[sflag:s25] =	ssyncset.done $0x0  }
0x84: {  	[sflag:s25] =	ssyncadd.s32 $0xFFFFE000  }
0x85: {  	_ =	swait.ge [sflag:s25], $0x2000  }
0x86: {  	[sflag:s25] =	ssyncset.done $0x0  }
0x87: {  	[sflag:s25] =	ssyncadd.s32 $0xFFFFE000  }
0x88: {  	_ =	swait.ge [sflag:s25], $0x2000  }
0x89: {  	[sflag:s25] =	ssyncset.done $0x0  }
0x8a: {  	[sflag:s25] =	ssyncadd.s32 $0xFFFFE000  }
0x8b: {  	_ =	swait.ge [sflag:s25], $0x2000  }
0x8c: {  	[sflag:s25] =	ssyncset.done $0x0  }
0x8d: {  	[sflag:s25] =	ssyncadd.s32 $0xFFFFE000  }
0x8e: {  	_ =	swait.ge [sflag:s25], $0x2000  }
0x8f: {  	[sflag:s25] =	ssyncset.done $0x0  }
0x90: {  	[sflag:s25] =	ssyncadd.s32 $0xFFFFE000  }
0x91: {  	_ =	swait.ge [sflag:s25], $0x2000  }
0x92: {  	[sflag:s25] =	ssyncset.done $0x0  }
0x93: {  	[sflag:s25] =	ssyncadd.s32 $0xFFFFE000  }
0x94: {  	_ =	swait.ge [sflag:s25], $0x2000  }
0x95: {  	[sflag:s25] =	ssyncset.done $0x0  }
0x96: {  	[sflag:s25] =	ssyncadd.s32 $0xFFFFE000  }
0x97: {  	_ =	swait.ge [sflag:s25], $0x2000  }
0x98: {  	[sflag:s25] =	ssyncset.done $0x0  }
0x99: {  	[sflag:s25] =	ssyncadd.s32 $0xFFFFE000  }
0x9a: {  	_ =	swait.ge [sflag:s25], $0x2000  }
0x9b: {  	[sflag:s25] =	ssyncset.done $0x0  }
0x9c: {  	[sflag:s25] =	ssyncadd.s32 $0xFFFFE000  }
0x9d: {  	_ =	swait.ge [sflag:s25], $0x2000  }
0x9e: {  	[sflag:s25] =	ssyncset.done $0x0  }
0x9f: {  	[sflag:s25] =	ssyncadd.s32 $0xFFFFE000  }
0xa0: {  	s4 =	simm.s32 $0x0;
	[bflag:$0x0] =	sbarrier.arrive $0xFFFF  }
0xa1: {  	[tilespmem:s28], [sflag:$0x2] =	stream.indirect.gather [hbm4b:s17+s26], $0x80, s4, s26, $0xb8;
	[tilespmem:$0x1F000] =	vst v63  }
0xa2: {  	_ =	swait.ge [sflag:s19], $0x4000  }
0xa3: {  	[sflag:s19] =	ssyncset.done $0x0  }
0xa4: {  	s21 =	simm.s32 $0x2800;
	[sflag:s19] =	ssyncadd.s32 $0xFFFFC000  }
0xa5: {  	[spmem:s2] =	stream.indirect.scatter.add.f32 [tilespmem:s28], [sflag:$0x2], $0x80, s21, s26, $0xb8;
	[tilespmem:$0x1F000] =	vst v63  }
0xa6: {  	_ =	swait.ge [sflag:s19], $0x4000  }
0xa7: {  	s1 =	simm.s32 $0x400;
	s0 =	simm.s32 $0x200;
	[sflag:s19] =	ssyncset.done $0x0  }
.LBB2_4:
0xa8: {  	s21 =	sshra.s32 s0, $0x2  }
0xa9: {  	[sflag:s19] =	ssyncadd.s32 $0xFFFFC000;
	s0 =	smov.u32 s1;
	s4 =	sadd.s32 $0x200, s1  }
0xaa: {  	[tilespmem:s28], [sflag:$0x2] =	stream.indirect.gather [hbm4b:s17+s26], $0x80, s21, s26, $0xb8;
	[tilespmem:$0x1F000] =	vst v63  }
0xab: {  	p0 =	sne.s32 s1, $0x9C00;
	_ =	swait.ge [sflag:s19], $0x4000  }
.Ltmp1:
0xac: {  	[sflag:s19] =	ssyncset.done $0x0;
	(pc) =	sbr.rel @p0 .LBB2_4-.Ltmp1, $4  }
0xad: {  	s1 =	sadd.s32 $0x2800, s21;
	[sflag:s19] =	ssyncadd.s32 $0xFFFFC000  }
0xae: {  	[spmem:s2] =	stream.indirect.scatter.add.f32 [tilespmem:s28], [sflag:$0x2], $0x80, s1, s26, $0xb8;
	[tilespmem:$0x1F000] =	vst v63  }
0xaf: {  	_ =	swait.ge [sflag:s19], $0x4000  }
0xb0: {  	s1 =	smov.u32 s4;
	[sflag:s19] =	ssyncset.done $0x0  }
0xb1: {  	s0 =	sshra.s32 s0, $0x2;
	[sflag:s19] =	ssyncadd.s32 $0xFFFFC000  }
0xb2: {  	[tilespmem:s28], [sflag:$0x2] =	stream.indirect.gather [hbm4b:s17+s26], $0x80, s0, s26, $0xb8;
	[tilespmem:$0x1F000] =	vst v63  }
0xb3: {  	_ =	swait.ge [sflag:s19], $0x4000  }
0xb4: {  	[sflag:s19] =	ssyncset.done $0x0  }
0xb5: {  	s0 =	sadd.s32 $0x2800, s0;
	[sflag:s19] =	ssyncadd.s32 $0xFFFFC000  }
0xb6: {  	[spmem:s2] =	stream.indirect.scatter.add.f32 [tilespmem:s28], [sflag:$0x2], $0x80, s0, s26, $0xb8;
	[tilespmem:$0x1F000] =	vst v63  }
0xb7: {  	_ =	swait.ge [sflag:s19], $0x4000  }
0xb8: {  	[sflag:s19] =	ssyncset.done $0x0  }
0xb9: {  	s29 =	sadd.s32 $0x1, s29;
	[sflag:s19] =	ssyncadd.s32 $0xFFFFC000  }
0xba: {  	p0 =	sne.s32 s29, s18;
	[bflag:$0x0] =	sbarrier.arrive $0xFFFF  }
0xbb: {  	[hbm:s24], [sflag:s30] =	dma.local [spmem:s31], $0x2800  }
.Ltmp2:
0xbc: {  	_ =	swait.ge [sflag:s19], $0x2800;
	(pc) =	sbr.rel @p0 .LBB2_1-.Ltmp2, $3  }
0xbd: {  	[sflag:s19] =	ssyncset.done $0x0  }
0xbe: {  	[sflag:s19] =	ssyncadd.s32 $0xFFFFD800  }
0xbf: {  	[bflag:$0x0] =	sbarrier.arrive $0xFFFF;
	_ =	sdelay $0x1  }
0xc0: {  	_ =	sfence.sel $0x180000  }
0xc1: {  	[bflag:$0x0] =	sbarrier.arrive $0xFFFF  }
0xc2: {  	_ =	strace $0x9000004D  }
0xc3: {  	s0 =	stileid.u32;
	[bflag:$0x2] =	sbarrier.arrive $0xFFFF  }
0xc4: {  	p0 =	sne.s32 s0, $0x0;
	s0 =	rddreg [dreg:$0x2]  }
0xc5: {  	s0 =	sadd.s32 @!p0 $0x100000, s0  }
0xc6: {  	[sflag:s0] =	ssyncadd.tile.s32 @!p0 $0x1;
	_ =	shalt  }
.Lfunc_end2:
_tile_overlayer_lowered:
.L_overlay_start_2:
0xc7: {  	(tag) =	ssettag $0x2  }
0xc8: {  	s0 =	rddreg [dreg:$0x0];
	s2 =	stileid.u32  }
0xc9: {  	s1 =	rddreg [dreg:$0x1];
	p0 =	sne.s32 s2, $0x0  }
0xca: {  	s3 =	rddreg [dreg:$0x2];
	[bflag:$0x3] =	sbarrier.arrive $0xFFFF;
	s2 =	simm.s32 @!p0 $0x1C02  }
0xcb: {  	[timem:s3], [sflag:s2] =	dma.local @!p0 [hbm:s0], s1  }
0xcc: {  	s0 =	simm.s32 @!p0 $0x2  }
0xcd: {  	_ =	swait.ge @!p0 [sflag:s0], s1  }
0xce: {  	s1 =	ssub.s32 @!p0 $0x0, s1;
	[sflag:s0] =	ssyncset.done @!p0 $0x0  }
0xcf: {  	[sflag:s0] =	ssyncadd.s32 @!p0 s1  }
0xd0: {  	[bflag:$0x3] =	sbarrier.arrive $0xFFFF  }
0xd1: {  	_ =	shalt  }

// kernel: kernel.29.cloned.1.call-start
scs
__scs_entry_jumppad:
0x0: {  	(pc) =	sbr.rel $0x88, $3  }
0x1: {  	(tag) =	ssettag $0x0;
	lr =	simm.s32 $0x1  }
0x2: {  	[smem:$0x3F99] =	sst lr;
	_ =	strace $0xD0000000  }
0x3: {  	_ = 	snop  }
0x4: {  	_ = 	snop  }
0x5: {  	_ = 	snop  }
0x6: {  	_ = 	snop  }
0x7: {  	_ = 	snop  }
__scs_overlays_trampoline_lowered:
0x8: {  	[smem:$0x3FA8] =	sst s0  }
0x9: {  	[smem:$0x3FA9] =	sst s1  }
0xa: {  	[smem:$0x3FAA] =	sst s2  }
0xb: {  	[smem:$0x3FAB] =	sst s3  }
0xc: {  	[smem:$0x3FAC] =	sst s4  }
0xd: {  	[smem:$0x3FAD] =	sst s5  }
0xe: {  	[smem:$0x3FAE] =	sst s6  }
0xf: {  	[smem:$0x3FAF] =	sst s7  }
0x10: {  	[smem:$0x3FB0] =	sst s8  }
0x11: {  	[smem:$0x3FB1] =	sst s9;
	s0 =	simm.s32 @!p0 $0x0  }
0x12: {  	s1 =	sld [smem:$0x3F97];
	s0 =	simm.s32 @p0 $0x1  }
0x13: {  	[smem:$0x3FB2] =	sst s0;
	s0 =	simm.s32 @!p1 $0x0  }
0x14: {  	s2 =	sld [smem:$0x3F96];
	s0 =	simm.s32 @p1 $0x1  }
0x15: {  	[smem:$0x3FB3] =	sst s0;
	s0 =	simm.s32 @!p2 $0x0  }
0x16: {  	s3 =	sld [smem:$0x3FDB];
	s0 =	simm.s32 @p2 $0x1  }
0x17: {  	s4 =	simm.s32 $0x1BF5;
	[smem:$0x3FB5] =	sst s0  }
0x18: {  	s0 =	sld [smem:$0x3F98];
	_ =	swait.ge [sflag:s4], $0x0  }
0x19: {  	s7 =	sld [smem:$0x3F99]  }
0x1a: {  	s8 =	sadd.s32 $0xFFFFE003, lr  }
0x1b: {  	s9 =	sadd.s32 $0xFFFFFEF7, lr;
	s5 =	simm.s32 $0xFFFFFFFF;
	p2 =	slt.u32 s8, $0xFFFFF086  }
0x1c: {  	p1 =	slt.u32 s9, $0xF7A;
	s5 =	simm.s32 @!p2 $0x0  }
0x1d: {  	s5 =	simm.s32 @p1 $0x1;
	p0 =	seq.s32 s7, s2  }
0x1e: {  	s7 =	smul.u32 @!p0 $0xF7A, s2;
	p2 =	seq.s32 @!p0 s5, $0x0  }
0x1f: {  	s9 =	smul.u32 $0xF7A, s1;
	s8 =	simm.s32 @!p0 $0x1BF5;
	p2 =	por !p2, p0  }
0x20: {  	[sflag:s8] =	ssyncset.s32 @!p0 $0xFFFFF086;
	s6 =	sadd.s32 @!p0 s3, s7;
	s7 =	simm.s32 @!p0 $0x108  }
0x21: {  	s3 =	sadd.s32 s3, s9;
	s6 =	sadd.s32 @!p0 $0x88, s6;
	s7 =	simm.s32 @p2 $0x1082  }
0x22: {  	[simem:s7], [sflag:s8] =	dma.local @!p0 [hbm:s6], $0xF7A  }
0x23: {  	s9 =	sor.u32 $0xD0000000, s2;
	s6 =	simm.s32 $0x108;
	_ =	swait.ge @!p0 [sflag:s8], $0x0  }
0x24: {  	s3 =	sadd.s32 $0x88, s3;
	s6 =	simm.s32 @!p1 $0x1082;
	[sflag:s4] =	ssyncset.s32 $0xFFFFF086  }
0x25: {  	[simem:s6], [sflag:s4] =	dma.local [hbm:s3], $0xF7A  }
0x26: {  	[smem:$0x3F99] =	sst s1;
	(tag) =	ssettag s2;
	_ =	strace s9  }
0x27: {  	s1 =	sld [smem:$0x3FA9]  }
0x28: {  	s2 =	sld [smem:$0x3FAA]  }
0x29: {  	s4 =	sld [smem:$0x3FAC]  }
0x2a: {  	p0 =	seq.s32 s5, $0x0;
	s5 =	sld [smem:$0x3FAD]  }
0x2b: {  	s6 =	sld [smem:$0x3FAE]  }
0x2c: {  	s7 =	sld [smem:$0x3FAF]  }
0x2d: {  	s3 =	simm.s32 $0x108;
	s8 =	sld [smem:$0x3FB0]  }
0x2e: {  	s3 =	simm.s32 @!p0 $0x1082;
	s9 =	sld [smem:$0x3FB1]  }
0x2f: {  	lr =	sadd.s32 s0, s3;
	s0 =	sld [smem:$0x3FA8]  }
0x30: {  	s3 =	sld [smem:$0x3FAB]  }
0x31: {  	[smem:$0x3FB4] =	sst s10  }
0x32: {  	s10 =	sld [smem:$0x3FB2];
	_ =	sdelay $0x3  }
0x33: {  	p0 =	seq.s32 s10, $0x1;
	s10 =	sld [smem:$0x3FB4];
	_ =	sdelay $0x3  }
0x34: {  	[smem:$0x3FB4] =	sst s10  }
0x35: {  	s10 =	sld [smem:$0x3FB3];
	_ =	sdelay $0x3  }
0x36: {  	p1 =	seq.s32 s10, $0x1;
	s10 =	sld [smem:$0x3FB4];
	_ =	sdelay $0x3  }
0x37: {  	[smem:$0x3FB4] =	sst s10  }
0x38: {  	s10 =	sld [smem:$0x3FB5]  }
0x39: {  	_ = 	snop;
	(pc) =	sbr.ind lr, $3  }
0x3a: {  	_ = 	snop  }
0x3b: {  	_ = 	snop  }
0x3c: {  	p2 =	seq.s32 s10, $0x1;
	s10 =	sld [smem:$0x3FB4]  }
0x3d: {  	_ =	shalt  }
0x3e: {  	_ =	shalt  }
0x3f: {  	_ =	shalt  }
0x40: {  	_ =	shalt  }
0x41: {  	_ =	shalt  }
0x42: {  	_ =	shalt  }
0x43: {  	_ =	shalt  }
0x44: {  	_ =	shalt  }
0x45: {  	_ =	shalt  }
0x46: {  	_ =	shalt  }
0x47: {  	_ =	shalt  }
0x48: {  	_ =	shalt  }
0x49: {  	_ =	shalt  }
0x4a: {  	_ =	shalt  }
0x4b: {  	_ =	shalt  }
0x4c: {  	_ =	shalt  }
0x4d: {  	_ =	shalt  }
0x4e: {  	_ =	shalt  }
0x4f: {  	_ =	shalt  }
0x50: {  	_ =	shalt  }
0x51: {  	_ =	shalt  }
0x52: {  	_ =	shalt  }
0x53: {  	_ =	shalt  }
0x54: {  	_ =	shalt  }
0x55: {  	_ =	shalt  }
0x56: {  	_ =	shalt  }
0x57: {  	_ =	shalt  }
0x58: {  	_ =	shalt  }
0x59: {  	_ =	shalt  }
0x5a: {  	_ =	shalt  }
0x5b: {  	_ =	shalt  }
0x5c: {  	_ =	shalt  }
0x5d: {  	_ =	shalt  }
0x5e: {  	_ =	shalt  }
0x5f: {  	_ =	shalt  }
0x60: {  	_ =	shalt  }
0x61: {  	_ =	shalt  }
0x62: {  	_ =	shalt  }
0x63: {  	_ =	shalt  }
0x64: {  	_ =	shalt  }
0x65: {  	_ =	shalt  }
0x66: {  	_ =	shalt  }
0x67: {  	_ =	shalt  }
0x68: {  	_ =	shalt  }
0x69: {  	_ =	shalt  }
0x6a: {  	_ =	shalt  }
0x6b: {  	_ =	shalt  }
0x6c: {  	_ =	shalt  }
0x6d: {  	_ =	shalt  }
0x6e: {  	_ =	shalt  }
0x6f: {  	_ =	shalt  }
0x70: {  	_ =	shalt  }
0x71: {  	_ =	shalt  }
0x72: {  	_ =	shalt  }
0x73: {  	_ =	shalt  }
0x74: {  	_ =	shalt  }
0x75: {  	_ =	shalt  }
0x76: {  	_ =	shalt  }
0x77: {  	_ =	shalt  }
0x78: {  	_ =	shalt  }
0x79: {  	_ =	shalt  }
0x7a: {  	_ =	shalt  }
0x7b: {  	_ =	shalt  }
0x7c: {  	_ =	shalt  }
0x7d: {  	_ =	shalt  }
0x7e: {  	_ =	shalt  }
0x7f: {  	_ =	shalt  }
0x80: {  	_ =	shalt  }
0x81: {  	_ =	shalt  }
0x82: {  	_ =	shalt  }
0x83: {  	_ =	shalt  }
0x84: {  	_ =	shalt  }
0x85: {  	_ =	shalt  }
0x86: {  	_ =	shalt  }
0x87: {  	_ =	shalt  }
.Lfunc_end0:
.L_simem_size_0:
called_computation.3_lowered:
.L_overlay_start_0:
0x88: {  	s2 =	sld [smem:$0x3FD9]  }
0x89: {  	s3 =	sld [smem:$0x3FFE];
	_ =	sdelay $0x1  }
0x8a: {  	s1 =	srdreg.scid  }
0x8b: {  	s0 =	sand.u32 $0x1, s1  }
0x8c: {  	s17 =	sshll.u32 s0, $0xA;
	s2 =	sadd.s32 s3, s2  }
0x8d: {  	s2 =	sadd.s32 s2, s17  }
0x8e: {  	[smem:$0x3FC0] =	sst s2  }
0x8f: {  	_ = 	snop  }
0x90: {  	(tm) =	ssettm $0x1  }
0x91: {  	s18 =	sld [smem:$0x3FFB];
	_ =	sdelay $0x3  }
0x92: {  	_ =	strace s18  }
0x93: {  	s2 =	sld [smem:$0x3FFC];
	_ =	sdelay $0x3  }
0x94: {  	_ =	strace s2  }
0x95: {  	s2 =	sld [smem:$0x3FFD];
	_ =	sdelay $0x3  }
0x96: {  	_ =	strace s2  }
0x97: {  	_ =	strace $0x8FFFFFFF  }
0x98: {  	s19 =	sld [smem:$0x3FDB];
	_ =	sdelay $0x1  }
0x99: {  	s20 =	simm.s32 $_scs_section_size  }
0x9a: {  	s4 =	simm.s32 $_size__tile_overlayer_lowered;
	s5 =	simm.s32 $_tile_overlayer_lowered  }
0x9b: {  	s6 =	simm.s32 $0x1BFF;
	s21 =	sshll.u32 s5, $0x1;
	s3 =	sadd.s32 s20, s19  }
0x9c: {  	s22 =	simm.s32 $0x0;
	s4 =	sshll.u32 s4, $0x1;
	s5 =	sadd.s32 s21, s3  }
0x9d: {  	[timem:s22], [sflag:s6] =	dma.local [hbm:s5], s4  }
0x9e: {  	_ =	swait.ge [sflag:s6], s4  }
0x9f: {  	s4 =	ssub.s32 $0x0, s4;
	[sflag:s6] =	ssyncset.done $0x0  }
0xa0: {  	[sflag:s6] =	ssyncadd.s32 s4;
	_ =	sdelay $0x1  }
0xa1: {  	s23 =	simm.s32 $0x1B8B  }
0xa2: {  	_ =	swait.ge [sflag:s23], $0x1  }
0xa3: {  	[sflag:s23] =	ssyncset.done $0x0  }
0xa4: {  	[sflag:s23] =	ssyncadd.s32 $0xFFFFFFFF  }
0xa5: {  	s4 =	sld [smem:$0x0]  }
0xa6: {  	s5 =	sand.u32 $0xFFFFFFFE, s1  }
0xa7: {  	p0 =	sne.s32 s1, s5  }
0xa8: {  	s5 =	sshll.u32 @p0 s5, $0xE  }
0xa9: {  	s5 =	sadd.s32 @p0 $0x11B8D, s5;
	s6 =	sshll.u32 @p0 s4, $0x11  }
0xaa: {  	s5 =	sor.u32 @p0 s6, s5  }
0xab: {  	[sflag:s5] =	ssyncadd.remote.s32 @p0 $0x1;
	_ =	sdelay $0x1  }
0xac: {  	s5 =	simm.s32 @p0 $0x1B8D  }
0xad: {  	_ =	swait.eq @p0 [sflag:s5], $0x1  }
0xae: {  	[sflag:s5] =	ssyncadd.s32 @p0 $0xFFFFFFFF  }
0xaf: {  	s6 =	sshll.u32 @!p0 s1, $0xE  }
0xb0: {  	s6 =	sor.u32 @!p0 $0x4000, s6;
	s5 =	simm.s32 @!p0 $0x1B8D  }
0xb1: {  	s4 =	sshll.u32 @!p0 s4, $0x11;
	s6 =	sadd.s32 @!p0 $0x11B8D, s6;
	_ =	swait.eq @!p0 [sflag:s5], $0x1  }
0xb2: {  	s4 =	sor.u32 @!p0 s4, s6;
	[sflag:s5] =	ssyncadd.s32 @!p0 $0xFFFFFFFF  }
0xb3: {  	s25 =	simm.s32 $0x1B8E;
	s24 =	sld [smem:$0x3FFE];
	[sflag:s4] =	ssyncadd.remote.s32 @!p0 $0x1  }
0xb4: {  	s26 =	simm.s32 $execute0_lowered;
	[smem:$0x3FD2] =	sst s25  }
0xb5: {  	s5 =	sshll.u32 s26, $0x1;
	_ =	strace $0x8000004F;
	[dreg:$0x1] =	wrdreg $0xFFFFFFFF  }
0xb6: {  	s28 =	simm.s32 $_size_execute0_lowered;
	s3 =	sadd.s32 s3, s5;
	[dreg:$0x0] =	wrdreg $0x0  }
0xb7: {  	s5 =	sshll.u32 s28, $0x1;
	[dreg:$0x2] =	wrdreg s3  }
0xb8: {  	[dreg:$0x3] =	wrdreg s5  }
0xb9: {  	[dreg:$0x4] =	wrdreg $0xC0  }
0xba: {  	_ =	task [dreg:s22], $0x5FFFF  }
0xbb: {  	[dreg:$0x1] =	wrdreg $0xFFFFFFFF  }
0xbc: {  	[dreg:$0x0] =	wrdreg $0x60  }
0xbd: {  	[dreg:$0x2] =	wrdreg s24  }
0xbe: {  	[dreg:$0x3] =	wrdreg $0xB0000  }
0xbf: {  	[dreg:$0x4] =	wrdreg $0xA  }
0xc0: {  	_ =	task.clear_ibuf [dreg:s22], $0x5FFFF;
	_ =	strace $0x9000004F  }
0xc1: {  	s29 =	simm.s32 $0xA;
	_ =	strace $0x80000051  }
0xc2: {  	_ =	swait.ge [sflag:s29], $0x1  }
0xc3: {  	[sflag:s29] =	ssyncadd.s32 $0xFFFFFFFF  }
0xc4: {  	_ =	strace $0x90000051  }
0xc5: {  	_ =	sfence  }
0xc6: {  	s30 =	sld [smem:$0x0];
	_ =	sdelay $0x2  }
0xc7: {  	s31 =	sshll.u32 s1, $0xD;
	s1 =	sshrl.u32 s1, $0x2  }
0xc8: {  	s4 =	sand.u32 $0x4000, s31;
	s1 =	sadd.s32 s1, s30  }
0xc9: {  	s0 =	sor.u32 s4, s0;
	s1 =	sshll.u32 s1, $0x11  }
0xca: {  	s0 =	sor.u32 s1, s0  }
0xcb: {  	s0 =	sadd.s32 $0x8F2B, s0  }
0xcc: {  	[sflag:s0] =	ssyncadd.remote.s32 $0x1  }
0xcd: {  	_ =	sfence.sel $0xFFFF  }
0xce: {  	[dreg:$0x0] =	wrdreg $0xFFFFFFFF;
	(pc) =	sbr.abs _section_cstart, $3  }
0xcf: {  	[dreg:$0x1] =	wrdreg $0xFFFFFFFF  }
0xd0: {  	_ =	task.clear_ibuf [dreg:s22], $0x2FFFF;
	_ =	strace $0x9FFFFFFF  }
0xd1: {  	(tm) =	ssettm $0x7FFFFFFF  }
tec
execute0_lowered:
.L_overlay_start_1:
0x0: {  	(tag) =	ssettag $0x1  }
0x1: {  	s0 =	rddreg [dreg:$0x0]  }
0x2: {  	s2 =	rddreg [dreg:$0x1];
	s3 =	simm.s32 $0x0  }
0x3: {  	s4 =	stileid.u32;
	s1 =	srdreg.scid;
	s22 =	simm.s32 $0x9000  }
0x4: {  	s26 =	simm.s32 $0x80;
	s28 =	simm.s32 $0x5000;
	s29 =	simm.s32 $0x0  }
0x5: {  	[smem:$0x7FF] =	sst s3;
	s20 =	smul.u32 $0x500, s4;
	s17 =	sadd.s32 $0x48F800, s0  }
0x6: {  	s1 =	sand.u32 $0x1, s1;
	s6 =	smul.u32 $0x50000, s4;
	s18 =	sadd.s32 $0x52F800, s0  }
0x7: {  	s8 =	sadd.s32 $0x5F400, s0;
	s24 =	smul.u32 $0x2800, s4;
	_ =	strace $0x80000050  }
0x8: {  	s5 =	ssub.s32 $0x2, s1;
	[dreg:$0x3] =	wrdreg s8;
	s1 =	smul.u32 $0x50000, s1  }
0x9: {  	s7 =	sadd.s32 s20, s0;
	s31 =	sshrl.u32 s5, $0x1;
	s6 =	sshrl.u32 s6, $0x2  }
0xa: {  	s0 =	sadd.s32 $0xA400, s0;
	s19 =	ssub.s32 s5, s31;
	s5 =	sadd.s32 $0x5400, s7  }
0xb: {  	s6 =	sadd.s32 s6, s2;
	s16 =	sadd.s32 s17, s1;
	s21 =	sadd.s32 $0x28000, s1  }
0xc: {  	s1 =	sadd.s32 s18, s1;
	s20 =	sadd.s32 s20, s0;
	s7 =	sadd.s32 $0x2000, s6  }
0xd: {  	s8 =	sadd.s32 $0x4000, s6;
	s9 =	sadd.s32 $0x6000, s6;
	s10 =	sadd.s32 $0x8000, s6  }
0xe: {  	s11 =	sadd.s32 $0xA000, s6;
	s12 =	sadd.s32 $0xC000, s6;
	s13 =	sadd.s32 $0xE000, s6  }
0xf: {  	s14 =	sadd.s32 $0x10000, s6;
	s15 =	sadd.s32 $0x12000, s6;
	s17 =	sadd.s32 s17, s21  }
0x10: {  	s25 =	sadd.s32 s18, s21;
	s18 =	smax.u32 s19, $0x1;
	s19 =	simm.s32 $0x2  }
0x11: {  	s23 =	sadd.s32 s24, s1;
	s24 =	sadd.s32 s24, s25;
	s25 =	simm.s32 $0x1  }
.LBB2_1:
0x12: {  	[tilespmem:s3], [sflag:$0x2] =	stream.linear.gather [hbm4b:s5+s3], $0x2780, $0x38;
	[tilespmem:$0x1F000] =	vst v63  }
0x13: {  	_ =	swait.ge [sflag:s19], $0x2780  }
0x14: {  	[sflag:s19] =	ssyncset.done $0x0  }
0x15: {  	s0 =	simm.s32 $0x2800;
	[sflag:s19] =	ssyncadd.s32 $0xFFFFD880  }
0x16: {  	[tilespmem:s0], [sflag:$0x2] =	stream.linear.gather [hbm4b:s20+s3], $0x2780, $0x38;
	[tilespmem:$0x1F000] =	vst v63  }
0x17: {  	_ =	swait.ge [sflag:s19], $0x2780  }
0x18: {  	[sflag:s19] =	ssyncset.done $0x0  }
0x19: {  	s4 =	rddreg [dreg:$0x3];
	[sflag:s19] =	ssyncadd.s32 $0xFFFFD880  }
0x1a: {  	[tilespmem:s22], [sflag:$0x2] =	stream.linear.gather [hbm4b:s4+s3], $0x2000, $0x38;
	[tilespmem:$0x1F000] =	vst v63  }
0x1b: {  	_ =	swait.ge [sflag:s19], $0x2000  }
0x1c: {  	[sflag:s19] =	ssyncset.done $0x0  }
0x1d: {  	[sflag:s19] =	ssyncadd.s32 $0xFFFFE000  }
0x1e: {  	[spmem:s6] =	stream.linear.scatter [tilespmem:s22], [sflag:$0x1], $0x2000, $0x38;
	[tilespmem:$0x1F000] =	vst v63  }
0x1f: {  	_ = 	snop  }
0x20: {  	[spmem:s7] =	stream.linear.scatter [tilespmem:s22], [sflag:$0x1], $0x2000, $0x38;
	[tilespmem:$0x1F000] =	vst v63  }
0x21: {  	_ = 	snop  }
0x22: {  	[spmem:s8] =	stream.linear.scatter [tilespmem:s22], [sflag:$0x1], $0x2000, $0x38;
	[tilespmem:$0x1F000] =	vst v63  }
0x23: {  	_ = 	snop  }
0x24: {  	[spmem:s9] =	stream.linear.scatter [tilespmem:s22], [sflag:$0x1], $0x2000, $0x38;
	[tilespmem:$0x1F000] =	vst v63  }
0x25: {  	_ = 	snop  }
0x26: {  	[spmem:s10] =	stream.linear.scatter [tilespmem:s22], [sflag:$0x1], $0x2000, $0x38;
	[tilespmem:$0x1F000] =	vst v63  }
0x27: {  	_ = 	snop  }
0x28: {  	[spmem:s11] =	stream.linear.scatter [tilespmem:s22], [sflag:$0x1], $0x2000, $0x38;
	[tilespmem:$0x1F000] =	vst v63  }
0x29: {  	_ = 	snop  }
0x2a: {  	[spmem:s12] =	stream.linear.scatter [tilespmem:s22], [sflag:$0x1], $0x2000, $0x38;
	[tilespmem:$0x1F000] =	vst v63  }
0x2b: {  	_ = 	snop  }
0x2c: {  	[spmem:s13] =	stream.linear.scatter [tilespmem:s22], [sflag:$0x1], $0x2000, $0x38;
	[tilespmem:$0x1F000] =	vst v63  }
0x2d: {  	_ = 	snop  }
0x2e: {  	[spmem:s14] =	stream.linear.scatter [tilespmem:s22], [sflag:$0x1], $0x2000, $0x38;
	[tilespmem:$0x1F000] =	vst v63  }
0x2f: {  	_ = 	snop  }
0x30: {  	[spmem:s15] =	stream.linear.scatter [tilespmem:s22], [sflag:$0x1], $0x2000, $0x38;
	[tilespmem:$0x1F000] =	vst v63  }
0x31: {  	_ =	swait.ge [sflag:s25], $0x2000  }
0x32: {  	[sflag:s25] =	ssyncset.done $0x0  }
0x33: {  	[sflag:s25] =	ssyncadd.s32 $0xFFFFE000  }
0x34: {  	_ =	swait.ge [sflag:s25], $0x2000  }
0x35: {  	[sflag:s25] =	ssyncset.done $0x0  }
0x36: {  	[sflag:s25] =	ssyncadd.s32 $0xFFFFE000  }
0x37: {  	_ =	swait.ge [sflag:s25], $0x2000  }
0x38: {  	[sflag:s25] =	ssyncset.done $0x0  }
0x39: {  	[sflag:s25] =	ssyncadd.s32 $0xFFFFE000  }
0x3a: {  	_ =	swait.ge [sflag:s25], $0x2000  }
0x3b: {  	[sflag:s25] =	ssyncset.done $0x0  }
0x3c: {  	[sflag:s25] =	ssyncadd.s32 $0xFFFFE000  }
0x3d: {  	_ =	swait.ge [sflag:s25], $0x2000  }
0x3e: {  	[sflag:s25] =	ssyncset.done $0x0  }
0x3f: {  	[sflag:s25] =	ssyncadd.s32 $0xFFFFE000  }
0x40: {  	_ =	swait.ge [sflag:s25], $0x2000  }
0x41: {  	[sflag:s25] =	ssyncset.done $0x0  }
0x42: {  	[sflag:s25] =	ssyncadd.s32 $0xFFFFE000  }
0x43: {  	_ =	swait.ge [sflag:s25], $0x2000  }
0x44: {  	[sflag:s25] =	ssyncset.done $0x0  }
0x45: {  	[sflag:s25] =	ssyncadd.s32 $0xFFFFE000  }
0x46: {  	_ =	swait.ge [sflag:s25], $0x2000  }
0x47: {  	[sflag:s25] =	ssyncset.done $0x0  }
0x48: {  	[sflag:s25] =	ssyncadd.s32 $0xFFFFE000  }
0x49: {  	_ =	swait.ge [sflag:s25], $0x2000  }
0x4a: {  	[sflag:s25] =	ssyncset.done $0x0  }
0x4b: {  	[sflag:s25] =	ssyncadd.s32 $0xFFFFE000  }
0x4c: {  	_ =	swait.ge [sflag:s25], $0x2000  }
0x4d: {  	[sflag:s25] =	ssyncset.done $0x0  }
0x4e: {  	[sflag:s25] =	ssyncadd.s32 $0xFFFFE000  }
0x4f: {  	s21 =	simm.s32 $0x0;
	[bflag:$0x0] =	sbarrier.arrive $0xFFFF  }
0x50: {  	[tilespmem:s28], [sflag:$0x2] =	stream.indirect.gather [hbm4b:s16+s26], $0x80, s21, s26, $0xb8;
	[tilespmem:$0x1F000] =	vst v63  }
0x51: {  	_ =	swait.ge [sflag:s19], $0x4000  }
0x52: {  	[sflag:s19] =	ssyncset.done $0x0  }
0x53: {  	s31 =	simm.s32 $0x2800;
	[sflag:s19] =	ssyncadd.s32 $0xFFFFC000  }
0x54: {  	[spmem:s2] =	stream.indirect.scatter.add.f32 [tilespmem:s28], [sflag:$0x2], $0x80, s31, s26, $0xb8;
	[tilespmem:$0x1F000] =	vst v63  }
0x55: {  	_ =	swait.ge [sflag:s19], $0x4000  }
0x56: {  	s30 =	simm.s32 $0x200;
	s0 =	simm.s32 $0x400;
	[sflag:s19] =	ssyncset.done $0x0  }
.LBB2_2:
0x57: {  	s1 =	sshra.s32 s30, $0x2  }
0x58: {  	[sflag:s19] =	ssyncadd.s32 $0xFFFFC000;
	s30 =	smov.u32 s0;
	s31 =	sadd.s32 $0x200, s0  }
0x59: {  	[tilespmem:s28], [sflag:$0x2] =	stream.indirect.gather [hbm4b:s16+s26], $0x80, s1, s26, $0xb8;
	[tilespmem:$0x1F000] =	vst v63  }
0x5a: {  	p0 =	sne.s32 s0, $0x9C00;
	_ =	swait.ge [sflag:s19], $0x4000  }
.Ltmp0:
0x5b: {  	[sflag:s19] =	ssyncset.done $0x0;
	(pc) =	sbr.rel @p0 .LBB2_2-.Ltmp0, $4  }
0x5c: {  	s0 =	sadd.s32 $0x2800, s1;
	[sflag:s19] =	ssyncadd.s32 $0xFFFFC000  }
0x5d: {  	[spmem:s2] =	stream.indirect.scatter.add.f32 [tilespmem:s28], [sflag:$0x2], $0x80, s0, s26, $0xb8;
	[tilespmem:$0x1F000] =	vst v63  }
0x5e: {  	_ =	swait.ge [sflag:s19], $0x4000  }
0x5f: {  	s0 =	smov.u32 s31;
	[sflag:s19] =	ssyncset.done $0x0  }
0x60: {  	s0 =	sshra.s32 s30, $0x2;
	[sflag:s19] =	ssyncadd.s32 $0xFFFFC000  }
0x61: {  	[tilespmem:s28], [sflag:$0x2] =	stream.indirect.gather [hbm4b:s16+s26], $0x80, s0, s26, $0xb8;
	[tilespmem:$0x1F000] =	vst v63  }
0x62: {  	_ =	swait.ge [sflag:s19], $0x4000  }
0x63: {  	[sflag:s19] =	ssyncset.done $0x0  }
0x64: {  	s0 =	sadd.s32 $0x2800, s0;
	[sflag:s19] =	ssyncadd.s32 $0xFFFFC000  }
0x65: {  	[spmem:s2] =	stream.indirect.scatter.add.f32 [tilespmem:s28], [sflag:$0x2], $0x80, s0, s26, $0xb8;
	[tilespmem:$0x1F000] =	vst v63  }
0x66: {  	_ =	swait.ge [sflag:s19], $0x4000  }
0x67: {  	s1 =	stileid.u32;
	[sflag:s19] =	ssyncset.done $0x0  }
0x68: {  	s0 =	sshll.u32 s1, $0x6;
	[sflag:s19] =	ssyncadd.s32 $0xFFFFC000  }
0x69: {  	s31 =	sshrl.u32 s6, $0x3;
	s30 =	sor.u32 $0x1C02, s0;
	[bflag:$0x0] =	sbarrier.arrive $0xFFFF  }
0x6a: {  	[hbm:s23], [sflag:s30] =	dma.local [spmem:s31], $0x2800  }
0x6b: {  	_ =	swait.ge [sflag:s19], $0x2800  }
0x6c: {  	[sflag:s19] =	ssyncset.done $0x0  }
0x6d: {  	[sflag:s19] =	ssyncadd.s32 $0xFFFFD800  }
0x6e: {  	[bflag:$0x0] =	sbarrier.arrive $0xFFFF  }
0x6f: {  	[spmem:s6] =	stream.linear.scatter [tilespmem:s22], [sflag:$0x1], $0x2000, $0x38;
	[tilespmem:$0x1F000] =	vst v63  }
0x70: {  	_ = 	snop  }
0x71: {  	[spmem:s7] =	stream.linear.scatter [tilespmem:s22], [sflag:$0x1], $0x2000, $0x38;
	[tilespmem:$0x1F000] =	vst v63  }
0x72: {  	_ = 	snop  }
0x73: {  	[spmem:s8] =	stream.linear.scatter [tilespmem:s22], [sflag:$0x1], $0x2000, $0x38;
	[tilespmem:$0x1F000] =	vst v63  }
0x74: {  	_ = 	snop  }
0x75: {  	[spmem:s9] =	stream.linear.scatter [tilespmem:s22], [sflag:$0x1], $0x2000, $0x38;
	[tilespmem:$0x1F000] =	vst v63  }
0x76: {  	_ = 	snop  }
0x77: {  	[spmem:s10] =	stream.linear.scatter [tilespmem:s22], [sflag:$0x1], $0x2000, $0x38;
	[tilespmem:$0x1F000] =	vst v63  }
0x78: {  	_ = 	snop  }
0x79: {  	[spmem:s11] =	stream.linear.scatter [tilespmem:s22], [sflag:$0x1], $0x2000, $0x38;
	[tilespmem:$0x1F000] =	vst v63  }
0x7a: {  	_ = 	snop  }
0x7b: {  	[spmem:s12] =	stream.linear.scatter [tilespmem:s22], [sflag:$0x1], $0x2000, $0x38;
	[tilespmem:$0x1F000] =	vst v63  }
0x7c: {  	_ = 	snop  }
0x7d: {  	[spmem:s13] =	stream.linear.scatter [tilespmem:s22], [sflag:$0x1], $0x2000, $0x38;
	[tilespmem:$0x1F000] =	vst v63  }
0x7e: {  	_ = 	snop  }
0x7f: {  	[spmem:s14] =	stream.linear.scatter [tilespmem:s22], [sflag:$0x1], $0x2000, $0x38;
	[tilespmem:$0x1F000] =	vst v63  }
0x80: {  	_ = 	snop  }
0x81: {  	[spmem:s15] =	stream.linear.scatter [tilespmem:s22], [sflag:$0x1], $0x2000, $0x38;
	[tilespmem:$0x1F000] =	vst v63  }
0x82: {  	_ =	swait.ge [sflag:s25], $0x2000  }
0x83: {  	[sflag:s25] =	ssyncset.done $0x0  }
0x84: {  	[sflag:s25] =	ssyncadd.s32 $0xFFFFE000  }
0x85: {  	_ =	swait.ge [sflag:s25], $0x2000  }
0x86: {  	[sflag:s25] =	ssyncset.done $0x0  }
0x87: {  	[sflag:s25] =	ssyncadd.s32 $0xFFFFE000  }
0x88: {  	_ =	swait.ge [sflag:s25], $0x2000  }
0x89: {  	[sflag:s25] =	ssyncset.done $0x0  }
0x8a: {  	[sflag:s25] =	ssyncadd.s32 $0xFFFFE000  }
0x8b: {  	_ =	swait.ge [sflag:s25], $0x2000  }
0x8c: {  	[sflag:s25] =	ssyncset.done $0x0  }
0x8d: {  	[sflag:s25] =	ssyncadd.s32 $0xFFFFE000  }
0x8e: {  	_ =	swait.ge [sflag:s25], $0x2000  }
0x8f: {  	[sflag:s25] =	ssyncset.done $0x0  }
0x90: {  	[sflag:s25] =	ssyncadd.s32 $0xFFFFE000  }
0x91: {  	_ =	swait.ge [sflag:s25], $0x2000  }
0x92: {  	[sflag:s25] =	ssyncset.done $0x0  }
0x93: {  	[sflag:s25] =	ssyncadd.s32 $0xFFFFE000  }
0x94: {  	_ =	swait.ge [sflag:s25], $0x2000  }
0x95: {  	[sflag:s25] =	ssyncset.done $0x0  }
0x96: {  	[sflag:s25] =	ssyncadd.s32 $0xFFFFE000  }
0x97: {  	_ =	swait.ge [sflag:s25], $0x2000  }
0x98: {  	[sflag:s25] =	ssyncset.done $0x0  }
0x99: {  	[sflag:s25] =	ssyncadd.s32 $0xFFFFE000  }
0x9a: {  	_ =	swait.ge [sflag:s25], $0x2000  }
0x9b: {  	[sflag:s25] =	ssyncset.done $0x0  }
0x9c: {  	[sflag:s25] =	ssyncadd.s32 $0xFFFFE000  }
0x9d: {  	_ =	swait.ge [sflag:s25], $0x2000  }
0x9e: {  	[sflag:s25] =	ssyncset.done $0x0  }
0x9f: {  	[sflag:s25] =	ssyncadd.s32 $0xFFFFE000  }
0xa0: {  	s4 =	simm.s32 $0x0;
	[bflag:$0x0] =	sbarrier.arrive $0xFFFF  }
0xa1: {  	[tilespmem:s28], [sflag:$0x2] =	stream.indirect.gather [hbm4b:s17+s26], $0x80, s4, s26, $0xb8;
	[tilespmem:$0x1F000] =	vst v63  }
0xa2: {  	_ =	swait.ge [sflag:s19], $0x4000  }
0xa3: {  	[sflag:s19] =	ssyncset.done $0x0  }
0xa4: {  	s21 =	simm.s32 $0x2800;
	[sflag:s19] =	ssyncadd.s32 $0xFFFFC000  }
0xa5: {  	[spmem:s2] =	stream.indirect.scatter.add.f32 [tilespmem:s28], [sflag:$0x2], $0x80, s21, s26, $0xb8;
	[tilespmem:$0x1F000] =	vst v63  }
0xa6: {  	_ =	swait.ge [sflag:s19], $0x4000  }
0xa7: {  	s1 =	simm.s32 $0x400;
	s0 =	simm.s32 $0x200;
	[sflag:s19] =	ssyncset.done $0x0  }
.LBB2_4:
0xa8: {  	s21 =	sshra.s32 s0, $0x2  }
0xa9: {  	[sflag:s19] =	ssyncadd.s32 $0xFFFFC000;
	s0 =	smov.u32 s1;
	s4 =	sadd.s32 $0x200, s1  }
0xaa: {  	[tilespmem:s28], [sflag:$0x2] =	stream.indirect.gather [hbm4b:s17+s26], $0x80, s21, s26, $0xb8;
	[tilespmem:$0x1F000] =	vst v63  }
0xab: {  	p0 =	sne.s32 s1, $0x9C00;
	_ =	swait.ge [sflag:s19], $0x4000  }
.Ltmp1:
0xac: {  	[sflag:s19] =	ssyncset.done $0x0;
	(pc) =	sbr.rel @p0 .LBB2_4-.Ltmp1, $4  }
0xad: {  	s1 =	sadd.s32 $0x2800, s21;
	[sflag:s19] =	ssyncadd.s32 $0xFFFFC000  }
0xae: {  	[spmem:s2] =	stream.indirect.scatter.add.f32 [tilespmem:s28], [sflag:$0x2], $0x80, s1, s26, $0xb8;
	[tilespmem:$0x1F000] =	vst v63  }
0xaf: {  	_ =	swait.ge [sflag:s19], $0x4000  }
0xb0: {  	s1 =	smov.u32 s4;
	[sflag:s19] =	ssyncset.done $0x0  }
0xb1: {  	s0 =	sshra.s32 s0, $0x2;
	[sflag:s19] =	ssyncadd.s32 $0xFFFFC000  }
0xb2: {  	[tilespmem:s28], [sflag:$0x2] =	stream.indirect.gather [hbm4b:s17+s26], $0x80, s0, s26, $0xb8;
	[tilespmem:$0x1F000] =	vst v63  }
0xb3: {  	_ =	swait.ge [sflag:s19], $0x4000  }
0xb4: {  	[sflag:s19] =	ssyncset.done $0x0  }
0xb5: {  	s0 =	sadd.s32 $0x2800, s0;
	[sflag:s19] =	ssyncadd.s32 $0xFFFFC000  }
0xb6: {  	[spmem:s2] =	stream.indirect.scatter.add.f32 [tilespmem:s28], [sflag:$0x2], $0x80, s0, s26, $0xb8;
	[tilespmem:$0x1F000] =	vst v63  }
0xb7: {  	_ =	swait.ge [sflag:s19], $0x4000  }
0xb8: {  	[sflag:s19] =	ssyncset.done $0x0  }
0xb9: {  	s29 =	sadd.s32 $0x1, s29;
	[sflag:s19] =	ssyncadd.s32 $0xFFFFC000  }
0xba: {  	p0 =	sne.s32 s29, s18;
	[bflag:$0x0] =	sbarrier.arrive $0xFFFF  }
0xbb: {  	[hbm:s24], [sflag:s30] =	dma.local [spmem:s31], $0x2800  }
.Ltmp2:
0xbc: {  	_ =	swait.ge [sflag:s19], $0x2800;
	(pc) =	sbr.rel @p0 .LBB2_1-.Ltmp2, $3  }
0xbd: {  	[sflag:s19] =	ssyncset.done $0x0  }
0xbe: {  	[sflag:s19] =	ssyncadd.s32 $0xFFFFD800  }
0xbf: {  	[bflag:$0x0] =	sbarrier.arrive $0xFFFF;
	_ =	sdelay $0x1  }
0xc0: {  	_ =	sfence.sel $0x180000  }
0xc1: {  	[bflag:$0x0] =	sbarrier.arrive $0xFFFF  }
0xc2: {  	_ =	strace $0x90000050  }
0xc3: {  	s0 =	stileid.u32;
	[bflag:$0x2] =	sbarrier.arrive $0xFFFF  }
0xc4: {  	p0 =	sne.s32 s0, $0x0;
	s0 =	rddreg [dreg:$0x2]  }
0xc5: {  	s0 =	sadd.s32 @!p0 $0x100000, s0  }
0xc6: {  	[sflag:s0] =	ssyncadd.tile.s32 @!p0 $0x1;
	_ =	shalt  }
.Lfunc_end2:
_tile_overlayer_lowered:
.L_overlay_start_2:
0xc7: {  	(tag) =	ssettag $0x2  }
0xc8: {  	s0 =	rddreg [dreg:$0x0];
	s2 =	stileid.u32  }
0xc9: {  	s1 =	rddreg [dreg:$0x1];
	p0 =	sne.s32 s2, $0x0  }
0xca: {  	s3 =	rddreg [dreg:$0x2];
	[bflag:$0x3] =	sbarrier.arrive $0xFFFF;
	s2 =	simm.s32 @!p0 $0x1C02  }
0xcb: {  	[timem:s3], [sflag:s2] =	dma.local @!p0 [hbm:s0], s1  }
0xcc: {  	s0 =	simm.s32 @!p0 $0x2  }
0xcd: {  	_ =	swait.ge @!p0 [sflag:s0], s1  }
0xce: {  	s1 =	ssub.s32 @!p0 $0x0, s1;
	[sflag:s0] =	ssyncset.done @!p0 $0x0  }
0xcf: {  	[sflag:s0] =	ssyncadd.s32 @!p0 s1  }
0xd0: {  	[bflag:$0x3] =	sbarrier.arrive $0xFFFF  }
0xd1: {  	_ =	shalt  }

// kernel: kernel.32.cloned.1.call-start
scs
__scs_entry_jumppad:
0x0: {  	(pc) =	sbr.rel $0x88, $3  }
0x1: {  	(tag) =	ssettag $0x0;
	lr =	simm.s32 $0x1  }
0x2: {  	[smem:$0x3F99] =	sst lr;
	_ =	strace $0xD0000000  }
0x3: {  	_ = 	snop  }
0x4: {  	_ = 	snop  }
0x5: {  	_ = 	snop  }
0x6: {  	_ = 	snop  }
0x7: {  	_ = 	snop  }
__scs_overlays_trampoline_lowered:
0x8: {  	[smem:$0x3FA8] =	sst s0  }
0x9: {  	[smem:$0x3FA9] =	sst s1  }
0xa: {  	[smem:$0x3FAA] =	sst s2  }
0xb: {  	[smem:$0x3FAB] =	sst s3  }
0xc: {  	[smem:$0x3FAC] =	sst s4  }
0xd: {  	[smem:$0x3FAD] =	sst s5  }
0xe: {  	[smem:$0x3FAE] =	sst s6  }
0xf: {  	[smem:$0x3FAF] =	sst s7  }
0x10: {  	[smem:$0x3FB0] =	sst s8  }
0x11: {  	[smem:$0x3FB1] =	sst s9;
	s0 =	simm.s32 @!p0 $0x0  }
0x12: {  	s1 =	sld [smem:$0x3F97];
	s0 =	simm.s32 @p0 $0x1  }
0x13: {  	[smem:$0x3FB2] =	sst s0;
	s0 =	simm.s32 @!p1 $0x0  }
0x14: {  	s2 =	sld [smem:$0x3F96];
	s0 =	simm.s32 @p1 $0x1  }
0x15: {  	[smem:$0x3FB3] =	sst s0;
	s0 =	simm.s32 @!p2 $0x0  }
0x16: {  	s3 =	sld [smem:$0x3FDB];
	s0 =	simm.s32 @p2 $0x1  }
0x17: {  	s4 =	simm.s32 $0x1BF5;
	[smem:$0x3FB5] =	sst s0  }
0x18: {  	s0 =	sld [smem:$0x3F98];
	_ =	swait.ge [sflag:s4], $0x0  }
0x19: {  	s7 =	sld [smem:$0x3F99]  }
0x1a: {  	s8 =	sadd.s32 $0xFFFFE003, lr  }
0x1b: {  	s9 =	sadd.s32 $0xFFFFFEF7, lr;
	s5 =	simm.s32 $0xFFFFFFFF;
	p2 =	slt.u32 s8, $0xFFFFF086  }
0x1c: {  	p1 =	slt.u32 s9, $0xF7A;
	s5 =	simm.s32 @!p2 $0x0  }
0x1d: {  	s5 =	simm.s32 @p1 $0x1;
	p0 =	seq.s32 s7, s2  }
0x1e: {  	s7 =	smul.u32 @!p0 $0xF7A, s2;
	p2 =	seq.s32 @!p0 s5, $0x0  }
0x1f: {  	s9 =	smul.u32 $0xF7A, s1;
	s8 =	simm.s32 @!p0 $0x1BF5;
	p2 =	por !p2, p0  }
0x20: {  	[sflag:s8] =	ssyncset.s32 @!p0 $0xFFFFF086;
	s6 =	sadd.s32 @!p0 s3, s7;
	s7 =	simm.s32 @!p0 $0x108  }
0x21: {  	s3 =	sadd.s32 s3, s9;
	s6 =	sadd.s32 @!p0 $0x88, s6;
	s7 =	simm.s32 @p2 $0x1082  }
0x22: {  	[simem:s7], [sflag:s8] =	dma.local @!p0 [hbm:s6], $0xF7A  }
0x23: {  	s9 =	sor.u32 $0xD0000000, s2;
	s6 =	simm.s32 $0x108;
	_ =	swait.ge @!p0 [sflag:s8], $0x0  }
0x24: {  	s3 =	sadd.s32 $0x88, s3;
	s6 =	simm.s32 @!p1 $0x1082;
	[sflag:s4] =	ssyncset.s32 $0xFFFFF086  }
0x25: {  	[simem:s6], [sflag:s4] =	dma.local [hbm:s3], $0xF7A  }
0x26: {  	[smem:$0x3F99] =	sst s1;
	(tag) =	ssettag s2;
	_ =	strace s9  }
0x27: {  	s1 =	sld [smem:$0x3FA9]  }
0x28: {  	s2 =	sld [smem:$0x3FAA]  }
0x29: {  	s4 =	sld [smem:$0x3FAC]  }
0x2a: {  	p0 =	seq.s32 s5, $0x0;
	s5 =	sld [smem:$0x3FAD]  }
0x2b: {  	s6 =	sld [smem:$0x3FAE]  }
0x2c: {  	s7 =	sld [smem:$0x3FAF]  }
0x2d: {  	s3 =	simm.s32 $0x108;
	s8 =	sld [smem:$0x3FB0]  }
0x2e: {  	s3 =	simm.s32 @!p0 $0x1082;
	s9 =	sld [smem:$0x3FB1]  }
0x2f: {  	lr =	sadd.s32 s0, s3;
	s0 =	sld [smem:$0x3FA8]  }
0x30: {  	s3 =	sld [smem:$0x3FAB]  }
0x31: {  	[smem:$0x3FB4] =	sst s10  }
0x32: {  	s10 =	sld [smem:$0x3FB2];
	_ =	sdelay $0x3  }
0x33: {  	p0 =	seq.s32 s10, $0x1;
	s10 =	sld [smem:$0x3FB4];
	_ =	sdelay $0x3  }
0x34: {  	[smem:$0x3FB4] =	sst s10  }
0x35: {  	s10 =	sld [smem:$0x3FB3];
	_ =	sdelay $0x3  }
0x36: {  	p1 =	seq.s32 s10, $0x1;
	s10 =	sld [smem:$0x3FB4];
	_ =	sdelay $0x3  }
0x37: {  	[smem:$0x3FB4] =	sst s10  }
0x38: {  	s10 =	sld [smem:$0x3FB5]  }
0x39: {  	_ = 	snop;
	(pc) =	sbr.ind lr, $3  }
0x3a: {  	_ = 	snop  }
0x3b: {  	_ = 	snop  }
0x3c: {  	p2 =	seq.s32 s10, $0x1;
	s10 =	sld [smem:$0x3FB4]  }
0x3d: {  	_ =	shalt  }
0x3e: {  	_ =	shalt  }
0x3f: {  	_ =	shalt  }
0x40: {  	_ =	shalt  }
0x41: {  	_ =	shalt  }
0x42: {  	_ =	shalt  }
0x43: {  	_ =	shalt  }
0x44: {  	_ =	shalt  }
0x45: {  	_ =	shalt  }
0x46: {  	_ =	shalt  }
0x47: {  	_ =	shalt  }
0x48: {  	_ =	shalt  }
0x49: {  	_ =	shalt  }
0x4a: {  	_ =	shalt  }
0x4b: {  	_ =	shalt  }
0x4c: {  	_ =	shalt  }
0x4d: {  	_ =	shalt  }
0x4e: {  	_ =	shalt  }
0x4f: {  	_ =	shalt  }
0x50: {  	_ =	shalt  }
0x51: {  	_ =	shalt  }
0x52: {  	_ =	shalt  }
0x53: {  	_ =	shalt  }
0x54: {  	_ =	shalt  }
0x55: {  	_ =	shalt  }
0x56: {  	_ =	shalt  }
0x57: {  	_ =	shalt  }
0x58: {  	_ =	shalt  }
0x59: {  	_ =	shalt  }
0x5a: {  	_ =	shalt  }
0x5b: {  	_ =	shalt  }
0x5c: {  	_ =	shalt  }
0x5d: {  	_ =	shalt  }
0x5e: {  	_ =	shalt  }
0x5f: {  	_ =	shalt  }
0x60: {  	_ =	shalt  }
0x61: {  	_ =	shalt  }
0x62: {  	_ =	shalt  }
0x63: {  	_ =	shalt  }
0x64: {  	_ =	shalt  }
0x65: {  	_ =	shalt  }
0x66: {  	_ =	shalt  }
0x67: {  	_ =	shalt  }
0x68: {  	_ =	shalt  }
0x69: {  	_ =	shalt  }
0x6a: {  	_ =	shalt  }
0x6b: {  	_ =	shalt  }
0x6c: {  	_ =	shalt  }
0x6d: {  	_ =	shalt  }
0x6e: {  	_ =	shalt  }
0x6f: {  	_ =	shalt  }
0x70: {  	_ =	shalt  }
0x71: {  	_ =	shalt  }
0x72: {  	_ =	shalt  }
0x73: {  	_ =	shalt  }
0x74: {  	_ =	shalt  }
0x75: {  	_ =	shalt  }
0x76: {  	_ =	shalt  }
0x77: {  	_ =	shalt  }
0x78: {  	_ =	shalt  }
0x79: {  	_ =	shalt  }
0x7a: {  	_ =	shalt  }
0x7b: {  	_ =	shalt  }
0x7c: {  	_ =	shalt  }
0x7d: {  	_ =	shalt  }
0x7e: {  	_ =	shalt  }
0x7f: {  	_ =	shalt  }
0x80: {  	_ =	shalt  }
0x81: {  	_ =	shalt  }
0x82: {  	_ =	shalt  }
0x83: {  	_ =	shalt  }
0x84: {  	_ =	shalt  }
0x85: {  	_ =	shalt  }
0x86: {  	_ =	shalt  }
0x87: {  	_ =	shalt  }
.Lfunc_end0:
.L_simem_size_0:
called_computation.4_lowered:
.L_overlay_start_0:
0x88: {  	s2 =	sld [smem:$0x3FD9]  }
0x89: {  	s3 =	sld [smem:$0x3FFE];
	_ =	sdelay $0x1  }
0x8a: {  	s1 =	srdreg.scid  }
0x8b: {  	s0 =	sand.u32 $0x1, s1  }
0x8c: {  	s17 =	sshll.u32 s0, $0xA;
	s2 =	sadd.s32 s3, s2  }
0x8d: {  	s2 =	sadd.s32 s2, s17  }
0x8e: {  	[smem:$0x3FC0] =	sst s2  }
0x8f: {  	_ = 	snop  }
0x90: {  	(tm) =	ssettm $0x1  }
0x91: {  	s18 =	sld [smem:$0x3FFB];
	_ =	sdelay $0x3  }
0x92: {  	_ =	strace s18  }
0x93: {  	s2 =	sld [smem:$0x3FFC];
	_ =	sdelay $0x3  }
0x94: {  	_ =	strace s2  }
0x95: {  	s2 =	sld [smem:$0x3FFD];
	_ =	sdelay $0x3  }
0x96: {  	_ =	strace s2  }
0x97: {  	_ =	strace $0x8FFFFFFF  }
0x98: {  	s19 =	sld [smem:$0x3FDB];
	_ =	sdelay $0x1  }
0x99: {  	s20 =	simm.s32 $_scs_section_size  }
0x9a: {  	s4 =	simm.s32 $_size__tile_overlayer_lowered;
	s5 =	simm.s32 $_tile_overlayer_lowered  }
0x9b: {  	s6 =	simm.s32 $0x1BFF;
	s21 =	sshll.u32 s5, $0x1;
	s3 =	sadd.s32 s20, s19  }
0x9c: {  	s22 =	simm.s32 $0x0;
	s4 =	sshll.u32 s4, $0x1;
	s5 =	sadd.s32 s21, s3  }
0x9d: {  	[timem:s22], [sflag:s6] =	dma.local [hbm:s5], s4  }
0x9e: {  	_ =	swait.ge [sflag:s6], s4  }
0x9f: {  	s4 =	ssub.s32 $0x0, s4;
	[sflag:s6] =	ssyncset.done $0x0  }
0xa0: {  	[sflag:s6] =	ssyncadd.s32 s4;
	_ =	sdelay $0x1  }
0xa1: {  	s23 =	simm.s32 $0x1B8B  }
0xa2: {  	_ =	swait.ge [sflag:s23], $0x1  }
0xa3: {  	[sflag:s23] =	ssyncset.done $0x0  }
0xa4: {  	[sflag:s23] =	ssyncadd.s32 $0xFFFFFFFF  }
0xa5: {  	s4 =	sld [smem:$0x0]  }
0xa6: {  	s5 =	sand.u32 $0xFFFFFFFE, s1  }
0xa7: {  	p0 =	sne.s32 s1, s5  }
0xa8: {  	s5 =	sshll.u32 @p0 s5, $0xE  }
0xa9: {  	s5 =	sadd.s32 @p0 $0x11B8D, s5;
	s6 =	sshll.u32 @p0 s4, $0x11  }
0xaa: {  	s5 =	sor.u32 @p0 s6, s5  }
0xab: {  	[sflag:s5] =	ssyncadd.remote.s32 @p0 $0x1;
	_ =	sdelay $0x1  }
0xac: {  	s5 =	simm.s32 @p0 $0x1B8D  }
0xad: {  	_ =	swait.eq @p0 [sflag:s5], $0x1  }
0xae: {  	[sflag:s5] =	ssyncadd.s32 @p0 $0xFFFFFFFF  }
0xaf: {  	s6 =	sshll.u32 @!p0 s1, $0xE  }
0xb0: {  	s6 =	sor.u32 @!p0 $0x4000, s6;
	s5 =	simm.s32 @!p0 $0x1B8D  }
0xb1: {  	s4 =	sshll.u32 @!p0 s4, $0x11;
	s6 =	sadd.s32 @!p0 $0x11B8D, s6;
	_ =	swait.eq @!p0 [sflag:s5], $0x1  }
0xb2: {  	s4 =	sor.u32 @!p0 s4, s6;
	[sflag:s5] =	ssyncadd.s32 @!p0 $0xFFFFFFFF  }
0xb3: {  	s25 =	simm.s32 $0x1B8E;
	s24 =	sld [smem:$0x3FFE];
	[sflag:s4] =	ssyncadd.remote.s32 @!p0 $0x1  }
0xb4: {  	s26 =	simm.s32 $execute0_lowered;
	[smem:$0x3FD2] =	sst s25  }
0xb5: {  	s5 =	sshll.u32 s26, $0x1;
	_ =	strace $0x80000052;
	[dreg:$0x1] =	wrdreg $0xFFFFFFFF  }
0xb6: {  	s28 =	simm.s32 $_size_execute0_lowered;
	s3 =	sadd.s32 s3, s5;
	[dreg:$0x0] =	wrdreg $0x0  }
0xb7: {  	s5 =	sshll.u32 s28, $0x1;
	[dreg:$0x2] =	wrdreg s3  }
0xb8: {  	[dreg:$0x3] =	wrdreg s5  }
0xb9: {  	[dreg:$0x4] =	wrdreg $0xC0  }
0xba: {  	_ =	task [dreg:s22], $0x5FFFF  }
0xbb: {  	[dreg:$0x1] =	wrdreg $0xFFFFFFFF  }
0xbc: {  	[dreg:$0x0] =	wrdreg $0x60  }
0xbd: {  	[dreg:$0x2] =	wrdreg s24  }
0xbe: {  	[dreg:$0x3] =	wrdreg $0xB0000  }
0xbf: {  	[dreg:$0x4] =	wrdreg $0xB  }
0xc0: {  	_ =	task.clear_ibuf [dreg:s22], $0x5FFFF;
	_ =	strace $0x90000052  }
0xc1: {  	s29 =	simm.s32 $0xB;
	_ =	strace $0x80000054  }
0xc2: {  	_ =	swait.ge [sflag:s29], $0x1  }
0xc3: {  	[sflag:s29] =	ssyncadd.s32 $0xFFFFFFFF  }
0xc4: {  	_ =	strace $0x90000054  }
0xc5: {  	_ =	sfence  }
0xc6: {  	s30 =	sld [smem:$0x0];
	_ =	sdelay $0x2  }
0xc7: {  	s31 =	sshll.u32 s1, $0xD;
	s1 =	sshrl.u32 s1, $0x2  }
0xc8: {  	s4 =	sand.u32 $0x4000, s31;
	s1 =	sadd.s32 s1, s30  }
0xc9: {  	s0 =	sor.u32 s4, s0;
	s1 =	sshll.u32 s1, $0x11  }
0xca: {  	s0 =	sor.u32 s1, s0  }
0xcb: {  	s0 =	sadd.s32 $0x8F2B, s0  }
0xcc: {  	[sflag:s0] =	ssyncadd.remote.s32 $0x1  }
0xcd: {  	_ =	sfence.sel $0xFFFF  }
0xce: {  	[dreg:$0x0] =	wrdreg $0xFFFFFFFF;
	(pc) =	sbr.abs _section_cstart, $3  }
0xcf: {  	[dreg:$0x1] =	wrdreg $0xFFFFFFFF  }
0xd0: {  	_ =	task.clear_ibuf [dreg:s22], $0x2FFFF;
	_ =	strace $0x9FFFFFFF  }
0xd1: {  	(tm) =	ssettm $0x7FFFFFFF  }
tec
execute0_lowered:
.L_overlay_start_1:
0x0: {  	(tag) =	ssettag $0x1  }
0x1: {  	s0 =	rddreg [dreg:$0x0]  }
0x2: {  	s2 =	rddreg [dreg:$0x1];
	s3 =	simm.s32 $0x0  }
0x3: {  	s4 =	stileid.u32;
	s1 =	srdreg.scid;
	s22 =	simm.s32 $0x9000  }
0x4: {  	s26 =	simm.s32 $0x80;
	s28 =	simm.s32 $0x5000;
	s29 =	simm.s32 $0x0  }
0x5: {  	[smem:$0x7FF] =	sst s3;
	s20 =	smul.u32 $0x500, s4;
	s17 =	sadd.s32 $0x5CF800, s0  }
0x6: {  	s1 =	sand.u32 $0x1, s1;
	s6 =	smul.u32 $0x50000, s4;
	s18 =	sadd.s32 $0x66F800, s0  }
0x7: {  	s8 =	sadd.s32 $0x5F400, s0;
	s24 =	smul.u32 $0x2800, s4;
	_ =	strace $0x80000053  }
0x8: {  	s5 =	ssub.s32 $0x2, s1;
	[dreg:$0x3] =	wrdreg s8;
	s1 =	smul.u32 $0x50000, s1  }
0x9: {  	s7 =	sadd.s32 s20, s0;
	s31 =	sshrl.u32 s5, $0x1;
	s6 =	sshrl.u32 s6, $0x2  }
0xa: {  	s0 =	sadd.s32 $0xA400, s0;
	s19 =	ssub.s32 s5, s31;
	s5 =	sadd.s32 $0x5400, s7  }
0xb: {  	s6 =	sadd.s32 s6, s2;
	s16 =	sadd.s32 s17, s1;
	s21 =	sadd.s32 $0x28000, s1  }
0xc: {  	s1 =	sadd.s32 s18, s1;
	s20 =	sadd.s32 s20, s0;
	s7 =	sadd.s32 $0x2000, s6  }
0xd: {  	s8 =	sadd.s32 $0x4000, s6;
	s9 =	sadd.s32 $0x6000, s6;
	s10 =	sadd.s32 $0x8000, s6  }
0xe: {  	s11 =	sadd.s32 $0xA000, s6;
	s12 =	sadd.s32 $0xC000, s6;
	s13 =	sadd.s32 $0xE000, s6  }
0xf: {  	s14 =	sadd.s32 $0x10000, s6;
	s15 =	sadd.s32 $0x12000, s6;
	s17 =	sadd.s32 s17, s21  }
0x10: {  	s25 =	sadd.s32 s18, s21;
	s18 =	smax.u32 s19, $0x1;
	s19 =	simm.s32 $0x2  }
0x11: {  	s23 =	sadd.s32 s24, s1;
	s24 =	sadd.s32 s24, s25;
	s25 =	simm.s32 $0x1  }
.LBB2_1:
0x12: {  	[tilespmem:s3], [sflag:$0x2] =	stream.linear.gather [hbm4b:s5+s3], $0x2780, $0x38;
	[tilespmem:$0x1F000] =	vst v63  }
0x13: {  	_ =	swait.ge [sflag:s19], $0x2780  }
0x14: {  	[sflag:s19] =	ssyncset.done $0x0  }
0x15: {  	s0 =	simm.s32 $0x2800;
	[sflag:s19] =	ssyncadd.s32 $0xFFFFD880  }
0x16: {  	[tilespmem:s0], [sflag:$0x2] =	stream.linear.gather [hbm4b:s20+s3], $0x2780, $0x38;
	[tilespmem:$0x1F000] =	vst v63  }
0x17: {  	_ =	swait.ge [sflag:s19], $0x2780  }
0x18: {  	[sflag:s19] =	ssyncset.done $0x0  }
0x19: {  	s4 =	rddreg [dreg:$0x3];
	[sflag:s19] =	ssyncadd.s32 $0xFFFFD880  }
0x1a: {  	[tilespmem:s22], [sflag:$0x2] =	stream.linear.gather [hbm4b:s4+s3], $0x2000, $0x38;
	[tilespmem:$0x1F000] =	vst v63  }
0x1b: {  	_ =	swait.ge [sflag:s19], $0x2000  }
0x1c: {  	[sflag:s19] =	ssyncset.done $0x0  }
0x1d: {  	[sflag:s19] =	ssyncadd.s32 $0xFFFFE000  }
0x1e: {  	[spmem:s6] =	stream.linear.scatter [tilespmem:s22], [sflag:$0x1], $0x2000, $0x38;
	[tilespmem:$0x1F000] =	vst v63  }
0x1f: {  	_ = 	snop  }
0x20: {  	[spmem:s7] =	stream.linear.scatter [tilespmem:s22], [sflag:$0x1], $0x2000, $0x38;
	[tilespmem:$0x1F000] =	vst v63  }
0x21: {  	_ = 	snop  }
0x22: {  	[spmem:s8] =	stream.linear.scatter [tilespmem:s22], [sflag:$0x1], $0x2000, $0x38;
	[tilespmem:$0x1F000] =	vst v63  }
0x23: {  	_ = 	snop  }
0x24: {  	[spmem:s9] =	stream.linear.scatter [tilespmem:s22], [sflag:$0x1], $0x2000, $0x38;
	[tilespmem:$0x1F000] =	vst v63  }
0x25: {  	_ = 	snop  }
0x26: {  	[spmem:s10] =	stream.linear.scatter [tilespmem:s22], [sflag:$0x1], $0x2000, $0x38;
	[tilespmem:$0x1F000] =	vst v63  }
0x27: {  	_ = 	snop  }
0x28: {  	[spmem:s11] =	stream.linear.scatter [tilespmem:s22], [sflag:$0x1], $0x2000, $0x38;
	[tilespmem:$0x1F000] =	vst v63  }
0x29: {  	_ = 	snop  }
0x2a: {  	[spmem:s12] =	stream.linear.scatter [tilespmem:s22], [sflag:$0x1], $0x2000, $0x38;
	[tilespmem:$0x1F000] =	vst v63  }
0x2b: {  	_ = 	snop  }
0x2c: {  	[spmem:s13] =	stream.linear.scatter [tilespmem:s22], [sflag:$0x1], $0x2000, $0x38;
	[tilespmem:$0x1F000] =	vst v63  }
0x2d: {  	_ = 	snop  }
0x2e: {  	[spmem:s14] =	stream.linear.scatter [tilespmem:s22], [sflag:$0x1], $0x2000, $0x38;
	[tilespmem:$0x1F000] =	vst v63  }
0x2f: {  	_ = 	snop  }
0x30: {  	[spmem:s15] =	stream.linear.scatter [tilespmem:s22], [sflag:$0x1], $0x2000, $0x38;
	[tilespmem:$0x1F000] =	vst v63  }
0x31: {  	_ =	swait.ge [sflag:s25], $0x2000  }
0x32: {  	[sflag:s25] =	ssyncset.done $0x0  }
0x33: {  	[sflag:s25] =	ssyncadd.s32 $0xFFFFE000  }
0x34: {  	_ =	swait.ge [sflag:s25], $0x2000  }
0x35: {  	[sflag:s25] =	ssyncset.done $0x0  }
0x36: {  	[sflag:s25] =	ssyncadd.s32 $0xFFFFE000  }
0x37: {  	_ =	swait.ge [sflag:s25], $0x2000  }
0x38: {  	[sflag:s25] =	ssyncset.done $0x0  }
0x39: {  	[sflag:s25] =	ssyncadd.s32 $0xFFFFE000  }
0x3a: {  	_ =	swait.ge [sflag:s25], $0x2000  }
0x3b: {  	[sflag:s25] =	ssyncset.done $0x0  }
0x3c: {  	[sflag:s25] =	ssyncadd.s32 $0xFFFFE000  }
0x3d: {  	_ =	swait.ge [sflag:s25], $0x2000  }
0x3e: {  	[sflag:s25] =	ssyncset.done $0x0  }
0x3f: {  	[sflag:s25] =	ssyncadd.s32 $0xFFFFE000  }
0x40: {  	_ =	swait.ge [sflag:s25], $0x2000  }
0x41: {  	[sflag:s25] =	ssyncset.done $0x0  }
0x42: {  	[sflag:s25] =	ssyncadd.s32 $0xFFFFE000  }
0x43: {  	_ =	swait.ge [sflag:s25], $0x2000  }
0x44: {  	[sflag:s25] =	ssyncset.done $0x0  }
0x45: {  	[sflag:s25] =	ssyncadd.s32 $0xFFFFE000  }
0x46: {  	_ =	swait.ge [sflag:s25], $0x2000  }
0x47: {  	[sflag:s25] =	ssyncset.done $0x0  }
0x48: {  	[sflag:s25] =	ssyncadd.s32 $0xFFFFE000  }
0x49: {  	_ =	swait.ge [sflag:s25], $0x2000  }
0x4a: {  	[sflag:s25] =	ssyncset.done $0x0  }
0x4b: {  	[sflag:s25] =	ssyncadd.s32 $0xFFFFE000  }
0x4c: {  	_ =	swait.ge [sflag:s25], $0x2000  }
0x4d: {  	[sflag:s25] =	ssyncset.done $0x0  }
0x4e: {  	[sflag:s25] =	ssyncadd.s32 $0xFFFFE000  }
0x4f: {  	s21 =	simm.s32 $0x0;
	[bflag:$0x0] =	sbarrier.arrive $0xFFFF  }
0x50: {  	[tilespmem:s28], [sflag:$0x2] =	stream.indirect.gather [hbm4b:s16+s26], $0x80, s21, s26, $0xb8;
	[tilespmem:$0x1F000] =	vst v63  }
0x51: {  	_ =	swait.ge [sflag:s19], $0x4000  }
0x52: {  	[sflag:s19] =	ssyncset.done $0x0  }
0x53: {  	s31 =	simm.s32 $0x2800;
	[sflag:s19] =	ssyncadd.s32 $0xFFFFC000  }
0x54: {  	[spmem:s2] =	stream.indirect.scatter.add.f32 [tilespmem:s28], [sflag:$0x2], $0x80, s31, s26, $0xb8;
	[tilespmem:$0x1F000] =	vst v63  }
0x55: {  	_ =	swait.ge [sflag:s19], $0x4000  }
0x56: {  	s30 =	simm.s32 $0x200;
	s0 =	simm.s32 $0x400;
	[sflag:s19] =	ssyncset.done $0x0  }
.LBB2_2:
0x57: {  	s1 =	sshra.s32 s30, $0x2  }
0x58: {  	[sflag:s19] =	ssyncadd.s32 $0xFFFFC000;
	s30 =	smov.u32 s0;
	s31 =	sadd.s32 $0x200, s0  }
0x59: {  	[tilespmem:s28], [sflag:$0x2] =	stream.indirect.gather [hbm4b:s16+s26], $0x80, s1, s26, $0xb8;
	[tilespmem:$0x1F000] =	vst v63  }
0x5a: {  	p0 =	sne.s32 s0, $0x9C00;
	_ =	swait.ge [sflag:s19], $0x4000  }
.Ltmp0:
0x5b: {  	[sflag:s19] =	ssyncset.done $0x0;
	(pc) =	sbr.rel @p0 .LBB2_2-.Ltmp0, $4  }
0x5c: {  	s0 =	sadd.s32 $0x2800, s1;
	[sflag:s19] =	ssyncadd.s32 $0xFFFFC000  }
0x5d: {  	[spmem:s2] =	stream.indirect.scatter.add.f32 [tilespmem:s28], [sflag:$0x2], $0x80, s0, s26, $0xb8;
	[tilespmem:$0x1F000] =	vst v63  }
0x5e: {  	_ =	swait.ge [sflag:s19], $0x4000  }
0x5f: {  	s0 =	smov.u32 s31;
	[sflag:s19] =	ssyncset.done $0x0  }
0x60: {  	s0 =	sshra.s32 s30, $0x2;
	[sflag:s19] =	ssyncadd.s32 $0xFFFFC000  }
0x61: {  	[tilespmem:s28], [sflag:$0x2] =	stream.indirect.gather [hbm4b:s16+s26], $0x80, s0, s26, $0xb8;
	[tilespmem:$0x1F000] =	vst v63  }
0x62: {  	_ =	swait.ge [sflag:s19], $0x4000  }
0x63: {  	[sflag:s19] =	ssyncset.done $0x0  }
0x64: {  	s0 =	sadd.s32 $0x2800, s0;
	[sflag:s19] =	ssyncadd.s32 $0xFFFFC000  }
0x65: {  	[spmem:s2] =	stream.indirect.scatter.add.f32 [tilespmem:s28], [sflag:$0x2], $0x80, s0, s26, $0xb8;
	[tilespmem:$0x1F000] =	vst v63  }
0x66: {  	_ =	swait.ge [sflag:s19], $0x4000  }
0x67: {  	s1 =	stileid.u32;
	[sflag:s19] =	ssyncset.done $0x0  }
0x68: {  	s0 =	sshll.u32 s1, $0x6;
	[sflag:s19] =	ssyncadd.s32 $0xFFFFC000  }
0x69: {  	s31 =	sshrl.u32 s6, $0x3;
	s30 =	sor.u32 $0x1C02, s0;
	[bflag:$0x0] =	sbarrier.arrive $0xFFFF  }
0x6a: {  	[hbm:s23], [sflag:s30] =	dma.local [spmem:s31], $0x2800  }
0x6b: {  	_ =	swait.ge [sflag:s19], $0x2800  }
0x6c: {  	[sflag:s19] =	ssyncset.done $0x0  }
0x6d: {  	[sflag:s19] =	ssyncadd.s32 $0xFFFFD800  }
0x6e: {  	[bflag:$0x0] =	sbarrier.arrive $0xFFFF  }
0x6f: {  	[spmem:s6] =	stream.linear.scatter [tilespmem:s22], [sflag:$0x1], $0x2000, $0x38;
	[tilespmem:$0x1F000] =	vst v63  }
0x70: {  	_ = 	snop  }
0x71: {  	[spmem:s7] =	stream.linear.scatter [tilespmem:s22], [sflag:$0x1], $0x2000, $0x38;
	[tilespmem:$0x1F000] =	vst v63  }
0x72: {  	_ = 	snop  }
0x73: {  	[spmem:s8] =	stream.linear.scatter [tilespmem:s22], [sflag:$0x1], $0x2000, $0x38;
	[tilespmem:$0x1F000] =	vst v63  }
0x74: {  	_ = 	snop  }
0x75: {  	[spmem:s9] =	stream.linear.scatter [tilespmem:s22], [sflag:$0x1], $0x2000, $0x38;
	[tilespmem:$0x1F000] =	vst v63  }
0x76: {  	_ = 	snop  }
0x77: {  	[spmem:s10] =	stream.linear.scatter [tilespmem:s22], [sflag:$0x1], $0x2000, $0x38;
	[tilespmem:$0x1F000] =	vst v63  }
0x78: {  	_ = 	snop  }
0x79: {  	[spmem:s11] =	stream.linear.scatter [tilespmem:s22], [sflag:$0x1], $0x2000, $0x38;
	[tilespmem:$0x1F000] =	vst v63  }
0x7a: {  	_ = 	snop  }
0x7b: {  	[spmem:s12] =	stream.linear.scatter [tilespmem:s22], [sflag:$0x1], $0x2000, $0x38;
	[tilespmem:$0x1F000] =	vst v63  }
0x7c: {  	_ = 	snop  }
0x7d: {  	[spmem:s13] =	stream.linear.scatter [tilespmem:s22], [sflag:$0x1], $0x2000, $0x38;
	[tilespmem:$0x1F000] =	vst v63  }
0x7e: {  	_ = 	snop  }
0x7f: {  	[spmem:s14] =	stream.linear.scatter [tilespmem:s22], [sflag:$0x1], $0x2000, $0x38;
	[tilespmem:$0x1F000] =	vst v63  }
0x80: {  	_ = 	snop  }
0x81: {  	[spmem:s15] =	stream.linear.scatter [tilespmem:s22], [sflag:$0x1], $0x2000, $0x38;
	[tilespmem:$0x1F000] =	vst v63  }
0x82: {  	_ =	swait.ge [sflag:s25], $0x2000  }
0x83: {  	[sflag:s25] =	ssyncset.done $0x0  }
0x84: {  	[sflag:s25] =	ssyncadd.s32 $0xFFFFE000  }
0x85: {  	_ =	swait.ge [sflag:s25], $0x2000  }
0x86: {  	[sflag:s25] =	ssyncset.done $0x0  }
0x87: {  	[sflag:s25] =	ssyncadd.s32 $0xFFFFE000  }
0x88: {  	_ =	swait.ge [sflag:s25], $0x2000  }
0x89: {  	[sflag:s25] =	ssyncset.done $0x0  }
0x8a: {  	[sflag:s25] =	ssyncadd.s32 $0xFFFFE000  }
0x8b: {  	_ =	swait.ge [sflag:s25], $0x2000  }
0x8c: {  	[sflag:s25] =	ssyncset.done $0x0  }
0x8d: {  	[sflag:s25] =	ssyncadd.s32 $0xFFFFE000  }
0x8e: {  	_ =	swait.ge [sflag:s25], $0x2000  }
0x8f: {  	[sflag:s25] =	ssyncset.done $0x0  }
0x90: {  	[sflag:s25] =	ssyncadd.s32 $0xFFFFE000  }
0x91: {  	_ =	swait.ge [sflag:s25], $0x2000  }
0x92: {  	[sflag:s25] =	ssyncset.done $0x0  }
0x93: {  	[sflag:s25] =	ssyncadd.s32 $0xFFFFE000  }
0x94: {  	_ =	swait.ge [sflag:s25], $0x2000  }
0x95: {  	[sflag:s25] =	ssyncset.done $0x0  }
0x96: {  	[sflag:s25] =	ssyncadd.s32 $0xFFFFE000  }
0x97: {  	_ =	swait.ge [sflag:s25], $0x2000  }
0x98: {  	[sflag:s25] =	ssyncset.done $0x0  }
0x99: {  	[sflag:s25] =	ssyncadd.s32 $0xFFFFE000  }
0x9a: {  	_ =	swait.ge [sflag:s25], $0x2000  }
0x9b: {  	[sflag:s25] =	ssyncset.done $0x0  }
0x9c: {  	[sflag:s25] =	ssyncadd.s32 $0xFFFFE000  }
0x9d: {  	_ =	swait.ge [sflag:s25], $0x2000  }
0x9e: {  	[sflag:s25] =	ssyncset.done $0x0  }
0x9f: {  	[sflag:s25] =	ssyncadd.s32 $0xFFFFE000  }
0xa0: {  	s4 =	simm.s32 $0x0;
	[bflag:$0x0] =	sbarrier.arrive $0xFFFF  }
0xa1: {  	[tilespmem:s28], [sflag:$0x2] =	stream.indirect.gather [hbm4b:s17+s26], $0x80, s4, s26, $0xb8;
	[tilespmem:$0x1F000] =	vst v63  }
0xa2: {  	_ =	swait.ge [sflag:s19], $0x4000  }
0xa3: {  	[sflag:s19] =	ssyncset.done $0x0  }
0xa4: {  	s21 =	simm.s32 $0x2800;
	[sflag:s19] =	ssyncadd.s32 $0xFFFFC000  }
0xa5: {  	[spmem:s2] =	stream.indirect.scatter.add.f32 [tilespmem:s28], [sflag:$0x2], $0x80, s21, s26, $0xb8;
	[tilespmem:$0x1F000] =	vst v63  }
0xa6: {  	_ =	swait.ge [sflag:s19], $0x4000  }
0xa7: {  	s1 =	simm.s32 $0x400;
	s0 =	simm.s32 $0x200;
	[sflag:s19] =	ssyncset.done $0x0  }
.LBB2_4:
0xa8: {  	s21 =	sshra.s32 s0, $0x2  }
0xa9: {  	[sflag:s19] =	ssyncadd.s32 $0xFFFFC000;
	s0 =	smov.u32 s1;
	s4 =	sadd.s32 $0x200, s1  }
0xaa: {  	[tilespmem:s28], [sflag:$0x2] =	stream.indirect.gather [hbm4b:s17+s26], $0x80, s21, s26, $0xb8;
	[tilespmem:$0x1F000] =	vst v63  }
0xab: {  	p0 =	sne.s32 s1, $0x9C00;
	_ =	swait.ge [sflag:s19], $0x4000  }
.Ltmp1:
0xac: {  	[sflag:s19] =	ssyncset.done $0x0;
	(pc) =	sbr.rel @p0 .LBB2_4-.Ltmp1, $4  }
0xad: {  	s1 =	sadd.s32 $0x2800, s21;
	[sflag:s19] =	ssyncadd.s32 $0xFFFFC000  }
0xae: {  	[spmem:s2] =	stream.indirect.scatter.add.f32 [tilespmem:s28], [sflag:$0x2], $0x80, s1, s26, $0xb8;
	[tilespmem:$0x1F000] =	vst v63  }
0xaf: {  	_ =	swait.ge [sflag:s19], $0x4000  }
0xb0: {  	s1 =	smov.u32 s4;
	[sflag:s19] =	ssyncset.done $0x0  }
0xb1: {  	s0 =	sshra.s32 s0, $0x2;
	[sflag:s19] =	ssyncadd.s32 $0xFFFFC000  }
0xb2: {  	[tilespmem:s28], [sflag:$0x2] =	stream.indirect.gather [hbm4b:s17+s26], $0x80, s0, s26, $0xb8;
	[tilespmem:$0x1F000] =	vst v63  }
0xb3: {  	_ =	swait.ge [sflag:s19], $0x4000  }
0xb4: {  	[sflag:s19] =	ssyncset.done $0x0  }
0xb5: {  	s0 =	sadd.s32 $0x2800, s0;
	[sflag:s19] =	ssyncadd.s32 $0xFFFFC000  }
0xb6: {  	[spmem:s2] =	stream.indirect.scatter.add.f32 [tilespmem:s28], [sflag:$0x2], $0x80, s0, s26, $0xb8;
	[tilespmem:$0x1F000] =	vst v63  }
0xb7: {  	_ =	swait.ge [sflag:s19], $0x4000  }
0xb8: {  	[sflag:s19] =	ssyncset.done $0x0  }
0xb9: {  	s29 =	sadd.s32 $0x1, s29;
	[sflag:s19] =	ssyncadd.s32 $0xFFFFC000  }
0xba: {  	p0 =	sne.s32 s29, s18;
	[bflag:$0x0] =	sbarrier.arrive $0xFFFF  }
0xbb: {  	[hbm:s24], [sflag:s30] =	dma.local [spmem:s31], $0x2800  }
.Ltmp2:
0xbc: {  	_ =	swait.ge [sflag:s19], $0x2800;
	(pc) =	sbr.rel @p0 .LBB2_1-.Ltmp2, $3  }
0xbd: {  	[sflag:s19] =	ssyncset.done $0x0  }
0xbe: {  	[sflag:s19] =	ssyncadd.s32 $0xFFFFD800  }
0xbf: {  	[bflag:$0x0] =	sbarrier.arrive $0xFFFF;
	_ =	sdelay $0x1  }
0xc0: {  	_ =	sfence.sel $0x180000  }
0xc1: {  	[bflag:$0x0] =	sbarrier.arrive $0xFFFF  }
0xc2: {  	_ =	strace $0x90000053  }
0xc3: {  	s0 =	stileid.u32;
	[bflag:$0x2] =	sbarrier.arrive $0xFFFF  }
0xc4: {  	p0 =	sne.s32 s0, $0x0;
	s0 =	rddreg [dreg:$0x2]  }
0xc5: {  	s0 =	sadd.s32 @!p0 $0x100000, s0  }
0xc6: {  	[sflag:s0] =	ssyncadd.tile.s32 @!p0 $0x1;
	_ =	shalt  }
.Lfunc_end2:
_tile_overlayer_lowered:
.L_overlay_start_2:
0xc7: {  	(tag) =	ssettag $0x2  }
0xc8: {  	s0 =	rddreg [dreg:$0x0];
	s2 =	stileid.u32  }
0xc9: {  	s1 =	rddreg [dreg:$0x1];
	p0 =	sne.s32 s2, $0x0  }
0xca: {  	s3 =	rddreg [dreg:$0x2];
	[bflag:$0x3] =	sbarrier.arrive $0xFFFF;
	s2 =	simm.s32 @!p0 $0x1C02  }
0xcb: {  	[timem:s3], [sflag:s2] =	dma.local @!p0 [hbm:s0], s1  }
0xcc: {  	s0 =	simm.s32 @!p0 $0x2  }
0xcd: {  	_ =	swait.ge @!p0 [sflag:s0], s1  }
0xce: {  	s1 =	ssub.s32 @!p0 $0x0, s1;
	[sflag:s0] =	ssyncset.done @!p0 $0x0  }
0xcf: {  	[sflag:s0] =	ssyncadd.s32 @!p0 s1  }
0xd0: {  	[bflag:$0x3] =	sbarrier.arrive $0xFFFF  }
0xd1: {  	_ =	shalt  }

// kernel: kernel.35.cloned.1.call-start
scs
__scs_entry_jumppad:
0x0: {  	(pc) =	sbr.rel $0x88, $3  }
0x1: {  	(tag) =	ssettag $0x0;
	lr =	simm.s32 $0x1  }
0x2: {  	[smem:$0x3F99] =	sst lr;
	_ =	strace $0xD0000000  }
0x3: {  	_ = 	snop  }
0x4: {  	_ = 	snop  }
0x5: {  	_ = 	snop  }
0x6: {  	_ = 	snop  }
0x7: {  	_ = 	snop  }
__scs_overlays_trampoline_lowered:
0x8: {  	[smem:$0x3FA8] =	sst s0  }
0x9: {  	[smem:$0x3FA9] =	sst s1  }
0xa: {  	[smem:$0x3FAA] =	sst s2  }
0xb: {  	[smem:$0x3FAB] =	sst s3  }
0xc: {  	[smem:$0x3FAC] =	sst s4  }
0xd: {  	[smem:$0x3FAD] =	sst s5  }
0xe: {  	[smem:$0x3FAE] =	sst s6  }
0xf: {  	[smem:$0x3FAF] =	sst s7  }
0x10: {  	[smem:$0x3FB0] =	sst s8  }
0x11: {  	[smem:$0x3FB1] =	sst s9;
	s0 =	simm.s32 @!p0 $0x0  }
0x12: {  	s1 =	sld [smem:$0x3F97];
	s0 =	simm.s32 @p0 $0x1  }
0x13: {  	[smem:$0x3FB2] =	sst s0;
	s0 =	simm.s32 @!p1 $0x0  }
0x14: {  	s2 =	sld [smem:$0x3F96];
	s0 =	simm.s32 @p1 $0x1  }
0x15: {  	[smem:$0x3FB3] =	sst s0;
	s0 =	simm.s32 @!p2 $0x0  }
0x16: {  	s3 =	sld [smem:$0x3FDB];
	s0 =	simm.s32 @p2 $0x1  }
0x17: {  	s4 =	simm.s32 $0x1BF5;
	[smem:$0x3FB5] =	sst s0  }
0x18: {  	s0 =	sld [smem:$0x3F98];
	_ =	swait.ge [sflag:s4], $0x0  }
0x19: {  	s7 =	sld [smem:$0x3F99]  }
0x1a: {  	s8 =	sadd.s32 $0xFFFFE003, lr  }
0x1b: {  	s9 =	sadd.s32 $0xFFFFFEF7, lr;
	s5 =	simm.s32 $0xFFFFFFFF;
	p2 =	slt.u32 s8, $0xFFFFF086  }
0x1c: {  	p1 =	slt.u32 s9, $0xF7A;
	s5 =	simm.s32 @!p2 $0x0  }
0x1d: {  	s5 =	simm.s32 @p1 $0x1;
	p0 =	seq.s32 s7, s2  }
0x1e: {  	s7 =	smul.u32 @!p0 $0xF7A, s2;
	p2 =	seq.s32 @!p0 s5, $0x0  }
0x1f: {  	s9 =	smul.u32 $0xF7A, s1;
	s8 =	simm.s32 @!p0 $0x1BF5;
	p2 =	por !p2, p0  }
0x20: {  	[sflag:s8] =	ssyncset.s32 @!p0 $0xFFFFF086;
	s6 =	sadd.s32 @!p0 s3, s7;
	s7 =	simm.s32 @!p0 $0x108  }
0x21: {  	s3 =	sadd.s32 s3, s9;
	s6 =	sadd.s32 @!p0 $0x88, s6;
	s7 =	simm.s32 @p2 $0x1082  }
0x22: {  	[simem:s7], [sflag:s8] =	dma.local @!p0 [hbm:s6], $0xF7A  }
0x23: {  	s9 =	sor.u32 $0xD0000000, s2;
	s6 =	simm.s32 $0x108;
	_ =	swait.ge @!p0 [sflag:s8], $0x0  }
0x24: {  	s3 =	sadd.s32 $0x88, s3;
	s6 =	simm.s32 @!p1 $0x1082;
	[sflag:s4] =	ssyncset.s32 $0xFFFFF086  }
0x25: {  	[simem:s6], [sflag:s4] =	dma.local [hbm:s3], $0xF7A  }
0x26: {  	[smem:$0x3F99] =	sst s1;
	(tag) =	ssettag s2;
	_ =	strace s9  }
0x27: {  	s1 =	sld [smem:$0x3FA9]  }
0x28: {  	s2 =	sld [smem:$0x3FAA]  }
0x29: {  	s4 =	sld [smem:$0x3FAC]  }
0x2a: {  	p0 =	seq.s32 s5, $0x0;
	s5 =	sld [smem:$0x3FAD]  }
0x2b: {  	s6 =	sld [smem:$0x3FAE]  }
0x2c: {  	s7 =	sld [smem:$0x3FAF]  }
0x2d: {  	s3 =	simm.s32 $0x108;
	s8 =	sld [smem:$0x3FB0]  }
0x2e: {  	s3 =	simm.s32 @!p0 $0x1082;
	s9 =	sld [smem:$0x3FB1]  }
0x2f: {  	lr =	sadd.s32 s0, s3;
	s0 =	sld [smem:$0x3FA8]  }
0x30: {  	s3 =	sld [smem:$0x3FAB]  }
0x31: {  	[smem:$0x3FB4] =	sst s10  }
0x32: {  	s10 =	sld [smem:$0x3FB2];
	_ =	sdelay $0x3  }
0x33: {  	p0 =	seq.s32 s10, $0x1;
	s10 =	sld [smem:$0x3FB4];
	_ =	sdelay $0x3  }
0x34: {  	[smem:$0x3FB4] =	sst s10  }
0x35: {  	s10 =	sld [smem:$0x3FB3];
	_ =	sdelay $0x3  }
0x36: {  	p1 =	seq.s32 s10, $0x1;
	s10 =	sld [smem:$0x3FB4];
	_ =	sdelay $0x3  }
0x37: {  	[smem:$0x3FB4] =	sst s10  }
0x38: {  	s10 =	sld [smem:$0x3FB5]  }
0x39: {  	_ = 	snop;
	(pc) =	sbr.ind lr, $3  }
0x3a: {  	_ = 	snop  }
0x3b: {  	_ = 	snop  }
0x3c: {  	p2 =	seq.s32 s10, $0x1;
	s10 =	sld [smem:$0x3FB4]  }
0x3d: {  	_ =	shalt  }
0x3e: {  	_ =	shalt  }
0x3f: {  	_ =	shalt  }
0x40: {  	_ =	shalt  }
0x41: {  	_ =	shalt  }
0x42: {  	_ =	shalt  }
0x43: {  	_ =	shalt  }
0x44: {  	_ =	shalt  }
0x45: {  	_ =	shalt  }
0x46: {  	_ =	shalt  }
0x47: {  	_ =	shalt  }
0x48: {  	_ =	shalt  }
0x49: {  	_ =	shalt  }
0x4a: {  	_ =	shalt  }
0x4b: {  	_ =	shalt  }
0x4c: {  	_ =	shalt  }
0x4d: {  	_ =	shalt  }
0x4e: {  	_ =	shalt  }
0x4f: {  	_ =	shalt  }
0x50: {  	_ =	shalt  }
0x51: {  	_ =	shalt  }
0x52: {  	_ =	shalt  }
0x53: {  	_ =	shalt  }
0x54: {  	_ =	shalt  }
0x55: {  	_ =	shalt  }
0x56: {  	_ =	shalt  }
0x57: {  	_ =	shalt  }
0x58: {  	_ =	shalt  }
0x59: {  	_ =	shalt  }
0x5a: {  	_ =	shalt  }
0x5b: {  	_ =	shalt  }
0x5c: {  	_ =	shalt  }
0x5d: {  	_ =	shalt  }
0x5e: {  	_ =	shalt  }
0x5f: {  	_ =	shalt  }
0x60: {  	_ =	shalt  }
0x61: {  	_ =	shalt  }
0x62: {  	_ =	shalt  }
0x63: {  	_ =	shalt  }
0x64: {  	_ =	shalt  }
0x65: {  	_ =	shalt  }
0x66: {  	_ =	shalt  }
0x67: {  	_ =	shalt  }
0x68: {  	_ =	shalt  }
0x69: {  	_ =	shalt  }
0x6a: {  	_ =	shalt  }
0x6b: {  	_ =	shalt  }
0x6c: {  	_ =	shalt  }
0x6d: {  	_ =	shalt  }
0x6e: {  	_ =	shalt  }
0x6f: {  	_ =	shalt  }
0x70: {  	_ =	shalt  }
0x71: {  	_ =	shalt  }
0x72: {  	_ =	shalt  }
0x73: {  	_ =	shalt  }
0x74: {  	_ =	shalt  }
0x75: {  	_ =	shalt  }
0x76: {  	_ =	shalt  }
0x77: {  	_ =	shalt  }
0x78: {  	_ =	shalt  }
0x79: {  	_ =	shalt  }
0x7a: {  	_ =	shalt  }
0x7b: {  	_ =	shalt  }
0x7c: {  	_ =	shalt  }
0x7d: {  	_ =	shalt  }
0x7e: {  	_ =	shalt  }
0x7f: {  	_ =	shalt  }
0x80: {  	_ =	shalt  }
0x81: {  	_ =	shalt  }
0x82: {  	_ =	shalt  }
0x83: {  	_ =	shalt  }
0x84: {  	_ =	shalt  }
0x85: {  	_ =	shalt  }
0x86: {  	_ =	shalt  }
0x87: {  	_ =	shalt  }
.Lfunc_end0:
.L_simem_size_0:
called_computation.5_lowered:
.L_overlay_start_0:
0x88: {  	s2 =	sld [smem:$0x3FD9]  }
0x89: {  	s3 =	sld [smem:$0x3FFE];
	_ =	sdelay $0x1  }
0x8a: {  	s1 =	srdreg.scid  }
0x8b: {  	s0 =	sand.u32 $0x1, s1  }
0x8c: {  	s17 =	sshll.u32 s0, $0xA;
	s2 =	sadd.s32 s3, s2  }
0x8d: {  	s2 =	sadd.s32 s2, s17  }
0x8e: {  	[smem:$0x3FC0] =	sst s2  }
0x8f: {  	_ = 	snop  }
0x90: {  	(tm) =	ssettm $0x1  }
0x91: {  	s18 =	sld [smem:$0x3FFB];
	_ =	sdelay $0x3  }
0x92: {  	_ =	strace s18  }
0x93: {  	s2 =	sld [smem:$0x3FFC];
	_ =	sdelay $0x3  }
0x94: {  	_ =	strace s2  }
0x95: {  	s2 =	sld [smem:$0x3FFD];
	_ =	sdelay $0x3  }
0x96: {  	_ =	strace s2  }
0x97: {  	_ =	strace $0x8FFFFFFF  }
0x98: {  	s19 =	sld [smem:$0x3FDB];
	_ =	sdelay $0x1  }
0x99: {  	s20 =	simm.s32 $_scs_section_size  }
0x9a: {  	s4 =	simm.s32 $_size__tile_overlayer_lowered;
	s5 =	simm.s32 $_tile_overlayer_lowered  }
0x9b: {  	s6 =	simm.s32 $0x1BFF;
	s21 =	sshll.u32 s5, $0x1;
	s3 =	sadd.s32 s20, s19  }
0x9c: {  	s22 =	simm.s32 $0x0;
	s4 =	sshll.u32 s4, $0x1;
	s5 =	sadd.s32 s21, s3  }
0x9d: {  	[timem:s22], [sflag:s6] =	dma.local [hbm:s5], s4  }
0x9e: {  	_ =	swait.ge [sflag:s6], s4  }
0x9f: {  	s4 =	ssub.s32 $0x0, s4;
	[sflag:s6] =	ssyncset.done $0x0  }
0xa0: {  	[sflag:s6] =	ssyncadd.s32 s4;
	_ =	sdelay $0x1  }
0xa1: {  	s23 =	simm.s32 $0x1B8B  }
0xa2: {  	_ =	swait.ge [sflag:s23], $0x1  }
0xa3: {  	[sflag:s23] =	ssyncset.done $0x0  }
0xa4: {  	[sflag:s23] =	ssyncadd.s32 $0xFFFFFFFF  }
0xa5: {  	s4 =	sld [smem:$0x0]  }
0xa6: {  	s5 =	sand.u32 $0xFFFFFFFE, s1  }
0xa7: {  	p0 =	sne.s32 s1, s5  }
0xa8: {  	s5 =	sshll.u32 @p0 s5, $0xE  }
0xa9: {  	s5 =	sadd.s32 @p0 $0x11B8D, s5;
	s6 =	sshll.u32 @p0 s4, $0x11  }
0xaa: {  	s5 =	sor.u32 @p0 s6, s5  }
0xab: {  	[sflag:s5] =	ssyncadd.remote.s32 @p0 $0x1;
	_ =	sdelay $0x1  }
0xac: {  	s5 =	simm.s32 @p0 $0x1B8D  }
0xad: {  	_ =	swait.eq @p0 [sflag:s5], $0x1  }
0xae: {  	[sflag:s5] =	ssyncadd.s32 @p0 $0xFFFFFFFF  }
0xaf: {  	s6 =	sshll.u32 @!p0 s1, $0xE  }
0xb0: {  	s6 =	sor.u32 @!p0 $0x4000, s6;
	s5 =	simm.s32 @!p0 $0x1B8D  }
0xb1: {  	s4 =	sshll.u32 @!p0 s4, $0x11;
	s6 =	sadd.s32 @!p0 $0x11B8D, s6;
	_ =	swait.eq @!p0 [sflag:s5], $0x1  }
0xb2: {  	s4 =	sor.u32 @!p0 s4, s6;
	[sflag:s5] =	ssyncadd.s32 @!p0 $0xFFFFFFFF  }
0xb3: {  	s25 =	simm.s32 $0x1B8E;
	s24 =	sld [smem:$0x3FFE];
	[sflag:s4] =	ssyncadd.remote.s32 @!p0 $0x1  }
0xb4: {  	s26 =	simm.s32 $execute0_lowered;
	[smem:$0x3FD2] =	sst s25  }
0xb5: {  	s5 =	sshll.u32 s26, $0x1;
	_ =	strace $0x80000055;
	[dreg:$0x1] =	wrdreg $0xFFFFFFFF  }
0xb6: {  	s28 =	simm.s32 $_size_execute0_lowered;
	s3 =	sadd.s32 s3, s5;
	[dreg:$0x0] =	wrdreg $0x0  }
0xb7: {  	s5 =	sshll.u32 s28, $0x1;
	[dreg:$0x2] =	wrdreg s3  }
0xb8: {  	[dreg:$0x3] =	wrdreg s5  }
0xb9: {  	[dreg:$0x4] =	wrdreg $0xC0  }
0xba: {  	_ =	task [dreg:s22], $0x5FFFF  }
0xbb: {  	[dreg:$0x1] =	wrdreg $0xFFFFFFFF  }
0xbc: {  	[dreg:$0x0] =	wrdreg $0x60  }
0xbd: {  	[dreg:$0x2] =	wrdreg s24  }
0xbe: {  	[dreg:$0x3] =	wrdreg $0xB0000  }
0xbf: {  	[dreg:$0x4] =	wrdreg $0xC  }
0xc0: {  	_ =	task.clear_ibuf [dreg:s22], $0x5FFFF;
	_ =	strace $0x90000055  }
0xc1: {  	s29 =	simm.s32 $0xC;
	_ =	strace $0x80000057  }
0xc2: {  	_ =	swait.ge [sflag:s29], $0x1  }
0xc3: {  	[sflag:s29] =	ssyncadd.s32 $0xFFFFFFFF  }
0xc4: {  	_ =	strace $0x90000057  }
0xc5: {  	_ =	sfence  }
0xc6: {  	s30 =	sld [smem:$0x0];
	_ =	sdelay $0x2  }
0xc7: {  	s31 =	sshll.u32 s1, $0xD;
	s1 =	sshrl.u32 s1, $0x2  }
0xc8: {  	s4 =	sand.u32 $0x4000, s31;
	s1 =	sadd.s32 s1, s30  }
0xc9: {  	s0 =	sor.u32 s4, s0;
	s1 =	sshll.u32 s1, $0x11  }
0xca: {  	s0 =	sor.u32 s1, s0  }
0xcb: {  	s0 =	sadd.s32 $0x8F2B, s0  }
0xcc: {  	[sflag:s0] =	ssyncadd.remote.s32 $0x1  }
0xcd: {  	_ =	sfence.sel $0xFFFF  }
0xce: {  	[dreg:$0x0] =	wrdreg $0xFFFFFFFF;
	(pc) =	sbr.abs _section_cstart, $3  }
0xcf: {  	[dreg:$0x1] =	wrdreg $0xFFFFFFFF  }
0xd0: {  	_ =	task.clear_ibuf [dreg:s22], $0x2FFFF;
	_ =	strace $0x9FFFFFFF  }
0xd1: {  	(tm) =	ssettm $0x7FFFFFFF  }
tec
execute0_lowered:
.L_overlay_start_1:
0x0: {  	(tag) =	ssettag $0x1  }
0x1: {  	s0 =	rddreg [dreg:$0x0]  }
0x2: {  	s2 =	rddreg [dreg:$0x1];
	s3 =	simm.s32 $0x0  }
0x3: {  	s4 =	stileid.u32;
	s1 =	srdreg.scid;
	s22 =	simm.s32 $0x9000  }
0x4: {  	s26 =	simm.s32 $0x80;
	s28 =	simm.s32 $0x5000;
	s29 =	simm.s32 $0x0  }
0x5: {  	[smem:$0x7FF] =	sst s3;
	s20 =	smul.u32 $0x500, s4;
	s1 =	sand.u32 $0x1, s1  }
0x6: {  	s17 =	sadd.s32 $0x70F800, s0;
	s6 =	smul.u32 $0x50000, s4;
	s8 =	sadd.s32 $0x5F400, s0  }
0x7: {  	s18 =	sadd.s32 $0x5F800, s0;
	s24 =	smul.u32 $0x2800, s4;
	_ =	strace $0x80000056  }
0x8: {  	s5 =	ssub.s32 $0x2, s1;
	[dreg:$0x3] =	wrdreg s8;
	s1 =	smul.u32 $0x50000, s1  }
0x9: {  	s7 =	sadd.s32 s20, s0;
	s31 =	sshrl.u32 s5, $0x1;
	s6 =	sshrl.u32 s6, $0x2  }
0xa: {  	s0 =	sadd.s32 $0xA400, s0;
	s19 =	ssub.s32 s5, s31;
	s5 =	sadd.s32 $0x5400, s7  }
0xb: {  	s6 =	sadd.s32 s6, s2;
	s16 =	sadd.s32 s17, s1;
	s21 =	sadd.s32 $0x28000, s1  }
0xc: {  	s1 =	sadd.s32 s18, s1;
	s20 =	sadd.s32 s20, s0;
	s7 =	sadd.s32 $0x2000, s6  }
0xd: {  	s8 =	sadd.s32 $0x4000, s6;
	s9 =	sadd.s32 $0x6000, s6;
	s10 =	sadd.s32 $0x8000, s6  }
0xe: {  	s11 =	sadd.s32 $0xA000, s6;
	s12 =	sadd.s32 $0xC000, s6;
	s13 =	sadd.s32 $0xE000, s6  }
0xf: {  	s14 =	sadd.s32 $0x10000, s6;
	s15 =	sadd.s32 $0x12000, s6;
	s17 =	sadd.s32 s17, s21  }
0x10: {  	s25 =	sadd.s32 s18, s21;
	s18 =	smax.u32 s19, $0x1;
	s19 =	simm.s32 $0x2  }
0x11: {  	s23 =	sadd.s32 s24, s1;
	s24 =	sadd.s32 s24, s25;
	s25 =	simm.s32 $0x1  }
.LBB2_1:
0x12: {  	[tilespmem:s3], [sflag:$0x2] =	stream.linear.gather [hbm4b:s5+s3], $0x2780, $0x38;
	[tilespmem:$0x1F000] =	vst v63  }
0x13: {  	_ =	swait.ge [sflag:s19], $0x2780  }
0x14: {  	[sflag:s19] =	ssyncset.done $0x0  }
0x15: {  	s0 =	simm.s32 $0x2800;
	[sflag:s19] =	ssyncadd.s32 $0xFFFFD880  }
0x16: {  	[tilespmem:s0], [sflag:$0x2] =	stream.linear.gather [hbm4b:s20+s3], $0x2780, $0x38;
	[tilespmem:$0x1F000] =	vst v63  }
0x17: {  	_ =	swait.ge [sflag:s19], $0x2780  }
0x18: {  	[sflag:s19] =	ssyncset.done $0x0  }
0x19: {  	s4 =	rddreg [dreg:$0x3];
	[sflag:s19] =	ssyncadd.s32 $0xFFFFD880  }
0x1a: {  	[tilespmem:s22], [sflag:$0x2] =	stream.linear.gather [hbm4b:s4+s3], $0x2000, $0x38;
	[tilespmem:$0x1F000] =	vst v63  }
0x1b: {  	_ =	swait.ge [sflag:s19], $0x2000  }
0x1c: {  	[sflag:s19] =	ssyncset.done $0x0  }
0x1d: {  	[sflag:s19] =	ssyncadd.s32 $0xFFFFE000  }
0x1e: {  	[spmem:s6] =	stream.linear.scatter [tilespmem:s22], [sflag:$0x1], $0x2000, $0x38;
	[tilespmem:$0x1F000] =	vst v63  }
0x1f: {  	_ = 	snop  }
0x20: {  	[spmem:s7] =	stream.linear.scatter [tilespmem:s22], [sflag:$0x1], $0x2000, $0x38;
	[tilespmem:$0x1F000] =	vst v63  }
0x21: {  	_ = 	snop  }
0x22: {  	[spmem:s8] =	stream.linear.scatter [tilespmem:s22], [sflag:$0x1], $0x2000, $0x38;
	[tilespmem:$0x1F000] =	vst v63  }
0x23: {  	_ = 	snop  }
0x24: {  	[spmem:s9] =	stream.linear.scatter [tilespmem:s22], [sflag:$0x1], $0x2000, $0x38;
	[tilespmem:$0x1F000] =	vst v63  }
0x25: {  	_ = 	snop  }
0x26: {  	[spmem:s10] =	stream.linear.scatter [tilespmem:s22], [sflag:$0x1], $0x2000, $0x38;
	[tilespmem:$0x1F000] =	vst v63  }
0x27: {  	_ = 	snop  }
0x28: {  	[spmem:s11] =	stream.linear.scatter [tilespmem:s22], [sflag:$0x1], $0x2000, $0x38;
	[tilespmem:$0x1F000] =	vst v63  }
0x29: {  	_ = 	snop  }
0x2a: {  	[spmem:s12] =	stream.linear.scatter [tilespmem:s22], [sflag:$0x1], $0x2000, $0x38;
	[tilespmem:$0x1F000] =	vst v63  }
0x2b: {  	_ = 	snop  }
0x2c: {  	[spmem:s13] =	stream.linear.scatter [tilespmem:s22], [sflag:$0x1], $0x2000, $0x38;
	[tilespmem:$0x1F000] =	vst v63  }
0x2d: {  	_ = 	snop  }
0x2e: {  	[spmem:s14] =	stream.linear.scatter [tilespmem:s22], [sflag:$0x1], $0x2000, $0x38;
	[tilespmem:$0x1F000] =	vst v63  }
0x2f: {  	_ = 	snop  }
0x30: {  	[spmem:s15] =	stream.linear.scatter [tilespmem:s22], [sflag:$0x1], $0x2000, $0x38;
	[tilespmem:$0x1F000] =	vst v63  }
0x31: {  	_ =	swait.ge [sflag:s25], $0x2000  }
0x32: {  	[sflag:s25] =	ssyncset.done $0x0  }
0x33: {  	[sflag:s25] =	ssyncadd.s32 $0xFFFFE000  }
0x34: {  	_ =	swait.ge [sflag:s25], $0x2000  }
0x35: {  	[sflag:s25] =	ssyncset.done $0x0  }
0x36: {  	[sflag:s25] =	ssyncadd.s32 $0xFFFFE000  }
0x37: {  	_ =	swait.ge [sflag:s25], $0x2000  }
0x38: {  	[sflag:s25] =	ssyncset.done $0x0  }
0x39: {  	[sflag:s25] =	ssyncadd.s32 $0xFFFFE000  }
0x3a: {  	_ =	swait.ge [sflag:s25], $0x2000  }
0x3b: {  	[sflag:s25] =	ssyncset.done $0x0  }
0x3c: {  	[sflag:s25] =	ssyncadd.s32 $0xFFFFE000  }
0x3d: {  	_ =	swait.ge [sflag:s25], $0x2000  }
0x3e: {  	[sflag:s25] =	ssyncset.done $0x0  }
0x3f: {  	[sflag:s25] =	ssyncadd.s32 $0xFFFFE000  }
0x40: {  	_ =	swait.ge [sflag:s25], $0x2000  }
0x41: {  	[sflag:s25] =	ssyncset.done $0x0  }
0x42: {  	[sflag:s25] =	ssyncadd.s32 $0xFFFFE000  }
0x43: {  	_ =	swait.ge [sflag:s25], $0x2000  }
0x44: {  	[sflag:s25] =	ssyncset.done $0x0  }
0x45: {  	[sflag:s25] =	ssyncadd.s32 $0xFFFFE000  }
0x46: {  	_ =	swait.ge [sflag:s25], $0x2000  }
0x47: {  	[sflag:s25] =	ssyncset.done $0x0  }
0x48: {  	[sflag:s25] =	ssyncadd.s32 $0xFFFFE000  }
0x49: {  	_ =	swait.ge [sflag:s25], $0x2000  }
0x4a: {  	[sflag:s25] =	ssyncset.done $0x0  }
0x4b: {  	[sflag:s25] =	ssyncadd.s32 $0xFFFFE000  }
0x4c: {  	_ =	swait.ge [sflag:s25], $0x2000  }
0x4d: {  	[sflag:s25] =	ssyncset.done $0x0  }
0x4e: {  	[sflag:s25] =	ssyncadd.s32 $0xFFFFE000  }
0x4f: {  	s21 =	simm.s32 $0x0;
	[bflag:$0x0] =	sbarrier.arrive $0xFFFF  }
0x50: {  	[tilespmem:s28], [sflag:$0x2] =	stream.indirect.gather [hbm4b:s16+s26], $0x80, s21, s26, $0xb8;
	[tilespmem:$0x1F000] =	vst v63  }
0x51: {  	_ =	swait.ge [sflag:s19], $0x4000  }
0x52: {  	[sflag:s19] =	ssyncset.done $0x0  }
0x53: {  	s31 =	simm.s32 $0x2800;
	[sflag:s19] =	ssyncadd.s32 $0xFFFFC000  }
0x54: {  	[spmem:s2] =	stream.indirect.scatter.add.f32 [tilespmem:s28], [sflag:$0x2], $0x80, s31, s26, $0xb8;
	[tilespmem:$0x1F000] =	vst v63  }
0x55: {  	_ =	swait.ge [sflag:s19], $0x4000  }
0x56: {  	s30 =	simm.s32 $0x200;
	s0 =	simm.s32 $0x400;
	[sflag:s19] =	ssyncset.done $0x0  }
.LBB2_2:
0x57: {  	s1 =	sshra.s32 s30, $0x2  }
0x58: {  	[sflag:s19] =	ssyncadd.s32 $0xFFFFC000;
	s30 =	smov.u32 s0;
	s31 =	sadd.s32 $0x200, s0  }
0x59: {  	[tilespmem:s28], [sflag:$0x2] =	stream.indirect.gather [hbm4b:s16+s26], $0x80, s1, s26, $0xb8;
	[tilespmem:$0x1F000] =	vst v63  }
0x5a: {  	p0 =	sne.s32 s0, $0x9C00;
	_ =	swait.ge [sflag:s19], $0x4000  }
.Ltmp0:
0x5b: {  	[sflag:s19] =	ssyncset.done $0x0;
	(pc) =	sbr.rel @p0 .LBB2_2-.Ltmp0, $4  }
0x5c: {  	s0 =	sadd.s32 $0x2800, s1;
	[sflag:s19] =	ssyncadd.s32 $0xFFFFC000  }
0x5d: {  	[spmem:s2] =	stream.indirect.scatter.add.f32 [tilespmem:s28], [sflag:$0x2], $0x80, s0, s26, $0xb8;
	[tilespmem:$0x1F000] =	vst v63  }
0x5e: {  	_ =	swait.ge [sflag:s19], $0x4000  }
0x5f: {  	s0 =	smov.u32 s31;
	[sflag:s19] =	ssyncset.done $0x0  }
0x60: {  	s0 =	sshra.s32 s30, $0x2;
	[sflag:s19] =	ssyncadd.s32 $0xFFFFC000  }
0x61: {  	[tilespmem:s28], [sflag:$0x2] =	stream.indirect.gather [hbm4b:s16+s26], $0x80, s0, s26, $0xb8;
	[tilespmem:$0x1F000] =	vst v63  }
0x62: {  	_ =	swait.ge [sflag:s19], $0x4000  }
0x63: {  	[sflag:s19] =	ssyncset.done $0x0  }
0x64: {  	s0 =	sadd.s32 $0x2800, s0;
	[sflag:s19] =	ssyncadd.s32 $0xFFFFC000  }
0x65: {  	[spmem:s2] =	stream.indirect.scatter.add.f32 [tilespmem:s28], [sflag:$0x2], $0x80, s0, s26, $0xb8;
	[tilespmem:$0x1F000] =	vst v63  }
0x66: {  	_ =	swait.ge [sflag:s19], $0x4000  }
0x67: {  	s1 =	stileid.u32;
	[sflag:s19] =	ssyncset.done $0x0  }
0x68: {  	s0 =	sshll.u32 s1, $0x6;
	[sflag:s19] =	ssyncadd.s32 $0xFFFFC000  }
0x69: {  	s31 =	sshrl.u32 s6, $0x3;
	s30 =	sor.u32 $0x1C02, s0;
	[bflag:$0x0] =	sbarrier.arrive $0xFFFF  }
0x6a: {  	[hbm:s23], [sflag:s30] =	dma.local [spmem:s31], $0x2800  }
0x6b: {  	_ =	swait.ge [sflag:s19], $0x2800  }
0x6c: {  	[sflag:s19] =	ssyncset.done $0x0  }
0x6d: {  	[sflag:s19] =	ssyncadd.s32 $0xFFFFD800  }
0x6e: {  	[bflag:$0x0] =	sbarrier.arrive $0xFFFF  }
0x6f: {  	[spmem:s6] =	stream.linear.scatter [tilespmem:s22], [sflag:$0x1], $0x2000, $0x38;
	[tilespmem:$0x1F000] =	vst v63  }
0x70: {  	_ = 	snop  }
0x71: {  	[spmem:s7] =	stream.linear.scatter [tilespmem:s22], [sflag:$0x1], $0x2000, $0x38;
	[tilespmem:$0x1F000] =	vst v63  }
0x72: {  	_ = 	snop  }
0x73: {  	[spmem:s8] =	stream.linear.scatter [tilespmem:s22], [sflag:$0x1], $0x2000, $0x38;
	[tilespmem:$0x1F000] =	vst v63  }
0x74: {  	_ = 	snop  }
0x75: {  	[spmem:s9] =	stream.linear.scatter [tilespmem:s22], [sflag:$0x1], $0x2000, $0x38;
	[tilespmem:$0x1F000] =	vst v63  }
0x76: {  	_ = 	snop  }
0x77: {  	[spmem:s10] =	stream.linear.scatter [tilespmem:s22], [sflag:$0x1], $0x2000, $0x38;
	[tilespmem:$0x1F000] =	vst v63  }
0x78: {  	_ = 	snop  }
0x79: {  	[spmem:s11] =	stream.linear.scatter [tilespmem:s22], [sflag:$0x1], $0x2000, $0x38;
	[tilespmem:$0x1F000] =	vst v63  }
0x7a: {  	_ = 	snop  }
0x7b: {  	[spmem:s12] =	stream.linear.scatter [tilespmem:s22], [sflag:$0x1], $0x2000, $0x38;
	[tilespmem:$0x1F000] =	vst v63  }
0x7c: {  	_ = 	snop  }
0x7d: {  	[spmem:s13] =	stream.linear.scatter [tilespmem:s22], [sflag:$0x1], $0x2000, $0x38;
	[tilespmem:$0x1F000] =	vst v63  }
0x7e: {  	_ = 	snop  }
0x7f: {  	[spmem:s14] =	stream.linear.scatter [tilespmem:s22], [sflag:$0x1], $0x2000, $0x38;
	[tilespmem:$0x1F000] =	vst v63  }
0x80: {  	_ = 	snop  }
0x81: {  	[spmem:s15] =	stream.linear.scatter [tilespmem:s22], [sflag:$0x1], $0x2000, $0x38;
	[tilespmem:$0x1F000] =	vst v63  }
0x82: {  	_ =	swait.ge [sflag:s25], $0x2000  }
0x83: {  	[sflag:s25] =	ssyncset.done $0x0  }
0x84: {  	[sflag:s25] =	ssyncadd.s32 $0xFFFFE000  }
0x85: {  	_ =	swait.ge [sflag:s25], $0x2000  }
0x86: {  	[sflag:s25] =	ssyncset.done $0x0  }
0x87: {  	[sflag:s25] =	ssyncadd.s32 $0xFFFFE000  }
0x88: {  	_ =	swait.ge [sflag:s25], $0x2000  }
0x89: {  	[sflag:s25] =	ssyncset.done $0x0  }
0x8a: {  	[sflag:s25] =	ssyncadd.s32 $0xFFFFE000  }
0x8b: {  	_ =	swait.ge [sflag:s25], $0x2000  }
0x8c: {  	[sflag:s25] =	ssyncset.done $0x0  }
0x8d: {  	[sflag:s25] =	ssyncadd.s32 $0xFFFFE000  }
0x8e: {  	_ =	swait.ge [sflag:s25], $0x2000  }
0x8f: {  	[sflag:s25] =	ssyncset.done $0x0  }
0x90: {  	[sflag:s25] =	ssyncadd.s32 $0xFFFFE000  }
0x91: {  	_ =	swait.ge [sflag:s25], $0x2000  }
0x92: {  	[sflag:s25] =	ssyncset.done $0x0  }
0x93: {  	[sflag:s25] =	ssyncadd.s32 $0xFFFFE000  }
0x94: {  	_ =	swait.ge [sflag:s25], $0x2000  }
0x95: {  	[sflag:s25] =	ssyncset.done $0x0  }
0x96: {  	[sflag:s25] =	ssyncadd.s32 $0xFFFFE000  }
0x97: {  	_ =	swait.ge [sflag:s25], $0x2000  }
0x98: {  	[sflag:s25] =	ssyncset.done $0x0  }
0x99: {  	[sflag:s25] =	ssyncadd.s32 $0xFFFFE000  }
0x9a: {  	_ =	swait.ge [sflag:s25], $0x2000  }
0x9b: {  	[sflag:s25] =	ssyncset.done $0x0  }
0x9c: {  	[sflag:s25] =	ssyncadd.s32 $0xFFFFE000  }
0x9d: {  	_ =	swait.ge [sflag:s25], $0x2000  }
0x9e: {  	[sflag:s25] =	ssyncset.done $0x0  }
0x9f: {  	[sflag:s25] =	ssyncadd.s32 $0xFFFFE000  }
0xa0: {  	s4 =	simm.s32 $0x0;
	[bflag:$0x0] =	sbarrier.arrive $0xFFFF  }
0xa1: {  	[tilespmem:s28], [sflag:$0x2] =	stream.indirect.gather [hbm4b:s17+s26], $0x80, s4, s26, $0xb8;
	[tilespmem:$0x1F000] =	vst v63  }
0xa2: {  	_ =	swait.ge [sflag:s19], $0x4000  }
0xa3: {  	[sflag:s19] =	ssyncset.done $0x0  }
0xa4: {  	s21 =	simm.s32 $0x2800;
	[sflag:s19] =	ssyncadd.s32 $0xFFFFC000  }
0xa5: {  	[spmem:s2] =	stream.indirect.scatter.add.f32 [tilespmem:s28], [sflag:$0x2], $0x80, s21, s26, $0xb8;
	[tilespmem:$0x1F000] =	vst v63  }
0xa6: {  	_ =	swait.ge [sflag:s19], $0x4000  }
0xa7: {  	s1 =	simm.s32 $0x400;
	s0 =	simm.s32 $0x200;
	[sflag:s19] =	ssyncset.done $0x0  }
.LBB2_4:
0xa8: {  	s21 =	sshra.s32 s0, $0x2  }
0xa9: {  	[sflag:s19] =	ssyncadd.s32 $0xFFFFC000;
	s0 =	smov.u32 s1;
	s4 =	sadd.s32 $0x200, s1  }
0xaa: {  	[tilespmem:s28], [sflag:$0x2] =	stream.indirect.gather [hbm4b:s17+s26], $0x80, s21, s26, $0xb8;
	[tilespmem:$0x1F000] =	vst v63  }
0xab: {  	p0 =	sne.s32 s1, $0x9C00;
	_ =	swait.ge [sflag:s19], $0x4000  }
.Ltmp1:
0xac: {  	[sflag:s19] =	ssyncset.done $0x0;
	(pc) =	sbr.rel @p0 .LBB2_4-.Ltmp1, $4  }
0xad: {  	s1 =	sadd.s32 $0x2800, s21;
	[sflag:s19] =	ssyncadd.s32 $0xFFFFC000  }
0xae: {  	[spmem:s2] =	stream.indirect.scatter.add.f32 [tilespmem:s28], [sflag:$0x2], $0x80, s1, s26, $0xb8;
	[tilespmem:$0x1F000] =	vst v63  }
0xaf: {  	_ =	swait.ge [sflag:s19], $0x4000  }
0xb0: {  	s1 =	smov.u32 s4;
	[sflag:s19] =	ssyncset.done $0x0  }
0xb1: {  	s0 =	sshra.s32 s0, $0x2;
	[sflag:s19] =	ssyncadd.s32 $0xFFFFC000  }
0xb2: {  	[tilespmem:s28], [sflag:$0x2] =	stream.indirect.gather [hbm4b:s17+s26], $0x80, s0, s26, $0xb8;
	[tilespmem:$0x1F000] =	vst v63  }
0xb3: {  	_ =	swait.ge [sflag:s19], $0x4000  }
0xb4: {  	[sflag:s19] =	ssyncset.done $0x0  }
0xb5: {  	s0 =	sadd.s32 $0x2800, s0;
	[sflag:s19] =	ssyncadd.s32 $0xFFFFC000  }
0xb6: {  	[spmem:s2] =	stream.indirect.scatter.add.f32 [tilespmem:s28], [sflag:$0x2], $0x80, s0, s26, $0xb8;
	[tilespmem:$0x1F000] =	vst v63  }
0xb7: {  	_ =	swait.ge [sflag:s19], $0x4000  }
0xb8: {  	[sflag:s19] =	ssyncset.done $0x0  }
0xb9: {  	s29 =	sadd.s32 $0x1, s29;
	[sflag:s19] =	ssyncadd.s32 $0xFFFFC000  }
0xba: {  	p0 =	sne.s32 s29, s18;
	[bflag:$0x0] =	sbarrier.arrive $0xFFFF  }
0xbb: {  	[hbm:s24], [sflag:s30] =	dma.local [spmem:s31], $0x2800  }
.Ltmp2:
0xbc: {  	_ =	swait.ge [sflag:s19], $0x2800;
	(pc) =	sbr.rel @p0 .LBB2_1-.Ltmp2, $3  }
0xbd: {  	[sflag:s19] =	ssyncset.done $0x0  }
0xbe: {  	[sflag:s19] =	ssyncadd.s32 $0xFFFFD800  }
0xbf: {  	[bflag:$0x0] =	sbarrier.arrive $0xFFFF;
	_ =	sdelay $0x1  }
0xc0: {  	_ =	sfence.sel $0x180000  }
0xc1: {  	[bflag:$0x0] =	sbarrier.arrive $0xFFFF  }
0xc2: {  	_ =	strace $0x90000056  }
0xc3: {  	s0 =	stileid.u32;
	[bflag:$0x2] =	sbarrier.arrive $0xFFFF  }
0xc4: {  	p0 =	sne.s32 s0, $0x0;
	s0 =	rddreg [dreg:$0x2]  }
0xc5: {  	s0 =	sadd.s32 @!p0 $0x100000, s0  }
0xc6: {  	[sflag:s0] =	ssyncadd.tile.s32 @!p0 $0x1;
	_ =	shalt  }
.Lfunc_end2:
_tile_overlayer_lowered:
.L_overlay_start_2:
0xc7: {  	(tag) =	ssettag $0x2  }
0xc8: {  	s0 =	rddreg [dreg:$0x0];
	s2 =	stileid.u32  }
0xc9: {  	s1 =	rddreg [dreg:$0x1];
	p0 =	sne.s32 s2, $0x0  }
0xca: {  	s3 =	rddreg [dreg:$0x2];
	[bflag:$0x3] =	sbarrier.arrive $0xFFFF;
	s2 =	simm.s32 @!p0 $0x1C02  }
0xcb: {  	[timem:s3], [sflag:s2] =	dma.local @!p0 [hbm:s0], s1  }
0xcc: {  	s0 =	simm.s32 @!p0 $0x2  }
0xcd: {  	_ =	swait.ge @!p0 [sflag:s0], s1  }
0xce: {  	s1 =	ssub.s32 @!p0 $0x0, s1;
	[sflag:s0] =	ssyncset.done @!p0 $0x0  }
0xcf: {  	[sflag:s0] =	ssyncadd.s32 @!p0 s1  }
0xd0: {  	[bflag:$0x3] =	sbarrier.arrive $0xFFFF  }
0xd1: {  	_ =	shalt  }

// kernel: kernel.38.cloned.1.call-start
scs
__scs_entry_jumppad:
0x0: {  	(pc) =	sbr.rel $0x88, $3  }
0x1: {  	(tag) =	ssettag $0x0;
	lr =	simm.s32 $0x1  }
0x2: {  	[smem:$0x3F99] =	sst lr;
	_ =	strace $0xD0000000  }
0x3: {  	_ = 	snop  }
0x4: {  	_ = 	snop  }
0x5: {  	_ = 	snop  }
0x6: {  	_ = 	snop  }
0x7: {  	_ = 	snop  }
__scs_overlays_trampoline_lowered:
0x8: {  	[smem:$0x3FA8] =	sst s0  }
0x9: {  	[smem:$0x3FA9] =	sst s1  }
0xa: {  	[smem:$0x3FAA] =	sst s2  }
0xb: {  	[smem:$0x3FAB] =	sst s3  }
0xc: {  	[smem:$0x3FAC] =	sst s4  }
0xd: {  	[smem:$0x3FAD] =	sst s5  }
0xe: {  	[smem:$0x3FAE] =	sst s6  }
0xf: {  	[smem:$0x3FAF] =	sst s7  }
0x10: {  	[smem:$0x3FB0] =	sst s8  }
0x11: {  	[smem:$0x3FB1] =	sst s9;
	s0 =	simm.s32 @!p0 $0x0  }
0x12: {  	s1 =	sld [smem:$0x3F97];
	s0 =	simm.s32 @p0 $0x1  }
0x13: {  	[smem:$0x3FB2] =	sst s0;
	s0 =	simm.s32 @!p1 $0x0  }
0x14: {  	s2 =	sld [smem:$0x3F96];
	s0 =	simm.s32 @p1 $0x1  }
0x15: {  	[smem:$0x3FB3] =	sst s0;
	s0 =	simm.s32 @!p2 $0x0  }
0x16: {  	s3 =	sld [smem:$0x3FDB];
	s0 =	simm.s32 @p2 $0x1  }
0x17: {  	s4 =	simm.s32 $0x1BF5;
	[smem:$0x3FB5] =	sst s0  }
0x18: {  	s0 =	sld [smem:$0x3F98];
	_ =	swait.ge [sflag:s4], $0x0  }
0x19: {  	s7 =	sld [smem:$0x3F99]  }
0x1a: {  	s8 =	sadd.s32 $0xFFFFE003, lr  }
0x1b: {  	s9 =	sadd.s32 $0xFFFFFEF7, lr;
	s5 =	simm.s32 $0xFFFFFFFF;
	p2 =	slt.u32 s8, $0xFFFFF086  }
0x1c: {  	p1 =	slt.u32 s9, $0xF7A;
	s5 =	simm.s32 @!p2 $0x0  }
0x1d: {  	s5 =	simm.s32 @p1 $0x1;
	p0 =	seq.s32 s7, s2  }
0x1e: {  	s7 =	smul.u32 @!p0 $0xF7A, s2;
	p2 =	seq.s32 @!p0 s5, $0x0  }
0x1f: {  	s9 =	smul.u32 $0xF7A, s1;
	s8 =	simm.s32 @!p0 $0x1BF5;
	p2 =	por !p2, p0  }
0x20: {  	[sflag:s8] =	ssyncset.s32 @!p0 $0xFFFFF086;
	s6 =	sadd.s32 @!p0 s3, s7;
	s7 =	simm.s32 @!p0 $0x108  }
0x21: {  	s3 =	sadd.s32 s3, s9;
	s6 =	sadd.s32 @!p0 $0x88, s6;
	s7 =	simm.s32 @p2 $0x1082  }
0x22: {  	[simem:s7], [sflag:s8] =	dma.local @!p0 [hbm:s6], $0xF7A  }
0x23: {  	s9 =	sor.u32 $0xD0000000, s2;
	s6 =	simm.s32 $0x108;
	_ =	swait.ge @!p0 [sflag:s8], $0x0  }
0x24: {  	s3 =	sadd.s32 $0x88, s3;
	s6 =	simm.s32 @!p1 $0x1082;
	[sflag:s4] =	ssyncset.s32 $0xFFFFF086  }
0x25: {  	[simem:s6], [sflag:s4] =	dma.local [hbm:s3], $0xF7A  }
0x26: {  	[smem:$0x3F99] =	sst s1;
	(tag) =	ssettag s2;
	_ =	strace s9  }
0x27: {  	s1 =	sld [smem:$0x3FA9]  }
0x28: {  	s2 =	sld [smem:$0x3FAA]  }
0x29: {  	s4 =	sld [smem:$0x3FAC]  }
0x2a: {  	p0 =	seq.s32 s5, $0x0;
	s5 =	sld [smem:$0x3FAD]  }
0x2b: {  	s6 =	sld [smem:$0x3FAE]  }
0x2c: {  	s7 =	sld [smem:$0x3FAF]  }
0x2d: {  	s3 =	simm.s32 $0x108;
	s8 =	sld [smem:$0x3FB0]  }
0x2e: {  	s3 =	simm.s32 @!p0 $0x1082;
	s9 =	sld [smem:$0x3FB1]  }
0x2f: {  	lr =	sadd.s32 s0, s3;
	s0 =	sld [smem:$0x3FA8]  }
0x30: {  	s3 =	sld [smem:$0x3FAB]  }
0x31: {  	[smem:$0x3FB4] =	sst s10  }
0x32: {  	s10 =	sld [smem:$0x3FB2];
	_ =	sdelay $0x3  }
0x33: {  	p0 =	seq.s32 s10, $0x1;
	s10 =	sld [smem:$0x3FB4];
	_ =	sdelay $0x3  }
0x34: {  	[smem:$0x3FB4] =	sst s10  }
0x35: {  	s10 =	sld [smem:$0x3FB3];
	_ =	sdelay $0x3  }
0x36: {  	p1 =	seq.s32 s10, $0x1;
	s10 =	sld [smem:$0x3FB4];
	_ =	sdelay $0x3  }
0x37: {  	[smem:$0x3FB4] =	sst s10  }
0x38: {  	s10 =	sld [smem:$0x3FB5]  }
0x39: {  	_ = 	snop;
	(pc) =	sbr.ind lr, $3  }
0x3a: {  	_ = 	snop  }
0x3b: {  	_ = 	snop  }
0x3c: {  	p2 =	seq.s32 s10, $0x1;
	s10 =	sld [smem:$0x3FB4]  }
0x3d: {  	_ =	shalt  }
0x3e: {  	_ =	shalt  }
0x3f: {  	_ =	shalt  }
0x40: {  	_ =	shalt  }
0x41: {  	_ =	shalt  }
0x42: {  	_ =	shalt  }
0x43: {  	_ =	shalt  }
0x44: {  	_ =	shalt  }
0x45: {  	_ =	shalt  }
0x46: {  	_ =	shalt  }
0x47: {  	_ =	shalt  }
0x48: {  	_ =	shalt  }
0x49: {  	_ =	shalt  }
0x4a: {  	_ =	shalt  }
0x4b: {  	_ =	shalt  }
0x4c: {  	_ =	shalt  }
0x4d: {  	_ =	shalt  }
0x4e: {  	_ =	shalt  }
0x4f: {  	_ =	shalt  }
0x50: {  	_ =	shalt  }
0x51: {  	_ =	shalt  }
0x52: {  	_ =	shalt  }
0x53: {  	_ =	shalt  }
0x54: {  	_ =	shalt  }
0x55: {  	_ =	shalt  }
0x56: {  	_ =	shalt  }
0x57: {  	_ =	shalt  }
0x58: {  	_ =	shalt  }
0x59: {  	_ =	shalt  }
0x5a: {  	_ =	shalt  }
0x5b: {  	_ =	shalt  }
0x5c: {  	_ =	shalt  }
0x5d: {  	_ =	shalt  }
0x5e: {  	_ =	shalt  }
0x5f: {  	_ =	shalt  }
0x60: {  	_ =	shalt  }
0x61: {  	_ =	shalt  }
0x62: {  	_ =	shalt  }
0x63: {  	_ =	shalt  }
0x64: {  	_ =	shalt  }
0x65: {  	_ =	shalt  }
0x66: {  	_ =	shalt  }
0x67: {  	_ =	shalt  }
0x68: {  	_ =	shalt  }
0x69: {  	_ =	shalt  }
0x6a: {  	_ =	shalt  }
0x6b: {  	_ =	shalt  }
0x6c: {  	_ =	shalt  }
0x6d: {  	_ =	shalt  }
0x6e: {  	_ =	shalt  }
0x6f: {  	_ =	shalt  }
0x70: {  	_ =	shalt  }
0x71: {  	_ =	shalt  }
0x72: {  	_ =	shalt  }
0x73: {  	_ =	shalt  }
0x74: {  	_ =	shalt  }
0x75: {  	_ =	shalt  }
0x76: {  	_ =	shalt  }
0x77: {  	_ =	shalt  }
0x78: {  	_ =	shalt  }
0x79: {  	_ =	shalt  }
0x7a: {  	_ =	shalt  }
0x7b: {  	_ =	shalt  }
0x7c: {  	_ =	shalt  }
0x7d: {  	_ =	shalt  }
0x7e: {  	_ =	shalt  }
0x7f: {  	_ =	shalt  }
0x80: {  	_ =	shalt  }
0x81: {  	_ =	shalt  }
0x82: {  	_ =	shalt  }
0x83: {  	_ =	shalt  }
0x84: {  	_ =	shalt  }
0x85: {  	_ =	shalt  }
0x86: {  	_ =	shalt  }
0x87: {  	_ =	shalt  }
.Lfunc_end0:
.L_simem_size_0:
called_computation.6_lowered:
.L_overlay_start_0:
0x88: {  	s2 =	sld [smem:$0x3FD9]  }
0x89: {  	s3 =	sld [smem:$0x3FFE];
	_ =	sdelay $0x1  }
0x8a: {  	s1 =	srdreg.scid  }
0x8b: {  	s0 =	sand.u32 $0x1, s1  }
0x8c: {  	s16 =	sshll.u32 s0, $0xA;
	s2 =	sadd.s32 s3, s2  }
0x8d: {  	s2 =	sadd.s32 s2, s16  }
0x8e: {  	[smem:$0x3FC0] =	sst s2  }
0x8f: {  	_ = 	snop  }
0x90: {  	(tm) =	ssettm $0x1  }
0x91: {  	s17 =	sld [smem:$0x3FFB];
	_ =	sdelay $0x3  }
0x92: {  	_ =	strace s17  }
0x93: {  	s2 =	sld [smem:$0x3FFC];
	_ =	sdelay $0x3  }
0x94: {  	_ =	strace s2  }
0x95: {  	s2 =	sld [smem:$0x3FFD];
	_ =	sdelay $0x3  }
0x96: {  	_ =	strace s2  }
0x97: {  	_ =	strace $0x8FFFFFFF  }
0x98: {  	s18 =	sld [smem:$0x3FDB];
	_ =	sdelay $0x1  }
0x99: {  	s19 =	simm.s32 $_scs_section_size  }
0x9a: {  	s4 =	simm.s32 $_size__tile_overlayer_lowered;
	s5 =	simm.s32 $_tile_overlayer_lowered  }
0x9b: {  	s22 =	simm.s32 $0x1BFF;
	s21 =	sshll.u32 s5, $0x1;
	s2 =	sadd.s32 s19, s18  }
0x9c: {  	s6 =	simm.s32 $0x0;
	s20 =	sshll.u32 s4, $0x1;
	s4 =	sadd.s32 s21, s2  }
0x9d: {  	[timem:s6], [sflag:s22] =	dma.local [hbm:s4], s20  }
0x9e: {  	_ =	swait.ge [sflag:s22], s20  }
0x9f: {  	s3 =	ssub.s32 $0x0, s20;
	[sflag:s22] =	ssyncset.done $0x0  }
0xa0: {  	[sflag:s22] =	ssyncadd.s32 s3;
	_ =	sdelay $0x1  }
0xa1: {  	s23 =	simm.s32 $0x1B8B  }
0xa2: {  	_ =	swait.ge [sflag:s23], $0x1  }
0xa3: {  	[sflag:s23] =	ssyncset.done $0x0  }
0xa4: {  	s25 =	simm.s32 $0x1B8E;
	s24 =	sld [smem:$0x3FFE];
	[sflag:s23] =	ssyncadd.s32 $0xFFFFFFFF  }
0xa5: {  	s26 =	simm.s32 $execute0_lowered;
	[smem:$0x3FD2] =	sst s25  }
0xa6: {  	s4 =	sshll.u32 s26, $0x1;
	_ =	strace $0x80000058;
	[dreg:$0x1] =	wrdreg $0xFFFFFFFF  }
0xa7: {  	s28 =	simm.s32 $_size_execute0_lowered;
	s2 =	sadd.s32 s2, s4;
	[dreg:$0x0] =	wrdreg $0x0  }
0xa8: {  	s4 =	sshll.u32 s28, $0x1;
	[dreg:$0x2] =	wrdreg s2  }
0xa9: {  	[dreg:$0x3] =	wrdreg s4  }
0xaa: {  	[dreg:$0x4] =	wrdreg $0xC0  }
0xab: {  	_ =	task [dreg:s6], $0x5FFFF  }
0xac: {  	[dreg:$0x1] =	wrdreg $0xFFFFFFFF  }
0xad: {  	[dreg:$0x0] =	wrdreg $0x60  }
0xae: {  	[dreg:$0x2] =	wrdreg s24  }
0xaf: {  	[dreg:$0x3] =	wrdreg $0xB0000  }
0xb0: {  	[dreg:$0x4] =	wrdreg $0x9  }
0xb1: {  	_ =	task.clear_ibuf [dreg:s6], $0x5FFFF;
	_ =	strace $0x90000058  }
0xb2: {  	s29 =	simm.s32 $0x9;
	_ =	strace $0x8000005A  }
0xb3: {  	_ =	swait.ge [sflag:s29], $0x1  }
0xb4: {  	[sflag:s29] =	ssyncadd.s32 $0xFFFFFFFF  }
0xb5: {  	_ =	strace $0x9000005A  }
0xb6: {  	_ =	sfence  }
0xb7: {  	s30 =	sld [smem:$0x0];
	_ =	sdelay $0x2  }
0xb8: {  	s31 =	sshll.u32 s1, $0xD;
	s1 =	sshrl.u32 s1, $0x2  }
0xb9: {  	s3 =	sand.u32 $0x4000, s31;
	s1 =	sadd.s32 s1, s30  }
0xba: {  	s0 =	sor.u32 s3, s0;
	s1 =	sshll.u32 s1, $0x11  }
0xbb: {  	s0 =	sor.u32 s1, s0  }
0xbc: {  	s0 =	sadd.s32 $0x8F2B, s0  }
0xbd: {  	[sflag:s0] =	ssyncadd.remote.s32 $0x1  }
0xbe: {  	_ =	sfence.sel $0xFFFF  }
0xbf: {  	[dreg:$0x0] =	wrdreg $0xFFFFFFFF;
	(pc) =	sbr.abs _section_cstart, $3  }
0xc0: {  	[dreg:$0x1] =	wrdreg $0xFFFFFFFF  }
0xc1: {  	_ =	task.clear_ibuf [dreg:s6], $0x2FFFF;
	_ =	strace $0x9FFFFFFF  }
0xc2: {  	(tm) =	ssettm $0x7FFFFFFF  }
0xc3: {  	_ =	shalt  }
tec
execute0_lowered:
.L_overlay_start_1:
0x0: {  	(tag) =	ssettag $0x1  }
0x1: {  	s7 =	rddreg [dreg:$0x0]  }
0x2: {  	s2 =	rddreg [dreg:$0x1]  }
0x3: {  	s0 =	rddreg [dreg:$0x2];
	s3 =	simm.s32 $0x0;
	s1 =	stileid.u32  }
0x4: {  	s4 =	srdreg.scid;
	s21 =	simm.s32 $0x9000;
	s22 =	simm.s32 $0x1  }
0x5: {  	s23 =	simm.s32 $0x80;
	s26 =	simm.s32 $0x0;
	s19 =	smul.u32 $0x500, s1  }
0x6: {  	[smem:$0x7FF] =	sst s3;
	s4 =	sand.u32 $0x1, s4;
	s5 =	smul.u32 $0x50000, s1  }
0x7: {  	s20 =	sadd.s32 $0xA400, s7;
	s25 =	smul.u32 $0x2800, s1;
	_ =	strace $0x80000059  }
0x8: {  	s8 =	smul.u32 $0x28000, s4;
	s9 =	ssub.s32 $0x2, s4;
	s4 =	sadd.s32 $0x5F400, s7  }
0x9: {  	s6 =	sadd.s32 s19, s7;
	s10 =	sshrl.u32 s9, $0x1;
	s5 =	sshrl.u32 s5, $0x2  }
0xa: {  	s19 =	sadd.s32 s19, s20;
	s20 =	simm.s32 $0x2800;
	s17 =	sadd.s32 s8, s7  }
0xb: {  	s18 =	ssub.s32 s9, s10;
	s5 =	sadd.s32 s5, s2;
	s6 =	sadd.s32 $0x5400, s6  }
0xc: {  	s7 =	sadd.s32 $0x2000, s5;
	s8 =	sadd.s32 $0x4000, s5;
	s9 =	sadd.s32 $0x6000, s5  }
0xd: {  	s10 =	sadd.s32 $0x8000, s5;
	s11 =	sadd.s32 $0xA000, s5;
	s12 =	sadd.s32 $0xC000, s5  }
0xe: {  	s13 =	sadd.s32 $0xE000, s5;
	s14 =	sadd.s32 $0x10000, s5;
	s15 =	sadd.s32 $0x12000, s5  }
0xf: {  	s16 =	sadd.s32 $0xF400, s17;
	s24 =	sadd.s32 $0x5F800, s17;
	s17 =	smax.u32 s18, $0x1  }
0x10: {  	s18 =	simm.s32 $0x2;
	s24 =	sadd.s32 s25, s24;
	s25 =	simm.s32 $0x5000  }
.LBB2_1:
0x11: {  	[tilespmem:s3], [sflag:$0x2] =	stream.linear.gather [hbm4b:s6+s3], $0x2780, $0x38;
	[tilespmem:$0x1F000] =	vst v63  }
0x12: {  	_ =	swait.ge [sflag:s18], $0x2780  }
0x13: {  	[sflag:s18] =	ssyncset.done $0x0  }
0x14: {  	[sflag:s18] =	ssyncadd.s32 $0xFFFFD880  }
0x15: {  	[tilespmem:s20], [sflag:$0x2] =	stream.linear.gather [hbm4b:s19+s3], $0x2780, $0x38;
	[tilespmem:$0x1F000] =	vst v63  }
0x16: {  	_ =	swait.ge [sflag:s18], $0x2780  }
0x17: {  	[sflag:s18] =	ssyncset.done $0x0  }
0x18: {  	[sflag:s18] =	ssyncadd.s32 $0xFFFFD880  }
0x19: {  	[tilespmem:s21], [sflag:$0x2] =	stream.linear.gather [hbm4b:s4+s3], $0x2000, $0x38;
	[tilespmem:$0x1F000] =	vst v63  }
0x1a: {  	_ =	swait.ge [sflag:s18], $0x2000  }
0x1b: {  	[sflag:s18] =	ssyncset.done $0x0  }
0x1c: {  	[sflag:s18] =	ssyncadd.s32 $0xFFFFE000  }
0x1d: {  	[spmem:s5] =	stream.linear.scatter [tilespmem:s21], [sflag:$0x1], $0x2000, $0x38;
	[tilespmem:$0x1F000] =	vst v63  }
0x1e: {  	_ = 	snop  }
0x1f: {  	[spmem:s7] =	stream.linear.scatter [tilespmem:s21], [sflag:$0x1], $0x2000, $0x38;
	[tilespmem:$0x1F000] =	vst v63  }
0x20: {  	_ = 	snop  }
0x21: {  	[spmem:s8] =	stream.linear.scatter [tilespmem:s21], [sflag:$0x1], $0x2000, $0x38;
	[tilespmem:$0x1F000] =	vst v63  }
0x22: {  	_ = 	snop  }
0x23: {  	[spmem:s9] =	stream.linear.scatter [tilespmem:s21], [sflag:$0x1], $0x2000, $0x38;
	[tilespmem:$0x1F000] =	vst v63  }
0x24: {  	_ = 	snop  }
0x25: {  	[spmem:s10] =	stream.linear.scatter [tilespmem:s21], [sflag:$0x1], $0x2000, $0x38;
	[tilespmem:$0x1F000] =	vst v63  }
0x26: {  	_ = 	snop  }
0x27: {  	[spmem:s11] =	stream.linear.scatter [tilespmem:s21], [sflag:$0x1], $0x2000, $0x38;
	[tilespmem:$0x1F000] =	vst v63  }
0x28: {  	_ = 	snop  }
0x29: {  	[spmem:s12] =	stream.linear.scatter [tilespmem:s21], [sflag:$0x1], $0x2000, $0x38;
	[tilespmem:$0x1F000] =	vst v63  }
0x2a: {  	_ = 	snop  }
0x2b: {  	[spmem:s13] =	stream.linear.scatter [tilespmem:s21], [sflag:$0x1], $0x2000, $0x38;
	[tilespmem:$0x1F000] =	vst v63  }
0x2c: {  	_ = 	snop  }
0x2d: {  	[spmem:s14] =	stream.linear.scatter [tilespmem:s21], [sflag:$0x1], $0x2000, $0x38;
	[tilespmem:$0x1F000] =	vst v63  }
0x2e: {  	_ = 	snop  }
0x2f: {  	[spmem:s15] =	stream.linear.scatter [tilespmem:s21], [sflag:$0x1], $0x2000, $0x38;
	[tilespmem:$0x1F000] =	vst v63  }
0x30: {  	_ =	swait.ge [sflag:s22], $0x2000  }
0x31: {  	[sflag:s22] =	ssyncset.done $0x0  }
0x32: {  	[sflag:s22] =	ssyncadd.s32 $0xFFFFE000  }
0x33: {  	_ =	swait.ge [sflag:s22], $0x2000  }
0x34: {  	[sflag:s22] =	ssyncset.done $0x0  }
0x35: {  	[sflag:s22] =	ssyncadd.s32 $0xFFFFE000  }
0x36: {  	_ =	swait.ge [sflag:s22], $0x2000  }
0x37: {  	[sflag:s22] =	ssyncset.done $0x0  }
0x38: {  	[sflag:s22] =	ssyncadd.s32 $0xFFFFE000  }
0x39: {  	_ =	swait.ge [sflag:s22], $0x2000  }
0x3a: {  	[sflag:s22] =	ssyncset.done $0x0  }
0x3b: {  	[sflag:s22] =	ssyncadd.s32 $0xFFFFE000  }
0x3c: {  	_ =	swait.ge [sflag:s22], $0x2000  }
0x3d: {  	[sflag:s22] =	ssyncset.done $0x0  }
0x3e: {  	[sflag:s22] =	ssyncadd.s32 $0xFFFFE000  }
0x3f: {  	_ =	swait.ge [sflag:s22], $0x2000  }
0x40: {  	[sflag:s22] =	ssyncset.done $0x0  }
0x41: {  	[sflag:s22] =	ssyncadd.s32 $0xFFFFE000  }
0x42: {  	_ =	swait.ge [sflag:s22], $0x2000  }
0x43: {  	[sflag:s22] =	ssyncset.done $0x0  }
0x44: {  	[sflag:s22] =	ssyncadd.s32 $0xFFFFE000  }
0x45: {  	_ =	swait.ge [sflag:s22], $0x2000  }
0x46: {  	[sflag:s22] =	ssyncset.done $0x0  }
0x47: {  	[sflag:s22] =	ssyncadd.s32 $0xFFFFE000  }
0x48: {  	_ =	swait.ge [sflag:s22], $0x2000  }
0x49: {  	[sflag:s22] =	ssyncset.done $0x0  }
0x4a: {  	[sflag:s22] =	ssyncadd.s32 $0xFFFFE000  }
0x4b: {  	_ =	swait.ge [sflag:s22], $0x2000  }
0x4c: {  	[sflag:s22] =	ssyncset.done $0x0  }
0x4d: {  	[sflag:s22] =	ssyncadd.s32 $0xFFFFE000  }
0x4e: {  	s28 =	simm.s32 $0x0;
	[bflag:$0x0] =	sbarrier.arrive $0xFFFF  }
0x4f: {  	[tilespmem:s25], [sflag:$0x2] =	stream.indirect.gather [hbm4b:s16+s23], $0x80, s28, s23, $0xb8;
	[tilespmem:$0x1F000] =	vst v63  }
0x50: {  	_ =	swait.ge [sflag:s18], $0x4000  }
0x51: {  	[sflag:s18] =	ssyncset.done $0x0  }
0x52: {  	s28 =	simm.s32 $0x2800;
	[sflag:s18] =	ssyncadd.s32 $0xFFFFC000  }
0x53: {  	[spmem:s2] =	stream.indirect.scatter.add.f32 [tilespmem:s25], [sflag:$0x2], $0x80, s28, s23, $0xb8;
	[tilespmem:$0x1F000] =	vst v63  }
0x54: {  	_ =	swait.ge [sflag:s18], $0x4000  }
0x55: {  	s29 =	simm.s32 $0x400;
	s28 =	simm.s32 $0x200;
	[sflag:s18] =	ssyncset.done $0x0  }
.LBB2_2:
0x56: {  	s30 =	sshra.s32 s28, $0x2  }
0x57: {  	[sflag:s18] =	ssyncadd.s32 $0xFFFFC000;
	s28 =	smov.u32 s29;
	s31 =	sadd.s32 $0x200, s29  }
0x58: {  	[tilespmem:s25], [sflag:$0x2] =	stream.indirect.gather [hbm4b:s16+s23], $0x80, s30, s23, $0xb8;
	[tilespmem:$0x1F000] =	vst v63  }
0x59: {  	p0 =	sne.s32 s29, $0x9C00;
	_ =	swait.ge [sflag:s18], $0x4000  }
.Ltmp0:
0x5a: {  	[sflag:s18] =	ssyncset.done $0x0;
	(pc) =	sbr.rel @p0 .LBB2_2-.Ltmp0, $4  }
0x5b: {  	s29 =	sadd.s32 $0x2800, s30;
	[sflag:s18] =	ssyncadd.s32 $0xFFFFC000  }
0x5c: {  	[spmem:s2] =	stream.indirect.scatter.add.f32 [tilespmem:s25], [sflag:$0x2], $0x80, s29, s23, $0xb8;
	[tilespmem:$0x1F000] =	vst v63  }
0x5d: {  	_ =	swait.ge [sflag:s18], $0x4000  }
0x5e: {  	s29 =	smov.u32 s31;
	[sflag:s18] =	ssyncset.done $0x0  }
0x5f: {  	s28 =	sshra.s32 s28, $0x2;
	[sflag:s18] =	ssyncadd.s32 $0xFFFFC000  }
0x60: {  	[tilespmem:s25], [sflag:$0x2] =	stream.indirect.gather [hbm4b:s16+s23], $0x80, s28, s23, $0xb8;
	[tilespmem:$0x1F000] =	vst v63  }
0x61: {  	_ =	swait.ge [sflag:s18], $0x4000  }
0x62: {  	[sflag:s18] =	ssyncset.done $0x0  }
0x63: {  	s28 =	sadd.s32 $0x2800, s28;
	[sflag:s18] =	ssyncadd.s32 $0xFFFFC000  }
0x64: {  	[spmem:s2] =	stream.indirect.scatter.add.f32 [tilespmem:s25], [sflag:$0x2], $0x80, s28, s23, $0xb8;
	[tilespmem:$0x1F000] =	vst v63  }
0x65: {  	_ =	swait.ge [sflag:s18], $0x4000  }
0x66: {  	s31 =	sshll.u32 s1, $0x6;
	[sflag:s18] =	ssyncset.done $0x0  }
0x67: {  	s29 =	sshrl.u32 s5, $0x3;
	s26 =	sadd.s32 $0x1, s26;
	[sflag:s18] =	ssyncadd.s32 $0xFFFFC000  }
0x68: {  	p0 =	sne.s32 s26, s17;
	s28 =	sor.u32 $0x1C02, s31;
	[bflag:$0x0] =	sbarrier.arrive $0xFFFF  }
0x69: {  	[hbm:s24], [sflag:s28] =	dma.local [spmem:s29], $0x2800  }
.Ltmp1:
0x6a: {  	_ =	swait.ge [sflag:s18], $0x2800;
	(pc) =	sbr.rel @p0 .LBB2_1-.Ltmp1, $3  }
0x6b: {  	[sflag:s18] =	ssyncset.done $0x0  }
0x6c: {  	[sflag:s18] =	ssyncadd.s32 $0xFFFFD800  }
0x6d: {  	[bflag:$0x0] =	sbarrier.arrive $0xFFFF;
	_ =	sdelay $0x1  }
0x6e: {  	_ =	sfence.sel $0x180000  }
0x6f: {  	[bflag:$0x0] =	sbarrier.arrive $0xFFFF  }
0x70: {  	p0 =	sne.s32 s1, $0x0;
	_ =	strace $0x90000059  }
0x71: {  	s0 =	sadd.s32 @!p0 $0x100000, s0;
	[bflag:$0x2] =	sbarrier.arrive $0xFFFF  }
0x72: {  	[sflag:s0] =	ssyncadd.tile.s32 @!p0 $0x1;
	_ =	shalt  }
.Lfunc_end2:
_tile_overlayer_lowered:
.L_overlay_start_2:
0x73: {  	(tag) =	ssettag $0x2  }
0x74: {  	s0 =	rddreg [dreg:$0x0];
	s2 =	stileid.u32  }
0x75: {  	s1 =	rddreg [dreg:$0x1];
	p0 =	sne.s32 s2, $0x0  }
0x76: {  	s3 =	rddreg [dreg:$0x2];
	[bflag:$0x3] =	sbarrier.arrive $0xFFFF;
	s2 =	simm.s32 @!p0 $0x1C02  }
0x77: {  	[timem:s3], [sflag:s2] =	dma.local @!p0 [hbm:s0], s1  }
0x78: {  	s0 =	simm.s32 @!p0 $0x2  }
0x79: {  	_ =	swait.ge @!p0 [sflag:s0], s1  }
0x7a: {  	s1 =	ssub.s32 @!p0 $0x0, s1;
	[sflag:s0] =	ssyncset.done @!p0 $0x0  }
0x7b: {  	[sflag:s0] =	ssyncadd.s32 @!p0 s1  }
0x7c: {  	[bflag:$0x3] =	sbarrier.arrive $0xFFFF  }
0x7d: {  	_ =	shalt  }

</sc_bundles>
